<compile_context>
chip_gen: v7x
topology: tpu7x:2x2x1
jax: 0.10.2.dev20260603
libtpu: 0.0.44.dev20260713+nightly
codegen_flags: <defaults>
</compile_context>

<pallas_src>
import functools

import jax
import jax.numpy as jnp
from jax import lax
from jax.experimental import pallas as pl
from jax.experimental.pallas import tpu as pltpu
from jax.experimental.pallas import tpu_sc as plsc

BETA = 0.4
B = 16384
N_F = 32
L = 16
NC, NS = 2, 16
NW = NC * NS
BPW = B // NW
NCK = BPW // L
NSEG = 4
SEG = BPW // NSEG
W = 8192

_LN2 = 0.6931471805599453


def _detile_body(nrows, *refs):
    half = len(refs) // 2
    ins, outs = refs[:half], refs[half:]
    for ref, oref, nr in zip(ins, outs, nrows):
        x = ref[...]
        if nr < N_F:
            x = jnp.concatenate(
                [x, jnp.zeros((N_F - nr, W), jnp.float32)], axis=0)
        t3 = x.T.reshape(W // 4, 4, N_F)
        oref[...] = jnp.concatenate([t3[:, a, :] for a in range(4)], axis=1)


def _detile(arrays_t):
    n = arrays_t[0].shape[1]
    nrows = tuple(a.shape[0] for a in arrays_t)
    no = n * N_F // 128
    return pl.pallas_call(
        functools.partial(_detile_body, nrows),
        grid=(pl.cdiv(n, W),),
        in_specs=[pl.BlockSpec((nr, W), lambda c: (0, c)) for nr in nrows],
        out_specs=[pl.BlockSpec((W // 4, 128), lambda c: (c, 0))
                   for _ in arrays_t],
        out_shape=[jax.ShapeDtypeStruct((no, 128), jnp.float32)
                   for _ in arrays_t],
    )(*arrays_t)


def _dev_t(d):
    ad = jnp.abs(d)
    bits = lax.bitcast_convert_type(ad, jnp.int32)
    e = (bits >> 23) - 127
    m = lax.bitcast_convert_type((bits & 0x7FFFFF) | 0x3F800000, jnp.float32)
    z = (m - 1.0) / (m + 1.0)
    z2 = z * z
    lnm = 2.0 * z * (1.0 + z2 * (1.0 / 3.0 + z2 * (0.2 + z2 * (1.0 / 7.0))))
    ln = e.astype(jnp.float32) * _LN2 + lnm
    return jnp.sign(d) * jnp.exp(BETA * ln)


def _sc_kernel(user_h, item_h, tbin_h, tday_h, cat_h, mean_ud_h, gm_h,
               WPIf_h, WPUf_h, BU_h, BI_h, WBITf_h, Alpha_h, AlphaUKf_h,
               WPUKTt_h, BTDay_h, BCU_h, WCU_h, out_h,
               uidx, iidx, tbv, widx, tday_v, cat_v, gm_v,
               btday_v, wcu_v, wpukt_v,
               bu_v, mu_v, al_v, bcu_v, bi_v, wbit_v,
               wpu_v, auk_v, wpi_v, out_v, sem):
    wid = lax.axis_index("s") * NC + lax.axis_index("c")
    base = wid * BPW

    stage = []
    for c in range(NSEG):
        src = pl.ds(base + c * SEG, SEG)
        stage.append(pltpu.async_copy(user_h.at[src], uidx.at[c], sem))
        stage.append(pltpu.async_copy(item_h.at[src], iidx.at[c], sem))
        stage.append(pltpu.async_copy(tbin_h.at[src], tbv.at[c], sem))
    stage.append(pltpu.async_copy(tday_h.at[pl.ds(base, BPW)], tday_v, sem))
    stage.append(pltpu.async_copy(cat_h.at[pl.ds(base, BPW)], cat_v, sem))
    stage.append(pltpu.async_copy(gm_h, gm_v, sem))
    stage.append(pltpu.async_copy(BTDay_h, btday_v, sem))
    stage.append(pltpu.async_copy(WCU_h, wcu_v, sem))
    stage.append(pltpu.async_copy(WPUKTt_h, wpukt_v, sem))
    for cp in stage:
        cp.wait()

    for c in range(NSEG):
        for o in range(SEG // L):
            s = pl.ds(o * L, L)
            widx[c, s] = iidx[c, s] * N_F + tbv[c, s]

    copies = []
    for c in range(NSEG):
        dst = pl.ds(c * SEG, SEG)
        u, it, w = uidx.at[c], iidx.at[c], widx.at[c]
        copies.append(pltpu.async_copy(BU_h.at[u], bu_v.at[dst], sem))
        copies.append(pltpu.async_copy(mean_ud_h.at[u], mu_v.at[dst], sem))
        copies.append(pltpu.async_copy(Alpha_h.at[u], al_v.at[dst], sem))
        copies.append(pltpu.async_copy(BCU_h.at[u], bcu_v.at[dst], sem))
        copies.append(pltpu.async_copy(BI_h.at[it], bi_v.at[dst], sem))
        copies.append(pltpu.async_copy(WBITf_h.at[w], wbit_v.at[dst], sem))
        copies.append(pltpu.async_copy(WPUf_h.at[u], wpu_v.at[dst], sem))
        copies.append(pltpu.async_copy(AlphaUKf_h.at[u], auk_v.at[dst], sem))
        copies.append(pltpu.async_copy(WPIf_h.at[it], wpi_v.at[dst], sem))
    for cp in copies:
        cp.wait()

    gm = gm_v[...]

    def chunk(i, carry):
        s = pl.ds(i * L, L)
        d = tday_v[s].astype(jnp.float32) - mu_v[s]
        dev = _dev_t(d)
        cat16 = cat_v[s]
        butday = plsc.load_gather(btday_v, [cat16])
        cu_t = plsc.load_gather(wcu_v, [cat16])
        bias_user_time = bu_v[s] + al_v[s] * dev + butday
        bias_item_time = (bi_v[s] + wbit_v[s]) * (bcu_v[s] + cu_t)
        rows = i * L + lax.iota(jnp.int32, 16)
        acc = jnp.zeros((L,), jnp.float32)
        for j in range(N_F):
            cj = jnp.full((L,), j, jnp.int32)
            wpu_j = plsc.load_gather(wpu_v, [rows, cj])
            auk_j = plsc.load_gather(auk_v, [rows, cj])
            wpi_j = plsc.load_gather(wpi_v, [rows, cj])
            pk_j = plsc.load_gather(wpukt_v, [cj, cat16])
            acc = acc + (wpu_j + auk_j * dev + pk_j) * wpi_j
        out_v[s] = gm + bias_user_time + bias_item_time + acc
        return carry

    lax.fori_loop(0, NCK, chunk, 0)
    pltpu.sync_copy(out_v, out_h.at[pl.ds(base, BPW)])


def kernel(user, item, tbin, tday, maxday_cat, mean_ud, global_mean,
           WPI, WPU, BU, BI, WBIT, Alpha, AlphaUK, WPUKT, BTDay, BCU, WCU):
    WPUf = jnp.pad(WPU, ((0, 0), (0, 128 - N_F)))
    (AUKf,) = _detile([AlphaUK.T])
    WPIf, WBITf = _detile([WPI.T, WBIT.T])

    mesh = plsc.VectorSubcoreMesh(core_axis_name="c", subcore_axis_name="s",
                                  num_cores=NC, num_subcores=NS)
    f32, i32 = jnp.float32, jnp.int32
    run = pl.kernel(
        _sc_kernel,
        out_type=jax.ShapeDtypeStruct((B,), f32),
        mesh=mesh,
        compiler_params=pltpu.CompilerParams(needs_layout_passes=False,
                                             use_tc_tiling_on_sc=False),
        scratch_types=[
            pltpu.VMEM((NSEG, SEG), i32),
            pltpu.VMEM((NSEG, SEG), i32),
            pltpu.VMEM((NSEG, SEG), i32),
            pltpu.VMEM((NSEG, SEG), i32),
            pltpu.VMEM((BPW,), i32),
            pltpu.VMEM((BPW,), i32),
            pltpu.VMEM((L,), f32),
            pltpu.VMEM((128,), f32),
            pltpu.VMEM((128,), f32),
            pltpu.VMEM((N_F, 128), f32),
            pltpu.VMEM((BPW,), f32),
            pltpu.VMEM((BPW,), f32),
            pltpu.VMEM((BPW,), f32),
            pltpu.VMEM((BPW,), f32),
            pltpu.VMEM((BPW,), f32),
            pltpu.VMEM((BPW,), f32),
            pltpu.VMEM((BPW, 128), f32),
            pltpu.VMEM((BPW, N_F), f32),
            pltpu.VMEM((BPW, N_F), f32),
            pltpu.VMEM((BPW,), f32),
            pltpu.SemaphoreType.DMA,
        ],
    )
    return run(
        user, item, tbin, tday, maxday_cat, mean_ud,
        jnp.broadcast_to(global_mean, (L,)),
        WPIf.reshape(100000, N_F), WPUf,
        BU, BI, WBITf.reshape(100000 * N_F),
        Alpha, AUKf.reshape(1000000, N_F),
        WPUKT.T, BTDay, BCU, WCU)

# --- scband reference (transcript-rebuilt; emitter-appended) ---
"""Pipeline reference for scband-recommandation-model-13185549599238 (READ-ONLY COPY).

The authoritative reference and input builder live on the scoring server;
editing this copy changes nothing except your own understanding.
"""

import jax, jax.numpy as jnp
import numpy as np

BETA = 0.4
B = 16384
N_USERS = 1000000
N_ITEMS = 100000
N_F = 32
ITEM_BIN = 30
N_CAT = 128


def setup_inputs(seed: int = 0) -> dict:
    key = jax.random.key(seed)
    ks = jax.random.split(key, 20)
    scale = 0.05
    inp = {}
    inp['user'] = jax.random.randint(ks[0], (B,), 0, N_USERS, dtype=jnp.int32)
    inp['item'] = jax.random.randint(ks[1], (B,), 0, N_ITEMS, dtype=jnp.int32)
    inp['tbin'] = jax.random.randint(ks[2], (B,), 0, ITEM_BIN, dtype=jnp.int32)
    inp['tday'] = jax.random.randint(ks[3], (B,), 0, 3650, dtype=jnp.int32)
    inp['maxday_cat'] = jax.random.randint(ks[4], (B,), 0, N_CAT, dtype=jnp.int32)
    inp['mean_ud'] = jax.random.uniform(ks[5], (N_USERS,), dtype=jnp.float32) * 3650.0
    inp['global_mean'] = jnp.ones((), dtype=jnp.float32) * 3.5
    inp['WPI'] = jax.random.normal(ks[6], (N_ITEMS, N_F), dtype=jnp.float32) * scale
    inp['WPU'] = jax.random.normal(ks[7], (N_USERS, N_F), dtype=jnp.float32) * scale
    inp['BU'] = jnp.zeros((N_USERS,), dtype=jnp.float32)
    inp['BI'] = jnp.zeros((N_ITEMS,), dtype=jnp.float32)
    inp['WBIT'] = jax.random.normal(ks[8], (N_ITEMS, ITEM_BIN), dtype=jnp.float32) * scale
    inp['Alpha'] = jax.random.normal(ks[9], (N_USERS,), dtype=jnp.float32) * scale
    inp['AlphaUK'] = jax.random.normal(ks[10], (N_USERS, N_F), dtype=jnp.float32) * scale
    inp['WPUKT'] = jax.random.normal(ks[11], (N_CAT, N_F), dtype=jnp.float32) * scale
    inp['BTDay'] = jnp.zeros((N_CAT,), dtype=jnp.float32)
    inp['BCU'] = jax.random.normal(ks[12], (N_USERS,), dtype=jnp.float32) * scale
    inp['WCU'] = jax.random.normal(ks[13], (N_CAT,), dtype=jnp.float32) * scale
    return inp


def reference(user, item, tbin, tday, maxday_cat, mean_ud, global_mean,
              WPI, WPU, BU, BI, WBIT, Alpha, AlphaUK, WPUKT, BTDay, BCU, WCU):
    # gather_nd: per-(item, time-bin) bias
    bias_item_binvalue = WBIT[item, tbin]
    # embedding lookups
    bias_user = jnp.take(BU, user, axis=0)
    bias_item = jnp.take(BI, item, axis=0)
    mean_tday = jnp.take(mean_ud, user, axis=0)
    alpha_value = jnp.take(Alpha, user, axis=0)
    alpha_uk_value = jnp.take(AlphaUK, user, axis=0)
    user_vector = jnp.take(WPU, user, axis=0)
    item_vector = jnp.take(WPI, item, axis=0)
    butday = jnp.take(BTDay, maxday_cat, axis=0)
    cu_b = jnp.take(BCU, user, axis=0)
    cu_t = jnp.take(WCU, maxday_cat, axis=0)
    pkut = jnp.take(WPUKT, maxday_cat, axis=0)
    # time deviation term
    tday_diff = tday.astype(jnp.float32) - mean_tday
    dev_t = jnp.sign(tday_diff) * jnp.power(jnp.abs(tday_diff), BETA)
    bias_user_tvalue = alpha_value * dev_t
    bias_user_time = bias_user + bias_user_tvalue + butday
    bias_item_time = (bias_item + bias_item_binvalue) * (cu_b + cu_t)
    vector_user_tvalue = alpha_uk_value * dev_t[:, None]
    user_vector_t = user_vector + vector_user_tvalue + pkut
    bias_vector = jnp.sum(user_vector_t * item_vector, axis=1)
    pred = global_mean + bias_user_time + bias_item_time + bias_vector
    return pred


if False:  # reference __main__ guard neutralized (emitter)
    out = reference(**setup_inputs())
    print(out.shape, out.dtype)

if __name__ == "__main__":
    import jax
    _d = setup_inputs()
    print(jax.jit(kernel)(*tuple(_d.values())))

</pallas_src>

<mosaic_0001>
#map = affine_map<(d0, d1) -> (0)>
#map1 = affine_map<(d0, d1) -> (0, 0)>
module attributes {stable_mosaic.version = 14 : i64} {
  func.func @_sc_kernel(%arg0: i32, %arg1: i32, %arg2: memref<16384xi32, #tpu.memory_space<hbm>>, %arg3: memref<16384xi32, #tpu.memory_space<hbm>>, %arg4: memref<16384xi32, #tpu.memory_space<hbm>>, %arg5: memref<16384xi32, #tpu.memory_space<hbm>>, %arg6: memref<16384xi32, #tpu.memory_space<hbm>>, %arg7: memref<1000000xf32, #tpu.memory_space<hbm>>, %arg8: memref<16xf32, #tpu.memory_space<hbm>>, %arg9: memref<100000x32xf32, #tpu.memory_space<hbm>>, %arg10: memref<1000000x128xf32, #tpu.memory_space<hbm>>, %arg11: memref<1000000xf32, #tpu.memory_space<hbm>>, %arg12: memref<100000xf32, #tpu.memory_space<hbm>>, %arg13: memref<3200000xf32, #tpu.memory_space<hbm>>, %arg14: memref<1000000xf32, #tpu.memory_space<hbm>>, %arg15: memref<1000000x32xf32, #tpu.memory_space<hbm>>, %arg16: memref<32x128xf32, #tpu.memory_space<hbm>>, %arg17: memref<128xf32, #tpu.memory_space<hbm>>, %arg18: memref<1000000xf32, #tpu.memory_space<hbm>>, %arg19: memref<128xf32, #tpu.memory_space<hbm>>, %arg20: memref<16384xf32, #tpu.memory_space<hbm>>, %arg21: memref<4x128xi32, #tpu.memory_space<vmem>>, %arg22: memref<4x128xi32, #tpu.memory_space<vmem>>, %arg23: memref<4x128xi32, #tpu.memory_space<vmem>>, %arg24: memref<4x128xi32, #tpu.memory_space<vmem>>, %arg25: memref<512xi32, #tpu.memory_space<vmem>>, %arg26: memref<512xi32, #tpu.memory_space<vmem>>, %arg27: memref<16xf32, #tpu.memory_space<vmem>>, %arg28: memref<128xf32, #tpu.memory_space<vmem>>, %arg29: memref<128xf32, #tpu.memory_space<vmem>>, %arg30: memref<32x128xf32, #tpu.memory_space<vmem>>, %arg31: memref<512xf32, #tpu.memory_space<vmem>>, %arg32: memref<512xf32, #tpu.memory_space<vmem>>, %arg33: memref<512xf32, #tpu.memory_space<vmem>>, %arg34: memref<512xf32, #tpu.memory_space<vmem>>, %arg35: memref<512xf32, #tpu.memory_space<vmem>>, %arg36: memref<512xf32, #tpu.memory_space<vmem>>, %arg37: memref<512x128xf32, #tpu.memory_space<vmem>>, %arg38: memref<512x32xf32, #tpu.memory_space<vmem>>, %arg39: memref<512x32xf32, #tpu.memory_space<vmem>>, %arg40: memref<512xf32, #tpu.memory_space<vmem>>, %arg41: memref<!tpu.dma_semaphore, #tpu.memory_space<semaphore_mem>>) attributes {dimension_semantics = [#tpu.dimension_semantics<core_parallel>, #tpu.dimension_semantics<subcore_parallel>], iteration_bounds = array<i64: 2, 16>, scalar_prefetch = 0 : i64, scratch_operands = 21 : i64, tpu.core_type = #tpu.core_type<sc_vector_subcore>, window_params = [{transform_indices = #map}, {transform_indices = #map}, {transform_indices = #map}, {transform_indices = #map}, {transform_indices = #map}, {transform_indices = #map}, {transform_indices = #map}, {transform_indices = #map1}, {transform_indices = #map1}, {transform_indices = #map}, {transform_indices = #map}, {transform_indices = #map}, {transform_indices = #map}, {transform_indices = #map1}, {transform_indices = #map1}, {transform_indices = #map}, {transform_indices = #map}, {transform_indices = #map}, {transform_indices = #map}]} {
    %mul3A = arith.constant 2 : i32
    %mul3A_0 = arith.muli %arg1, %mul3A : i32
    %add3A = arith.addi %mul3A_0, %arg0 : i32
    %mul3A_1 = arith.constant 512 : i32
    %mul3A_2 = arith.muli %add3A, %mul3A_1 : i32
    %add3A_3 = arith.constant 0 : i32
    %add3A_4 = arith.addi %mul3A_2, %add3A_3 : i32
    %dma_start3A = arith.constant 0 : i32
    %dma_start3A_5 = arith.constant 0 : i32
    %dma_start3A_6 = tpu.memref_slice %arg21[%dma_start3A, %dma_start3A_5] : memref<4x128xi32, #tpu.memory_space<vmem>> -> memref<1x128xi32, #tpu.memory_space<vmem>>
    %dma_start3A_7 = tpu.memref_squeeze %dma_start3A_6 : memref<1x128xi32, #tpu.memory_space<vmem>> -> memref<128xi32, #tpu.memory_space<vmem>>
    %dma_start3A_8 = tpu.memref_slice %arg2[%add3A_4] : memref<16384xi32, #tpu.memory_space<hbm>> -> memref<128xi32, #tpu.memory_space<hbm>>
    %dma_start3A_9 = arith.constant 0 : i32
    %dma_start3A_10 = tpu.memref_slice %arg21[%dma_start3A, %dma_start3A_9] : memref<4x128xi32, #tpu.memory_space<vmem>> -> memref<1x128xi32, #tpu.memory_space<vmem>>
    %dma_start3A_11 = tpu.memref_squeeze %dma_start3A_10 : memref<1x128xi32, #tpu.memory_space<vmem>> -> memref<128xi32, #tpu.memory_space<vmem>>
    %dma_start3A_12 = tpu.memref_slice %arg2[%add3A_4] : memref<16384xi32, #tpu.memory_space<hbm>> -> memref<128xi32, #tpu.memory_space<hbm>>
    tpu.enqueue_dma source(%dma_start3A_12 : memref<128xi32, #tpu.memory_space<hbm>>) target(%dma_start3A_11 : memref<128xi32, #tpu.memory_space<vmem>>) target_semaphore(%arg41 : memref<!tpu.dma_semaphore, #tpu.memory_space<semaphore_mem>>)
    %dma_start3A_13 = arith.constant 0 : i32
    %dma_start3A_14 = arith.constant 0 : i32
    %dma_start3A_15 = tpu.memref_slice %arg22[%dma_start3A_13, %dma_start3A_14] : memref<4x128xi32, #tpu.memory_space<vmem>> -> memref<1x128xi32, #tpu.memory_space<vmem>>
    %dma_start3A_16 = tpu.memref_squeeze %dma_start3A_15 : memref<1x128xi32, #tpu.memory_space<vmem>> -> memref<128xi32, #tpu.memory_space<vmem>>
    %dma_start3A_17 = tpu.memref_slice %arg3[%add3A_4] : memref<16384xi32, #tpu.memory_space<hbm>> -> memref<128xi32, #tpu.memory_space<hbm>>
    %dma_start3A_18 = arith.constant 0 : i32
    %dma_start3A_19 = tpu.memref_slice %arg22[%dma_start3A_13, %dma_start3A_18] : memref<4x128xi32, #tpu.memory_space<vmem>> -> memref<1x128xi32, #tpu.memory_space<vmem>>
    %dma_start3A_20 = tpu.memref_squeeze %dma_start3A_19 : memref<1x128xi32, #tpu.memory_space<vmem>> -> memref<128xi32, #tpu.memory_space<vmem>>
    %dma_start3A_21 = tpu.memref_slice %arg3[%add3A_4] : memref<16384xi32, #tpu.memory_space<hbm>> -> memref<128xi32, #tpu.memory_space<hbm>>
    tpu.enqueue_dma source(%dma_start3A_21 : memref<128xi32, #tpu.memory_space<hbm>>) target(%dma_start3A_20 : memref<128xi32, #tpu.memory_space<vmem>>) target_semaphore(%arg41 : memref<!tpu.dma_semaphore, #tpu.memory_space<semaphore_mem>>)
    %dma_start3A_22 = arith.constant 0 : i32
    %dma_start3A_23 = arith.constant 0 : i32
    %dma_start3A_24 = tpu.memref_slice %arg23[%dma_start3A_22, %dma_start3A_23] : memref<4x128xi32, #tpu.memory_space<vmem>> -> memref<1x128xi32, #tpu.memory_space<vmem>>
    %dma_start3A_25 = tpu.memref_squeeze %dma_start3A_24 : memref<1x128xi32, #tpu.memory_space<vmem>> -> memref<128xi32, #tpu.memory_space<vmem>>
    %dma_start3A_26 = tpu.memref_slice %arg4[%add3A_4] : memref<16384xi32, #tpu.memory_space<hbm>> -> memref<128xi32, #tpu.memory_space<hbm>>
    %dma_start3A_27 = arith.constant 0 : i32
    %dma_start3A_28 = tpu.memref_slice %arg23[%dma_start3A_22, %dma_start3A_27] : memref<4x128xi32, #tpu.memory_space<vmem>> -> memref<1x128xi32, #tpu.memory_space<vmem>>
    %dma_start3A_29 = tpu.memref_squeeze %dma_start3A_28 : memref<1x128xi32, #tpu.memory_space<vmem>> -> memref<128xi32, #tpu.memory_space<vmem>>
    %dma_start3A_30 = tpu.memref_slice %arg4[%add3A_4] : memref<16384xi32, #tpu.memory_space<hbm>> -> memref<128xi32, #tpu.memory_space<hbm>>
    tpu.enqueue_dma source(%dma_start3A_30 : memref<128xi32, #tpu.memory_space<hbm>>) target(%dma_start3A_29 : memref<128xi32, #tpu.memory_space<vmem>>) target_semaphore(%arg41 : memref<!tpu.dma_semaphore, #tpu.memory_space<semaphore_mem>>)
    %add3A_31 = arith.constant 128 : i32
    %add3A_32 = arith.addi %mul3A_2, %add3A_31 : i32
    %dma_start3A_33 = arith.constant 1 : i32
    %dma_start3A_34 = arith.constant 0 : i32
    %dma_start3A_35 = tpu.memref_slice %arg21[%dma_start3A_33, %dma_start3A_34] : memref<4x128xi32, #tpu.memory_space<vmem>> -> memref<1x128xi32, #tpu.memory_space<vmem>>
    %dma_start3A_36 = tpu.memref_squeeze %dma_start3A_35 : memref<1x128xi32, #tpu.memory_space<vmem>> -> memref<128xi32, #tpu.memory_space<vmem>>
    %dma_start3A_37 = tpu.memref_slice %arg2[%add3A_32] : memref<16384xi32, #tpu.memory_space<hbm>> -> memref<128xi32, #tpu.memory_space<hbm>>
    %dma_start3A_38 = arith.constant 0 : i32
    %dma_start3A_39 = tpu.memref_slice %arg21[%dma_start3A_33, %dma_start3A_38] : memref<4x128xi32, #tpu.memory_space<vmem>> -> memref<1x128xi32, #tpu.memory_space<vmem>>
    %dma_start3A_40 = tpu.memref_squeeze %dma_start3A_39 : memref<1x128xi32, #tpu.memory_space<vmem>> -> memref<128xi32, #tpu.memory_space<vmem>>
    %dma_start3A_41 = tpu.memref_slice %arg2[%add3A_32] : memref<16384xi32, #tpu.memory_space<hbm>> -> memref<128xi32, #tpu.memory_space<hbm>>
    tpu.enqueue_dma source(%dma_start3A_41 : memref<128xi32, #tpu.memory_space<hbm>>) target(%dma_start3A_40 : memref<128xi32, #tpu.memory_space<vmem>>) target_semaphore(%arg41 : memref<!tpu.dma_semaphore, #tpu.memory_space<semaphore_mem>>)
    %dma_start3A_42 = arith.constant 1 : i32
    %dma_start3A_43 = arith.constant 0 : i32
    %dma_start3A_44 = tpu.memref_slice %arg22[%dma_start3A_42, %dma_start3A_43] : memref<4x128xi32, #tpu.memory_space<vmem>> -> memref<1x128xi32, #tpu.memory_space<vmem>>
    %dma_start3A_45 = tpu.memref_squeeze %dma_start3A_44 : memref<1x128xi32, #tpu.memory_space<vmem>> -> memref<128xi32, #tpu.memory_space<vmem>>
    %dma_start3A_46 = tpu.memref_slice %arg3[%add3A_32] : memref<16384xi32, #tpu.memory_space<hbm>> -> memref<128xi32, #tpu.memory_space<hbm>>
    %dma_start3A_47 = arith.constant 0 : i32
    %dma_start3A_48 = tpu.memref_slice %arg22[%dma_start3A_42, %dma_start3A_47] : memref<4x128xi32, #tpu.memory_space<vmem>> -> memref<1x128xi32, #tpu.memory_space<vmem>>
    %dma_start3A_49 = tpu.memref_squeeze %dma_start3A_48 : memref<1x128xi32, #tpu.memory_space<vmem>> -> memref<128xi32, #tpu.memory_space<vmem>>
    %dma_start3A_50 = tpu.memref_slice %arg3[%add3A_32] : memref<16384xi32, #tpu.memory_space<hbm>> -> memref<128xi32, #tpu.memory_space<hbm>>
    tpu.enqueue_dma source(%dma_start3A_50 : memref<128xi32, #tpu.memory_space<hbm>>) target(%dma_start3A_49 : memref<128xi32, #tpu.memory_space<vmem>>) target_semaphore(%arg41 : memref<!tpu.dma_semaphore, #tpu.memory_space<semaphore_mem>>)
    %dma_start3A_51 = arith.constant 1 : i32
    %dma_start3A_52 = arith.constant 0 : i32
    %dma_start3A_53 = tpu.memref_slice %arg23[%dma_start3A_51, %dma_start3A_52] : memref<4x128xi32, #tpu.memory_space<vmem>> -> memref<1x128xi32, #tpu.memory_space<vmem>>
    %dma_start3A_54 = tpu.memref_squeeze %dma_start3A_53 : memref<1x128xi32, #tpu.memory_space<vmem>> -> memref<128xi32, #tpu.memory_space<vmem>>
    %dma_start3A_55 = tpu.memref_slice %arg4[%add3A_32] : memref<16384xi32, #tpu.memory_space<hbm>> -> memref<128xi32, #tpu.memory_space<hbm>>
    %dma_start3A_56 = arith.constant 0 : i32
    %dma_start3A_57 = tpu.memref_slice %arg23[%dma_start3A_51, %dma_start3A_56] : memref<4x128xi32, #tpu.memory_space<vmem>> -> memref<1x128xi32, #tpu.memory_space<vmem>>
    %dma_start3A_58 = tpu.memref_squeeze %dma_start3A_57 : memref<1x128xi32, #tpu.memory_space<vmem>> -> memref<128xi32, #tpu.memory_space<vmem>>
    %dma_start3A_59 = tpu.memref_slice %arg4[%add3A_32] : memref<16384xi32, #tpu.memory_space<hbm>> -> memref<128xi32, #tpu.memory_space<hbm>>
    tpu.enqueue_dma source(%dma_start3A_59 : memref<128xi32, #tpu.memory_space<hbm>>) target(%dma_start3A_58 : memref<128xi32, #tpu.memory_space<vmem>>) target_semaphore(%arg41 : memref<!tpu.dma_semaphore, #tpu.memory_space<semaphore_mem>>)
    %add3A_60 = arith.constant 256 : i32
    %add3A_61 = arith.addi %mul3A_2, %add3A_60 : i32
    %dma_start3A_62 = arith.constant 2 : i32
    %dma_start3A_63 = arith.constant 0 : i32
    %dma_start3A_64 = tpu.memref_slice %arg21[%dma_start3A_62, %dma_start3A_63] : memref<4x128xi32, #tpu.memory_space<vmem>> -> memref<1x128xi32, #tpu.memory_space<vmem>>
    %dma_start3A_65 = tpu.memref_squeeze %dma_start3A_64 : memref<1x128xi32, #tpu.memory_space<vmem>> -> memref<128xi32, #tpu.memory_space<vmem>>
    %dma_start3A_66 = tpu.memref_slice %arg2[%add3A_61] : memref<16384xi32, #tpu.memory_space<hbm>> -> memref<128xi32, #tpu.memory_space<hbm>>
    %dma_start3A_67 = arith.constant 0 : i32
    %dma_start3A_68 = tpu.memref_slice %arg21[%dma_start3A_62, %dma_start3A_67] : memref<4x128xi32, #tpu.memory_space<vmem>> -> memref<1x128xi32, #tpu.memory_space<vmem>>
    %dma_start3A_69 = tpu.memref_squeeze %dma_start3A_68 : memref<1x128xi32, #tpu.memory_space<vmem>> -> memref<128xi32, #tpu.memory_space<vmem>>
    %dma_start3A_70 = tpu.memref_slice %arg2[%add3A_61] : memref<16384xi32, #tpu.memory_space<hbm>> -> memref<128xi32, #tpu.memory_space<hbm>>
    tpu.enqueue_dma source(%dma_start3A_70 : memref<128xi32, #tpu.memory_space<hbm>>) target(%dma_start3A_69 : memref<128xi32, #tpu.memory_space<vmem>>) target_semaphore(%arg41 : memref<!tpu.dma_semaphore, #tpu.memory_space<semaphore_mem>>)
    %dma_start3A_71 = arith.constant 2 : i32
    %dma_start3A_72 = arith.constant 0 : i32
    %dma_start3A_73 = tpu.memref_slice %arg22[%dma_start3A_71, %dma_start3A_72] : memref<4x128xi32, #tpu.memory_space<vmem>> -> memref<1x128xi32, #tpu.memory_space<vmem>>
    %dma_start3A_74 = tpu.memref_squeeze %dma_start3A_73 : memref<1x128xi32, #tpu.memory_space<vmem>> -> memref<128xi32, #tpu.memory_space<vmem>>
    %dma_start3A_75 = tpu.memref_slice %arg3[%add3A_61] : memref<16384xi32, #tpu.memory_space<hbm>> -> memref<128xi32, #tpu.memory_space<hbm>>
    %dma_start3A_76 = arith.constant 0 : i32
    %dma_start3A_77 = tpu.memref_slice %arg22[%dma_start3A_71, %dma_start3A_76] : memref<4x128xi32, #tpu.memory_space<vmem>> -> memref<1x128xi32, #tpu.memory_space<vmem>>
    %dma_start3A_78 = tpu.memref_squeeze %dma_start3A_77 : memref<1x128xi32, #tpu.memory_space<vmem>> -> memref<128xi32, #tpu.memory_space<vmem>>
    %dma_start3A_79 = tpu.memref_slice %arg3[%add3A_61] : memref<16384xi32, #tpu.memory_space<hbm>> -> memref<128xi32, #tpu.memory_space<hbm>>
    tpu.enqueue_dma source(%dma_start3A_79 : memref<128xi32, #tpu.memory_space<hbm>>) target(%dma_start3A_78 : memref<128xi32, #tpu.memory_space<vmem>>) target_semaphore(%arg41 : memref<!tpu.dma_semaphore, #tpu.memory_space<semaphore_mem>>)
    %dma_start3A_80 = arith.constant 2 : i32
    %dma_start3A_81 = arith.constant 0 : i32
    %dma_start3A_82 = tpu.memref_slice %arg23[%dma_start3A_80, %dma_start3A_81] : memref<4x128xi32, #tpu.memory_space<vmem>> -> memref<1x128xi32, #tpu.memory_space<vmem>>
    %dma_start3A_83 = tpu.memref_squeeze %dma_start3A_82 : memref<1x128xi32, #tpu.memory_space<vmem>> -> memref<128xi32, #tpu.memory_space<vmem>>
    %dma_start3A_84 = tpu.memref_slice %arg4[%add3A_61] : memref<16384xi32, #tpu.memory_space<hbm>> -> memref<128xi32, #tpu.memory_space<hbm>>
    %dma_start3A_85 = arith.constant 0 : i32
    %dma_start3A_86 = tpu.memref_slice %arg23[%dma_start3A_80, %dma_start3A_85] : memref<4x128xi32, #tpu.memory_space<vmem>> -> memref<1x128xi32, #tpu.memory_space<vmem>>
    %dma_start3A_87 = tpu.memref_squeeze %dma_start3A_86 : memref<1x128xi32, #tpu.memory_space<vmem>> -> memref<128xi32, #tpu.memory_space<vmem>>
    %dma_start3A_88 = tpu.memref_slice %arg4[%add3A_61] : memref<16384xi32, #tpu.memory_space<hbm>> -> memref<128xi32, #tpu.memory_space<hbm>>
    tpu.enqueue_dma source(%dma_start3A_88 : memref<128xi32, #tpu.memory_space<hbm>>) target(%dma_start3A_87 : memref<128xi32, #tpu.memory_space<vmem>>) target_semaphore(%arg41 : memref<!tpu.dma_semaphore, #tpu.memory_space<semaphore_mem>>)
    %add3A_89 = arith.constant 384 : i32
    %add3A_90 = arith.addi %mul3A_2, %add3A_89 : i32
    %dma_start3A_91 = arith.constant 3 : i32
    %dma_start3A_92 = arith.constant 0 : i32
    %dma_start3A_93 = tpu.memref_slice %arg21[%dma_start3A_91, %dma_start3A_92] : memref<4x128xi32, #tpu.memory_space<vmem>> -> memref<1x128xi32, #tpu.memory_space<vmem>>
    %dma_start3A_94 = tpu.memref_squeeze %dma_start3A_93 : memref<1x128xi32, #tpu.memory_space<vmem>> -> memref<128xi32, #tpu.memory_space<vmem>>
    %dma_start3A_95 = tpu.memref_slice %arg2[%add3A_90] : memref<16384xi32, #tpu.memory_space<hbm>> -> memref<128xi32, #tpu.memory_space<hbm>>
    %dma_start3A_96 = arith.constant 0 : i32
    %dma_start3A_97 = tpu.memref_slice %arg21[%dma_start3A_91, %dma_start3A_96] : memref<4x128xi32, #tpu.memory_space<vmem>> -> memref<1x128xi32, #tpu.memory_space<vmem>>
    %dma_start3A_98 = tpu.memref_squeeze %dma_start3A_97 : memref<1x128xi32, #tpu.memory_space<vmem>> -> memref<128xi32, #tpu.memory_space<vmem>>
    %dma_start3A_99 = tpu.memref_slice %arg2[%add3A_90] : memref<16384xi32, #tpu.memory_space<hbm>> -> memref<128xi32, #tpu.memory_space<hbm>>
    tpu.enqueue_dma source(%dma_start3A_99 : memref<128xi32, #tpu.memory_space<hbm>>) target(%dma_start3A_98 : memref<128xi32, #tpu.memory_space<vmem>>) target_semaphore(%arg41 : memref<!tpu.dma_semaphore, #tpu.memory_space<semaphore_mem>>)
    %dma_start3A_100 = arith.constant 3 : i32
    %dma_start3A_101 = arith.constant 0 : i32
    %dma_start3A_102 = tpu.memref_slice %arg22[%dma_start3A_100, %dma_start3A_101] : memref<4x128xi32, #tpu.memory_space<vmem>> -> memref<1x128xi32, #tpu.memory_space<vmem>>
    %dma_start3A_103 = tpu.memref_squeeze %dma_start3A_102 : memref<1x128xi32, #tpu.memory_space<vmem>> -> memref<128xi32, #tpu.memory_space<vmem>>
    %dma_start3A_104 = tpu.memref_slice %arg3[%add3A_90] : memref<16384xi32, #tpu.memory_space<hbm>> -> memref<128xi32, #tpu.memory_space<hbm>>
    %dma_start3A_105 = arith.constant 0 : i32
    %dma_start3A_106 = tpu.memref_slice %arg22[%dma_start3A_100, %dma_start3A_105] : memref<4x128xi32, #tpu.memory_space<vmem>> -> memref<1x128xi32, #tpu.memory_space<vmem>>
    %dma_start3A_107 = tpu.memref_squeeze %dma_start3A_106 : memref<1x128xi32, #tpu.memory_space<vmem>> -> memref<128xi32, #tpu.memory_space<vmem>>
    %dma_start3A_108 = tpu.memref_slice %arg3[%add3A_90] : memref<16384xi32, #tpu.memory_space<hbm>> -> memref<128xi32, #tpu.memory_space<hbm>>
    tpu.enqueue_dma source(%dma_start3A_108 : memref<128xi32, #tpu.memory_space<hbm>>) target(%dma_start3A_107 : memref<128xi32, #tpu.memory_space<vmem>>) target_semaphore(%arg41 : memref<!tpu.dma_semaphore, #tpu.memory_space<semaphore_mem>>)
    %dma_start3A_109 = arith.constant 3 : i32
    %dma_start3A_110 = arith.constant 0 : i32
    %dma_start3A_111 = tpu.memref_slice %arg23[%dma_start3A_109, %dma_start3A_110] : memref<4x128xi32, #tpu.memory_space<vmem>> -> memref<1x128xi32, #tpu.memory_space<vmem>>
    %dma_start3A_112 = tpu.memref_squeeze %dma_start3A_111 : memref<1x128xi32, #tpu.memory_space<vmem>> -> memref<128xi32, #tpu.memory_space<vmem>>
    %dma_start3A_113 = tpu.memref_slice %arg4[%add3A_90] : memref<16384xi32, #tpu.memory_space<hbm>> -> memref<128xi32, #tpu.memory_space<hbm>>
    %dma_start3A_114 = arith.constant 0 : i32
    %dma_start3A_115 = tpu.memref_slice %arg23[%dma_start3A_109, %dma_start3A_114] : memref<4x128xi32, #tpu.memory_space<vmem>> -> memref<1x128xi32, #tpu.memory_space<vmem>>
    %dma_start3A_116 = tpu.memref_squeeze %dma_start3A_115 : memref<1x128xi32, #tpu.memory_space<vmem>> -> memref<128xi32, #tpu.memory_space<vmem>>
    %dma_start3A_117 = tpu.memref_slice %arg4[%add3A_90] : memref<16384xi32, #tpu.memory_space<hbm>> -> memref<128xi32, #tpu.memory_space<hbm>>
    tpu.enqueue_dma source(%dma_start3A_117 : memref<128xi32, #tpu.memory_space<hbm>>) target(%dma_start3A_116 : memref<128xi32, #tpu.memory_space<vmem>>) target_semaphore(%arg41 : memref<!tpu.dma_semaphore, #tpu.memory_space<semaphore_mem>>)
    %dma_start3A_118 = tpu.memref_slice %arg5[%mul3A_2] : memref<16384xi32, #tpu.memory_space<hbm>> -> memref<512xi32, #tpu.memory_space<hbm>>
    %dma_start3A_119 = tpu.memref_slice %arg5[%mul3A_2] : memref<16384xi32, #tpu.memory_space<hbm>> -> memref<512xi32, #tpu.memory_space<hbm>>
    tpu.enqueue_dma source(%dma_start3A_119 : memref<512xi32, #tpu.memory_space<hbm>>) target(%arg25 : memref<512xi32, #tpu.memory_space<vmem>>) target_semaphore(%arg41 : memref<!tpu.dma_semaphore, #tpu.memory_space<semaphore_mem>>)
    %dma_start3A_120 = tpu.memref_slice %arg6[%mul3A_2] : memref<16384xi32, #tpu.memory_space<hbm>> -> memref<512xi32, #tpu.memory_space<hbm>>
    %dma_start3A_121 = tpu.memref_slice %arg6[%mul3A_2] : memref<16384xi32, #tpu.memory_space<hbm>> -> memref<512xi32, #tpu.memory_space<hbm>>
    tpu.enqueue_dma source(%dma_start3A_121 : memref<512xi32, #tpu.memory_space<hbm>>) target(%arg26 : memref<512xi32, #tpu.memory_space<vmem>>) target_semaphore(%arg41 : memref<!tpu.dma_semaphore, #tpu.memory_space<semaphore_mem>>)
    tpu.enqueue_dma source(%arg8 : memref<16xf32, #tpu.memory_space<hbm>>) target(%arg27 : memref<16xf32, #tpu.memory_space<vmem>>) target_semaphore(%arg41 : memref<!tpu.dma_semaphore, #tpu.memory_space<semaphore_mem>>)
    tpu.enqueue_dma source(%arg17 : memref<128xf32, #tpu.memory_space<hbm>>) target(%arg28 : memref<128xf32, #tpu.memory_space<vmem>>) target_semaphore(%arg41 : memref<!tpu.dma_semaphore, #tpu.memory_space<semaphore_mem>>)
    tpu.enqueue_dma source(%arg19 : memref<128xf32, #tpu.memory_space<hbm>>) target(%arg29 : memref<128xf32, #tpu.memory_space<vmem>>) target_semaphore(%arg41 : memref<!tpu.dma_semaphore, #tpu.memory_space<semaphore_mem>>)
    tpu.enqueue_dma source(%arg16 : memref<32x128xf32, #tpu.memory_space<hbm>>) target(%arg30 : memref<32x128xf32, #tpu.memory_space<vmem>>) target_semaphore(%arg41 : memref<!tpu.dma_semaphore, #tpu.memory_space<semaphore_mem>>)
    %dma_wait3A = arith.constant 0 : i32
    %dma_wait3A_122 = arith.constant 0 : i32
    %dma_wait3A_123 = tpu.memref_slice %arg21[%dma_wait3A, %dma_wait3A_122] : memref<4x128xi32, #tpu.memory_space<vmem>> -> memref<1x128xi32, #tpu.memory_space<vmem>>
    %dma_wait3A_124 = tpu.memref_squeeze %dma_wait3A_123 : memref<1x128xi32, #tpu.memory_space<vmem>> -> memref<128xi32, #tpu.memory_space<vmem>>
    %dma_wait3A_125 = tpu.memref_slice %arg2[%add3A_4] : memref<16384xi32, #tpu.memory_space<hbm>> -> memref<128xi32, #tpu.memory_space<hbm>>
    %dma_wait3A_126 = arith.constant 0 : i32
    %dma_wait3A_127 = tpu.memref_slice %arg21[%dma_wait3A, %dma_wait3A_126] : memref<4x128xi32, #tpu.memory_space<vmem>> -> memref<1x128xi32, #tpu.memory_space<vmem>>
    %dma_wait3A_128 = tpu.memref_squeeze %dma_wait3A_127 : memref<1x128xi32, #tpu.memory_space<vmem>> -> memref<128xi32, #tpu.memory_space<vmem>>
    %dma_wait3A_129 = tpu.memref_slice %arg2[%add3A_4] : memref<16384xi32, #tpu.memory_space<hbm>> -> memref<128xi32, #tpu.memory_space<hbm>>
    tpu.wait_dma2 semaphore(%arg41 : memref<!tpu.dma_semaphore, #tpu.memory_space<semaphore_mem>>) src(%dma_wait3A_129 : memref<128xi32, #tpu.memory_space<hbm>>) dst(%dma_wait3A_128 : memref<128xi32, #tpu.memory_space<vmem>>)
    %dma_wait3A_130 = arith.constant 0 : i32
    %dma_wait3A_131 = arith.constant 0 : i32
    %dma_wait3A_132 = tpu.memref_slice %arg22[%dma_wait3A_130, %dma_wait3A_131] : memref<4x128xi32, #tpu.memory_space<vmem>> -> memref<1x128xi32, #tpu.memory_space<vmem>>
    %dma_wait3A_133 = tpu.memref_squeeze %dma_wait3A_132 : memref<1x128xi32, #tpu.memory_space<vmem>> -> memref<128xi32, #tpu.memory_space<vmem>>
    %dma_wait3A_134 = tpu.memref_slice %arg3[%add3A_4] : memref<16384xi32, #tpu.memory_space<hbm>> -> memref<128xi32, #tpu.memory_space<hbm>>
    %dma_wait3A_135 = arith.constant 0 : i32
    %dma_wait3A_136 = tpu.memref_slice %arg22[%dma_wait3A_130, %dma_wait3A_135] : memref<4x128xi32, #tpu.memory_space<vmem>> -> memref<1x128xi32, #tpu.memory_space<vmem>>
    %dma_wait3A_137 = tpu.memref_squeeze %dma_wait3A_136 : memref<1x128xi32, #tpu.memory_space<vmem>> -> memref<128xi32, #tpu.memory_space<vmem>>
    %dma_wait3A_138 = tpu.memref_slice %arg3[%add3A_4] : memref<16384xi32, #tpu.memory_space<hbm>> -> memref<128xi32, #tpu.memory_space<hbm>>
    tpu.wait_dma2 semaphore(%arg41 : memref<!tpu.dma_semaphore, #tpu.memory_space<semaphore_mem>>) src(%dma_wait3A_138 : memref<128xi32, #tpu.memory_space<hbm>>) dst(%dma_wait3A_137 : memref<128xi32, #tpu.memory_space<vmem>>)
    %dma_wait3A_139 = arith.constant 0 : i32
    %dma_wait3A_140 = arith.constant 0 : i32
    %dma_wait3A_141 = tpu.memref_slice %arg23[%dma_wait3A_139, %dma_wait3A_140] : memref<4x128xi32, #tpu.memory_space<vmem>> -> memref<1x128xi32, #tpu.memory_space<vmem>>
    %dma_wait3A_142 = tpu.memref_squeeze %dma_wait3A_141 : memref<1x128xi32, #tpu.memory_space<vmem>> -> memref<128xi32, #tpu.memory_space<vmem>>
    %dma_wait3A_143 = tpu.memref_slice %arg4[%add3A_4] : memref<16384xi32, #tpu.memory_space<hbm>> -> memref<128xi32, #tpu.memory_space<hbm>>
    %dma_wait3A_144 = arith.constant 0 : i32
    %dma_wait3A_145 = tpu.memref_slice %arg23[%dma_wait3A_139, %dma_wait3A_144] : memref<4x128xi32, #tpu.memory_space<vmem>> -> memref<1x128xi32, #tpu.memory_space<vmem>>
    %dma_wait3A_146 = tpu.memref_squeeze %dma_wait3A_145 : memref<1x128xi32, #tpu.memory_space<vmem>> -> memref<128xi32, #tpu.memory_space<vmem>>
    %dma_wait3A_147 = tpu.memref_slice %arg4[%add3A_4] : memref<16384xi32, #tpu.memory_space<hbm>> -> memref<128xi32, #tpu.memory_space<hbm>>
    tpu.wait_dma2 semaphore(%arg41 : memref<!tpu.dma_semaphore, #tpu.memory_space<semaphore_mem>>) src(%dma_wait3A_147 : memref<128xi32, #tpu.memory_space<hbm>>) dst(%dma_wait3A_146 : memref<128xi32, #tpu.memory_space<vmem>>)
    %dma_wait3A_148 = arith.constant 1 : i32
    %dma_wait3A_149 = arith.constant 0 : i32
    %dma_wait3A_150 = tpu.memref_slice %arg21[%dma_wait3A_148, %dma_wait3A_149] : memref<4x128xi32, #tpu.memory_space<vmem>> -> memref<1x128xi32, #tpu.memory_space<vmem>>
    %dma_wait3A_151 = tpu.memref_squeeze %dma_wait3A_150 : memref<1x128xi32, #tpu.memory_space<vmem>> -> memref<128xi32, #tpu.memory_space<vmem>>
    %dma_wait3A_152 = tpu.memref_slice %arg2[%add3A_32] : memref<16384xi32, #tpu.memory_space<hbm>> -> memref<128xi32, #tpu.memory_space<hbm>>
    %dma_wait3A_153 = arith.constant 0 : i32
    %dma_wait3A_154 = tpu.memref_slice %arg21[%dma_wait3A_148, %dma_wait3A_153] : memref<4x128xi32, #tpu.memory_space<vmem>> -> memref<1x128xi32, #tpu.memory_space<vmem>>
    %dma_wait3A_155 = tpu.memref_squeeze %dma_wait3A_154 : memref<1x128xi32, #tpu.memory_space<vmem>> -> memref<128xi32, #tpu.memory_space<vmem>>
    %dma_wait3A_156 = tpu.memref_slice %arg2[%add3A_32] : memref<16384xi32, #tpu.memory_space<hbm>> -> memref<128xi32, #tpu.memory_space<hbm>>
    tpu.wait_dma2 semaphore(%arg41 : memref<!tpu.dma_semaphore, #tpu.memory_space<semaphore_mem>>) src(%dma_wait3A_156 : memref<128xi32, #tpu.memory_space<hbm>>) dst(%dma_wait3A_155 : memref<128xi32, #tpu.memory_space<vmem>>)
    %dma_wait3A_157 = arith.constant 1 : i32
    %dma_wait3A_158 = arith.constant 0 : i32
    %dma_wait3A_159 = tpu.memref_slice %arg22[%dma_wait3A_157, %dma_wait3A_158] : memref<4x128xi32, #tpu.memory_space<vmem>> -> memref<1x128xi32, #tpu.memory_space<vmem>>
    %dma_wait3A_160 = tpu.memref_squeeze %dma_wait3A_159 : memref<1x128xi32, #tpu.memory_space<vmem>> -> memref<128xi32, #tpu.memory_space<vmem>>
    %dma_wait3A_161 = tpu.memref_slice %arg3[%add3A_32] : memref<16384xi32, #tpu.memory_space<hbm>> -> memref<128xi32, #tpu.memory_space<hbm>>
    %dma_wait3A_162 = arith.constant 0 : i32
    %dma_wait3A_163 = tpu.memref_slice %arg22[%dma_wait3A_157, %dma_wait3A_162] : memref<4x128xi32, #tpu.memory_space<vmem>> -> memref<1x128xi32, #tpu.memory_space<vmem>>
    %dma_wait3A_164 = tpu.memref_squeeze %dma_wait3A_163 : memref<1x128xi32, #tpu.memory_space<vmem>> -> memref<128xi32, #tpu.memory_space<vmem>>
    %dma_wait3A_165 = tpu.memref_slice %arg3[%add3A_32] : memref<16384xi32, #tpu.memory_space<hbm>> -> memref<128xi32, #tpu.memory_space<hbm>>
    tpu.wait_dma2 semaphore(%arg41 : memref<!tpu.dma_semaphore, #tpu.memory_space<semaphore_mem>>) src(%dma_wait3A_165 : memref<128xi32, #tpu.memory_space<hbm>>) dst(%dma_wait3A_164 : memref<128xi32, #tpu.memory_space<vmem>>)
    %dma_wait3A_166 = arith.constant 1 : i32
    %dma_wait3A_167 = arith.constant 0 : i32
    %dma_wait3A_168 = tpu.memref_slice %arg23[%dma_wait3A_166, %dma_wait3A_167] : memref<4x128xi32, #tpu.memory_space<vmem>> -> memref<1x128xi32, #tpu.memory_space<vmem>>
    %dma_wait3A_169 = tpu.memref_squeeze %dma_wait3A_168 : memref<1x128xi32, #tpu.memory_space<vmem>> -> memref<128xi32, #tpu.memory_space<vmem>>
    %dma_wait3A_170 = tpu.memref_slice %arg4[%add3A_32] : memref<16384xi32, #tpu.memory_space<hbm>> -> memref<128xi32, #tpu.memory_space<hbm>>
    %dma_wait3A_171 = arith.constant 0 : i32
    %dma_wait3A_172 = tpu.memref_slice %arg23[%dma_wait3A_166, %dma_wait3A_171] : memref<4x128xi32, #tpu.memory_space<vmem>> -> memref<1x128xi32, #tpu.memory_space<vmem>>
    %dma_wait3A_173 = tpu.memref_squeeze %dma_wait3A_172 : memref<1x128xi32, #tpu.memory_space<vmem>> -> memref<128xi32, #tpu.memory_space<vmem>>
    %dma_wait3A_174 = tpu.memref_slice %arg4[%add3A_32] : memref<16384xi32, #tpu.memory_space<hbm>> -> memref<128xi32, #tpu.memory_space<hbm>>
    tpu.wait_dma2 semaphore(%arg41 : memref<!tpu.dma_semaphore, #tpu.memory_space<semaphore_mem>>) src(%dma_wait3A_174 : memref<128xi32, #tpu.memory_space<hbm>>) dst(%dma_wait3A_173 : memref<128xi32, #tpu.memory_space<vmem>>)
    %dma_wait3A_175 = arith.constant 2 : i32
    %dma_wait3A_176 = arith.constant 0 : i32
    %dma_wait3A_177 = tpu.memref_slice %arg21[%dma_wait3A_175, %dma_wait3A_176] : memref<4x128xi32, #tpu.memory_space<vmem>> -> memref<1x128xi32, #tpu.memory_space<vmem>>
    %dma_wait3A_178 = tpu.memref_squeeze %dma_wait3A_177 : memref<1x128xi32, #tpu.memory_space<vmem>> -> memref<128xi32, #tpu.memory_space<vmem>>
    %dma_wait3A_179 = tpu.memref_slice %arg2[%add3A_61] : memref<16384xi32, #tpu.memory_space<hbm>> -> memref<128xi32, #tpu.memory_space<hbm>>
    %dma_wait3A_180 = arith.constant 0 : i32
    %dma_wait3A_181 = tpu.memref_slice %arg21[%dma_wait3A_175, %dma_wait3A_180] : memref<4x128xi32, #tpu.memory_space<vmem>> -> memref<1x128xi32, #tpu.memory_space<vmem>>
    %dma_wait3A_182 = tpu.memref_squeeze %dma_wait3A_181 : memref<1x128xi32, #tpu.memory_space<vmem>> -> memref<128xi32, #tpu.memory_space<vmem>>
    %dma_wait3A_183 = tpu.memref_slice %arg2[%add3A_61] : memref<16384xi32, #tpu.memory_space<hbm>> -> memref<128xi32, #tpu.memory_space<hbm>>
    tpu.wait_dma2 semaphore(%arg41 : memref<!tpu.dma_semaphore, #tpu.memory_space<semaphore_mem>>) src(%dma_wait3A_183 : memref<128xi32, #tpu.memory_space<hbm>>) dst(%dma_wait3A_182 : memref<128xi32, #tpu.memory_space<vmem>>)
    %dma_wait3A_184 = arith.constant 2 : i32
    %dma_wait3A_185 = arith.constant 0 : i32
    %dma_wait3A_186 = tpu.memref_slice %arg22[%dma_wait3A_184, %dma_wait3A_185] : memref<4x128xi32, #tpu.memory_space<vmem>> -> memref<1x128xi32, #tpu.memory_space<vmem>>
    %dma_wait3A_187 = tpu.memref_squeeze %dma_wait3A_186 : memref<1x128xi32, #tpu.memory_space<vmem>> -> memref<128xi32, #tpu.memory_space<vmem>>
    %dma_wait3A_188 = tpu.memref_slice %arg3[%add3A_61] : memref<16384xi32, #tpu.memory_space<hbm>> -> memref<128xi32, #tpu.memory_space<hbm>>
    %dma_wait3A_189 = arith.constant 0 : i32
    %dma_wait3A_190 = tpu.memref_slice %arg22[%dma_wait3A_184, %dma_wait3A_189] : memref<4x128xi32, #tpu.memory_space<vmem>> -> memref<1x128xi32, #tpu.memory_space<vmem>>
    %dma_wait3A_191 = tpu.memref_squeeze %dma_wait3A_190 : memref<1x128xi32, #tpu.memory_space<vmem>> -> memref<128xi32, #tpu.memory_space<vmem>>
    %dma_wait3A_192 = tpu.memref_slice %arg3[%add3A_61] : memref<16384xi32, #tpu.memory_space<hbm>> -> memref<128xi32, #tpu.memory_space<hbm>>
    tpu.wait_dma2 semaphore(%arg41 : memref<!tpu.dma_semaphore, #tpu.memory_space<semaphore_mem>>) src(%dma_wait3A_192 : memref<128xi32, #tpu.memory_space<hbm>>) dst(%dma_wait3A_191 : memref<128xi32, #tpu.memory_space<vmem>>)
    %dma_wait3A_193 = arith.constant 2 : i32
    %dma_wait3A_194 = arith.constant 0 : i32
    %dma_wait3A_195 = tpu.memref_slice %arg23[%dma_wait3A_193, %dma_wait3A_194] : memref<4x128xi32, #tpu.memory_space<vmem>> -> memref<1x128xi32, #tpu.memory_space<vmem>>
    %dma_wait3A_196 = tpu.memref_squeeze %dma_wait3A_195 : memref<1x128xi32, #tpu.memory_space<vmem>> -> memref<128xi32, #tpu.memory_space<vmem>>
    %dma_wait3A_197 = tpu.memref_slice %arg4[%add3A_61] : memref<16384xi32, #tpu.memory_space<hbm>> -> memref<128xi32, #tpu.memory_space<hbm>>
    %dma_wait3A_198 = arith.constant 0 : i32
    %dma_wait3A_199 = tpu.memref_slice %arg23[%dma_wait3A_193, %dma_wait3A_198] : memref<4x128xi32, #tpu.memory_space<vmem>> -> memref<1x128xi32, #tpu.memory_space<vmem>>
    %dma_wait3A_200 = tpu.memref_squeeze %dma_wait3A_199 : memref<1x128xi32, #tpu.memory_space<vmem>> -> memref<128xi32, #tpu.memory_space<vmem>>
    %dma_wait3A_201 = tpu.memref_slice %arg4[%add3A_61] : memref<16384xi32, #tpu.memory_space<hbm>> -> memref<128xi32, #tpu.memory_space<hbm>>
    tpu.wait_dma2 semaphore(%arg41 : memref<!tpu.dma_semaphore, #tpu.memory_space<semaphore_mem>>) src(%dma_wait3A_201 : memref<128xi32, #tpu.memory_space<hbm>>) dst(%dma_wait3A_200 : memref<128xi32, #tpu.memory_space<vmem>>)
    %dma_wait3A_202 = arith.constant 3 : i32
    %dma_wait3A_203 = arith.constant 0 : i32
    %dma_wait3A_204 = tpu.memref_slice %arg21[%dma_wait3A_202, %dma_wait3A_203] : memref<4x128xi32, #tpu.memory_space<vmem>> -> memref<1x128xi32, #tpu.memory_space<vmem>>
    %dma_wait3A_205 = tpu.memref_squeeze %dma_wait3A_204 : memref<1x128xi32, #tpu.memory_space<vmem>> -> memref<128xi32, #tpu.memory_space<vmem>>
    %dma_wait3A_206 = tpu.memref_slice %arg2[%add3A_90] : memref<16384xi32, #tpu.memory_space<hbm>> -> memref<128xi32, #tpu.memory_space<hbm>>
    %dma_wait3A_207 = arith.constant 0 : i32
    %dma_wait3A_208 = tpu.memref_slice %arg21[%dma_wait3A_202, %dma_wait3A_207] : memref<4x128xi32, #tpu.memory_space<vmem>> -> memref<1x128xi32, #tpu.memory_space<vmem>>
    %dma_wait3A_209 = tpu.memref_squeeze %dma_wait3A_208 : memref<1x128xi32, #tpu.memory_space<vmem>> -> memref<128xi32, #tpu.memory_space<vmem>>
    %dma_wait3A_210 = tpu.memref_slice %arg2[%add3A_90] : memref<16384xi32, #tpu.memory_space<hbm>> -> memref<128xi32, #tpu.memory_space<hbm>>
    tpu.wait_dma2 semaphore(%arg41 : memref<!tpu.dma_semaphore, #tpu.memory_space<semaphore_mem>>) src(%dma_wait3A_210 : memref<128xi32, #tpu.memory_space<hbm>>) dst(%dma_wait3A_209 : memref<128xi32, #tpu.memory_space<vmem>>)
    %dma_wait3A_211 = arith.constant 3 : i32
    %dma_wait3A_212 = arith.constant 0 : i32
    %dma_wait3A_213 = tpu.memref_slice %arg22[%dma_wait3A_211, %dma_wait3A_212] : memref<4x128xi32, #tpu.memory_space<vmem>> -> memref<1x128xi32, #tpu.memory_space<vmem>>
    %dma_wait3A_214 = tpu.memref_squeeze %dma_wait3A_213 : memref<1x128xi32, #tpu.memory_space<vmem>> -> memref<128xi32, #tpu.memory_space<vmem>>
    %dma_wait3A_215 = tpu.memref_slice %arg3[%add3A_90] : memref<16384xi32, #tpu.memory_space<hbm>> -> memref<128xi32, #tpu.memory_space<hbm>>
    %dma_wait3A_216 = arith.constant 0 : i32
    %dma_wait3A_217 = tpu.memref_slice %arg22[%dma_wait3A_211, %dma_wait3A_216] : memref<4x128xi32, #tpu.memory_space<vmem>> -> memref<1x128xi32, #tpu.memory_space<vmem>>
    %dma_wait3A_218 = tpu.memref_squeeze %dma_wait3A_217 : memref<1x128xi32, #tpu.memory_space<vmem>> -> memref<128xi32, #tpu.memory_space<vmem>>
    %dma_wait3A_219 = tpu.memref_slice %arg3[%add3A_90] : memref<16384xi32, #tpu.memory_space<hbm>> -> memref<128xi32, #tpu.memory_space<hbm>>
    tpu.wait_dma2 semaphore(%arg41 : memref<!tpu.dma_semaphore, #tpu.memory_space<semaphore_mem>>) src(%dma_wait3A_219 : memref<128xi32, #tpu.memory_space<hbm>>) dst(%dma_wait3A_218 : memref<128xi32, #tpu.memory_space<vmem>>)
    %dma_wait3A_220 = arith.constant 3 : i32
    %dma_wait3A_221 = arith.constant 0 : i32
    %dma_wait3A_222 = tpu.memref_slice %arg23[%dma_wait3A_220, %dma_wait3A_221] : memref<4x128xi32, #tpu.memory_space<vmem>> -> memref<1x128xi32, #tpu.memory_space<vmem>>
    %dma_wait3A_223 = tpu.memref_squeeze %dma_wait3A_222 : memref<1x128xi32, #tpu.memory_space<vmem>> -> memref<128xi32, #tpu.memory_space<vmem>>
    %dma_wait3A_224 = tpu.memref_slice %arg4[%add3A_90] : memref<16384xi32, #tpu.memory_space<hbm>> -> memref<128xi32, #tpu.memory_space<hbm>>
    %dma_wait3A_225 = arith.constant 0 : i32
    %dma_wait3A_226 = tpu.memref_slice %arg23[%dma_wait3A_220, %dma_wait3A_225] : memref<4x128xi32, #tpu.memory_space<vmem>> -> memref<1x128xi32, #tpu.memory_space<vmem>>
    %dma_wait3A_227 = tpu.memref_squeeze %dma_wait3A_226 : memref<1x128xi32, #tpu.memory_space<vmem>> -> memref<128xi32, #tpu.memory_space<vmem>>
    %dma_wait3A_228 = tpu.memref_slice %arg4[%add3A_90] : memref<16384xi32, #tpu.memory_space<hbm>> -> memref<128xi32, #tpu.memory_space<hbm>>
    tpu.wait_dma2 semaphore(%arg41 : memref<!tpu.dma_semaphore, #tpu.memory_space<semaphore_mem>>) src(%dma_wait3A_228 : memref<128xi32, #tpu.memory_space<hbm>>) dst(%dma_wait3A_227 : memref<128xi32, #tpu.memory_space<vmem>>)
    %dma_wait3A_229 = tpu.memref_slice %arg5[%mul3A_2] : memref<16384xi32, #tpu.memory_space<hbm>> -> memref<512xi32, #tpu.memory_space<hbm>>
    %dma_wait3A_230 = tpu.memref_slice %arg5[%mul3A_2] : memref<16384xi32, #tpu.memory_space<hbm>> -> memref<512xi32, #tpu.memory_space<hbm>>
    tpu.wait_dma2 semaphore(%arg41 : memref<!tpu.dma_semaphore, #tpu.memory_space<semaphore_mem>>) src(%dma_wait3A_230 : memref<512xi32, #tpu.memory_space<hbm>>) dst(%arg25 : memref<512xi32, #tpu.memory_space<vmem>>)
    %dma_wait3A_231 = tpu.memref_slice %arg6[%mul3A_2] : memref<16384xi32, #tpu.memory_space<hbm>> -> memref<512xi32, #tpu.memory_space<hbm>>
    %dma_wait3A_232 = tpu.memref_slice %arg6[%mul3A_2] : memref<16384xi32, #tpu.memory_space<hbm>> -> memref<512xi32, #tpu.memory_space<hbm>>
    tpu.wait_dma2 semaphore(%arg41 : memref<!tpu.dma_semaphore, #tpu.memory_space<semaphore_mem>>) src(%dma_wait3A_232 : memref<512xi32, #tpu.memory_space<hbm>>) dst(%arg26 : memref<512xi32, #tpu.memory_space<vmem>>)
    tpu.wait_dma2 semaphore(%arg41 : memref<!tpu.dma_semaphore, #tpu.memory_space<semaphore_mem>>) src(%arg8 : memref<16xf32, #tpu.memory_space<hbm>>) dst(%arg27 : memref<16xf32, #tpu.memory_space<vmem>>)
    tpu.wait_dma2 semaphore(%arg41 : memref<!tpu.dma_semaphore, #tpu.memory_space<semaphore_mem>>) src(%arg17 : memref<128xf32, #tpu.memory_space<hbm>>) dst(%arg28 : memref<128xf32, #tpu.memory_space<vmem>>)
    tpu.wait_dma2 semaphore(%arg41 : memref<!tpu.dma_semaphore, #tpu.memory_space<semaphore_mem>>) src(%arg19 : memref<128xf32, #tpu.memory_space<hbm>>) dst(%arg29 : memref<128xf32, #tpu.memory_space<vmem>>)
    tpu.wait_dma2 semaphore(%arg41 : memref<!tpu.dma_semaphore, #tpu.memory_space<semaphore_mem>>) src(%arg16 : memref<32x128xf32, #tpu.memory_space<hbm>>) dst(%arg30 : memref<32x128xf32, #tpu.memory_space<vmem>>)
    %get3A = arith.constant 0 : i32
    %get3A_233 = arith.index_cast %get3A : i32 to index
    %get3A_234 = arith.constant 0 : index
    %get3A_235 = tpu.vector_load %arg22[%get3A_233, %get3A_234] {strides = array<i32>} : memref<4x128xi32, #tpu.memory_space<vmem>>, vector<16xi32>,
    %mul3A_236 = arith.constant 32 : i32
    %mul3A_237 = vector.broadcast %mul3A_236 : i32 to vector<16xi32>
    %mul3A_238 = arith.muli %get3A_235, %mul3A_237 : vector<16xi32>
    %get3A_239 = arith.constant 0 : i32
    %get3A_240 = arith.index_cast %get3A_239 : i32 to index
    %get3A_241 = arith.constant 0 : index
    %get3A_242 = tpu.vector_load %arg23[%get3A_240, %get3A_241] {strides = array<i32>} : memref<4x128xi32, #tpu.memory_space<vmem>>, vector<16xi32>,
    %add3A_243 = arith.addi %mul3A_238, %get3A_242 : vector<16xi32>
    %swap3A = arith.constant 0 : i32
    %swap3A_244 = arith.index_cast %swap3A : i32 to index
    %swap3A_245 = arith.constant 0 : index
    %swap3A_246 = tpu.vector_load %arg24[%swap3A_244, %swap3A_245] {strides = array<i32>} : memref<4x128xi32, #tpu.memory_space<vmem>>, vector<16xi32>,
    tpu.vector_store %arg24[%swap3A_244, %swap3A_245], %add3A_243 {strides = array<i32>} : memref<4x128xi32, #tpu.memory_space<vmem>>, vector<16xi32>,
    %get3A_247 = arith.constant 0 : i32
    %get3A_248 = arith.index_cast %get3A_247 : i32 to index
    %get3A_249 = arith.constant 16 : index
    %get3A_250 = tpu.vector_load %arg22[%get3A_248, %get3A_249] {strides = array<i32>} : memref<4x128xi32, #tpu.memory_space<vmem>>, vector<16xi32>,
    %mul3A_251 = arith.constant 32 : i32
    %mul3A_252 = vector.broadcast %mul3A_251 : i32 to vector<16xi32>
    %mul3A_253 = arith.muli %get3A_250, %mul3A_252 : vector<16xi32>
    %get3A_254 = arith.constant 0 : i32
    %get3A_255 = arith.index_cast %get3A_254 : i32 to index
    %get3A_256 = arith.constant 16 : index
    %get3A_257 = tpu.vector_load %arg23[%get3A_255, %get3A_256] {strides = array<i32>} : memref<4x128xi32, #tpu.memory_space<vmem>>, vector<16xi32>,
    %add3A_258 = arith.addi %mul3A_253, %get3A_257 : vector<16xi32>
    %swap3A_259 = arith.constant 0 : i32
    %swap3A_260 = arith.index_cast %swap3A_259 : i32 to index
    %swap3A_261 = arith.constant 16 : index
    %swap3A_262 = tpu.vector_load %arg24[%swap3A_260, %swap3A_261] {strides = array<i32>} : memref<4x128xi32, #tpu.memory_space<vmem>>, vector<16xi32>,
    tpu.vector_store %arg24[%swap3A_260, %swap3A_261], %add3A_258 {strides = array<i32>} : memref<4x128xi32, #tpu.memory_space<vmem>>, vector<16xi32>,
    %get3A_263 = arith.constant 0 : i32
    %get3A_264 = arith.index_cast %get3A_263 : i32 to index
    %get3A_265 = arith.constant 32 : index
    %get3A_266 = tpu.vector_load %arg22[%get3A_264, %get3A_265] {strides = array<i32>} : memref<4x128xi32, #tpu.memory_space<vmem>>, vector<16xi32>,
    %mul3A_267 = arith.constant 32 : i32
    %mul3A_268 = vector.broadcast %mul3A_267 : i32 to vector<16xi32>
    %mul3A_269 = arith.muli %get3A_266, %mul3A_268 : vector<16xi32>
    %get3A_270 = arith.constant 0 : i32
    %get3A_271 = arith.index_cast %get3A_270 : i32 to index
    %get3A_272 = arith.constant 32 : index
    %get3A_273 = tpu.vector_load %arg23[%get3A_271, %get3A_272] {strides = array<i32>} : memref<4x128xi32, #tpu.memory_space<vmem>>, vector<16xi32>,
    %add3A_274 = arith.addi %mul3A_269, %get3A_273 : vector<16xi32>
    %swap3A_275 = arith.constant 0 : i32
    %swap3A_276 = arith.index_cast %swap3A_275 : i32 to index
    %swap3A_277 = arith.constant 32 : index
    %swap3A_278 = tpu.vector_load %arg24[%swap3A_276, %swap3A_277] {strides = array<i32>} : memref<4x128xi32, #tpu.memory_space<vmem>>, vector<16xi32>,
    tpu.vector_store %arg24[%swap3A_276, %swap3A_277], %add3A_274 {strides = array<i32>} : memref<4x128xi32, #tpu.memory_space<vmem>>, vector<16xi32>,
    %get3A_279 = arith.constant 0 : i32
    %get3A_280 = arith.index_cast %get3A_279 : i32 to index
    %get3A_281 = arith.constant 48 : index
    %get3A_282 = tpu.vector_load %arg22[%get3A_280, %get3A_281] {strides = array<i32>} : memref<4x128xi32, #tpu.memory_space<vmem>>, vector<16xi32>,
    %mul3A_283 = arith.constant 32 : i32
    %mul3A_284 = vector.broadcast %mul3A_283 : i32 to vector<16xi32>
    %mul3A_285 = arith.muli %get3A_282, %mul3A_284 : vector<16xi32>
    %get3A_286 = arith.constant 0 : i32
    %get3A_287 = arith.index_cast %get3A_286 : i32 to index
    %get3A_288 = arith.constant 48 : index
    %get3A_289 = tpu.vector_load %arg23[%get3A_287, %get3A_288] {strides = array<i32>} : memref<4x128xi32, #tpu.memory_space<vmem>>, vector<16xi32>,
    %add3A_290 = arith.addi %mul3A_285, %get3A_289 : vector<16xi32>
    %swap3A_291 = arith.constant 0 : i32
    %swap3A_292 = arith.index_cast %swap3A_291 : i32 to index
    %swap3A_293 = arith.constant 48 : index
    %swap3A_294 = tpu.vector_load %arg24[%swap3A_292, %swap3A_293] {strides = array<i32>} : memref<4x128xi32, #tpu.memory_space<vmem>>, vector<16xi32>,
    tpu.vector_store %arg24[%swap3A_292, %swap3A_293], %add3A_290 {strides = array<i32>} : memref<4x128xi32, #tpu.memory_space<vmem>>, vector<16xi32>,
    %get3A_295 = arith.constant 0 : i32
    %get3A_296 = arith.index_cast %get3A_295 : i32 to index
    %get3A_297 = arith.constant 64 : index
    %get3A_298 = tpu.vector_load %arg22[%get3A_296, %get3A_297] {strides = array<i32>} : memref<4x128xi32, #tpu.memory_space<vmem>>, vector<16xi32>,
    %mul3A_299 = arith.constant 32 : i32
    %mul3A_300 = vector.broadcast %mul3A_299 : i32 to vector<16xi32>
    %mul3A_301 = arith.muli %get3A_298, %mul3A_300 : vector<16xi32>
    %get3A_302 = arith.constant 0 : i32
    %get3A_303 = arith.index_cast %get3A_302 : i32 to index
    %get3A_304 = arith.constant 64 : index
    %get3A_305 = tpu.vector_load %arg23[%get3A_303, %get3A_304] {strides = array<i32>} : memref<4x128xi32, #tpu.memory_space<vmem>>, vector<16xi32>,
    %add3A_306 = arith.addi %mul3A_301, %get3A_305 : vector<16xi32>
    %swap3A_307 = arith.constant 0 : i32
    %swap3A_308 = arith.index_cast %swap3A_307 : i32 to index
    %swap3A_309 = arith.constant 64 : index
    %swap3A_310 = tpu.vector_load %arg24[%swap3A_308, %swap3A_309] {strides = array<i32>} : memref<4x128xi32, #tpu.memory_space<vmem>>, vector<16xi32>,
    tpu.vector_store %arg24[%swap3A_308, %swap3A_309], %add3A_306 {strides = array<i32>} : memref<4x128xi32, #tpu.memory_space<vmem>>, vector<16xi32>,
    %get3A_311 = arith.constant 0 : i32
    %get3A_312 = arith.index_cast %get3A_311 : i32 to index
    %get3A_313 = arith.constant 80 : index
    %get3A_314 = tpu.vector_load %arg22[%get3A_312, %get3A_313] {strides = array<i32>} : memref<4x128xi32, #tpu.memory_space<vmem>>, vector<16xi32>,
    %mul3A_315 = arith.constant 32 : i32
    %mul3A_316 = vector.broadcast %mul3A_315 : i32 to vector<16xi32>
    %mul3A_317 = arith.muli %get3A_314, %mul3A_316 : vector<16xi32>
    %get3A_318 = arith.constant 0 : i32
    %get3A_319 = arith.index_cast %get3A_318 : i32 to index
    %get3A_320 = arith.constant 80 : index
    %get3A_321 = tpu.vector_load %arg23[%get3A_319, %get3A_320] {strides = array<i32>} : memref<4x128xi32, #tpu.memory_space<vmem>>, vector<16xi32>,
    %add3A_322 = arith.addi %mul3A_317, %get3A_321 : vector<16xi32>
    %swap3A_323 = arith.constant 0 : i32
    %swap3A_324 = arith.index_cast %swap3A_323 : i32 to index
    %swap3A_325 = arith.constant 80 : index
    %swap3A_326 = tpu.vector_load %arg24[%swap3A_324, %swap3A_325] {strides = array<i32>} : memref<4x128xi32, #tpu.memory_space<vmem>>, vector<16xi32>,
    tpu.vector_store %arg24[%swap3A_324, %swap3A_325], %add3A_322 {strides = array<i32>} : memref<4x128xi32, #tpu.memory_space<vmem>>, vector<16xi32>,
    %get3A_327 = arith.constant 0 : i32
    %get3A_328 = arith.index_cast %get3A_327 : i32 to index
    %get3A_329 = arith.constant 96 : index
    %get3A_330 = tpu.vector_load %arg22[%get3A_328, %get3A_329] {strides = array<i32>} : memref<4x128xi32, #tpu.memory_space<vmem>>, vector<16xi32>,
    %mul3A_331 = arith.constant 32 : i32
    %mul3A_332 = vector.broadcast %mul3A_331 : i32 to vector<16xi32>
    %mul3A_333 = arith.muli %get3A_330, %mul3A_332 : vector<16xi32>
    %get3A_334 = arith.constant 0 : i32
    %get3A_335 = arith.index_cast %get3A_334 : i32 to index
    %get3A_336 = arith.constant 96 : index
    %get3A_337 = tpu.vector_load %arg23[%get3A_335, %get3A_336] {strides = array<i32>} : memref<4x128xi32, #tpu.memory_space<vmem>>, vector<16xi32>,
    %add3A_338 = arith.addi %mul3A_333, %get3A_337 : vector<16xi32>
    %swap3A_339 = arith.constant 0 : i32
    %swap3A_340 = arith.index_cast %swap3A_339 : i32 to index
    %swap3A_341 = arith.constant 96 : index
    %swap3A_342 = tpu.vector_load %arg24[%swap3A_340, %swap3A_341] {strides = array<i32>} : memref<4x128xi32, #tpu.memory_space<vmem>>, vector<16xi32>,
    tpu.vector_store %arg24[%swap3A_340, %swap3A_341], %add3A_338 {strides = array<i32>} : memref<4x128xi32, #tpu.memory_space<vmem>>, vector<16xi32>,
    %get3A_343 = arith.constant 0 : i32
    %get3A_344 = arith.index_cast %get3A_343 : i32 to index
    %get3A_345 = arith.constant 112 : index
    %get3A_346 = tpu.vector_load %arg22[%get3A_344, %get3A_345] {strides = array<i32>} : memref<4x128xi32, #tpu.memory_space<vmem>>, vector<16xi32>,
    %mul3A_347 = arith.constant 32 : i32
    %mul3A_348 = vector.broadcast %mul3A_347 : i32 to vector<16xi32>
    %mul3A_349 = arith.muli %get3A_346, %mul3A_348 : vector<16xi32>
    %get3A_350 = arith.constant 0 : i32
    %get3A_351 = arith.index_cast %get3A_350 : i32 to index
    %get3A_352 = arith.constant 112 : index
    %get3A_353 = tpu.vector_load %arg23[%get3A_351, %get3A_352] {strides = array<i32>} : memref<4x128xi32, #tpu.memory_space<vmem>>, vector<16xi32>,
    %add3A_354 = arith.addi %mul3A_349, %get3A_353 : vector<16xi32>
    %swap3A_355 = arith.constant 0 : i32
    %swap3A_356 = arith.index_cast %swap3A_355 : i32 to index
    %swap3A_357 = arith.constant 112 : index
    %swap3A_358 = tpu.vector_load %arg24[%swap3A_356, %swap3A_357] {strides = array<i32>} : memref<4x128xi32, #tpu.memory_space<vmem>>, vector<16xi32>,
    tpu.vector_store %arg24[%swap3A_356, %swap3A_357], %add3A_354 {strides = array<i32>} : memref<4x128xi32, #tpu.memory_space<vmem>>, vector<16xi32>,
    %get3A_359 = arith.constant 1 : i32
    %get3A_360 = arith.index_cast %get3A_359 : i32 to index
    %get3A_361 = arith.constant 0 : index
    %get3A_362 = tpu.vector_load %arg22[%get3A_360, %get3A_361] {strides = array<i32>} : memref<4x128xi32, #tpu.memory_space<vmem>>, vector<16xi32>,
    %mul3A_363 = arith.constant 32 : i32
    %mul3A_364 = vector.broadcast %mul3A_363 : i32 to vector<16xi32>
    %mul3A_365 = arith.muli %get3A_362, %mul3A_364 : vector<16xi32>
    %get3A_366 = arith.constant 1 : i32
    %get3A_367 = arith.index_cast %get3A_366 : i32 to index
    %get3A_368 = arith.constant 0 : index
    %get3A_369 = tpu.vector_load %arg23[%get3A_367, %get3A_368] {strides = array<i32>} : memref<4x128xi32, #tpu.memory_space<vmem>>, vector<16xi32>,
    %add3A_370 = arith.addi %mul3A_365, %get3A_369 : vector<16xi32>
    %swap3A_371 = arith.constant 1 : i32
    %swap3A_372 = arith.index_cast %swap3A_371 : i32 to index
    %swap3A_373 = arith.constant 0 : index
    %swap3A_374 = tpu.vector_load %arg24[%swap3A_372, %swap3A_373] {strides = array<i32>} : memref<4x128xi32, #tpu.memory_space<vmem>>, vector<16xi32>,
    tpu.vector_store %arg24[%swap3A_372, %swap3A_373], %add3A_370 {strides = array<i32>} : memref<4x128xi32, #tpu.memory_space<vmem>>, vector<16xi32>,
    %get3A_375 = arith.constant 1 : i32
    %get3A_376 = arith.index_cast %get3A_375 : i32 to index
    %get3A_377 = arith.constant 16 : index
    %get3A_378 = tpu.vector_load %arg22[%get3A_376, %get3A_377] {strides = array<i32>} : memref<4x128xi32, #tpu.memory_space<vmem>>, vector<16xi32>,
    %mul3A_379 = arith.constant 32 : i32
    %mul3A_380 = vector.broadcast %mul3A_379 : i32 to vector<16xi32>
    %mul3A_381 = arith.muli %get3A_378, %mul3A_380 : vector<16xi32>
    %get3A_382 = arith.constant 1 : i32
    %get3A_383 = arith.index_cast %get3A_382 : i32 to index
    %get3A_384 = arith.constant 16 : index
    %get3A_385 = tpu.vector_load %arg23[%get3A_383, %get3A_384] {strides = array<i32>} : memref<4x128xi32, #tpu.memory_space<vmem>>, vector<16xi32>,
    %add3A_386 = arith.addi %mul3A_381, %get3A_385 : vector<16xi32>
    %swap3A_387 = arith.constant 1 : i32
    %swap3A_388 = arith.index_cast %swap3A_387 : i32 to index
    %swap3A_389 = arith.constant 16 : index
    %swap3A_390 = tpu.vector_load %arg24[%swap3A_388, %swap3A_389] {strides = array<i32>} : memref<4x128xi32, #tpu.memory_space<vmem>>, vector<16xi32>,
    tpu.vector_store %arg24[%swap3A_388, %swap3A_389], %add3A_386 {strides = array<i32>} : memref<4x128xi32, #tpu.memory_space<vmem>>, vector<16xi32>,
    %get3A_391 = arith.constant 1 : i32
    %get3A_392 = arith.index_cast %get3A_391 : i32 to index
    %get3A_393 = arith.constant 32 : index
    %get3A_394 = tpu.vector_load %arg22[%get3A_392, %get3A_393] {strides = array<i32>} : memref<4x128xi32, #tpu.memory_space<vmem>>, vector<16xi32>,
    %mul3A_395 = arith.constant 32 : i32
    %mul3A_396 = vector.broadcast %mul3A_395 : i32 to vector<16xi32>
    %mul3A_397 = arith.muli %get3A_394, %mul3A_396 : vector<16xi32>
    %get3A_398 = arith.constant 1 : i32
    %get3A_399 = arith.index_cast %get3A_398 : i32 to index
    %get3A_400 = arith.constant 32 : index
    %get3A_401 = tpu.vector_load %arg23[%get3A_399, %get3A_400] {strides = array<i32>} : memref<4x128xi32, #tpu.memory_space<vmem>>, vector<16xi32>,
    %add3A_402 = arith.addi %mul3A_397, %get3A_401 : vector<16xi32>
    %swap3A_403 = arith.constant 1 : i32
    %swap3A_404 = arith.index_cast %swap3A_403 : i32 to index
    %swap3A_405 = arith.constant 32 : index
    %swap3A_406 = tpu.vector_load %arg24[%swap3A_404, %swap3A_405] {strides = array<i32>} : memref<4x128xi32, #tpu.memory_space<vmem>>, vector<16xi32>,
    tpu.vector_store %arg24[%swap3A_404, %swap3A_405], %add3A_402 {strides = array<i32>} : memref<4x128xi32, #tpu.memory_space<vmem>>, vector<16xi32>,
    %get3A_407 = arith.constant 1 : i32
    %get3A_408 = arith.index_cast %get3A_407 : i32 to index
    %get3A_409 = arith.constant 48 : index
    %get3A_410 = tpu.vector_load %arg22[%get3A_408, %get3A_409] {strides = array<i32>} : memref<4x128xi32, #tpu.memory_space<vmem>>, vector<16xi32>,
    %mul3A_411 = arith.constant 32 : i32
    %mul3A_412 = vector.broadcast %mul3A_411 : i32 to vector<16xi32>
    %mul3A_413 = arith.muli %get3A_410, %mul3A_412 : vector<16xi32>
    %get3A_414 = arith.constant 1 : i32
    %get3A_415 = arith.index_cast %get3A_414 : i32 to index
    %get3A_416 = arith.constant 48 : index
    %get3A_417 = tpu.vector_load %arg23[%get3A_415, %get3A_416] {strides = array<i32>} : memref<4x128xi32, #tpu.memory_space<vmem>>, vector<16xi32>,
    %add3A_418 = arith.addi %mul3A_413, %get3A_417 : vector<16xi32>
    %swap3A_419 = arith.constant 1 : i32
    %swap3A_420 = arith.index_cast %swap3A_419 : i32 to index
    %swap3A_421 = arith.constant 48 : index
    %swap3A_422 = tpu.vector_load %arg24[%swap3A_420, %swap3A_421] {strides = array<i32>} : memref<4x128xi32, #tpu.memory_space<vmem>>, vector<16xi32>,
    tpu.vector_store %arg24[%swap3A_420, %swap3A_421], %add3A_418 {strides = array<i32>} : memref<4x128xi32, #tpu.memory_space<vmem>>, vector<16xi32>,
    %get3A_423 = arith.constant 1 : i32
    %get3A_424 = arith.index_cast %get3A_423 : i32 to index
    %get3A_425 = arith.constant 64 : index
    %get3A_426 = tpu.vector_load %arg22[%get3A_424, %get3A_425] {strides = array<i32>} : memref<4x128xi32, #tpu.memory_space<vmem>>, vector<16xi32>,
    %mul3A_427 = arith.constant 32 : i32
    %mul3A_428 = vector.broadcast %mul3A_427 : i32 to vector<16xi32>
    %mul3A_429 = arith.muli %get3A_426, %mul3A_428 : vector<16xi32>
    %get3A_430 = arith.constant 1 : i32
    %get3A_431 = arith.index_cast %get3A_430 : i32 to index
    %get3A_432 = arith.constant 64 : index
    %get3A_433 = tpu.vector_load %arg23[%get3A_431, %get3A_432] {strides = array<i32>} : memref<4x128xi32, #tpu.memory_space<vmem>>, vector<16xi32>,
    %add3A_434 = arith.addi %mul3A_429, %get3A_433 : vector<16xi32>
    %swap3A_435 = arith.constant 1 : i32
    %swap3A_436 = arith.index_cast %swap3A_435 : i32 to index
    %swap3A_437 = arith.constant 64 : index
    %swap3A_438 = tpu.vector_load %arg24[%swap3A_436, %swap3A_437] {strides = array<i32>} : memref<4x128xi32, #tpu.memory_space<vmem>>, vector<16xi32>,
    tpu.vector_store %arg24[%swap3A_436, %swap3A_437], %add3A_434 {strides = array<i32>} : memref<4x128xi32, #tpu.memory_space<vmem>>, vector<16xi32>,
    %get3A_439 = arith.constant 1 : i32
    %get3A_440 = arith.index_cast %get3A_439 : i32 to index
    %get3A_441 = arith.constant 80 : index
    %get3A_442 = tpu.vector_load %arg22[%get3A_440, %get3A_441] {strides = array<i32>} : memref<4x128xi32, #tpu.memory_space<vmem>>, vector<16xi32>,
    %mul3A_443 = arith.constant 32 : i32
    %mul3A_444 = vector.broadcast %mul3A_443 : i32 to vector<16xi32>
    %mul3A_445 = arith.muli %get3A_442, %mul3A_444 : vector<16xi32>
    %get3A_446 = arith.constant 1 : i32
    %get3A_447 = arith.index_cast %get3A_446 : i32 to index
    %get3A_448 = arith.constant 80 : index
    %get3A_449 = tpu.vector_load %arg23[%get3A_447, %get3A_448] {strides = array<i32>} : memref<4x128xi32, #tpu.memory_space<vmem>>, vector<16xi32>,
    %add3A_450 = arith.addi %mul3A_445, %get3A_449 : vector<16xi32>
    %swap3A_451 = arith.constant 1 : i32
    %swap3A_452 = arith.index_cast %swap3A_451 : i32 to index
    %swap3A_453 = arith.constant 80 : index
    %swap3A_454 = tpu.vector_load %arg24[%swap3A_452, %swap3A_453] {strides = array<i32>} : memref<4x128xi32, #tpu.memory_space<vmem>>, vector<16xi32>,
    tpu.vector_store %arg24[%swap3A_452, %swap3A_453], %add3A_450 {strides = array<i32>} : memref<4x128xi32, #tpu.memory_space<vmem>>, vector<16xi32>,
    %get3A_455 = arith.constant 1 : i32
    %get3A_456 = arith.index_cast %get3A_455 : i32 to index
    %get3A_457 = arith.constant 96 : index
    %get3A_458 = tpu.vector_load %arg22[%get3A_456, %get3A_457] {strides = array<i32>} : memref<4x128xi32, #tpu.memory_space<vmem>>, vector<16xi32>,
    %mul3A_459 = arith.constant 32 : i32
    %mul3A_460 = vector.broadcast %mul3A_459 : i32 to vector<16xi32>
    %mul3A_461 = arith.muli %get3A_458, %mul3A_460 : vector<16xi32>
    %get3A_462 = arith.constant 1 : i32
    %get3A_463 = arith.index_cast %get3A_462 : i32 to index
    %get3A_464 = arith.constant 96 : index
    %get3A_465 = tpu.vector_load %arg23[%get3A_463, %get3A_464] {strides = array<i32>} : memref<4x128xi32, #tpu.memory_space<vmem>>, vector<16xi32>,
    %add3A_466 = arith.addi %mul3A_461, %get3A_465 : vector<16xi32>
    %swap3A_467 = arith.constant 1 : i32
    %swap3A_468 = arith.index_cast %swap3A_467 : i32 to index
    %swap3A_469 = arith.constant 96 : index
    %swap3A_470 = tpu.vector_load %arg24[%swap3A_468, %swap3A_469] {strides = array<i32>} : memref<4x128xi32, #tpu.memory_space<vmem>>, vector<16xi32>,
    tpu.vector_store %arg24[%swap3A_468, %swap3A_469], %add3A_466 {strides = array<i32>} : memref<4x128xi32, #tpu.memory_space<vmem>>, vector<16xi32>,
    %get3A_471 = arith.constant 1 : i32
    %get3A_472 = arith.index_cast %get3A_471 : i32 to index
    %get3A_473 = arith.constant 112 : index
    %get3A_474 = tpu.vector_load %arg22[%get3A_472, %get3A_473] {strides = array<i32>} : memref<4x128xi32, #tpu.memory_space<vmem>>, vector<16xi32>,
    %mul3A_475 = arith.constant 32 : i32
    %mul3A_476 = vector.broadcast %mul3A_475 : i32 to vector<16xi32>
    %mul3A_477 = arith.muli %get3A_474, %mul3A_476 : vector<16xi32>
    %get3A_478 = arith.constant 1 : i32
    %get3A_479 = arith.index_cast %get3A_478 : i32 to index
    %get3A_480 = arith.constant 112 : index
    %get3A_481 = tpu.vector_load %arg23[%get3A_479, %get3A_480] {strides = array<i32>} : memref<4x128xi32, #tpu.memory_space<vmem>>, vector<16xi32>,
    %add3A_482 = arith.addi %mul3A_477, %get3A_481 : vector<16xi32>
    %swap3A_483 = arith.constant 1 : i32
    %swap3A_484 = arith.index_cast %swap3A_483 : i32 to index
    %swap3A_485 = arith.constant 112 : index
    %swap3A_486 = tpu.vector_load %arg24[%swap3A_484, %swap3A_485] {strides = array<i32>} : memref<4x128xi32, #tpu.memory_space<vmem>>, vector<16xi32>,
    tpu.vector_store %arg24[%swap3A_484, %swap3A_485], %add3A_482 {strides = array<i32>} : memref<4x128xi32, #tpu.memory_space<vmem>>, vector<16xi32>,
    %get3A_487 = arith.constant 2 : i32
    %get3A_488 = arith.index_cast %get3A_487 : i32 to index
    %get3A_489 = arith.constant 0 : index
    %get3A_490 = tpu.vector_load %arg22[%get3A_488, %get3A_489] {strides = array<i32>} : memref<4x128xi32, #tpu.memory_space<vmem>>, vector<16xi32>,
    %mul3A_491 = arith.constant 32 : i32
    %mul3A_492 = vector.broadcast %mul3A_491 : i32 to vector<16xi32>
    %mul3A_493 = arith.muli %get3A_490, %mul3A_492 : vector<16xi32>
    %get3A_494 = arith.constant 2 : i32
    %get3A_495 = arith.index_cast %get3A_494 : i32 to index
    %get3A_496 = arith.constant 0 : index
    %get3A_497 = tpu.vector_load %arg23[%get3A_495, %get3A_496] {strides = array<i32>} : memref<4x128xi32, #tpu.memory_space<vmem>>, vector<16xi32>,
    %add3A_498 = arith.addi %mul3A_493, %get3A_497 : vector<16xi32>
    %swap3A_499 = arith.constant 2 : i32
    %swap3A_500 = arith.index_cast %swap3A_499 : i32 to index
    %swap3A_501 = arith.constant 0 : index
    %swap3A_502 = tpu.vector_load %arg24[%swap3A_500, %swap3A_501] {strides = array<i32>} : memref<4x128xi32, #tpu.memory_space<vmem>>, vector<16xi32>,
    tpu.vector_store %arg24[%swap3A_500, %swap3A_501], %add3A_498 {strides = array<i32>} : memref<4x128xi32, #tpu.memory_space<vmem>>, vector<16xi32>,
    %get3A_503 = arith.constant 2 : i32
    %get3A_504 = arith.index_cast %get3A_503 : i32 to index
    %get3A_505 = arith.constant 16 : index
    %get3A_506 = tpu.vector_load %arg22[%get3A_504, %get3A_505] {strides = array<i32>} : memref<4x128xi32, #tpu.memory_space<vmem>>, vector<16xi32>,
    %mul3A_507 = arith.constant 32 : i32
    %mul3A_508 = vector.broadcast %mul3A_507 : i32 to vector<16xi32>
    %mul3A_509 = arith.muli %get3A_506, %mul3A_508 : vector<16xi32>
    %get3A_510 = arith.constant 2 : i32
    %get3A_511 = arith.index_cast %get3A_510 : i32 to index
    %get3A_512 = arith.constant 16 : index
    %get3A_513 = tpu.vector_load %arg23[%get3A_511, %get3A_512] {strides = array<i32>} : memref<4x128xi32, #tpu.memory_space<vmem>>, vector<16xi32>,
    %add3A_514 = arith.addi %mul3A_509, %get3A_513 : vector<16xi32>
    %swap3A_515 = arith.constant 2 : i32
    %swap3A_516 = arith.index_cast %swap3A_515 : i32 to index
    %swap3A_517 = arith.constant 16 : index
    %swap3A_518 = tpu.vector_load %arg24[%swap3A_516, %swap3A_517] {strides = array<i32>} : memref<4x128xi32, #tpu.memory_space<vmem>>, vector<16xi32>,
    tpu.vector_store %arg24[%swap3A_516, %swap3A_517], %add3A_514 {strides = array<i32>} : memref<4x128xi32, #tpu.memory_space<vmem>>, vector<16xi32>,
    %get3A_519 = arith.constant 2 : i32
    %get3A_520 = arith.index_cast %get3A_519 : i32 to index
    %get3A_521 = arith.constant 32 : index
    %get3A_522 = tpu.vector_load %arg22[%get3A_520, %get3A_521] {strides = array<i32>} : memref<4x128xi32, #tpu.memory_space<vmem>>, vector<16xi32>,
    %mul3A_523 = arith.constant 32 : i32
    %mul3A_524 = vector.broadcast %mul3A_523 : i32 to vector<16xi32>
    %mul3A_525 = arith.muli %get3A_522, %mul3A_524 : vector<16xi32>
    %get3A_526 = arith.constant 2 : i32
    %get3A_527 = arith.index_cast %get3A_526 : i32 to index
    %get3A_528 = arith.constant 32 : index
    %get3A_529 = tpu.vector_load %arg23[%get3A_527, %get3A_528] {strides = array<i32>} : memref<4x128xi32, #tpu.memory_space<vmem>>, vector<16xi32>,
    %add3A_530 = arith.addi %mul3A_525, %get3A_529 : vector<16xi32>
    %swap3A_531 = arith.constant 2 : i32
    %swap3A_532 = arith.index_cast %swap3A_531 : i32 to index
    %swap3A_533 = arith.constant 32 : index
    %swap3A_534 = tpu.vector_load %arg24[%swap3A_532, %swap3A_533] {strides = array<i32>} : memref<4x128xi32, #tpu.memory_space<vmem>>, vector<16xi32>,
    tpu.vector_store %arg24[%swap3A_532, %swap3A_533], %add3A_530 {strides = array<i32>} : memref<4x128xi32, #tpu.memory_space<vmem>>, vector<16xi32>,
    %get3A_535 = arith.constant 2 : i32
    %get3A_536 = arith.index_cast %get3A_535 : i32 to index
    %get3A_537 = arith.constant 48 : index
    %get3A_538 = tpu.vector_load %arg22[%get3A_536, %get3A_537] {strides = array<i32>} : memref<4x128xi32, #tpu.memory_space<vmem>>, vector<16xi32>,
    %mul3A_539 = arith.constant 32 : i32
    %mul3A_540 = vector.broadcast %mul3A_539 : i32 to vector<16xi32>
    %mul3A_541 = arith.muli %get3A_538, %mul3A_540 : vector<16xi32>
    %get3A_542 = arith.constant 2 : i32
    %get3A_543 = arith.index_cast %get3A_542 : i32 to index
    %get3A_544 = arith.constant 48 : index
    %get3A_545 = tpu.vector_load %arg23[%get3A_543, %get3A_544] {strides = array<i32>} : memref<4x128xi32, #tpu.memory_space<vmem>>, vector<16xi32>,
    %add3A_546 = arith.addi %mul3A_541, %get3A_545 : vector<16xi32>
    %swap3A_547 = arith.constant 2 : i32
    %swap3A_548 = arith.index_cast %swap3A_547 : i32 to index
    %swap3A_549 = arith.constant 48 : index
    %swap3A_550 = tpu.vector_load %arg24[%swap3A_548, %swap3A_549] {strides = array<i32>} : memref<4x128xi32, #tpu.memory_space<vmem>>, vector<16xi32>,
    tpu.vector_store %arg24[%swap3A_548, %swap3A_549], %add3A_546 {strides = array<i32>} : memref<4x128xi32, #tpu.memory_space<vmem>>, vector<16xi32>,
    %get3A_551 = arith.constant 2 : i32
    %get3A_552 = arith.index_cast %get3A_551 : i32 to index
    %get3A_553 = arith.constant 64 : index
    %get3A_554 = tpu.vector_load %arg22[%get3A_552, %get3A_553] {strides = array<i32>} : memref<4x128xi32, #tpu.memory_space<vmem>>, vector<16xi32>,
    %mul3A_555 = arith.constant 32 : i32
    %mul3A_556 = vector.broadcast %mul3A_555 : i32 to vector<16xi32>
    %mul3A_557 = arith.muli %get3A_554, %mul3A_556 : vector<16xi32>
    %get3A_558 = arith.constant 2 : i32
    %get3A_559 = arith.index_cast %get3A_558 : i32 to index
    %get3A_560 = arith.constant 64 : index
    %get3A_561 = tpu.vector_load %arg23[%get3A_559, %get3A_560] {strides = array<i32>} : memref<4x128xi32, #tpu.memory_space<vmem>>, vector<16xi32>,
    %add3A_562 = arith.addi %mul3A_557, %get3A_561 : vector<16xi32>
    %swap3A_563 = arith.constant 2 : i32
    %swap3A_564 = arith.index_cast %swap3A_563 : i32 to index
    %swap3A_565 = arith.constant 64 : index
    %swap3A_566 = tpu.vector_load %arg24[%swap3A_564, %swap3A_565] {strides = array<i32>} : memref<4x128xi32, #tpu.memory_space<vmem>>, vector<16xi32>,
    tpu.vector_store %arg24[%swap3A_564, %swap3A_565], %add3A_562 {strides = array<i32>} : memref<4x128xi32, #tpu.memory_space<vmem>>, vector<16xi32>,
    %get3A_567 = arith.constant 2 : i32
    %get3A_568 = arith.index_cast %get3A_567 : i32 to index
    %get3A_569 = arith.constant 80 : index
    %get3A_570 = tpu.vector_load %arg22[%get3A_568, %get3A_569] {strides = array<i32>} : memref<4x128xi32, #tpu.memory_space<vmem>>, vector<16xi32>,
    %mul3A_571 = arith.constant 32 : i32
    %mul3A_572 = vector.broadcast %mul3A_571 : i32 to vector<16xi32>
    %mul3A_573 = arith.muli %get3A_570, %mul3A_572 : vector<16xi32>
    %get3A_574 = arith.constant 2 : i32
    %get3A_575 = arith.index_cast %get3A_574 : i32 to index
    %get3A_576 = arith.constant 80 : index
    %get3A_577 = tpu.vector_load %arg23[%get3A_575, %get3A_576] {strides = array<i32>} : memref<4x128xi32, #tpu.memory_space<vmem>>, vector<16xi32>,
    %add3A_578 = arith.addi %mul3A_573, %get3A_577 : vector<16xi32>
    %swap3A_579 = arith.constant 2 : i32
    %swap3A_580 = arith.index_cast %swap3A_579 : i32 to index
    %swap3A_581 = arith.constant 80 : index
    %swap3A_582 = tpu.vector_load %arg24[%swap3A_580, %swap3A_581] {strides = array<i32>} : memref<4x128xi32, #tpu.memory_space<vmem>>, vector<16xi32>,
    tpu.vector_store %arg24[%swap3A_580, %swap3A_581], %add3A_578 {strides = array<i32>} : memref<4x128xi32, #tpu.memory_space<vmem>>, vector<16xi32>,
    %get3A_583 = arith.constant 2 : i32
    %get3A_584 = arith.index_cast %get3A_583 : i32 to index
    %get3A_585 = arith.constant 96 : index
    %get3A_586 = tpu.vector_load %arg22[%get3A_584, %get3A_585] {strides = array<i32>} : memref<4x128xi32, #tpu.memory_space<vmem>>, vector<16xi32>,
    %mul3A_587 = arith.constant 32 : i32
    %mul3A_588 = vector.broadcast %mul3A_587 : i32 to vector<16xi32>
    %mul3A_589 = arith.muli %get3A_586, %mul3A_588 : vector<16xi32>
    %get3A_590 = arith.constant 2 : i32
    %get3A_591 = arith.index_cast %get3A_590 : i32 to index
    %get3A_592 = arith.constant 96 : index
    %get3A_593 = tpu.vector_load %arg23[%get3A_591, %get3A_592] {strides = array<i32>} : memref<4x128xi32, #tpu.memory_space<vmem>>, vector<16xi32>,
    %add3A_594 = arith.addi %mul3A_589, %get3A_593 : vector<16xi32>
    %swap3A_595 = arith.constant 2 : i32
    %swap3A_596 = arith.index_cast %swap3A_595 : i32 to index
    %swap3A_597 = arith.constant 96 : index
    %swap3A_598 = tpu.vector_load %arg24[%swap3A_596, %swap3A_597] {strides = array<i32>} : memref<4x128xi32, #tpu.memory_space<vmem>>, vector<16xi32>,
    tpu.vector_store %arg24[%swap3A_596, %swap3A_597], %add3A_594 {strides = array<i32>} : memref<4x128xi32, #tpu.memory_space<vmem>>, vector<16xi32>,
    %get3A_599 = arith.constant 2 : i32
    %get3A_600 = arith.index_cast %get3A_599 : i32 to index
    %get3A_601 = arith.constant 112 : index
    %get3A_602 = tpu.vector_load %arg22[%get3A_600, %get3A_601] {strides = array<i32>} : memref<4x128xi32, #tpu.memory_space<vmem>>, vector<16xi32>,
    %mul3A_603 = arith.constant 32 : i32
    %mul3A_604 = vector.broadcast %mul3A_603 : i32 to vector<16xi32>
    %mul3A_605 = arith.muli %get3A_602, %mul3A_604 : vector<16xi32>
    %get3A_606 = arith.constant 2 : i32
    %get3A_607 = arith.index_cast %get3A_606 : i32 to index
    %get3A_608 = arith.constant 112 : index
    %get3A_609 = tpu.vector_load %arg23[%get3A_607, %get3A_608] {strides = array<i32>} : memref<4x128xi32, #tpu.memory_space<vmem>>, vector<16xi32>,
    %add3A_610 = arith.addi %mul3A_605, %get3A_609 : vector<16xi32>
    %swap3A_611 = arith.constant 2 : i32
    %swap3A_612 = arith.index_cast %swap3A_611 : i32 to index
    %swap3A_613 = arith.constant 112 : index
    %swap3A_614 = tpu.vector_load %arg24[%swap3A_612, %swap3A_613] {strides = array<i32>} : memref<4x128xi32, #tpu.memory_space<vmem>>, vector<16xi32>,
    tpu.vector_store %arg24[%swap3A_612, %swap3A_613], %add3A_610 {strides = array<i32>} : memref<4x128xi32, #tpu.memory_space<vmem>>, vector<16xi32>,
    %get3A_615 = arith.constant 3 : i32
    %get3A_616 = arith.index_cast %get3A_615 : i32 to index
    %get3A_617 = arith.constant 0 : index
    %get3A_618 = tpu.vector_load %arg22[%get3A_616, %get3A_617] {strides = array<i32>} : memref<4x128xi32, #tpu.memory_space<vmem>>, vector<16xi32>,
    %mul3A_619 = arith.constant 32 : i32
    %mul3A_620 = vector.broadcast %mul3A_619 : i32 to vector<16xi32>
    %mul3A_621 = arith.muli %get3A_618, %mul3A_620 : vector<16xi32>
    %get3A_622 = arith.constant 3 : i32
    %get3A_623 = arith.index_cast %get3A_622 : i32 to index
    %get3A_624 = arith.constant 0 : index
    %get3A_625 = tpu.vector_load %arg23[%get3A_623, %get3A_624] {strides = array<i32>} : memref<4x128xi32, #tpu.memory_space<vmem>>, vector<16xi32>,
    %add3A_626 = arith.addi %mul3A_621, %get3A_625 : vector<16xi32>
    %swap3A_627 = arith.constant 3 : i32
    %swap3A_628 = arith.index_cast %swap3A_627 : i32 to index
    %swap3A_629 = arith.constant 0 : index
    %swap3A_630 = tpu.vector_load %arg24[%swap3A_628, %swap3A_629] {strides = array<i32>} : memref<4x128xi32, #tpu.memory_space<vmem>>, vector<16xi32>,
    tpu.vector_store %arg24[%swap3A_628, %swap3A_629], %add3A_626 {strides = array<i32>} : memref<4x128xi32, #tpu.memory_space<vmem>>, vector<16xi32>,
    %get3A_631 = arith.constant 3 : i32
    %get3A_632 = arith.index_cast %get3A_631 : i32 to index
    %get3A_633 = arith.constant 16 : index
    %get3A_634 = tpu.vector_load %arg22[%get3A_632, %get3A_633] {strides = array<i32>} : memref<4x128xi32, #tpu.memory_space<vmem>>, vector<16xi32>,
    %mul3A_635 = arith.constant 32 : i32
    %mul3A_636 = vector.broadcast %mul3A_635 : i32 to vector<16xi32>
    %mul3A_637 = arith.muli %get3A_634, %mul3A_636 : vector<16xi32>
    %get3A_638 = arith.constant 3 : i32
    %get3A_639 = arith.index_cast %get3A_638 : i32 to index
    %get3A_640 = arith.constant 16 : index
    %get3A_641 = tpu.vector_load %arg23[%get3A_639, %get3A_640] {strides = array<i32>} : memref<4x128xi32, #tpu.memory_space<vmem>>, vector<16xi32>,
    %add3A_642 = arith.addi %mul3A_637, %get3A_641 : vector<16xi32>
    %swap3A_643 = arith.constant 3 : i32
    %swap3A_644 = arith.index_cast %swap3A_643 : i32 to index
    %swap3A_645 = arith.constant 16 : index
    %swap3A_646 = tpu.vector_load %arg24[%swap3A_644, %swap3A_645] {strides = array<i32>} : memref<4x128xi32, #tpu.memory_space<vmem>>, vector<16xi32>,
    tpu.vector_store %arg24[%swap3A_644, %swap3A_645], %add3A_642 {strides = array<i32>} : memref<4x128xi32, #tpu.memory_space<vmem>>, vector<16xi32>,
    %get3A_647 = arith.constant 3 : i32
    %get3A_648 = arith.index_cast %get3A_647 : i32 to index
    %get3A_649 = arith.constant 32 : index
    %get3A_650 = tpu.vector_load %arg22[%get3A_648, %get3A_649] {strides = array<i32>} : memref<4x128xi32, #tpu.memory_space<vmem>>, vector<16xi32>,
    %mul3A_651 = arith.constant 32 : i32
    %mul3A_652 = vector.broadcast %mul3A_651 : i32 to vector<16xi32>
    %mul3A_653 = arith.muli %get3A_650, %mul3A_652 : vector<16xi32>
    %get3A_654 = arith.constant 3 : i32
    %get3A_655 = arith.index_cast %get3A_654 : i32 to index
    %get3A_656 = arith.constant 32 : index
    %get3A_657 = tpu.vector_load %arg23[%get3A_655, %get3A_656] {strides = array<i32>} : memref<4x128xi32, #tpu.memory_space<vmem>>, vector<16xi32>,
    %add3A_658 = arith.addi %mul3A_653, %get3A_657 : vector<16xi32>
    %swap3A_659 = arith.constant 3 : i32
    %swap3A_660 = arith.index_cast %swap3A_659 : i32 to index
    %swap3A_661 = arith.constant 32 : index
    %swap3A_662 = tpu.vector_load %arg24[%swap3A_660, %swap3A_661] {strides = array<i32>} : memref<4x128xi32, #tpu.memory_space<vmem>>, vector<16xi32>,
    tpu.vector_store %arg24[%swap3A_660, %swap3A_661], %add3A_658 {strides = array<i32>} : memref<4x128xi32, #tpu.memory_space<vmem>>, vector<16xi32>,
    %get3A_663 = arith.constant 3 : i32
    %get3A_664 = arith.index_cast %get3A_663 : i32 to index
    %get3A_665 = arith.constant 48 : index
    %get3A_666 = tpu.vector_load %arg22[%get3A_664, %get3A_665] {strides = array<i32>} : memref<4x128xi32, #tpu.memory_space<vmem>>, vector<16xi32>,
    %mul3A_667 = arith.constant 32 : i32
    %mul3A_668 = vector.broadcast %mul3A_667 : i32 to vector<16xi32>
    %mul3A_669 = arith.muli %get3A_666, %mul3A_668 : vector<16xi32>
    %get3A_670 = arith.constant 3 : i32
    %get3A_671 = arith.index_cast %get3A_670 : i32 to index
    %get3A_672 = arith.constant 48 : index
    %get3A_673 = tpu.vector_load %arg23[%get3A_671, %get3A_672] {strides = array<i32>} : memref<4x128xi32, #tpu.memory_space<vmem>>, vector<16xi32>,
    %add3A_674 = arith.addi %mul3A_669, %get3A_673 : vector<16xi32>
    %swap3A_675 = arith.constant 3 : i32
    %swap3A_676 = arith.index_cast %swap3A_675 : i32 to index
    %swap3A_677 = arith.constant 48 : index
    %swap3A_678 = tpu.vector_load %arg24[%swap3A_676, %swap3A_677] {strides = array<i32>} : memref<4x128xi32, #tpu.memory_space<vmem>>, vector<16xi32>,
    tpu.vector_store %arg24[%swap3A_676, %swap3A_677], %add3A_674 {strides = array<i32>} : memref<4x128xi32, #tpu.memory_space<vmem>>, vector<16xi32>,
    %get3A_679 = arith.constant 3 : i32
    %get3A_680 = arith.index_cast %get3A_679 : i32 to index
    %get3A_681 = arith.constant 64 : index
    %get3A_682 = tpu.vector_load %arg22[%get3A_680, %get3A_681] {strides = array<i32>} : memref<4x128xi32, #tpu.memory_space<vmem>>, vector<16xi32>,
    %mul3A_683 = arith.constant 32 : i32
    %mul3A_684 = vector.broadcast %mul3A_683 : i32 to vector<16xi32>
    %mul3A_685 = arith.muli %get3A_682, %mul3A_684 : vector<16xi32>
    %get3A_686 = arith.constant 3 : i32
    %get3A_687 = arith.index_cast %get3A_686 : i32 to index
    %get3A_688 = arith.constant 64 : index
    %get3A_689 = tpu.vector_load %arg23[%get3A_687, %get3A_688] {strides = array<i32>} : memref<4x128xi32, #tpu.memory_space<vmem>>, vector<16xi32>,
    %add3A_690 = arith.addi %mul3A_685, %get3A_689 : vector<16xi32>
    %swap3A_691 = arith.constant 3 : i32
    %swap3A_692 = arith.index_cast %swap3A_691 : i32 to index
    %swap3A_693 = arith.constant 64 : index
    %swap3A_694 = tpu.vector_load %arg24[%swap3A_692, %swap3A_693] {strides = array<i32>} : memref<4x128xi32, #tpu.memory_space<vmem>>, vector<16xi32>,
    tpu.vector_store %arg24[%swap3A_692, %swap3A_693], %add3A_690 {strides = array<i32>} : memref<4x128xi32, #tpu.memory_space<vmem>>, vector<16xi32>,
    %get3A_695 = arith.constant 3 : i32
    %get3A_696 = arith.index_cast %get3A_695 : i32 to index
    %get3A_697 = arith.constant 80 : index
    %get3A_698 = tpu.vector_load %arg22[%get3A_696, %get3A_697] {strides = array<i32>} : memref<4x128xi32, #tpu.memory_space<vmem>>, vector<16xi32>,
    %mul3A_699 = arith.constant 32 : i32
    %mul3A_700 = vector.broadcast %mul3A_699 : i32 to vector<16xi32>
    %mul3A_701 = arith.muli %get3A_698, %mul3A_700 : vector<16xi32>
    %get3A_702 = arith.constant 3 : i32
    %get3A_703 = arith.index_cast %get3A_702 : i32 to index
    %get3A_704 = arith.constant 80 : index
    %get3A_705 = tpu.vector_load %arg23[%get3A_703, %get3A_704] {strides = array<i32>} : memref<4x128xi32, #tpu.memory_space<vmem>>, vector<16xi32>,
    %add3A_706 = arith.addi %mul3A_701, %get3A_705 : vector<16xi32>
    %swap3A_707 = arith.constant 3 : i32
    %swap3A_708 = arith.index_cast %swap3A_707 : i32 to index
    %swap3A_709 = arith.constant 80 : index
    %swap3A_710 = tpu.vector_load %arg24[%swap3A_708, %swap3A_709] {strides = array<i32>} : memref<4x128xi32, #tpu.memory_space<vmem>>, vector<16xi32>,
    tpu.vector_store %arg24[%swap3A_708, %swap3A_709], %add3A_706 {strides = array<i32>} : memref<4x128xi32, #tpu.memory_space<vmem>>, vector<16xi32>,
    %get3A_711 = arith.constant 3 : i32
    %get3A_712 = arith.index_cast %get3A_711 : i32 to index
    %get3A_713 = arith.constant 96 : index
    %get3A_714 = tpu.vector_load %arg22[%get3A_712, %get3A_713] {strides = array<i32>} : memref<4x128xi32, #tpu.memory_space<vmem>>, vector<16xi32>,
    %mul3A_715 = arith.constant 32 : i32
    %mul3A_716 = vector.broadcast %mul3A_715 : i32 to vector<16xi32>
    %mul3A_717 = arith.muli %get3A_714, %mul3A_716 : vector<16xi32>
    %get3A_718 = arith.constant 3 : i32
    %get3A_719 = arith.index_cast %get3A_718 : i32 to index
    %get3A_720 = arith.constant 96 : index
    %get3A_721 = tpu.vector_load %arg23[%get3A_719, %get3A_720] {strides = array<i32>} : memref<4x128xi32, #tpu.memory_space<vmem>>, vector<16xi32>,
    %add3A_722 = arith.addi %mul3A_717, %get3A_721 : vector<16xi32>
    %swap3A_723 = arith.constant 3 : i32
    %swap3A_724 = arith.index_cast %swap3A_723 : i32 to index
    %swap3A_725 = arith.constant 96 : index
    %swap3A_726 = tpu.vector_load %arg24[%swap3A_724, %swap3A_725] {strides = array<i32>} : memref<4x128xi32, #tpu.memory_space<vmem>>, vector<16xi32>,
    tpu.vector_store %arg24[%swap3A_724, %swap3A_725], %add3A_722 {strides = array<i32>} : memref<4x128xi32, #tpu.memory_space<vmem>>, vector<16xi32>,
    %get3A_727 = arith.constant 3 : i32
    %get3A_728 = arith.index_cast %get3A_727 : i32 to index
    %get3A_729 = arith.constant 112 : index
    %get3A_730 = tpu.vector_load %arg22[%get3A_728, %get3A_729] {strides = array<i32>} : memref<4x128xi32, #tpu.memory_space<vmem>>, vector<16xi32>,
    %mul3A_731 = arith.constant 32 : i32
    %mul3A_732 = vector.broadcast %mul3A_731 : i32 to vector<16xi32>
    %mul3A_733 = arith.muli %get3A_730, %mul3A_732 : vector<16xi32>
    %get3A_734 = arith.constant 3 : i32
    %get3A_735 = arith.index_cast %get3A_734 : i32 to index
    %get3A_736 = arith.constant 112 : index
    %get3A_737 = tpu.vector_load %arg23[%get3A_735, %get3A_736] {strides = array<i32>} : memref<4x128xi32, #tpu.memory_space<vmem>>, vector<16xi32>,
    %add3A_738 = arith.addi %mul3A_733, %get3A_737 : vector<16xi32>
    %swap3A_739 = arith.constant 3 : i32
    %swap3A_740 = arith.index_cast %swap3A_739 : i32 to index
    %swap3A_741 = arith.constant 112 : index
    %swap3A_742 = tpu.vector_load %arg24[%swap3A_740, %swap3A_741] {strides = array<i32>} : memref<4x128xi32, #tpu.memory_space<vmem>>, vector<16xi32>,
    tpu.vector_store %arg24[%swap3A_740, %swap3A_741], %add3A_738 {strides = array<i32>} : memref<4x128xi32, #tpu.memory_space<vmem>>, vector<16xi32>,
    %dma_start3A_743 = arith.constant 0 : i32
    %dma_start3A_744 = arith.constant 0 : i32
    %dma_start3A_745 = tpu.memref_slice %arg31[%dma_start3A_744] : memref<512xf32, #tpu.memory_space<vmem>> -> memref<128xf32, #tpu.memory_space<vmem>>
    %dma_start3A_746 = arith.constant 0 : i32
    %dma_start3A_747 = tpu.memref_slice %arg21[%dma_start3A_743, %dma_start3A_746] : memref<4x128xi32, #tpu.memory_space<vmem>> -> memref<1x128xi32, #tpu.memory_space<vmem>>
    %dma_start3A_748 = tpu.memref_squeeze %dma_start3A_747 : memref<1x128xi32, #tpu.memory_space<vmem>> -> memref<128xi32, #tpu.memory_space<vmem>>
    %dma_start3A_749 = arith.constant 0 : i32
    %dma_start3A_750 = tpu.memref_slice %arg11[%dma_start3A_749] : memref<1000000xf32, #tpu.memory_space<hbm>> -> memref<1000000xf32, #tpu.memory_space<hbm>>
    tpu.enqueue_indirect_dma source(%dma_start3A_750 : memref<1000000xf32, #tpu.memory_space<hbm>>) target(%dma_start3A_745 : memref<128xf32, #tpu.memory_space<vmem>>) offsets(%dma_start3A_748 : memref<128xi32, #tpu.memory_space<vmem>>) semaphore(%arg41 : memref<!tpu.dma_semaphore, #tpu.memory_space<semaphore_mem>>)
    %dma_start3A_751 = arith.constant 0 : i32
    %dma_start3A_752 = arith.constant 0 : i32
    %dma_start3A_753 = tpu.memref_slice %arg32[%dma_start3A_752] : memref<512xf32, #tpu.memory_space<vmem>> -> memref<128xf32, #tpu.memory_space<vmem>>
    %dma_start3A_754 = arith.constant 0 : i32
    %dma_start3A_755 = tpu.memref_slice %arg21[%dma_start3A_751, %dma_start3A_754] : memref<4x128xi32, #tpu.memory_space<vmem>> -> memref<1x128xi32, #tpu.memory_space<vmem>>
    %dma_start3A_756 = tpu.memref_squeeze %dma_start3A_755 : memref<1x128xi32, #tpu.memory_space<vmem>> -> memref<128xi32, #tpu.memory_space<vmem>>
    %dma_start3A_757 = arith.constant 0 : i32
    %dma_start3A_758 = tpu.memref_slice %arg7[%dma_start3A_757] : memref<1000000xf32, #tpu.memory_space<hbm>> -> memref<1000000xf32, #tpu.memory_space<hbm>>
    tpu.enqueue_indirect_dma source(%dma_start3A_758 : memref<1000000xf32, #tpu.memory_space<hbm>>) target(%dma_start3A_753 : memref<128xf32, #tpu.memory_space<vmem>>) offsets(%dma_start3A_756 : memref<128xi32, #tpu.memory_space<vmem>>) semaphore(%arg41 : memref<!tpu.dma_semaphore, #tpu.memory_space<semaphore_mem>>)
    %dma_start3A_759 = arith.constant 0 : i32
    %dma_start3A_760 = arith.constant 0 : i32
    %dma_start3A_761 = tpu.memref_slice %arg33[%dma_start3A_760] : memref<512xf32, #tpu.memory_space<vmem>> -> memref<128xf32, #tpu.memory_space<vmem>>
    %dma_start3A_762 = arith.constant 0 : i32
    %dma_start3A_763 = tpu.memref_slice %arg21[%dma_start3A_759, %dma_start3A_762] : memref<4x128xi32, #tpu.memory_space<vmem>> -> memref<1x128xi32, #tpu.memory_space<vmem>>
    %dma_start3A_764 = tpu.memref_squeeze %dma_start3A_763 : memref<1x128xi32, #tpu.memory_space<vmem>> -> memref<128xi32, #tpu.memory_space<vmem>>
    %dma_start3A_765 = arith.constant 0 : i32
    %dma_start3A_766 = tpu.memref_slice %arg14[%dma_start3A_765] : memref<1000000xf32, #tpu.memory_space<hbm>> -> memref<1000000xf32, #tpu.memory_space<hbm>>
    tpu.enqueue_indirect_dma source(%dma_start3A_766 : memref<1000000xf32, #tpu.memory_space<hbm>>) target(%dma_start3A_761 : memref<128xf32, #tpu.memory_space<vmem>>) offsets(%dma_start3A_764 : memref<128xi32, #tpu.memory_space<vmem>>) semaphore(%arg41 : memref<!tpu.dma_semaphore, #tpu.memory_space<semaphore_mem>>)
    %dma_start3A_767 = arith.constant 0 : i32
    %dma_start3A_768 = arith.constant 0 : i32
    %dma_start3A_769 = tpu.memref_slice %arg34[%dma_start3A_768] : memref<512xf32, #tpu.memory_space<vmem>> -> memref<128xf32, #tpu.memory_space<vmem>>
    %dma_start3A_770 = arith.constant 0 : i32
    %dma_start3A_771 = tpu.memref_slice %arg21[%dma_start3A_767, %dma_start3A_770] : memref<4x128xi32, #tpu.memory_space<vmem>> -> memref<1x128xi32, #tpu.memory_space<vmem>>
    %dma_start3A_772 = tpu.memref_squeeze %dma_start3A_771 : memref<1x128xi32, #tpu.memory_space<vmem>> -> memref<128xi32, #tpu.memory_space<vmem>>
    %dma_start3A_773 = arith.constant 0 : i32
    %dma_start3A_774 = tpu.memref_slice %arg18[%dma_start3A_773] : memref<1000000xf32, #tpu.memory_space<hbm>> -> memref<1000000xf32, #tpu.memory_space<hbm>>
    tpu.enqueue_indirect_dma source(%dma_start3A_774 : memref<1000000xf32, #tpu.memory_space<hbm>>) target(%dma_start3A_769 : memref<128xf32, #tpu.memory_space<vmem>>) offsets(%dma_start3A_772 : memref<128xi32, #tpu.memory_space<vmem>>) semaphore(%arg41 : memref<!tpu.dma_semaphore, #tpu.memory_space<semaphore_mem>>)
    %dma_start3A_775 = arith.constant 0 : i32
    %dma_start3A_776 = arith.constant 0 : i32
    %dma_start3A_777 = tpu.memref_slice %arg35[%dma_start3A_776] : memref<512xf32, #tpu.memory_space<vmem>> -> memref<128xf32, #tpu.memory_space<vmem>>
    %dma_start3A_778 = arith.constant 0 : i32
    %dma_start3A_779 = tpu.memref_slice %arg22[%dma_start3A_775, %dma_start3A_778] : memref<4x128xi32, #tpu.memory_space<vmem>> -> memref<1x128xi32, #tpu.memory_space<vmem>>
    %dma_start3A_780 = tpu.memref_squeeze %dma_start3A_779 : memref<1x128xi32, #tpu.memory_space<vmem>> -> memref<128xi32, #tpu.memory_space<vmem>>
    %dma_start3A_781 = arith.constant 0 : i32
    %dma_start3A_782 = tpu.memref_slice %arg12[%dma_start3A_781] : memref<100000xf32, #tpu.memory_space<hbm>> -> memref<100000xf32, #tpu.memory_space<hbm>>
    tpu.enqueue_indirect_dma source(%dma_start3A_782 : memref<100000xf32, #tpu.memory_space<hbm>>) target(%dma_start3A_777 : memref<128xf32, #tpu.memory_space<vmem>>) offsets(%dma_start3A_780 : memref<128xi32, #tpu.memory_space<vmem>>) semaphore(%arg41 : memref<!tpu.dma_semaphore, #tpu.memory_space<semaphore_mem>>)
    %dma_start3A_783 = arith.constant 0 : i32
    %dma_start3A_784 = arith.constant 0 : i32
    %dma_start3A_785 = tpu.memref_slice %arg36[%dma_start3A_784] : memref<512xf32, #tpu.memory_space<vmem>> -> memref<128xf32, #tpu.memory_space<vmem>>
    %dma_start3A_786 = arith.constant 0 : i32
    %dma_start3A_787 = tpu.memref_slice %arg24[%dma_start3A_783, %dma_start3A_786] : memref<4x128xi32, #tpu.memory_space<vmem>> -> memref<1x128xi32, #tpu.memory_space<vmem>>
    %dma_start3A_788 = tpu.memref_squeeze %dma_start3A_787 : memref<1x128xi32, #tpu.memory_space<vmem>> -> memref<128xi32, #tpu.memory_space<vmem>>
    %dma_start3A_789 = arith.constant 0 : i32
    %dma_start3A_790 = tpu.memref_slice %arg13[%dma_start3A_789] : memref<3200000xf32, #tpu.memory_space<hbm>> -> memref<3200000xf32, #tpu.memory_space<hbm>>
    tpu.enqueue_indirect_dma source(%dma_start3A_790 : memref<3200000xf32, #tpu.memory_space<hbm>>) target(%dma_start3A_785 : memref<128xf32, #tpu.memory_space<vmem>>) offsets(%dma_start3A_788 : memref<128xi32, #tpu.memory_space<vmem>>) semaphore(%arg41 : memref<!tpu.dma_semaphore, #tpu.memory_space<semaphore_mem>>)
    %dma_start3A_791 = arith.constant 0 : i32
    %dma_start3A_792 = arith.constant 0 : i32
    %dma_start3A_793 = arith.constant 0 : i32
    %dma_start3A_794 = tpu.memref_slice %arg37[%dma_start3A_792, %dma_start3A_793] : memref<512x128xf32, #tpu.memory_space<vmem>> -> memref<128x128xf32, #tpu.memory_space<vmem>>
    %dma_start3A_795 = arith.constant 0 : i32
    %dma_start3A_796 = tpu.memref_slice %arg21[%dma_start3A_791, %dma_start3A_795] : memref<4x128xi32, #tpu.memory_space<vmem>> -> memref<1x128xi32, #tpu.memory_space<vmem>>
    %dma_start3A_797 = tpu.memref_squeeze %dma_start3A_796 : memref<1x128xi32, #tpu.memory_space<vmem>> -> memref<128xi32, #tpu.memory_space<vmem>>
    %dma_start3A_798 = arith.constant 0 : i32
    %dma_start3A_799 = arith.constant 0 : i32
    %dma_start3A_800 = tpu.memref_slice %arg10[%dma_start3A_798, %dma_start3A_799] : memref<1000000x128xf32, #tpu.memory_space<hbm>> -> memref<1000000x128xf32, #tpu.memory_space<hbm>>
    tpu.enqueue_indirect_dma source(%dma_start3A_800 : memref<1000000x128xf32, #tpu.memory_space<hbm>>) target(%dma_start3A_794 : memref<128x128xf32, #tpu.memory_space<vmem>>) offsets(%dma_start3A_797 : memref<128xi32, #tpu.memory_space<vmem>>) semaphore(%arg41 : memref<!tpu.dma_semaphore, #tpu.memory_space<semaphore_mem>>)
    %dma_start3A_801 = arith.constant 0 : i32
    %dma_start3A_802 = arith.constant 0 : i32
    %dma_start3A_803 = arith.constant 0 : i32
    %dma_start3A_804 = tpu.memref_slice %arg38[%dma_start3A_802, %dma_start3A_803] : memref<512x32xf32, #tpu.memory_space<vmem>> -> memref<128x32xf32, #tpu.memory_space<vmem>>
    %dma_start3A_805 = arith.constant 0 : i32
    %dma_start3A_806 = tpu.memref_slice %arg21[%dma_start3A_801, %dma_start3A_805] : memref<4x128xi32, #tpu.memory_space<vmem>> -> memref<1x128xi32, #tpu.memory_space<vmem>>
    %dma_start3A_807 = tpu.memref_squeeze %dma_start3A_806 : memref<1x128xi32, #tpu.memory_space<vmem>> -> memref<128xi32, #tpu.memory_space<vmem>>
    %dma_start3A_808 = arith.constant 0 : i32
    %dma_start3A_809 = arith.constant 0 : i32
    %dma_start3A_810 = tpu.memref_slice %arg15[%dma_start3A_808, %dma_start3A_809] : memref<1000000x32xf32, #tpu.memory_space<hbm>> -> memref<1000000x32xf32, #tpu.memory_space<hbm>>
    tpu.enqueue_indirect_dma source(%dma_start3A_810 : memref<1000000x32xf32, #tpu.memory_space<hbm>>) target(%dma_start3A_804 : memref<128x32xf32, #tpu.memory_space<vmem>>) offsets(%dma_start3A_807 : memref<128xi32, #tpu.memory_space<vmem>>) semaphore(%arg41 : memref<!tpu.dma_semaphore, #tpu.memory_space<semaphore_mem>>)
    %dma_start3A_811 = arith.constant 0 : i32
    %dma_start3A_812 = arith.constant 0 : i32
    %dma_start3A_813 = arith.constant 0 : i32
    %dma_start3A_814 = tpu.memref_slice %arg39[%dma_start3A_812, %dma_start3A_813] : memref<512x32xf32, #tpu.memory_space<vmem>> -> memref<128x32xf32, #tpu.memory_space<vmem>>
    %dma_start3A_815 = arith.constant 0 : i32
    %dma_start3A_816 = tpu.memref_slice %arg22[%dma_start3A_811, %dma_start3A_815] : memref<4x128xi32, #tpu.memory_space<vmem>> -> memref<1x128xi32, #tpu.memory_space<vmem>>
    %dma_start3A_817 = tpu.memref_squeeze %dma_start3A_816 : memref<1x128xi32, #tpu.memory_space<vmem>> -> memref<128xi32, #tpu.memory_space<vmem>>
    %dma_start3A_818 = arith.constant 0 : i32
    %dma_start3A_819 = arith.constant 0 : i32
    %dma_start3A_820 = tpu.memref_slice %arg9[%dma_start3A_818, %dma_start3A_819] : memref<100000x32xf32, #tpu.memory_space<hbm>> -> memref<100000x32xf32, #tpu.memory_space<hbm>>
    tpu.enqueue_indirect_dma source(%dma_start3A_820 : memref<100000x32xf32, #tpu.memory_space<hbm>>) target(%dma_start3A_814 : memref<128x32xf32, #tpu.memory_space<vmem>>) offsets(%dma_start3A_817 : memref<128xi32, #tpu.memory_space<vmem>>) semaphore(%arg41 : memref<!tpu.dma_semaphore, #tpu.memory_space<semaphore_mem>>)
    %dma_start3A_821 = arith.constant 1 : i32
    %dma_start3A_822 = arith.constant 128 : i32
    %dma_start3A_823 = tpu.memref_slice %arg31[%dma_start3A_822] : memref<512xf32, #tpu.memory_space<vmem>> -> memref<128xf32, #tpu.memory_space<vmem>>
    %dma_start3A_824 = arith.constant 0 : i32
    %dma_start3A_825 = tpu.memref_slice %arg21[%dma_start3A_821, %dma_start3A_824] : memref<4x128xi32, #tpu.memory_space<vmem>> -> memref<1x128xi32, #tpu.memory_space<vmem>>
    %dma_start3A_826 = tpu.memref_squeeze %dma_start3A_825 : memref<1x128xi32, #tpu.memory_space<vmem>> -> memref<128xi32, #tpu.memory_space<vmem>>
    %dma_start3A_827 = arith.constant 0 : i32
    %dma_start3A_828 = tpu.memref_slice %arg11[%dma_start3A_827] : memref<1000000xf32, #tpu.memory_space<hbm>> -> memref<1000000xf32, #tpu.memory_space<hbm>>
    tpu.enqueue_indirect_dma source(%dma_start3A_828 : memref<1000000xf32, #tpu.memory_space<hbm>>) target(%dma_start3A_823 : memref<128xf32, #tpu.memory_space<vmem>>) offsets(%dma_start3A_826 : memref<128xi32, #tpu.memory_space<vmem>>) semaphore(%arg41 : memref<!tpu.dma_semaphore, #tpu.memory_space<semaphore_mem>>)
    %dma_start3A_829 = arith.constant 1 : i32
    %dma_start3A_830 = arith.constant 128 : i32
    %dma_start3A_831 = tpu.memref_slice %arg32[%dma_start3A_830] : memref<512xf32, #tpu.memory_space<vmem>> -> memref<128xf32, #tpu.memory_space<vmem>>
    %dma_start3A_832 = arith.constant 0 : i32
    %dma_start3A_833 = tpu.memref_slice %arg21[%dma_start3A_829, %dma_start3A_832] : memref<4x128xi32, #tpu.memory_space<vmem>> -> memref<1x128xi32, #tpu.memory_space<vmem>>
    %dma_start3A_834 = tpu.memref_squeeze %dma_start3A_833 : memref<1x128xi32, #tpu.memory_space<vmem>> -> memref<128xi32, #tpu.memory_space<vmem>>
    %dma_start3A_835 = arith.constant 0 : i32
    %dma_start3A_836 = tpu.memref_slice %arg7[%dma_start3A_835] : memref<1000000xf32, #tpu.memory_space<hbm>> -> memref<1000000xf32, #tpu.memory_space<hbm>>
    tpu.enqueue_indirect_dma source(%dma_start3A_836 : memref<1000000xf32, #tpu.memory_space<hbm>>) target(%dma_start3A_831 : memref<128xf32, #tpu.memory_space<vmem>>) offsets(%dma_start3A_834 : memref<128xi32, #tpu.memory_space<vmem>>) semaphore(%arg41 : memref<!tpu.dma_semaphore, #tpu.memory_space<semaphore_mem>>)
    %dma_start3A_837 = arith.constant 1 : i32
    %dma_start3A_838 = arith.constant 128 : i32
    %dma_start3A_839 = tpu.memref_slice %arg33[%dma_start3A_838] : memref<512xf32, #tpu.memory_space<vmem>> -> memref<128xf32, #tpu.memory_space<vmem>>
    %dma_start3A_840 = arith.constant 0 : i32
    %dma_start3A_841 = tpu.memref_slice %arg21[%dma_start3A_837, %dma_start3A_840] : memref<4x128xi32, #tpu.memory_space<vmem>> -> memref<1x128xi32, #tpu.memory_space<vmem>>
    %dma_start3A_842 = tpu.memref_squeeze %dma_start3A_841 : memref<1x128xi32, #tpu.memory_space<vmem>> -> memref<128xi32, #tpu.memory_space<vmem>>
    %dma_start3A_843 = arith.constant 0 : i32
    %dma_start3A_844 = tpu.memref_slice %arg14[%dma_start3A_843] : memref<1000000xf32, #tpu.memory_space<hbm>> -> memref<1000000xf32, #tpu.memory_space<hbm>>
    tpu.enqueue_indirect_dma source(%dma_start3A_844 : memref<1000000xf32, #tpu.memory_space<hbm>>) target(%dma_start3A_839 : memref<128xf32, #tpu.memory_space<vmem>>) offsets(%dma_start3A_842 : memref<128xi32, #tpu.memory_space<vmem>>) semaphore(%arg41 : memref<!tpu.dma_semaphore, #tpu.memory_space<semaphore_mem>>)
    %dma_start3A_845 = arith.constant 1 : i32
    %dma_start3A_846 = arith.constant 128 : i32
    %dma_start3A_847 = tpu.memref_slice %arg34[%dma_start3A_846] : memref<512xf32, #tpu.memory_space<vmem>> -> memref<128xf32, #tpu.memory_space<vmem>>
    %dma_start3A_848 = arith.constant 0 : i32
    %dma_start3A_849 = tpu.memref_slice %arg21[%dma_start3A_845, %dma_start3A_848] : memref<4x128xi32, #tpu.memory_space<vmem>> -> memref<1x128xi32, #tpu.memory_space<vmem>>
    %dma_start3A_850 = tpu.memref_squeeze %dma_start3A_849 : memref<1x128xi32, #tpu.memory_space<vmem>> -> memref<128xi32, #tpu.memory_space<vmem>>
    %dma_start3A_851 = arith.constant 0 : i32
    %dma_start3A_852 = tpu.memref_slice %arg18[%dma_start3A_851] : memref<1000000xf32, #tpu.memory_space<hbm>> -> memref<1000000xf32, #tpu.memory_space<hbm>>
    tpu.enqueue_indirect_dma source(%dma_start3A_852 : memref<1000000xf32, #tpu.memory_space<hbm>>) target(%dma_start3A_847 : memref<128xf32, #tpu.memory_space<vmem>>) offsets(%dma_start3A_850 : memref<128xi32, #tpu.memory_space<vmem>>) semaphore(%arg41 : memref<!tpu.dma_semaphore, #tpu.memory_space<semaphore_mem>>)
    %dma_start3A_853 = arith.constant 1 : i32
    %dma_start3A_854 = arith.constant 128 : i32
    %dma_start3A_855 = tpu.memref_slice %arg35[%dma_start3A_854] : memref<512xf32, #tpu.memory_space<vmem>> -> memref<128xf32, #tpu.memory_space<vmem>>
    %dma_start3A_856 = arith.constant 0 : i32
    %dma_start3A_857 = tpu.memref_slice %arg22[%dma_start3A_853, %dma_start3A_856] : memref<4x128xi32, #tpu.memory_space<vmem>> -> memref<1x128xi32, #tpu.memory_space<vmem>>
    %dma_start3A_858 = tpu.memref_squeeze %dma_start3A_857 : memref<1x128xi32, #tpu.memory_space<vmem>> -> memref<128xi32, #tpu.memory_space<vmem>>
    %dma_start3A_859 = arith.constant 0 : i32
    %dma_start3A_860 = tpu.memref_slice %arg12[%dma_start3A_859] : memref<100000xf32, #tpu.memory_space<hbm>> -> memref<100000xf32, #tpu.memory_space<hbm>>
    tpu.enqueue_indirect_dma source(%dma_start3A_860 : memref<100000xf32, #tpu.memory_space<hbm>>) target(%dma_start3A_855 : memref<128xf32, #tpu.memory_space<vmem>>) offsets(%dma_start3A_858 : memref<128xi32, #tpu.memory_space<vmem>>) semaphore(%arg41 : memref<!tpu.dma_semaphore, #tpu.memory_space<semaphore_mem>>)
    %dma_start3A_861 = arith.constant 1 : i32
    %dma_start3A_862 = arith.constant 128 : i32
    %dma_start3A_863 = tpu.memref_slice %arg36[%dma_start3A_862] : memref<512xf32, #tpu.memory_space<vmem>> -> memref<128xf32, #tpu.memory_space<vmem>>
    %dma_start3A_864 = arith.constant 0 : i32
    %dma_start3A_865 = tpu.memref_slice %arg24[%dma_start3A_861, %dma_start3A_864] : memref<4x128xi32, #tpu.memory_space<vmem>> -> memref<1x128xi32, #tpu.memory_space<vmem>>
    %dma_start3A_866 = tpu.memref_squeeze %dma_start3A_865 : memref<1x128xi32, #tpu.memory_space<vmem>> -> memref<128xi32, #tpu.memory_space<vmem>>
    %dma_start3A_867 = arith.constant 0 : i32
    %dma_start3A_868 = tpu.memref_slice %arg13[%dma_start3A_867] : memref<3200000xf32, #tpu.memory_space<hbm>> -> memref<3200000xf32, #tpu.memory_space<hbm>>
    tpu.enqueue_indirect_dma source(%dma_start3A_868 : memref<3200000xf32, #tpu.memory_space<hbm>>) target(%dma_start3A_863 : memref<128xf32, #tpu.memory_space<vmem>>) offsets(%dma_start3A_866 : memref<128xi32, #tpu.memory_space<vmem>>) semaphore(%arg41 : memref<!tpu.dma_semaphore, #tpu.memory_space<semaphore_mem>>)
    %dma_start3A_869 = arith.constant 1 : i32
    %dma_start3A_870 = arith.constant 128 : i32
    %dma_start3A_871 = arith.constant 0 : i32
    %dma_start3A_872 = tpu.memref_slice %arg37[%dma_start3A_870, %dma_start3A_871] : memref<512x128xf32, #tpu.memory_space<vmem>> -> memref<128x128xf32, #tpu.memory_space<vmem>>
    %dma_start3A_873 = arith.constant 0 : i32
    %dma_start3A_874 = tpu.memref_slice %arg21[%dma_start3A_869, %dma_start3A_873] : memref<4x128xi32, #tpu.memory_space<vmem>> -> memref<1x128xi32, #tpu.memory_space<vmem>>
    %dma_start3A_875 = tpu.memref_squeeze %dma_start3A_874 : memref<1x128xi32, #tpu.memory_space<vmem>> -> memref<128xi32, #tpu.memory_space<vmem>>
    %dma_start3A_876 = arith.constant 0 : i32
    %dma_start3A_877 = arith.constant 0 : i32
    %dma_start3A_878 = tpu.memref_slice %arg10[%dma_start3A_876, %dma_start3A_877] : memref<1000000x128xf32, #tpu.memory_space<hbm>> -> memref<1000000x128xf32, #tpu.memory_space<hbm>>
    tpu.enqueue_indirect_dma source(%dma_start3A_878 : memref<1000000x128xf32, #tpu.memory_space<hbm>>) target(%dma_start3A_872 : memref<128x128xf32, #tpu.memory_space<vmem>>) offsets(%dma_start3A_875 : memref<128xi32, #tpu.memory_space<vmem>>) semaphore(%arg41 : memref<!tpu.dma_semaphore, #tpu.memory_space<semaphore_mem>>)
    %dma_start3A_879 = arith.constant 1 : i32
    %dma_start3A_880 = arith.constant 128 : i32
    %dma_start3A_881 = arith.constant 0 : i32
    %dma_start3A_882 = tpu.memref_slice %arg38[%dma_start3A_880, %dma_start3A_881] : memref<512x32xf32, #tpu.memory_space<vmem>> -> memref<128x32xf32, #tpu.memory_space<vmem>>
    %dma_start3A_883 = arith.constant 0 : i32
    %dma_start3A_884 = tpu.memref_slice %arg21[%dma_start3A_879, %dma_start3A_883] : memref<4x128xi32, #tpu.memory_space<vmem>> -> memref<1x128xi32, #tpu.memory_space<vmem>>
    %dma_start3A_885 = tpu.memref_squeeze %dma_start3A_884 : memref<1x128xi32, #tpu.memory_space<vmem>> -> memref<128xi32, #tpu.memory_space<vmem>>
    %dma_start3A_886 = arith.constant 0 : i32
    %dma_start3A_887 = arith.constant 0 : i32
    %dma_start3A_888 = tpu.memref_slice %arg15[%dma_start3A_886, %dma_start3A_887] : memref<1000000x32xf32, #tpu.memory_space<hbm>> -> memref<1000000x32xf32, #tpu.memory_space<hbm>>
    tpu.enqueue_indirect_dma source(%dma_start3A_888 : memref<1000000x32xf32, #tpu.memory_space<hbm>>) target(%dma_start3A_882 : memref<128x32xf32, #tpu.memory_space<vmem>>) offsets(%dma_start3A_885 : memref<128xi32, #tpu.memory_space<vmem>>) semaphore(%arg41 : memref<!tpu.dma_semaphore, #tpu.memory_space<semaphore_mem>>)
    %dma_start3A_889 = arith.constant 1 : i32
    %dma_start3A_890 = arith.constant 128 : i32
    %dma_start3A_891 = arith.constant 0 : i32
    %dma_start3A_892 = tpu.memref_slice %arg39[%dma_start3A_890, %dma_start3A_891] : memref<512x32xf32, #tpu.memory_space<vmem>> -> memref<128x32xf32, #tpu.memory_space<vmem>>
    %dma_start3A_893 = arith.constant 0 : i32
    %dma_start3A_894 = tpu.memref_slice %arg22[%dma_start3A_889, %dma_start3A_893] : memref<4x128xi32, #tpu.memory_space<vmem>> -> memref<1x128xi32, #tpu.memory_space<vmem>>
    %dma_start3A_895 = tpu.memref_squeeze %dma_start3A_894 : memref<1x128xi32, #tpu.memory_space<vmem>> -> memref<128xi32, #tpu.memory_space<vmem>>
    %dma_start3A_896 = arith.constant 0 : i32
    %dma_start3A_897 = arith.constant 0 : i32
    %dma_start3A_898 = tpu.memref_slice %arg9[%dma_start3A_896, %dma_start3A_897] : memref<100000x32xf32, #tpu.memory_space<hbm>> -> memref<100000x32xf32, #tpu.memory_space<hbm>>
    tpu.enqueue_indirect_dma source(%dma_start3A_898 : memref<100000x32xf32, #tpu.memory_space<hbm>>) target(%dma_start3A_892 : memref<128x32xf32, #tpu.memory_space<vmem>>) offsets(%dma_start3A_895 : memref<128xi32, #tpu.memory_space<vmem>>) semaphore(%arg41 : memref<!tpu.dma_semaphore, #tpu.memory_space<semaphore_mem>>)
    %dma_start3A_899 = arith.constant 2 : i32
    %dma_start3A_900 = arith.constant 256 : i32
    %dma_start3A_901 = tpu.memref_slice %arg31[%dma_start3A_900] : memref<512xf32, #tpu.memory_space<vmem>> -> memref<128xf32, #tpu.memory_space<vmem>>
    %dma_start3A_902 = arith.constant 0 : i32
    %dma_start3A_903 = tpu.memref_slice %arg21[%dma_start3A_899, %dma_start3A_902] : memref<4x128xi32, #tpu.memory_space<vmem>> -> memref<1x128xi32, #tpu.memory_space<vmem>>
    %dma_start3A_904 = tpu.memref_squeeze %dma_start3A_903 : memref<1x128xi32, #tpu.memory_space<vmem>> -> memref<128xi32, #tpu.memory_space<vmem>>
    %dma_start3A_905 = arith.constant 0 : i32
    %dma_start3A_906 = tpu.memref_slice %arg11[%dma_start3A_905] : memref<1000000xf32, #tpu.memory_space<hbm>> -> memref<1000000xf32, #tpu.memory_space<hbm>>
    tpu.enqueue_indirect_dma source(%dma_start3A_906 : memref<1000000xf32, #tpu.memory_space<hbm>>) target(%dma_start3A_901 : memref<128xf32, #tpu.memory_space<vmem>>) offsets(%dma_start3A_904 : memref<128xi32, #tpu.memory_space<vmem>>) semaphore(%arg41 : memref<!tpu.dma_semaphore, #tpu.memory_space<semaphore_mem>>)
    %dma_start3A_907 = arith.constant 2 : i32
    %dma_start3A_908 = arith.constant 256 : i32
    %dma_start3A_909 = tpu.memref_slice %arg32[%dma_start3A_908] : memref<512xf32, #tpu.memory_space<vmem>> -> memref<128xf32, #tpu.memory_space<vmem>>
    %dma_start3A_910 = arith.constant 0 : i32
    %dma_start3A_911 = tpu.memref_slice %arg21[%dma_start3A_907, %dma_start3A_910] : memref<4x128xi32, #tpu.memory_space<vmem>> -> memref<1x128xi32, #tpu.memory_space<vmem>>
    %dma_start3A_912 = tpu.memref_squeeze %dma_start3A_911 : memref<1x128xi32, #tpu.memory_space<vmem>> -> memref<128xi32, #tpu.memory_space<vmem>>
    %dma_start3A_913 = arith.constant 0 : i32
    %dma_start3A_914 = tpu.memref_slice %arg7[%dma_start3A_913] : memref<1000000xf32, #tpu.memory_space<hbm>> -> memref<1000000xf32, #tpu.memory_space<hbm>>
    tpu.enqueue_indirect_dma source(%dma_start3A_914 : memref<1000000xf32, #tpu.memory_space<hbm>>) target(%dma_start3A_909 : memref<128xf32, #tpu.memory_space<vmem>>) offsets(%dma_start3A_912 : memref<128xi32, #tpu.memory_space<vmem>>) semaphore(%arg41 : memref<!tpu.dma_semaphore, #tpu.memory_space<semaphore_mem>>)
    %dma_start3A_915 = arith.constant 2 : i32
    %dma_start3A_916 = arith.constant 256 : i32
    %dma_start3A_917 = tpu.memref_slice %arg33[%dma_start3A_916] : memref<512xf32, #tpu.memory_space<vmem>> -> memref<128xf32, #tpu.memory_space<vmem>>
    %dma_start3A_918 = arith.constant 0 : i32
    %dma_start3A_919 = tpu.memref_slice %arg21[%dma_start3A_915, %dma_start3A_918] : memref<4x128xi32, #tpu.memory_space<vmem>> -> memref<1x128xi32, #tpu.memory_space<vmem>>
    %dma_start3A_920 = tpu.memref_squeeze %dma_start3A_919 : memref<1x128xi32, #tpu.memory_space<vmem>> -> memref<128xi32, #tpu.memory_space<vmem>>
    %dma_start3A_921 = arith.constant 0 : i32
    %dma_start3A_922 = tpu.memref_slice %arg14[%dma_start3A_921] : memref<1000000xf32, #tpu.memory_space<hbm>> -> memref<1000000xf32, #tpu.memory_space<hbm>>
    tpu.enqueue_indirect_dma source(%dma_start3A_922 : memref<1000000xf32, #tpu.memory_space<hbm>>) target(%dma_start3A_917 : memref<128xf32, #tpu.memory_space<vmem>>) offsets(%dma_start3A_920 : memref<128xi32, #tpu.memory_space<vmem>>) semaphore(%arg41 : memref<!tpu.dma_semaphore, #tpu.memory_space<semaphore_mem>>)
    %dma_start3A_923 = arith.constant 2 : i32
    %dma_start3A_924 = arith.constant 256 : i32
    %dma_start3A_925 = tpu.memref_slice %arg34[%dma_start3A_924] : memref<512xf32, #tpu.memory_space<vmem>> -> memref<128xf32, #tpu.memory_space<vmem>>
    %dma_start3A_926 = arith.constant 0 : i32
    %dma_start3A_927 = tpu.memref_slice %arg21[%dma_start3A_923, %dma_start3A_926] : memref<4x128xi32, #tpu.memory_space<vmem>> -> memref<1x128xi32, #tpu.memory_space<vmem>>
    %dma_start3A_928 = tpu.memref_squeeze %dma_start3A_927 : memref<1x128xi32, #tpu.memory_space<vmem>> -> memref<128xi32, #tpu.memory_space<vmem>>
    %dma_start3A_929 = arith.constant 0 : i32
    %dma_start3A_930 = tpu.memref_slice %arg18[%dma_start3A_929] : memref<1000000xf32, #tpu.memory_space<hbm>> -> memref<1000000xf32, #tpu.memory_space<hbm>>
    tpu.enqueue_indirect_dma source(%dma_start3A_930 : memref<1000000xf32, #tpu.memory_space<hbm>>) target(%dma_start3A_925 : memref<128xf32, #tpu.memory_space<vmem>>) offsets(%dma_start3A_928 : memref<128xi32, #tpu.memory_space<vmem>>) semaphore(%arg41 : memref<!tpu.dma_semaphore, #tpu.memory_space<semaphore_mem>>)
    %dma_start3A_931 = arith.constant 2 : i32
    %dma_start3A_932 = arith.constant 256 : i32
    %dma_start3A_933 = tpu.memref_slice %arg35[%dma_start3A_932] : memref<512xf32, #tpu.memory_space<vmem>> -> memref<128xf32, #tpu.memory_space<vmem>>
    %dma_start3A_934 = arith.constant 0 : i32
    %dma_start3A_935 = tpu.memref_slice %arg22[%dma_start3A_931, %dma_start3A_934] : memref<4x128xi32, #tpu.memory_space<vmem>> -> memref<1x128xi32, #tpu.memory_space<vmem>>
    %dma_start3A_936 = tpu.memref_squeeze %dma_start3A_935 : memref<1x128xi32, #tpu.memory_space<vmem>> -> memref<128xi32, #tpu.memory_space<vmem>>
    %dma_start3A_937 = arith.constant 0 : i32
    %dma_start3A_938 = tpu.memref_slice %arg12[%dma_start3A_937] : memref<100000xf32, #tpu.memory_space<hbm>> -> memref<100000xf32, #tpu.memory_space<hbm>>
    tpu.enqueue_indirect_dma source(%dma_start3A_938 : memref<100000xf32, #tpu.memory_space<hbm>>) target(%dma_start3A_933 : memref<128xf32, #tpu.memory_space<vmem>>) offsets(%dma_start3A_936 : memref<128xi32, #tpu.memory_space<vmem>>) semaphore(%arg41 : memref<!tpu.dma_semaphore, #tpu.memory_space<semaphore_mem>>)
    %dma_start3A_939 = arith.constant 2 : i32
    %dma_start3A_940 = arith.constant 256 : i32
    %dma_start3A_941 = tpu.memref_slice %arg36[%dma_start3A_940] : memref<512xf32, #tpu.memory_space<vmem>> -> memref<128xf32, #tpu.memory_space<vmem>>
    %dma_start3A_942 = arith.constant 0 : i32
    %dma_start3A_943 = tpu.memref_slice %arg24[%dma_start3A_939, %dma_start3A_942] : memref<4x128xi32, #tpu.memory_space<vmem>> -> memref<1x128xi32, #tpu.memory_space<vmem>>
    %dma_start3A_944 = tpu.memref_squeeze %dma_start3A_943 : memref<1x128xi32, #tpu.memory_space<vmem>> -> memref<128xi32, #tpu.memory_space<vmem>>
    %dma_start3A_945 = arith.constant 0 : i32
    %dma_start3A_946 = tpu.memref_slice %arg13[%dma_start3A_945] : memref<3200000xf32, #tpu.memory_space<hbm>> -> memref<3200000xf32, #tpu.memory_space<hbm>>
    tpu.enqueue_indirect_dma source(%dma_start3A_946 : memref<3200000xf32, #tpu.memory_space<hbm>>) target(%dma_start3A_941 : memref<128xf32, #tpu.memory_space<vmem>>) offsets(%dma_start3A_944 : memref<128xi32, #tpu.memory_space<vmem>>) semaphore(%arg41 : memref<!tpu.dma_semaphore, #tpu.memory_space<semaphore_mem>>)
    %dma_start3A_947 = arith.constant 2 : i32
    %dma_start3A_948 = arith.constant 256 : i32
    %dma_start3A_949 = arith.constant 0 : i32
    %dma_start3A_950 = tpu.memref_slice %arg37[%dma_start3A_948, %dma_start3A_949] : memref<512x128xf32, #tpu.memory_space<vmem>> -> memref<128x128xf32, #tpu.memory_space<vmem>>
    %dma_start3A_951 = arith.constant 0 : i32
    %dma_start3A_952 = tpu.memref_slice %arg21[%dma_start3A_947, %dma_start3A_951] : memref<4x128xi32, #tpu.memory_space<vmem>> -> memref<1x128xi32, #tpu.memory_space<vmem>>
    %dma_start3A_953 = tpu.memref_squeeze %dma_start3A_952 : memref<1x128xi32, #tpu.memory_space<vmem>> -> memref<128xi32, #tpu.memory_space<vmem>>
    %dma_start3A_954 = arith.constant 0 : i32
    %dma_start3A_955 = arith.constant 0 : i32
    %dma_start3A_956 = tpu.memref_slice %arg10[%dma_start3A_954, %dma_start3A_955] : memref<1000000x128xf32, #tpu.memory_space<hbm>> -> memref<1000000x128xf32, #tpu.memory_space<hbm>>
    tpu.enqueue_indirect_dma source(%dma_start3A_956 : memref<1000000x128xf32, #tpu.memory_space<hbm>>) target(%dma_start3A_950 : memref<128x128xf32, #tpu.memory_space<vmem>>) offsets(%dma_start3A_953 : memref<128xi32, #tpu.memory_space<vmem>>) semaphore(%arg41 : memref<!tpu.dma_semaphore, #tpu.memory_space<semaphore_mem>>)
    %dma_start3A_957 = arith.constant 2 : i32
    %dma_start3A_958 = arith.constant 256 : i32
    %dma_start3A_959 = arith.constant 0 : i32
    %dma_start3A_960 = tpu.memref_slice %arg38[%dma_start3A_958, %dma_start3A_959] : memref<512x32xf32, #tpu.memory_space<vmem>> -> memref<128x32xf32, #tpu.memory_space<vmem>>
    %dma_start3A_961 = arith.constant 0 : i32
    %dma_start3A_962 = tpu.memref_slice %arg21[%dma_start3A_957, %dma_start3A_961] : memref<4x128xi32, #tpu.memory_space<vmem>> -> memref<1x128xi32, #tpu.memory_space<vmem>>
    %dma_start3A_963 = tpu.memref_squeeze %dma_start3A_962 : memref<1x128xi32, #tpu.memory_space<vmem>> -> memref<128xi32, #tpu.memory_space<vmem>>
    %dma_start3A_964 = arith.constant 0 : i32
    %dma_start3A_965 = arith.constant 0 : i32
    %dma_start3A_966 = tpu.memref_slice %arg15[%dma_start3A_964, %dma_start3A_965] : memref<1000000x32xf32, #tpu.memory_space<hbm>> -> memref<1000000x32xf32, #tpu.memory_space<hbm>>
    tpu.enqueue_indirect_dma source(%dma_start3A_966 : memref<1000000x32xf32, #tpu.memory_space<hbm>>) target(%dma_start3A_960 : memref<128x32xf32, #tpu.memory_space<vmem>>) offsets(%dma_start3A_963 : memref<128xi32, #tpu.memory_space<vmem>>) semaphore(%arg41 : memref<!tpu.dma_semaphore, #tpu.memory_space<semaphore_mem>>)
    %dma_start3A_967 = arith.constant 2 : i32
    %dma_start3A_968 = arith.constant 256 : i32
    %dma_start3A_969 = arith.constant 0 : i32
    %dma_start3A_970 = tpu.memref_slice %arg39[%dma_start3A_968, %dma_start3A_969] : memref<512x32xf32, #tpu.memory_space<vmem>> -> memref<128x32xf32, #tpu.memory_space<vmem>>
    %dma_start3A_971 = arith.constant 0 : i32
    %dma_start3A_972 = tpu.memref_slice %arg22[%dma_start3A_967, %dma_start3A_971] : memref<4x128xi32, #tpu.memory_space<vmem>> -> memref<1x128xi32, #tpu.memory_space<vmem>>
    %dma_start3A_973 = tpu.memref_squeeze %dma_start3A_972 : memref<1x128xi32, #tpu.memory_space<vmem>> -> memref<128xi32, #tpu.memory_space<vmem>>
    %dma_start3A_974 = arith.constant 0 : i32
    %dma_start3A_975 = arith.constant 0 : i32
    %dma_start3A_976 = tpu.memref_slice %arg9[%dma_start3A_974, %dma_start3A_975] : memref<100000x32xf32, #tpu.memory_space<hbm>> -> memref<100000x32xf32, #tpu.memory_space<hbm>>
    tpu.enqueue_indirect_dma source(%dma_start3A_976 : memref<100000x32xf32, #tpu.memory_space<hbm>>) target(%dma_start3A_970 : memref<128x32xf32, #tpu.memory_space<vmem>>) offsets(%dma_start3A_973 : memref<128xi32, #tpu.memory_space<vmem>>) semaphore(%arg41 : memref<!tpu.dma_semaphore, #tpu.memory_space<semaphore_mem>>)
    %dma_start3A_977 = arith.constant 3 : i32
    %dma_start3A_978 = arith.constant 384 : i32
    %dma_start3A_979 = tpu.memref_slice %arg31[%dma_start3A_978] : memref<512xf32, #tpu.memory_space<vmem>> -> memref<128xf32, #tpu.memory_space<vmem>>
    %dma_start3A_980 = arith.constant 0 : i32
    %dma_start3A_981 = tpu.memref_slice %arg21[%dma_start3A_977, %dma_start3A_980] : memref<4x128xi32, #tpu.memory_space<vmem>> -> memref<1x128xi32, #tpu.memory_space<vmem>>
    %dma_start3A_982 = tpu.memref_squeeze %dma_start3A_981 : memref<1x128xi32, #tpu.memory_space<vmem>> -> memref<128xi32, #tpu.memory_space<vmem>>
    %dma_start3A_983 = arith.constant 0 : i32
    %dma_start3A_984 = tpu.memref_slice %arg11[%dma_start3A_983] : memref<1000000xf32, #tpu.memory_space<hbm>> -> memref<1000000xf32, #tpu.memory_space<hbm>>
    tpu.enqueue_indirect_dma source(%dma_start3A_984 : memref<1000000xf32, #tpu.memory_space<hbm>>) target(%dma_start3A_979 : memref<128xf32, #tpu.memory_space<vmem>>) offsets(%dma_start3A_982 : memref<128xi32, #tpu.memory_space<vmem>>) semaphore(%arg41 : memref<!tpu.dma_semaphore, #tpu.memory_space<semaphore_mem>>)
    %dma_start3A_985 = arith.constant 3 : i32
    %dma_start3A_986 = arith.constant 384 : i32
    %dma_start3A_987 = tpu.memref_slice %arg32[%dma_start3A_986] : memref<512xf32, #tpu.memory_space<vmem>> -> memref<128xf32, #tpu.memory_space<vmem>>
    %dma_start3A_988 = arith.constant 0 : i32
    %dma_start3A_989 = tpu.memref_slice %arg21[%dma_start3A_985, %dma_start3A_988] : memref<4x128xi32, #tpu.memory_space<vmem>> -> memref<1x128xi32, #tpu.memory_space<vmem>>
    %dma_start3A_990 = tpu.memref_squeeze %dma_start3A_989 : memref<1x128xi32, #tpu.memory_space<vmem>> -> memref<128xi32, #tpu.memory_space<vmem>>
    %dma_start3A_991 = arith.constant 0 : i32
    %dma_start3A_992 = tpu.memref_slice %arg7[%dma_start3A_991] : memref<1000000xf32, #tpu.memory_space<hbm>> -> memref<1000000xf32, #tpu.memory_space<hbm>>
    tpu.enqueue_indirect_dma source(%dma_start3A_992 : memref<1000000xf32, #tpu.memory_space<hbm>>) target(%dma_start3A_987 : memref<128xf32, #tpu.memory_space<vmem>>) offsets(%dma_start3A_990 : memref<128xi32, #tpu.memory_space<vmem>>) semaphore(%arg41 : memref<!tpu.dma_semaphore, #tpu.memory_space<semaphore_mem>>)
    %dma_start3A_993 = arith.constant 3 : i32
    %dma_start3A_994 = arith.constant 384 : i32
    %dma_start3A_995 = tpu.memref_slice %arg33[%dma_start3A_994] : memref<512xf32, #tpu.memory_space<vmem>> -> memref<128xf32, #tpu.memory_space<vmem>>
    %dma_start3A_996 = arith.constant 0 : i32
    %dma_start3A_997 = tpu.memref_slice %arg21[%dma_start3A_993, %dma_start3A_996] : memref<4x128xi32, #tpu.memory_space<vmem>> -> memref<1x128xi32, #tpu.memory_space<vmem>>
    %dma_start3A_998 = tpu.memref_squeeze %dma_start3A_997 : memref<1x128xi32, #tpu.memory_space<vmem>> -> memref<128xi32, #tpu.memory_space<vmem>>
    %dma_start3A_999 = arith.constant 0 : i32
    %dma_start3A_1000 = tpu.memref_slice %arg14[%dma_start3A_999] : memref<1000000xf32, #tpu.memory_space<hbm>> -> memref<1000000xf32, #tpu.memory_space<hbm>>
    tpu.enqueue_indirect_dma source(%dma_start3A_1000 : memref<1000000xf32, #tpu.memory_space<hbm>>) target(%dma_start3A_995 : memref<128xf32, #tpu.memory_space<vmem>>) offsets(%dma_start3A_998 : memref<128xi32, #tpu.memory_space<vmem>>) semaphore(%arg41 : memref<!tpu.dma_semaphore, #tpu.memory_space<semaphore_mem>>)
    %dma_start3A_1001 = arith.constant 3 : i32
    %dma_start3A_1002 = arith.constant 384 : i32
    %dma_start3A_1003 = tpu.memref_slice %arg34[%dma_start3A_1002] : memref<512xf32, #tpu.memory_space<vmem>> -> memref<128xf32, #tpu.memory_space<vmem>>
    %dma_start3A_1004 = arith.constant 0 : i32
    %dma_start3A_1005 = tpu.memref_slice %arg21[%dma_start3A_1001, %dma_start3A_1004] : memref<4x128xi32, #tpu.memory_space<vmem>> -> memref<1x128xi32, #tpu.memory_space<vmem>>
    %dma_start3A_1006 = tpu.memref_squeeze %dma_start3A_1005 : memref<1x128xi32, #tpu.memory_space<vmem>> -> memref<128xi32, #tpu.memory_space<vmem>>
    %dma_start3A_1007 = arith.constant 0 : i32
    %dma_start3A_1008 = tpu.memref_slice %arg18[%dma_start3A_1007] : memref<1000000xf32, #tpu.memory_space<hbm>> -> memref<1000000xf32, #tpu.memory_space<hbm>>
    tpu.enqueue_indirect_dma source(%dma_start3A_1008 : memref<1000000xf32, #tpu.memory_space<hbm>>) target(%dma_start3A_1003 : memref<128xf32, #tpu.memory_space<vmem>>) offsets(%dma_start3A_1006 : memref<128xi32, #tpu.memory_space<vmem>>) semaphore(%arg41 : memref<!tpu.dma_semaphore, #tpu.memory_space<semaphore_mem>>)
    %dma_start3A_1009 = arith.constant 3 : i32
    %dma_start3A_1010 = arith.constant 384 : i32
    %dma_start3A_1011 = tpu.memref_slice %arg35[%dma_start3A_1010] : memref<512xf32, #tpu.memory_space<vmem>> -> memref<128xf32, #tpu.memory_space<vmem>>
    %dma_start3A_1012 = arith.constant 0 : i32
    %dma_start3A_1013 = tpu.memref_slice %arg22[%dma_start3A_1009, %dma_start3A_1012] : memref<4x128xi32, #tpu.memory_space<vmem>> -> memref<1x128xi32, #tpu.memory_space<vmem>>
    %dma_start3A_1014 = tpu.memref_squeeze %dma_start3A_1013 : memref<1x128xi32, #tpu.memory_space<vmem>> -> memref<128xi32, #tpu.memory_space<vmem>>
    %dma_start3A_1015 = arith.constant 0 : i32
    %dma_start3A_1016 = tpu.memref_slice %arg12[%dma_start3A_1015] : memref<100000xf32, #tpu.memory_space<hbm>> -> memref<100000xf32, #tpu.memory_space<hbm>>
    tpu.enqueue_indirect_dma source(%dma_start3A_1016 : memref<100000xf32, #tpu.memory_space<hbm>>) target(%dma_start3A_1011 : memref<128xf32, #tpu.memory_space<vmem>>) offsets(%dma_start3A_1014 : memref<128xi32, #tpu.memory_space<vmem>>) semaphore(%arg41 : memref<!tpu.dma_semaphore, #tpu.memory_space<semaphore_mem>>)
    %dma_start3A_1017 = arith.constant 3 : i32
    %dma_start3A_1018 = arith.constant 384 : i32
    %dma_start3A_1019 = tpu.memref_slice %arg36[%dma_start3A_1018] : memref<512xf32, #tpu.memory_space<vmem>> -> memref<128xf32, #tpu.memory_space<vmem>>
    %dma_start3A_1020 = arith.constant 0 : i32
    %dma_start3A_1021 = tpu.memref_slice %arg24[%dma_start3A_1017, %dma_start3A_1020] : memref<4x128xi32, #tpu.memory_space<vmem>> -> memref<1x128xi32, #tpu.memory_space<vmem>>
    %dma_start3A_1022 = tpu.memref_squeeze %dma_start3A_1021 : memref<1x128xi32, #tpu.memory_space<vmem>> -> memref<128xi32, #tpu.memory_space<vmem>>
    %dma_start3A_1023 = arith.constant 0 : i32
    %dma_start3A_1024 = tpu.memref_slice %arg13[%dma_start3A_1023] : memref<3200000xf32, #tpu.memory_space<hbm>> -> memref<3200000xf32, #tpu.memory_space<hbm>>
    tpu.enqueue_indirect_dma source(%dma_start3A_1024 : memref<3200000xf32, #tpu.memory_space<hbm>>) target(%dma_start3A_1019 : memref<128xf32, #tpu.memory_space<vmem>>) offsets(%dma_start3A_1022 : memref<128xi32, #tpu.memory_space<vmem>>) semaphore(%arg41 : memref<!tpu.dma_semaphore, #tpu.memory_space<semaphore_mem>>)
    %dma_start3A_1025 = arith.constant 3 : i32
    %dma_start3A_1026 = arith.constant 384 : i32
    %dma_start3A_1027 = arith.constant 0 : i32
    %dma_start3A_1028 = tpu.memref_slice %arg37[%dma_start3A_1026, %dma_start3A_1027] : memref<512x128xf32, #tpu.memory_space<vmem>> -> memref<128x128xf32, #tpu.memory_space<vmem>>
    %dma_start3A_1029 = arith.constant 0 : i32
    %dma_start3A_1030 = tpu.memref_slice %arg21[%dma_start3A_1025, %dma_start3A_1029] : memref<4x128xi32, #tpu.memory_space<vmem>> -> memref<1x128xi32, #tpu.memory_space<vmem>>
    %dma_start3A_1031 = tpu.memref_squeeze %dma_start3A_1030 : memref<1x128xi32, #tpu.memory_space<vmem>> -> memref<128xi32, #tpu.memory_space<vmem>>
    %dma_start3A_1032 = arith.constant 0 : i32
    %dma_start3A_1033 = arith.constant 0 : i32
    %dma_start3A_1034 = tpu.memref_slice %arg10[%dma_start3A_1032, %dma_start3A_1033] : memref<1000000x128xf32, #tpu.memory_space<hbm>> -> memref<1000000x128xf32, #tpu.memory_space<hbm>>
    tpu.enqueue_indirect_dma source(%dma_start3A_1034 : memref<1000000x128xf32, #tpu.memory_space<hbm>>) target(%dma_start3A_1028 : memref<128x128xf32, #tpu.memory_space<vmem>>) offsets(%dma_start3A_1031 : memref<128xi32, #tpu.memory_space<vmem>>) semaphore(%arg41 : memref<!tpu.dma_semaphore, #tpu.memory_space<semaphore_mem>>)
    %dma_start3A_1035 = arith.constant 3 : i32
    %dma_start3A_1036 = arith.constant 384 : i32
    %dma_start3A_1037 = arith.constant 0 : i32
    %dma_start3A_1038 = tpu.memref_slice %arg38[%dma_start3A_1036, %dma_start3A_1037] : memref<512x32xf32, #tpu.memory_space<vmem>> -> memref<128x32xf32, #tpu.memory_space<vmem>>
    %dma_start3A_1039 = arith.constant 0 : i32
    %dma_start3A_1040 = tpu.memref_slice %arg21[%dma_start3A_1035, %dma_start3A_1039] : memref<4x128xi32, #tpu.memory_space<vmem>> -> memref<1x128xi32, #tpu.memory_space<vmem>>
    %dma_start3A_1041 = tpu.memref_squeeze %dma_start3A_1040 : memref<1x128xi32, #tpu.memory_space<vmem>> -> memref<128xi32, #tpu.memory_space<vmem>>
    %dma_start3A_1042 = arith.constant 0 : i32
    %dma_start3A_1043 = arith.constant 0 : i32
    %dma_start3A_1044 = tpu.memref_slice %arg15[%dma_start3A_1042, %dma_start3A_1043] : memref<1000000x32xf32, #tpu.memory_space<hbm>> -> memref<1000000x32xf32, #tpu.memory_space<hbm>>
    tpu.enqueue_indirect_dma source(%dma_start3A_1044 : memref<1000000x32xf32, #tpu.memory_space<hbm>>) target(%dma_start3A_1038 : memref<128x32xf32, #tpu.memory_space<vmem>>) offsets(%dma_start3A_1041 : memref<128xi32, #tpu.memory_space<vmem>>) semaphore(%arg41 : memref<!tpu.dma_semaphore, #tpu.memory_space<semaphore_mem>>)
    %dma_start3A_1045 = arith.constant 3 : i32
    %dma_start3A_1046 = arith.constant 384 : i32
    %dma_start3A_1047 = arith.constant 0 : i32
    %dma_start3A_1048 = tpu.memref_slice %arg39[%dma_start3A_1046, %dma_start3A_1047] : memref<512x32xf32, #tpu.memory_space<vmem>> -> memref<128x32xf32, #tpu.memory_space<vmem>>
    %dma_start3A_1049 = arith.constant 0 : i32
    %dma_start3A_1050 = tpu.memref_slice %arg22[%dma_start3A_1045, %dma_start3A_1049] : memref<4x128xi32, #tpu.memory_space<vmem>> -> memref<1x128xi32, #tpu.memory_space<vmem>>
    %dma_start3A_1051 = tpu.memref_squeeze %dma_start3A_1050 : memref<1x128xi32, #tpu.memory_space<vmem>> -> memref<128xi32, #tpu.memory_space<vmem>>
    %dma_start3A_1052 = arith.constant 0 : i32
    %dma_start3A_1053 = arith.constant 0 : i32
    %dma_start3A_1054 = tpu.memref_slice %arg9[%dma_start3A_1052, %dma_start3A_1053] : memref<100000x32xf32, #tpu.memory_space<hbm>> -> memref<100000x32xf32, #tpu.memory_space<hbm>>
    tpu.enqueue_indirect_dma source(%dma_start3A_1054 : memref<100000x32xf32, #tpu.memory_space<hbm>>) target(%dma_start3A_1048 : memref<128x32xf32, #tpu.memory_space<vmem>>) offsets(%dma_start3A_1051 : memref<128xi32, #tpu.memory_space<vmem>>) semaphore(%arg41 : memref<!tpu.dma_semaphore, #tpu.memory_space<semaphore_mem>>)
    %dma_wait3A_1055 = arith.constant 0 : i32
    %dma_wait3A_1056 = arith.constant 0 : i32
    %dma_wait3A_1057 = tpu.memref_slice %arg31[%dma_wait3A_1056] : memref<512xf32, #tpu.memory_space<vmem>> -> memref<128xf32, #tpu.memory_space<vmem>>
    %dma_wait3A_1058 = arith.constant 0 : i32
    %dma_wait3A_1059 = tpu.memref_slice %arg21[%dma_wait3A_1055, %dma_wait3A_1058] : memref<4x128xi32, #tpu.memory_space<vmem>> -> memref<1x128xi32, #tpu.memory_space<vmem>>
    %dma_wait3A_1060 = tpu.memref_squeeze %dma_wait3A_1059 : memref<1x128xi32, #tpu.memory_space<vmem>> -> memref<128xi32, #tpu.memory_space<vmem>>
    %dma_wait3A_1061 = arith.constant 0 : i32
    %dma_wait3A_1062 = tpu.memref_slice %arg11[%dma_wait3A_1061] : memref<1000000xf32, #tpu.memory_space<hbm>> -> memref<1000000xf32, #tpu.memory_space<hbm>>
    tpu.wait_indirect_dma semaphore(%arg41 : memref<!tpu.dma_semaphore, #tpu.memory_space<semaphore_mem>>) src(%dma_wait3A_1062 : memref<1000000xf32, #tpu.memory_space<hbm>>) dst(%dma_wait3A_1057 : memref<128xf32, #tpu.memory_space<vmem>>)
    %dma_wait3A_1063 = arith.constant 0 : i32
    %dma_wait3A_1064 = arith.constant 0 : i32
    %dma_wait3A_1065 = tpu.memref_slice %arg32[%dma_wait3A_1064] : memref<512xf32, #tpu.memory_space<vmem>> -> memref<128xf32, #tpu.memory_space<vmem>>
    %dma_wait3A_1066 = arith.constant 0 : i32
    %dma_wait3A_1067 = tpu.memref_slice %arg21[%dma_wait3A_1063, %dma_wait3A_1066] : memref<4x128xi32, #tpu.memory_space<vmem>> -> memref<1x128xi32, #tpu.memory_space<vmem>>
    %dma_wait3A_1068 = tpu.memref_squeeze %dma_wait3A_1067 : memref<1x128xi32, #tpu.memory_space<vmem>> -> memref<128xi32, #tpu.memory_space<vmem>>
    %dma_wait3A_1069 = arith.constant 0 : i32
    %dma_wait3A_1070 = tpu.memref_slice %arg7[%dma_wait3A_1069] : memref<1000000xf32, #tpu.memory_space<hbm>> -> memref<1000000xf32, #tpu.memory_space<hbm>>
    tpu.wait_indirect_dma semaphore(%arg41 : memref<!tpu.dma_semaphore, #tpu.memory_space<semaphore_mem>>) src(%dma_wait3A_1070 : memref<1000000xf32, #tpu.memory_space<hbm>>) dst(%dma_wait3A_1065 : memref<128xf32, #tpu.memory_space<vmem>>)
    %dma_wait3A_1071 = arith.constant 0 : i32
    %dma_wait3A_1072 = arith.constant 0 : i32
    %dma_wait3A_1073 = tpu.memref_slice %arg33[%dma_wait3A_1072] : memref<512xf32, #tpu.memory_space<vmem>> -> memref<128xf32, #tpu.memory_space<vmem>>
    %dma_wait3A_1074 = arith.constant 0 : i32
    %dma_wait3A_1075 = tpu.memref_slice %arg21[%dma_wait3A_1071, %dma_wait3A_1074] : memref<4x128xi32, #tpu.memory_space<vmem>> -> memref<1x128xi32, #tpu.memory_space<vmem>>
    %dma_wait3A_1076 = tpu.memref_squeeze %dma_wait3A_1075 : memref<1x128xi32, #tpu.memory_space<vmem>> -> memref<128xi32, #tpu.memory_space<vmem>>
    %dma_wait3A_1077 = arith.constant 0 : i32
    %dma_wait3A_1078 = tpu.memref_slice %arg14[%dma_wait3A_1077] : memref<1000000xf32, #tpu.memory_space<hbm>> -> memref<1000000xf32, #tpu.memory_space<hbm>>
    tpu.wait_indirect_dma semaphore(%arg41 : memref<!tpu.dma_semaphore, #tpu.memory_space<semaphore_mem>>) src(%dma_wait3A_1078 : memref<1000000xf32, #tpu.memory_space<hbm>>) dst(%dma_wait3A_1073 : memref<128xf32, #tpu.memory_space<vmem>>)
    %dma_wait3A_1079 = arith.constant 0 : i32
    %dma_wait3A_1080 = arith.constant 0 : i32
    %dma_wait3A_1081 = tpu.memref_slice %arg34[%dma_wait3A_1080] : memref<512xf32, #tpu.memory_space<vmem>> -> memref<128xf32, #tpu.memory_space<vmem>>
    %dma_wait3A_1082 = arith.constant 0 : i32
    %dma_wait3A_1083 = tpu.memref_slice %arg21[%dma_wait3A_1079, %dma_wait3A_1082] : memref<4x128xi32, #tpu.memory_space<vmem>> -> memref<1x128xi32, #tpu.memory_space<vmem>>
    %dma_wait3A_1084 = tpu.memref_squeeze %dma_wait3A_1083 : memref<1x128xi32, #tpu.memory_space<vmem>> -> memref<128xi32, #tpu.memory_space<vmem>>
    %dma_wait3A_1085 = arith.constant 0 : i32
    %dma_wait3A_1086 = tpu.memref_slice %arg18[%dma_wait3A_1085] : memref<1000000xf32, #tpu.memory_space<hbm>> -> memref<1000000xf32, #tpu.memory_space<hbm>>
    tpu.wait_indirect_dma semaphore(%arg41 : memref<!tpu.dma_semaphore, #tpu.memory_space<semaphore_mem>>) src(%dma_wait3A_1086 : memref<1000000xf32, #tpu.memory_space<hbm>>) dst(%dma_wait3A_1081 : memref<128xf32, #tpu.memory_space<vmem>>)
    %dma_wait3A_1087 = arith.constant 0 : i32
    %dma_wait3A_1088 = arith.constant 0 : i32
    %dma_wait3A_1089 = tpu.memref_slice %arg35[%dma_wait3A_1088] : memref<512xf32, #tpu.memory_space<vmem>> -> memref<128xf32, #tpu.memory_space<vmem>>
    %dma_wait3A_1090 = arith.constant 0 : i32
    %dma_wait3A_1091 = tpu.memref_slice %arg22[%dma_wait3A_1087, %dma_wait3A_1090] : memref<4x128xi32, #tpu.memory_space<vmem>> -> memref<1x128xi32, #tpu.memory_space<vmem>>
    %dma_wait3A_1092 = tpu.memref_squeeze %dma_wait3A_1091 : memref<1x128xi32, #tpu.memory_space<vmem>> -> memref<128xi32, #tpu.memory_space<vmem>>
    %dma_wait3A_1093 = arith.constant 0 : i32
    %dma_wait3A_1094 = tpu.memref_slice %arg12[%dma_wait3A_1093] : memref<100000xf32, #tpu.memory_space<hbm>> -> memref<100000xf32, #tpu.memory_space<hbm>>
    tpu.wait_indirect_dma semaphore(%arg41 : memref<!tpu.dma_semaphore, #tpu.memory_space<semaphore_mem>>) src(%dma_wait3A_1094 : memref<100000xf32, #tpu.memory_space<hbm>>) dst(%dma_wait3A_1089 : memref<128xf32, #tpu.memory_space<vmem>>)
    %dma_wait3A_1095 = arith.constant 0 : i32
    %dma_wait3A_1096 = arith.constant 0 : i32
    %dma_wait3A_1097 = tpu.memref_slice %arg36[%dma_wait3A_1096] : memref<512xf32, #tpu.memory_space<vmem>> -> memref<128xf32, #tpu.memory_space<vmem>>
    %dma_wait3A_1098 = arith.constant 0 : i32
    %dma_wait3A_1099 = tpu.memref_slice %arg24[%dma_wait3A_1095, %dma_wait3A_1098] : memref<4x128xi32, #tpu.memory_space<vmem>> -> memref<1x128xi32, #tpu.memory_space<vmem>>
    %dma_wait3A_1100 = tpu.memref_squeeze %dma_wait3A_1099 : memref<1x128xi32, #tpu.memory_space<vmem>> -> memref<128xi32, #tpu.memory_space<vmem>>
    %dma_wait3A_1101 = arith.constant 0 : i32
    %dma_wait3A_1102 = tpu.memref_slice %arg13[%dma_wait3A_1101] : memref<3200000xf32, #tpu.memory_space<hbm>> -> memref<3200000xf32, #tpu.memory_space<hbm>>
    tpu.wait_indirect_dma semaphore(%arg41 : memref<!tpu.dma_semaphore, #tpu.memory_space<semaphore_mem>>) src(%dma_wait3A_1102 : memref<3200000xf32, #tpu.memory_space<hbm>>) dst(%dma_wait3A_1097 : memref<128xf32, #tpu.memory_space<vmem>>)
    %dma_wait3A_1103 = arith.constant 0 : i32
    %dma_wait3A_1104 = arith.constant 0 : i32
    %dma_wait3A_1105 = arith.constant 0 : i32
    %dma_wait3A_1106 = tpu.memref_slice %arg37[%dma_wait3A_1104, %dma_wait3A_1105] : memref<512x128xf32, #tpu.memory_space<vmem>> -> memref<128x128xf32, #tpu.memory_space<vmem>>
    %dma_wait3A_1107 = arith.constant 0 : i32
    %dma_wait3A_1108 = tpu.memref_slice %arg21[%dma_wait3A_1103, %dma_wait3A_1107] : memref<4x128xi32, #tpu.memory_space<vmem>> -> memref<1x128xi32, #tpu.memory_space<vmem>>
    %dma_wait3A_1109 = tpu.memref_squeeze %dma_wait3A_1108 : memref<1x128xi32, #tpu.memory_space<vmem>> -> memref<128xi32, #tpu.memory_space<vmem>>
    %dma_wait3A_1110 = arith.constant 0 : i32
    %dma_wait3A_1111 = arith.constant 0 : i32
    %dma_wait3A_1112 = tpu.memref_slice %arg10[%dma_wait3A_1110, %dma_wait3A_1111] : memref<1000000x128xf32, #tpu.memory_space<hbm>> -> memref<1000000x128xf32, #tpu.memory_space<hbm>>
    tpu.wait_indirect_dma semaphore(%arg41 : memref<!tpu.dma_semaphore, #tpu.memory_space<semaphore_mem>>) src(%dma_wait3A_1112 : memref<1000000x128xf32, #tpu.memory_space<hbm>>) dst(%dma_wait3A_1106 : memref<128x128xf32, #tpu.memory_space<vmem>>)
    %dma_wait3A_1113 = arith.constant 0 : i32
    %dma_wait3A_1114 = arith.constant 0 : i32
    %dma_wait3A_1115 = arith.constant 0 : i32
    %dma_wait3A_1116 = tpu.memref_slice %arg38[%dma_wait3A_1114, %dma_wait3A_1115] : memref<512x32xf32, #tpu.memory_space<vmem>> -> memref<128x32xf32, #tpu.memory_space<vmem>>
    %dma_wait3A_1117 = arith.constant 0 : i32
    %dma_wait3A_1118 = tpu.memref_slice %arg21[%dma_wait3A_1113, %dma_wait3A_1117] : memref<4x128xi32, #tpu.memory_space<vmem>> -> memref<1x128xi32, #tpu.memory_space<vmem>>
    %dma_wait3A_1119 = tpu.memref_squeeze %dma_wait3A_1118 : memref<1x128xi32, #tpu.memory_space<vmem>> -> memref<128xi32, #tpu.memory_space<vmem>>
    %dma_wait3A_1120 = arith.constant 0 : i32
    %dma_wait3A_1121 = arith.constant 0 : i32
    %dma_wait3A_1122 = tpu.memref_slice %arg15[%dma_wait3A_1120, %dma_wait3A_1121] : memref<1000000x32xf32, #tpu.memory_space<hbm>> -> memref<1000000x32xf32, #tpu.memory_space<hbm>>
    tpu.wait_indirect_dma semaphore(%arg41 : memref<!tpu.dma_semaphore, #tpu.memory_space<semaphore_mem>>) src(%dma_wait3A_1122 : memref<1000000x32xf32, #tpu.memory_space<hbm>>) dst(%dma_wait3A_1116 : memref<128x32xf32, #tpu.memory_space<vmem>>)
    %dma_wait3A_1123 = arith.constant 0 : i32
    %dma_wait3A_1124 = arith.constant 0 : i32
    %dma_wait3A_1125 = arith.constant 0 : i32
    %dma_wait3A_1126 = tpu.memref_slice %arg39[%dma_wait3A_1124, %dma_wait3A_1125] : memref<512x32xf32, #tpu.memory_space<vmem>> -> memref<128x32xf32, #tpu.memory_space<vmem>>
    %dma_wait3A_1127 = arith.constant 0 : i32
    %dma_wait3A_1128 = tpu.memref_slice %arg22[%dma_wait3A_1123, %dma_wait3A_1127] : memref<4x128xi32, #tpu.memory_space<vmem>> -> memref<1x128xi32, #tpu.memory_space<vmem>>
    %dma_wait3A_1129 = tpu.memref_squeeze %dma_wait3A_1128 : memref<1x128xi32, #tpu.memory_space<vmem>> -> memref<128xi32, #tpu.memory_space<vmem>>
    %dma_wait3A_1130 = arith.constant 0 : i32
    %dma_wait3A_1131 = arith.constant 0 : i32
    %dma_wait3A_1132 = tpu.memref_slice %arg9[%dma_wait3A_1130, %dma_wait3A_1131] : memref<100000x32xf32, #tpu.memory_space<hbm>> -> memref<100000x32xf32, #tpu.memory_space<hbm>>
    tpu.wait_indirect_dma semaphore(%arg41 : memref<!tpu.dma_semaphore, #tpu.memory_space<semaphore_mem>>) src(%dma_wait3A_1132 : memref<100000x32xf32, #tpu.memory_space<hbm>>) dst(%dma_wait3A_1126 : memref<128x32xf32, #tpu.memory_space<vmem>>)
    %dma_wait3A_1133 = arith.constant 1 : i32
    %dma_wait3A_1134 = arith.constant 128 : i32
    %dma_wait3A_1135 = tpu.memref_slice %arg31[%dma_wait3A_1134] : memref<512xf32, #tpu.memory_space<vmem>> -> memref<128xf32, #tpu.memory_space<vmem>>
    %dma_wait3A_1136 = arith.constant 0 : i32
    %dma_wait3A_1137 = tpu.memref_slice %arg21[%dma_wait3A_1133, %dma_wait3A_1136] : memref<4x128xi32, #tpu.memory_space<vmem>> -> memref<1x128xi32, #tpu.memory_space<vmem>>
    %dma_wait3A_1138 = tpu.memref_squeeze %dma_wait3A_1137 : memref<1x128xi32, #tpu.memory_space<vmem>> -> memref<128xi32, #tpu.memory_space<vmem>>
    %dma_wait3A_1139 = arith.constant 0 : i32
    %dma_wait3A_1140 = tpu.memref_slice %arg11[%dma_wait3A_1139] : memref<1000000xf32, #tpu.memory_space<hbm>> -> memref<1000000xf32, #tpu.memory_space<hbm>>
    tpu.wait_indirect_dma semaphore(%arg41 : memref<!tpu.dma_semaphore, #tpu.memory_space<semaphore_mem>>) src(%dma_wait3A_1140 : memref<1000000xf32, #tpu.memory_space<hbm>>) dst(%dma_wait3A_1135 : memref<128xf32, #tpu.memory_space<vmem>>)
    %dma_wait3A_1141 = arith.constant 1 : i32
    %dma_wait3A_1142 = arith.constant 128 : i32
    %dma_wait3A_1143 = tpu.memref_slice %arg32[%dma_wait3A_1142] : memref<512xf32, #tpu.memory_space<vmem>> -> memref<128xf32, #tpu.memory_space<vmem>>
    %dma_wait3A_1144 = arith.constant 0 : i32
    %dma_wait3A_1145 = tpu.memref_slice %arg21[%dma_wait3A_1141, %dma_wait3A_1144] : memref<4x128xi32, #tpu.memory_space<vmem>> -> memref<1x128xi32, #tpu.memory_space<vmem>>
    %dma_wait3A_1146 = tpu.memref_squeeze %dma_wait3A_1145 : memref<1x128xi32, #tpu.memory_space<vmem>> -> memref<128xi32, #tpu.memory_space<vmem>>
    %dma_wait3A_1147 = arith.constant 0 : i32
    %dma_wait3A_1148 = tpu.memref_slice %arg7[%dma_wait3A_1147] : memref<1000000xf32, #tpu.memory_space<hbm>> -> memref<1000000xf32, #tpu.memory_space<hbm>>
    tpu.wait_indirect_dma semaphore(%arg41 : memref<!tpu.dma_semaphore, #tpu.memory_space<semaphore_mem>>) src(%dma_wait3A_1148 : memref<1000000xf32, #tpu.memory_space<hbm>>) dst(%dma_wait3A_1143 : memref<128xf32, #tpu.memory_space<vmem>>)
    %dma_wait3A_1149 = arith.constant 1 : i32
    %dma_wait3A_1150 = arith.constant 128 : i32
    %dma_wait3A_1151 = tpu.memref_slice %arg33[%dma_wait3A_1150] : memref<512xf32, #tpu.memory_space<vmem>> -> memref<128xf32, #tpu.memory_space<vmem>>
    %dma_wait3A_1152 = arith.constant 0 : i32
    %dma_wait3A_1153 = tpu.memref_slice %arg21[%dma_wait3A_1149, %dma_wait3A_1152] : memref<4x128xi32, #tpu.memory_space<vmem>> -> memref<1x128xi32, #tpu.memory_space<vmem>>
    %dma_wait3A_1154 = tpu.memref_squeeze %dma_wait3A_1153 : memref<1x128xi32, #tpu.memory_space<vmem>> -> memref<128xi32, #tpu.memory_space<vmem>>
    %dma_wait3A_1155 = arith.constant 0 : i32
    %dma_wait3A_1156 = tpu.memref_slice %arg14[%dma_wait3A_1155] : memref<1000000xf32, #tpu.memory_space<hbm>> -> memref<1000000xf32, #tpu.memory_space<hbm>>
    tpu.wait_indirect_dma semaphore(%arg41 : memref<!tpu.dma_semaphore, #tpu.memory_space<semaphore_mem>>) src(%dma_wait3A_1156 : memref<1000000xf32, #tpu.memory_space<hbm>>) dst(%dma_wait3A_1151 : memref<128xf32, #tpu.memory_space<vmem>>)
    %dma_wait3A_1157 = arith.constant 1 : i32
    %dma_wait3A_1158 = arith.constant 128 : i32
    %dma_wait3A_1159 = tpu.memref_slice %arg34[%dma_wait3A_1158] : memref<512xf32, #tpu.memory_space<vmem>> -> memref<128xf32, #tpu.memory_space<vmem>>
    %dma_wait3A_1160 = arith.constant 0 : i32
    %dma_wait3A_1161 = tpu.memref_slice %arg21[%dma_wait3A_1157, %dma_wait3A_1160] : memref<4x128xi32, #tpu.memory_space<vmem>> -> memref<1x128xi32, #tpu.memory_space<vmem>>
    %dma_wait3A_1162 = tpu.memref_squeeze %dma_wait3A_1161 : memref<1x128xi32, #tpu.memory_space<vmem>> -> memref<128xi32, #tpu.memory_space<vmem>>
    %dma_wait3A_1163 = arith.constant 0 : i32
    %dma_wait3A_1164 = tpu.memref_slice %arg18[%dma_wait3A_1163] : memref<1000000xf32, #tpu.memory_space<hbm>> -> memref<1000000xf32, #tpu.memory_space<hbm>>
    tpu.wait_indirect_dma semaphore(%arg41 : memref<!tpu.dma_semaphore, #tpu.memory_space<semaphore_mem>>) src(%dma_wait3A_1164 : memref<1000000xf32, #tpu.memory_space<hbm>>) dst(%dma_wait3A_1159 : memref<128xf32, #tpu.memory_space<vmem>>)
    %dma_wait3A_1165 = arith.constant 1 : i32
    %dma_wait3A_1166 = arith.constant 128 : i32
    %dma_wait3A_1167 = tpu.memref_slice %arg35[%dma_wait3A_1166] : memref<512xf32, #tpu.memory_space<vmem>> -> memref<128xf32, #tpu.memory_space<vmem>>
    %dma_wait3A_1168 = arith.constant 0 : i32
    %dma_wait3A_1169 = tpu.memref_slice %arg22[%dma_wait3A_1165, %dma_wait3A_1168] : memref<4x128xi32, #tpu.memory_space<vmem>> -> memref<1x128xi32, #tpu.memory_space<vmem>>
    %dma_wait3A_1170 = tpu.memref_squeeze %dma_wait3A_1169 : memref<1x128xi32, #tpu.memory_space<vmem>> -> memref<128xi32, #tpu.memory_space<vmem>>
    %dma_wait3A_1171 = arith.constant 0 : i32
    %dma_wait3A_1172 = tpu.memref_slice %arg12[%dma_wait3A_1171] : memref<100000xf32, #tpu.memory_space<hbm>> -> memref<100000xf32, #tpu.memory_space<hbm>>
    tpu.wait_indirect_dma semaphore(%arg41 : memref<!tpu.dma_semaphore, #tpu.memory_space<semaphore_mem>>) src(%dma_wait3A_1172 : memref<100000xf32, #tpu.memory_space<hbm>>) dst(%dma_wait3A_1167 : memref<128xf32, #tpu.memory_space<vmem>>)
    %dma_wait3A_1173 = arith.constant 1 : i32
    %dma_wait3A_1174 = arith.constant 128 : i32
    %dma_wait3A_1175 = tpu.memref_slice %arg36[%dma_wait3A_1174] : memref<512xf32, #tpu.memory_space<vmem>> -> memref<128xf32, #tpu.memory_space<vmem>>
    %dma_wait3A_1176 = arith.constant 0 : i32
    %dma_wait3A_1177 = tpu.memref_slice %arg24[%dma_wait3A_1173, %dma_wait3A_1176] : memref<4x128xi32, #tpu.memory_space<vmem>> -> memref<1x128xi32, #tpu.memory_space<vmem>>
    %dma_wait3A_1178 = tpu.memref_squeeze %dma_wait3A_1177 : memref<1x128xi32, #tpu.memory_space<vmem>> -> memref<128xi32, #tpu.memory_space<vmem>>
    %dma_wait3A_1179 = arith.constant 0 : i32
    %dma_wait3A_1180 = tpu.memref_slice %arg13[%dma_wait3A_1179] : memref<3200000xf32, #tpu.memory_space<hbm>> -> memref<3200000xf32, #tpu.memory_space<hbm>>
    tpu.wait_indirect_dma semaphore(%arg41 : memref<!tpu.dma_semaphore, #tpu.memory_space<semaphore_mem>>) src(%dma_wait3A_1180 : memref<3200000xf32, #tpu.memory_space<hbm>>) dst(%dma_wait3A_1175 : memref<128xf32, #tpu.memory_space<vmem>>)
    %dma_wait3A_1181 = arith.constant 1 : i32
    %dma_wait3A_1182 = arith.constant 128 : i32
    %dma_wait3A_1183 = arith.constant 0 : i32
    %dma_wait3A_1184 = tpu.memref_slice %arg37[%dma_wait3A_1182, %dma_wait3A_1183] : memref<512x128xf32, #tpu.memory_space<vmem>> -> memref<128x128xf32, #tpu.memory_space<vmem>>
    %dma_wait3A_1185 = arith.constant 0 : i32
    %dma_wait3A_1186 = tpu.memref_slice %arg21[%dma_wait3A_1181, %dma_wait3A_1185] : memref<4x128xi32, #tpu.memory_space<vmem>> -> memref<1x128xi32, #tpu.memory_space<vmem>>
    %dma_wait3A_1187 = tpu.memref_squeeze %dma_wait3A_1186 : memref<1x128xi32, #tpu.memory_space<vmem>> -> memref<128xi32, #tpu.memory_space<vmem>>
    %dma_wait3A_1188 = arith.constant 0 : i32
    %dma_wait3A_1189 = arith.constant 0 : i32
    %dma_wait3A_1190 = tpu.memref_slice %arg10[%dma_wait3A_1188, %dma_wait3A_1189] : memref<1000000x128xf32, #tpu.memory_space<hbm>> -> memref<1000000x128xf32, #tpu.memory_space<hbm>>
    tpu.wait_indirect_dma semaphore(%arg41 : memref<!tpu.dma_semaphore, #tpu.memory_space<semaphore_mem>>) src(%dma_wait3A_1190 : memref<1000000x128xf32, #tpu.memory_space<hbm>>) dst(%dma_wait3A_1184 : memref<128x128xf32, #tpu.memory_space<vmem>>)
    %dma_wait3A_1191 = arith.constant 1 : i32
    %dma_wait3A_1192 = arith.constant 128 : i32
    %dma_wait3A_1193 = arith.constant 0 : i32
    %dma_wait3A_1194 = tpu.memref_slice %arg38[%dma_wait3A_1192, %dma_wait3A_1193] : memref<512x32xf32, #tpu.memory_space<vmem>> -> memref<128x32xf32, #tpu.memory_space<vmem>>
    %dma_wait3A_1195 = arith.constant 0 : i32
    %dma_wait3A_1196 = tpu.memref_slice %arg21[%dma_wait3A_1191, %dma_wait3A_1195] : memref<4x128xi32, #tpu.memory_space<vmem>> -> memref<1x128xi32, #tpu.memory_space<vmem>>
    %dma_wait3A_1197 = tpu.memref_squeeze %dma_wait3A_1196 : memref<1x128xi32, #tpu.memory_space<vmem>> -> memref<128xi32, #tpu.memory_space<vmem>>
    %dma_wait3A_1198 = arith.constant 0 : i32
    %dma_wait3A_1199 = arith.constant 0 : i32
    %dma_wait3A_1200 = tpu.memref_slice %arg15[%dma_wait3A_1198, %dma_wait3A_1199] : memref<1000000x32xf32, #tpu.memory_space<hbm>> -> memref<1000000x32xf32, #tpu.memory_space<hbm>>
    tpu.wait_indirect_dma semaphore(%arg41 : memref<!tpu.dma_semaphore, #tpu.memory_space<semaphore_mem>>) src(%dma_wait3A_1200 : memref<1000000x32xf32, #tpu.memory_space<hbm>>) dst(%dma_wait3A_1194 : memref<128x32xf32, #tpu.memory_space<vmem>>)
    %dma_wait3A_1201 = arith.constant 1 : i32
    %dma_wait3A_1202 = arith.constant 128 : i32
    %dma_wait3A_1203 = arith.constant 0 : i32
    %dma_wait3A_1204 = tpu.memref_slice %arg39[%dma_wait3A_1202, %dma_wait3A_1203] : memref<512x32xf32, #tpu.memory_space<vmem>> -> memref<128x32xf32, #tpu.memory_space<vmem>>
    %dma_wait3A_1205 = arith.constant 0 : i32
    %dma_wait3A_1206 = tpu.memref_slice %arg22[%dma_wait3A_1201, %dma_wait3A_1205] : memref<4x128xi32, #tpu.memory_space<vmem>> -> memref<1x128xi32, #tpu.memory_space<vmem>>
    %dma_wait3A_1207 = tpu.memref_squeeze %dma_wait3A_1206 : memref<1x128xi32, #tpu.memory_space<vmem>> -> memref<128xi32, #tpu.memory_space<vmem>>
    %dma_wait3A_1208 = arith.constant 0 : i32
    %dma_wait3A_1209 = arith.constant 0 : i32
    %dma_wait3A_1210 = tpu.memref_slice %arg9[%dma_wait3A_1208, %dma_wait3A_1209] : memref<100000x32xf32, #tpu.memory_space<hbm>> -> memref<100000x32xf32, #tpu.memory_space<hbm>>
    tpu.wait_indirect_dma semaphore(%arg41 : memref<!tpu.dma_semaphore, #tpu.memory_space<semaphore_mem>>) src(%dma_wait3A_1210 : memref<100000x32xf32, #tpu.memory_space<hbm>>) dst(%dma_wait3A_1204 : memref<128x32xf32, #tpu.memory_space<vmem>>)
    %dma_wait3A_1211 = arith.constant 2 : i32
    %dma_wait3A_1212 = arith.constant 256 : i32
    %dma_wait3A_1213 = tpu.memref_slice %arg31[%dma_wait3A_1212] : memref<512xf32, #tpu.memory_space<vmem>> -> memref<128xf32, #tpu.memory_space<vmem>>
    %dma_wait3A_1214 = arith.constant 0 : i32
    %dma_wait3A_1215 = tpu.memref_slice %arg21[%dma_wait3A_1211, %dma_wait3A_1214] : memref<4x128xi32, #tpu.memory_space<vmem>> -> memref<1x128xi32, #tpu.memory_space<vmem>>
    %dma_wait3A_1216 = tpu.memref_squeeze %dma_wait3A_1215 : memref<1x128xi32, #tpu.memory_space<vmem>> -> memref<128xi32, #tpu.memory_space<vmem>>
    %dma_wait3A_1217 = arith.constant 0 : i32
    %dma_wait3A_1218 = tpu.memref_slice %arg11[%dma_wait3A_1217] : memref<1000000xf32, #tpu.memory_space<hbm>> -> memref<1000000xf32, #tpu.memory_space<hbm>>
    tpu.wait_indirect_dma semaphore(%arg41 : memref<!tpu.dma_semaphore, #tpu.memory_space<semaphore_mem>>) src(%dma_wait3A_1218 : memref<1000000xf32, #tpu.memory_space<hbm>>) dst(%dma_wait3A_1213 : memref<128xf32, #tpu.memory_space<vmem>>)
    %dma_wait3A_1219 = arith.constant 2 : i32
    %dma_wait3A_1220 = arith.constant 256 : i32
    %dma_wait3A_1221 = tpu.memref_slice %arg32[%dma_wait3A_1220] : memref<512xf32, #tpu.memory_space<vmem>> -> memref<128xf32, #tpu.memory_space<vmem>>
    %dma_wait3A_1222 = arith.constant 0 : i32
    %dma_wait3A_1223 = tpu.memref_slice %arg21[%dma_wait3A_1219, %dma_wait3A_1222] : memref<4x128xi32, #tpu.memory_space<vmem>> -> memref<1x128xi32, #tpu.memory_space<vmem>>
    %dma_wait3A_1224 = tpu.memref_squeeze %dma_wait3A_1223 : memref<1x128xi32, #tpu.memory_space<vmem>> -> memref<128xi32, #tpu.memory_space<vmem>>
    %dma_wait3A_1225 = arith.constant 0 : i32
    %dma_wait3A_1226 = tpu.memref_slice %arg7[%dma_wait3A_1225] : memref<1000000xf32, #tpu.memory_space<hbm>> -> memref<1000000xf32, #tpu.memory_space<hbm>>
    tpu.wait_indirect_dma semaphore(%arg41 : memref<!tpu.dma_semaphore, #tpu.memory_space<semaphore_mem>>) src(%dma_wait3A_1226 : memref<1000000xf32, #tpu.memory_space<hbm>>) dst(%dma_wait3A_1221 : memref<128xf32, #tpu.memory_space<vmem>>)
    %dma_wait3A_1227 = arith.constant 2 : i32
    %dma_wait3A_1228 = arith.constant 256 : i32
    %dma_wait3A_1229 = tpu.memref_slice %arg33[%dma_wait3A_1228] : memref<512xf32, #tpu.memory_space<vmem>> -> memref<128xf32, #tpu.memory_space<vmem>>
    %dma_wait3A_1230 = arith.constant 0 : i32
    %dma_wait3A_1231 = tpu.memref_slice %arg21[%dma_wait3A_1227, %dma_wait3A_1230] : memref<4x128xi32, #tpu.memory_space<vmem>> -> memref<1x128xi32, #tpu.memory_space<vmem>>
    %dma_wait3A_1232 = tpu.memref_squeeze %dma_wait3A_1231 : memref<1x128xi32, #tpu.memory_space<vmem>> -> memref<128xi32, #tpu.memory_space<vmem>>
    %dma_wait3A_1233 = arith.constant 0 : i32
    %dma_wait3A_1234 = tpu.memref_slice %arg14[%dma_wait3A_1233] : memref<1000000xf32, #tpu.memory_space<hbm>> -> memref<1000000xf32, #tpu.memory_space<hbm>>
    tpu.wait_indirect_dma semaphore(%arg41 : memref<!tpu.dma_semaphore, #tpu.memory_space<semaphore_mem>>) src(%dma_wait3A_1234 : memref<1000000xf32, #tpu.memory_space<hbm>>) dst(%dma_wait3A_1229 : memref<128xf32, #tpu.memory_space<vmem>>)
    %dma_wait3A_1235 = arith.constant 2 : i32
    %dma_wait3A_1236 = arith.constant 256 : i32
    %dma_wait3A_1237 = tpu.memref_slice %arg34[%dma_wait3A_1236] : memref<512xf32, #tpu.memory_space<vmem>> -> memref<128xf32, #tpu.memory_space<vmem>>
    %dma_wait3A_1238 = arith.constant 0 : i32
    %dma_wait3A_1239 = tpu.memref_slice %arg21[%dma_wait3A_1235, %dma_wait3A_1238] : memref<4x128xi32, #tpu.memory_space<vmem>> -> memref<1x128xi32, #tpu.memory_space<vmem>>
    %dma_wait3A_1240 = tpu.memref_squeeze %dma_wait3A_1239 : memref<1x128xi32, #tpu.memory_space<vmem>> -> memref<128xi32, #tpu.memory_space<vmem>>
    %dma_wait3A_1241 = arith.constant 0 : i32
    %dma_wait3A_1242 = tpu.memref_slice %arg18[%dma_wait3A_1241] : memref<1000000xf32, #tpu.memory_space<hbm>> -> memref<1000000xf32, #tpu.memory_space<hbm>>
    tpu.wait_indirect_dma semaphore(%arg41 : memref<!tpu.dma_semaphore, #tpu.memory_space<semaphore_mem>>) src(%dma_wait3A_1242 : memref<1000000xf32, #tpu.memory_space<hbm>>) dst(%dma_wait3A_1237 : memref<128xf32, #tpu.memory_space<vmem>>)
    %dma_wait3A_1243 = arith.constant 2 : i32
    %dma_wait3A_1244 = arith.constant 256 : i32
    %dma_wait3A_1245 = tpu.memref_slice %arg35[%dma_wait3A_1244] : memref<512xf32, #tpu.memory_space<vmem>> -> memref<128xf32, #tpu.memory_space<vmem>>
    %dma_wait3A_1246 = arith.constant 0 : i32
    %dma_wait3A_1247 = tpu.memref_slice %arg22[%dma_wait3A_1243, %dma_wait3A_1246] : memref<4x128xi32, #tpu.memory_space<vmem>> -> memref<1x128xi32, #tpu.memory_space<vmem>>
    %dma_wait3A_1248 = tpu.memref_squeeze %dma_wait3A_1247 : memref<1x128xi32, #tpu.memory_space<vmem>> -> memref<128xi32, #tpu.memory_space<vmem>>
    %dma_wait3A_1249 = arith.constant 0 : i32
    %dma_wait3A_1250 = tpu.memref_slice %arg12[%dma_wait3A_1249] : memref<100000xf32, #tpu.memory_space<hbm>> -> memref<100000xf32, #tpu.memory_space<hbm>>
    tpu.wait_indirect_dma semaphore(%arg41 : memref<!tpu.dma_semaphore, #tpu.memory_space<semaphore_mem>>) src(%dma_wait3A_1250 : memref<100000xf32, #tpu.memory_space<hbm>>) dst(%dma_wait3A_1245 : memref<128xf32, #tpu.memory_space<vmem>>)
    %dma_wait3A_1251 = arith.constant 2 : i32
    %dma_wait3A_1252 = arith.constant 256 : i32
    %dma_wait3A_1253 = tpu.memref_slice %arg36[%dma_wait3A_1252] : memref<512xf32, #tpu.memory_space<vmem>> -> memref<128xf32, #tpu.memory_space<vmem>>
    %dma_wait3A_1254 = arith.constant 0 : i32
    %dma_wait3A_1255 = tpu.memref_slice %arg24[%dma_wait3A_1251, %dma_wait3A_1254] : memref<4x128xi32, #tpu.memory_space<vmem>> -> memref<1x128xi32, #tpu.memory_space<vmem>>
    %dma_wait3A_1256 = tpu.memref_squeeze %dma_wait3A_1255 : memref<1x128xi32, #tpu.memory_space<vmem>> -> memref<128xi32, #tpu.memory_space<vmem>>
    %dma_wait3A_1257 = arith.constant 0 : i32
    %dma_wait3A_1258 = tpu.memref_slice %arg13[%dma_wait3A_1257] : memref<3200000xf32, #tpu.memory_space<hbm>> -> memref<3200000xf32, #tpu.memory_space<hbm>>
    tpu.wait_indirect_dma semaphore(%arg41 : memref<!tpu.dma_semaphore, #tpu.memory_space<semaphore_mem>>) src(%dma_wait3A_1258 : memref<3200000xf32, #tpu.memory_space<hbm>>) dst(%dma_wait3A_1253 : memref<128xf32, #tpu.memory_space<vmem>>)
    %dma_wait3A_1259 = arith.constant 2 : i32
    %dma_wait3A_1260 = arith.constant 256 : i32
    %dma_wait3A_1261 = arith.constant 0 : i32
    %dma_wait3A_1262 = tpu.memref_slice %arg37[%dma_wait3A_1260, %dma_wait3A_1261] : memref<512x128xf32, #tpu.memory_space<vmem>> -> memref<128x128xf32, #tpu.memory_space<vmem>>
    %dma_wait3A_1263 = arith.constant 0 : i32
    %dma_wait3A_1264 = tpu.memref_slice %arg21[%dma_wait3A_1259, %dma_wait3A_1263] : memref<4x128xi32, #tpu.memory_space<vmem>> -> memref<1x128xi32, #tpu.memory_space<vmem>>
    %dma_wait3A_1265 = tpu.memref_squeeze %dma_wait3A_1264 : memref<1x128xi32, #tpu.memory_space<vmem>> -> memref<128xi32, #tpu.memory_space<vmem>>
    %dma_wait3A_1266 = arith.constant 0 : i32
    %dma_wait3A_1267 = arith.constant 0 : i32
    %dma_wait3A_1268 = tpu.memref_slice %arg10[%dma_wait3A_1266, %dma_wait3A_1267] : memref<1000000x128xf32, #tpu.memory_space<hbm>> -> memref<1000000x128xf32, #tpu.memory_space<hbm>>
    tpu.wait_indirect_dma semaphore(%arg41 : memref<!tpu.dma_semaphore, #tpu.memory_space<semaphore_mem>>) src(%dma_wait3A_1268 : memref<1000000x128xf32, #tpu.memory_space<hbm>>) dst(%dma_wait3A_1262 : memref<128x128xf32, #tpu.memory_space<vmem>>)
    %dma_wait3A_1269 = arith.constant 2 : i32
    %dma_wait3A_1270 = arith.constant 256 : i32
    %dma_wait3A_1271 = arith.constant 0 : i32
    %dma_wait3A_1272 = tpu.memref_slice %arg38[%dma_wait3A_1270, %dma_wait3A_1271] : memref<512x32xf32, #tpu.memory_space<vmem>> -> memref<128x32xf32, #tpu.memory_space<vmem>>
    %dma_wait3A_1273 = arith.constant 0 : i32
    %dma_wait3A_1274 = tpu.memref_slice %arg21[%dma_wait3A_1269, %dma_wait3A_1273] : memref<4x128xi32, #tpu.memory_space<vmem>> -> memref<1x128xi32, #tpu.memory_space<vmem>>
    %dma_wait3A_1275 = tpu.memref_squeeze %dma_wait3A_1274 : memref<1x128xi32, #tpu.memory_space<vmem>> -> memref<128xi32, #tpu.memory_space<vmem>>
    %dma_wait3A_1276 = arith.constant 0 : i32
    %dma_wait3A_1277 = arith.constant 0 : i32
    %dma_wait3A_1278 = tpu.memref_slice %arg15[%dma_wait3A_1276, %dma_wait3A_1277] : memref<1000000x32xf32, #tpu.memory_space<hbm>> -> memref<1000000x32xf32, #tpu.memory_space<hbm>>
    tpu.wait_indirect_dma semaphore(%arg41 : memref<!tpu.dma_semaphore, #tpu.memory_space<semaphore_mem>>) src(%dma_wait3A_1278 : memref<1000000x32xf32, #tpu.memory_space<hbm>>) dst(%dma_wait3A_1272 : memref<128x32xf32, #tpu.memory_space<vmem>>)
    %dma_wait3A_1279 = arith.constant 2 : i32
    %dma_wait3A_1280 = arith.constant 256 : i32
    %dma_wait3A_1281 = arith.constant 0 : i32
    %dma_wait3A_1282 = tpu.memref_slice %arg39[%dma_wait3A_1280, %dma_wait3A_1281] : memref<512x32xf32, #tpu.memory_space<vmem>> -> memref<128x32xf32, #tpu.memory_space<vmem>>
    %dma_wait3A_1283 = arith.constant 0 : i32
    %dma_wait3A_1284 = tpu.memref_slice %arg22[%dma_wait3A_1279, %dma_wait3A_1283] : memref<4x128xi32, #tpu.memory_space<vmem>> -> memref<1x128xi32, #tpu.memory_space<vmem>>
    %dma_wait3A_1285 = tpu.memref_squeeze %dma_wait3A_1284 : memref<1x128xi32, #tpu.memory_space<vmem>> -> memref<128xi32, #tpu.memory_space<vmem>>
    %dma_wait3A_1286 = arith.constant 0 : i32
    %dma_wait3A_1287 = arith.constant 0 : i32
    %dma_wait3A_1288 = tpu.memref_slice %arg9[%dma_wait3A_1286, %dma_wait3A_1287] : memref<100000x32xf32, #tpu.memory_space<hbm>> -> memref<100000x32xf32, #tpu.memory_space<hbm>>
    tpu.wait_indirect_dma semaphore(%arg41 : memref<!tpu.dma_semaphore, #tpu.memory_space<semaphore_mem>>) src(%dma_wait3A_1288 : memref<100000x32xf32, #tpu.memory_space<hbm>>) dst(%dma_wait3A_1282 : memref<128x32xf32, #tpu.memory_space<vmem>>)
    %dma_wait3A_1289 = arith.constant 3 : i32
    %dma_wait3A_1290 = arith.constant 384 : i32
    %dma_wait3A_1291 = tpu.memref_slice %arg31[%dma_wait3A_1290] : memref<512xf32, #tpu.memory_space<vmem>> -> memref<128xf32, #tpu.memory_space<vmem>>
    %dma_wait3A_1292 = arith.constant 0 : i32
    %dma_wait3A_1293 = tpu.memref_slice %arg21[%dma_wait3A_1289, %dma_wait3A_1292] : memref<4x128xi32, #tpu.memory_space<vmem>> -> memref<1x128xi32, #tpu.memory_space<vmem>>
    %dma_wait3A_1294 = tpu.memref_squeeze %dma_wait3A_1293 : memref<1x128xi32, #tpu.memory_space<vmem>> -> memref<128xi32, #tpu.memory_space<vmem>>
    %dma_wait3A_1295 = arith.constant 0 : i32
    %dma_wait3A_1296 = tpu.memref_slice %arg11[%dma_wait3A_1295] : memref<1000000xf32, #tpu.memory_space<hbm>> -> memref<1000000xf32, #tpu.memory_space<hbm>>
    tpu.wait_indirect_dma semaphore(%arg41 : memref<!tpu.dma_semaphore, #tpu.memory_space<semaphore_mem>>) src(%dma_wait3A_1296 : memref<1000000xf32, #tpu.memory_space<hbm>>) dst(%dma_wait3A_1291 : memref<128xf32, #tpu.memory_space<vmem>>)
    %dma_wait3A_1297 = arith.constant 3 : i32
    %dma_wait3A_1298 = arith.constant 384 : i32
    %dma_wait3A_1299 = tpu.memref_slice %arg32[%dma_wait3A_1298] : memref<512xf32, #tpu.memory_space<vmem>> -> memref<128xf32, #tpu.memory_space<vmem>>
    %dma_wait3A_1300 = arith.constant 0 : i32
    %dma_wait3A_1301 = tpu.memref_slice %arg21[%dma_wait3A_1297, %dma_wait3A_1300] : memref<4x128xi32, #tpu.memory_space<vmem>> -> memref<1x128xi32, #tpu.memory_space<vmem>>
    %dma_wait3A_1302 = tpu.memref_squeeze %dma_wait3A_1301 : memref<1x128xi32, #tpu.memory_space<vmem>> -> memref<128xi32, #tpu.memory_space<vmem>>
    %dma_wait3A_1303 = arith.constant 0 : i32
    %dma_wait3A_1304 = tpu.memref_slice %arg7[%dma_wait3A_1303] : memref<1000000xf32, #tpu.memory_space<hbm>> -> memref<1000000xf32, #tpu.memory_space<hbm>>
    tpu.wait_indirect_dma semaphore(%arg41 : memref<!tpu.dma_semaphore, #tpu.memory_space<semaphore_mem>>) src(%dma_wait3A_1304 : memref<1000000xf32, #tpu.memory_space<hbm>>) dst(%dma_wait3A_1299 : memref<128xf32, #tpu.memory_space<vmem>>)
    %dma_wait3A_1305 = arith.constant 3 : i32
    %dma_wait3A_1306 = arith.constant 384 : i32
    %dma_wait3A_1307 = tpu.memref_slice %arg33[%dma_wait3A_1306] : memref<512xf32, #tpu.memory_space<vmem>> -> memref<128xf32, #tpu.memory_space<vmem>>
    %dma_wait3A_1308 = arith.constant 0 : i32
    %dma_wait3A_1309 = tpu.memref_slice %arg21[%dma_wait3A_1305, %dma_wait3A_1308] : memref<4x128xi32, #tpu.memory_space<vmem>> -> memref<1x128xi32, #tpu.memory_space<vmem>>
    %dma_wait3A_1310 = tpu.memref_squeeze %dma_wait3A_1309 : memref<1x128xi32, #tpu.memory_space<vmem>> -> memref<128xi32, #tpu.memory_space<vmem>>
    %dma_wait3A_1311 = arith.constant 0 : i32
    %dma_wait3A_1312 = tpu.memref_slice %arg14[%dma_wait3A_1311] : memref<1000000xf32, #tpu.memory_space<hbm>> -> memref<1000000xf32, #tpu.memory_space<hbm>>
    tpu.wait_indirect_dma semaphore(%arg41 : memref<!tpu.dma_semaphore, #tpu.memory_space<semaphore_mem>>) src(%dma_wait3A_1312 : memref<1000000xf32, #tpu.memory_space<hbm>>) dst(%dma_wait3A_1307 : memref<128xf32, #tpu.memory_space<vmem>>)
    %dma_wait3A_1313 = arith.constant 3 : i32
    %dma_wait3A_1314 = arith.constant 384 : i32
    %dma_wait3A_1315 = tpu.memref_slice %arg34[%dma_wait3A_1314] : memref<512xf32, #tpu.memory_space<vmem>> -> memref<128xf32, #tpu.memory_space<vmem>>
    %dma_wait3A_1316 = arith.constant 0 : i32
    %dma_wait3A_1317 = tpu.memref_slice %arg21[%dma_wait3A_1313, %dma_wait3A_1316] : memref<4x128xi32, #tpu.memory_space<vmem>> -> memref<1x128xi32, #tpu.memory_space<vmem>>
    %dma_wait3A_1318 = tpu.memref_squeeze %dma_wait3A_1317 : memref<1x128xi32, #tpu.memory_space<vmem>> -> memref<128xi32, #tpu.memory_space<vmem>>
    %dma_wait3A_1319 = arith.constant 0 : i32
    %dma_wait3A_1320 = tpu.memref_slice %arg18[%dma_wait3A_1319] : memref<1000000xf32, #tpu.memory_space<hbm>> -> memref<1000000xf32, #tpu.memory_space<hbm>>
    tpu.wait_indirect_dma semaphore(%arg41 : memref<!tpu.dma_semaphore, #tpu.memory_space<semaphore_mem>>) src(%dma_wait3A_1320 : memref<1000000xf32, #tpu.memory_space<hbm>>) dst(%dma_wait3A_1315 : memref<128xf32, #tpu.memory_space<vmem>>)
    %dma_wait3A_1321 = arith.constant 3 : i32
    %dma_wait3A_1322 = arith.constant 384 : i32
    %dma_wait3A_1323 = tpu.memref_slice %arg35[%dma_wait3A_1322] : memref<512xf32, #tpu.memory_space<vmem>> -> memref<128xf32, #tpu.memory_space<vmem>>
    %dma_wait3A_1324 = arith.constant 0 : i32
    %dma_wait3A_1325 = tpu.memref_slice %arg22[%dma_wait3A_1321, %dma_wait3A_1324] : memref<4x128xi32, #tpu.memory_space<vmem>> -> memref<1x128xi32, #tpu.memory_space<vmem>>
    %dma_wait3A_1326 = tpu.memref_squeeze %dma_wait3A_1325 : memref<1x128xi32, #tpu.memory_space<vmem>> -> memref<128xi32, #tpu.memory_space<vmem>>
    %dma_wait3A_1327 = arith.constant 0 : i32
    %dma_wait3A_1328 = tpu.memref_slice %arg12[%dma_wait3A_1327] : memref<100000xf32, #tpu.memory_space<hbm>> -> memref<100000xf32, #tpu.memory_space<hbm>>
    tpu.wait_indirect_dma semaphore(%arg41 : memref<!tpu.dma_semaphore, #tpu.memory_space<semaphore_mem>>) src(%dma_wait3A_1328 : memref<100000xf32, #tpu.memory_space<hbm>>) dst(%dma_wait3A_1323 : memref<128xf32, #tpu.memory_space<vmem>>)
    %dma_wait3A_1329 = arith.constant 3 : i32
    %dma_wait3A_1330 = arith.constant 384 : i32
    %dma_wait3A_1331 = tpu.memref_slice %arg36[%dma_wait3A_1330] : memref<512xf32, #tpu.memory_space<vmem>> -> memref<128xf32, #tpu.memory_space<vmem>>
    %dma_wait3A_1332 = arith.constant 0 : i32
    %dma_wait3A_1333 = tpu.memref_slice %arg24[%dma_wait3A_1329, %dma_wait3A_1332] : memref<4x128xi32, #tpu.memory_space<vmem>> -> memref<1x128xi32, #tpu.memory_space<vmem>>
    %dma_wait3A_1334 = tpu.memref_squeeze %dma_wait3A_1333 : memref<1x128xi32, #tpu.memory_space<vmem>> -> memref<128xi32, #tpu.memory_space<vmem>>
    %dma_wait3A_1335 = arith.constant 0 : i32
    %dma_wait3A_1336 = tpu.memref_slice %arg13[%dma_wait3A_1335] : memref<3200000xf32, #tpu.memory_space<hbm>> -> memref<3200000xf32, #tpu.memory_space<hbm>>
    tpu.wait_indirect_dma semaphore(%arg41 : memref<!tpu.dma_semaphore, #tpu.memory_space<semaphore_mem>>) src(%dma_wait3A_1336 : memref<3200000xf32, #tpu.memory_space<hbm>>) dst(%dma_wait3A_1331 : memref<128xf32, #tpu.memory_space<vmem>>)
    %dma_wait3A_1337 = arith.constant 3 : i32
    %dma_wait3A_1338 = arith.constant 384 : i32
    %dma_wait3A_1339 = arith.constant 0 : i32
    %dma_wait3A_1340 = tpu.memref_slice %arg37[%dma_wait3A_1338, %dma_wait3A_1339] : memref<512x128xf32, #tpu.memory_space<vmem>> -> memref<128x128xf32, #tpu.memory_space<vmem>>
    %dma_wait3A_1341 = arith.constant 0 : i32
    %dma_wait3A_1342 = tpu.memref_slice %arg21[%dma_wait3A_1337, %dma_wait3A_1341] : memref<4x128xi32, #tpu.memory_space<vmem>> -> memref<1x128xi32, #tpu.memory_space<vmem>>
    %dma_wait3A_1343 = tpu.memref_squeeze %dma_wait3A_1342 : memref<1x128xi32, #tpu.memory_space<vmem>> -> memref<128xi32, #tpu.memory_space<vmem>>
    %dma_wait3A_1344 = arith.constant 0 : i32
    %dma_wait3A_1345 = arith.constant 0 : i32
    %dma_wait3A_1346 = tpu.memref_slice %arg10[%dma_wait3A_1344, %dma_wait3A_1345] : memref<1000000x128xf32, #tpu.memory_space<hbm>> -> memref<1000000x128xf32, #tpu.memory_space<hbm>>
    tpu.wait_indirect_dma semaphore(%arg41 : memref<!tpu.dma_semaphore, #tpu.memory_space<semaphore_mem>>) src(%dma_wait3A_1346 : memref<1000000x128xf32, #tpu.memory_space<hbm>>) dst(%dma_wait3A_1340 : memref<128x128xf32, #tpu.memory_space<vmem>>)
    %dma_wait3A_1347 = arith.constant 3 : i32
    %dma_wait3A_1348 = arith.constant 384 : i32
    %dma_wait3A_1349 = arith.constant 0 : i32
    %dma_wait3A_1350 = tpu.memref_slice %arg38[%dma_wait3A_1348, %dma_wait3A_1349] : memref<512x32xf32, #tpu.memory_space<vmem>> -> memref<128x32xf32, #tpu.memory_space<vmem>>
    %dma_wait3A_1351 = arith.constant 0 : i32
    %dma_wait3A_1352 = tpu.memref_slice %arg21[%dma_wait3A_1347, %dma_wait3A_1351] : memref<4x128xi32, #tpu.memory_space<vmem>> -> memref<1x128xi32, #tpu.memory_space<vmem>>
    %dma_wait3A_1353 = tpu.memref_squeeze %dma_wait3A_1352 : memref<1x128xi32, #tpu.memory_space<vmem>> -> memref<128xi32, #tpu.memory_space<vmem>>
    %dma_wait3A_1354 = arith.constant 0 : i32
    %dma_wait3A_1355 = arith.constant 0 : i32
    %dma_wait3A_1356 = tpu.memref_slice %arg15[%dma_wait3A_1354, %dma_wait3A_1355] : memref<1000000x32xf32, #tpu.memory_space<hbm>> -> memref<1000000x32xf32, #tpu.memory_space<hbm>>
    tpu.wait_indirect_dma semaphore(%arg41 : memref<!tpu.dma_semaphore, #tpu.memory_space<semaphore_mem>>) src(%dma_wait3A_1356 : memref<1000000x32xf32, #tpu.memory_space<hbm>>) dst(%dma_wait3A_1350 : memref<128x32xf32, #tpu.memory_space<vmem>>)
    %dma_wait3A_1357 = arith.constant 3 : i32
    %dma_wait3A_1358 = arith.constant 384 : i32
    %dma_wait3A_1359 = arith.constant 0 : i32
    %dma_wait3A_1360 = tpu.memref_slice %arg39[%dma_wait3A_1358, %dma_wait3A_1359] : memref<512x32xf32, #tpu.memory_space<vmem>> -> memref<128x32xf32, #tpu.memory_space<vmem>>
    %dma_wait3A_1361 = arith.constant 0 : i32
    %dma_wait3A_1362 = tpu.memref_slice %arg22[%dma_wait3A_1357, %dma_wait3A_1361] : memref<4x128xi32, #tpu.memory_space<vmem>> -> memref<1x128xi32, #tpu.memory_space<vmem>>
    %dma_wait3A_1363 = tpu.memref_squeeze %dma_wait3A_1362 : memref<1x128xi32, #tpu.memory_space<vmem>> -> memref<128xi32, #tpu.memory_space<vmem>>
    %dma_wait3A_1364 = arith.constant 0 : i32
    %dma_wait3A_1365 = arith.constant 0 : i32
    %dma_wait3A_1366 = tpu.memref_slice %arg9[%dma_wait3A_1364, %dma_wait3A_1365] : memref<100000x32xf32, #tpu.memory_space<hbm>> -> memref<100000x32xf32, #tpu.memory_space<hbm>>
    tpu.wait_indirect_dma semaphore(%arg41 : memref<!tpu.dma_semaphore, #tpu.memory_space<semaphore_mem>>) src(%dma_wait3A_1366 : memref<100000x32xf32, #tpu.memory_space<hbm>>) dst(%dma_wait3A_1360 : memref<128x32xf32, #tpu.memory_space<vmem>>)
    %get3A_1367 = arith.constant 0 : index
    %get3A_1368 = tpu.vector_load %arg27[%get3A_1367] {strides = array<i32>} : memref<16xf32, #tpu.memory_space<vmem>>, vector<16xf32>,
    %scan3A = arith.constant 0 : i32
    %scan3A_1369 = arith.constant 0 : i32
    %scan3A_1370 = arith.constant 32 : i32
    %scan3A_1371 = arith.addi %scan3A_1369, %scan3A_1370 : i32
    %scan3A_1372 = arith.constant 1 : i32
    scf.for %scan3A_1374 = %scan3A_1369 to %scan3A_1371 step %scan3A_1372  : i32 {
      %mul3A_1375 = arith.constant 16 : i32
      %mul3A_1376 = arith.muli %scan3A_1374, %mul3A_1375 : i32
      %get3A_1377 = arith.index_cast %mul3A_1376 : i32 to index
      %get3A_1378 = tpu.vector_load %arg25[%get3A_1377] {strides = array<i32>} : memref<512xi32, #tpu.memory_space<vmem>>, vector<16xi32>,
      %convert_element_type3A = arith.sitofp %get3A_1378 : vector<16xi32> to vector<16xf32>
      %get3A_1379 = arith.index_cast %mul3A_1376 : i32 to index
      %get3A_1380 = tpu.vector_load %arg32[%get3A_1379] {strides = array<i32>} : memref<512xf32, #tpu.memory_space<vmem>>, vector<16xf32>,
      %sub3A = arith.subf %convert_element_type3A, %get3A_1380 : vector<16xf32>
      %abs3A = math.absf %sub3A : vector<16xf32>
      %bitcast_convert_type3A = tpu.bitcast %abs3A : vector<16xf32> -> vector<16xi32>
      %shift_right_arithmetic3A = arith.constant 23 : i32
      %shift_right_arithmetic3A_1381 = vector.broadcast %shift_right_arithmetic3A : i32 to vector<16xi32>
      %shift_right_arithmetic3A_1382 = arith.shrsi %bitcast_convert_type3A, %shift_right_arithmetic3A_1381 : vector<16xi32>
      %sub3A_1383 = arith.constant 127 : i32
      %sub3A_1384 = vector.broadcast %sub3A_1383 : i32 to vector<16xi32>
      %sub3A_1385 = arith.subi %shift_right_arithmetic3A_1382, %sub3A_1384 : vector<16xi32>
      %and3A = arith.constant 8388607 : i32
      %and3A_1386 = vector.broadcast %and3A : i32 to vector<16xi32>
      %and3A_1387 = arith.andi %bitcast_convert_type3A, %and3A_1386 : vector<16xi32>
      %or3A = arith.constant 1065353216 : i32
      %or3A_1388 = vector.broadcast %or3A : i32 to vector<16xi32>
      %or3A_1389 = arith.ori %and3A_1387, %or3A_1388 : vector<16xi32>
      %bitcast_convert_type3A_1390 = tpu.bitcast %or3A_1389 : vector<16xi32> -> vector<16xf32>
      %sub3A_1391 = arith.constant 1.000000e+00 : f32
      %sub3A_1392 = vector.broadcast %sub3A_1391 : f32 to vector<16xf32>
      %sub3A_1393 = arith.subf %bitcast_convert_type3A_1390, %sub3A_1392 : vector<16xf32>
      %add3A_1394 = arith.constant 1.000000e+00 : f32
      %add3A_1395 = vector.broadcast %add3A_1394 : f32 to vector<16xf32>
      %add3A_1396 = arith.addf %bitcast_convert_type3A_1390, %add3A_1395 : vector<16xf32>
      %div3A = arith.divf %sub3A_1393, %add3A_1396 : vector<16xf32>
      %mul3A_1397 = arith.mulf %div3A, %div3A : vector<16xf32>
      %mul3A_1398 = arith.constant 2.000000e+00 : f32
      %mul3A_1399 = vector.broadcast %mul3A_1398 : f32 to vector<16xf32>
      %mul3A_1400 = arith.mulf %mul3A_1399, %div3A : vector<16xf32>
      %mul3A_1401 = arith.constant 0.142857149 : f32
      %mul3A_1402 = vector.broadcast %mul3A_1401 : f32 to vector<16xf32>
      %mul3A_1403 = arith.mulf %mul3A_1397, %mul3A_1402 : vector<16xf32>
      %add3A_1404 = arith.constant 2.000000e-01 : f32
      %add3A_1405 = vector.broadcast %add3A_1404 : f32 to vector<16xf32>
      %add3A_1406 = arith.addf %add3A_1405, %mul3A_1403 : vector<16xf32>
      %mul3A_1407 = arith.mulf %mul3A_1397, %add3A_1406 : vector<16xf32>
      %add3A_1408 = arith.constant 0.333333343 : f32
      %add3A_1409 = vector.broadcast %add3A_1408 : f32 to vector<16xf32>
      %add3A_1410 = arith.addf %add3A_1409, %mul3A_1407 : vector<16xf32>
      %mul3A_1411 = arith.mulf %mul3A_1397, %add3A_1410 : vector<16xf32>
      %add3A_1412 = arith.constant 1.000000e+00 : f32
      %add3A_1413 = vector.broadcast %add3A_1412 : f32 to vector<16xf32>
      %add3A_1414 = arith.addf %add3A_1413, %mul3A_1411 : vector<16xf32>
      %mul3A_1415 = arith.mulf %mul3A_1400, %add3A_1414 : vector<16xf32>
      %convert_element_type3A_1416 = arith.sitofp %sub3A_1385 : vector<16xi32> to vector<16xf32>
      %mul3A_1417 = arith.constant 0.693147182 : f32
      %mul3A_1418 = vector.broadcast %mul3A_1417 : f32 to vector<16xf32>
      %mul3A_1419 = arith.mulf %convert_element_type3A_1416, %mul3A_1418 : vector<16xf32>
      %add3A_1420 = arith.addf %mul3A_1419, %mul3A_1415 : vector<16xf32>
      %sign3A = tpu.bitcast %sub3A : vector<16xf32> -> vector<16xi32>
      %sign3A_1421 = arith.constant -2147483648 : i32
      %sign3A_1422 = vector.broadcast %sign3A_1421 : i32 to vector<16xi32>
      %sign3A_1423 = arith.andi %sign3A, %sign3A_1422 : vector<16xi32>
      %sign3A_1424 = arith.constant 1065353216 : i32
      %sign3A_1425 = vector.broadcast %sign3A_1424 : i32 to vector<16xi32>
      %sign3A_1426 = arith.ori %sign3A_1425, %sign3A_1423 : vector<16xi32>
      %sign3A_1427 = tpu.bitcast %sign3A_1426 : vector<16xi32> -> vector<16xf32>
      %sign3A_1428 = math.absf %sub3A : vector<16xf32>
      %sign3A_1429 = arith.constant 0.000000e+00 : f32
      %sign3A_1430 = vector.broadcast %sign3A_1429 : f32 to vector<16xf32>
      %sign3A_1431 = arith.cmpf ogt, %sign3A_1428, %sign3A_1430 : vector<16xf32>
      %sign3A_1432 = arith.select %sign3A_1431, %sign3A_1427, %sub3A : vector<16xi1>, vector<16xf32>
      %mul3A_1433 = arith.constant 4.000000e-01 : f32
      %mul3A_1434 = vector.broadcast %mul3A_1433 : f32 to vector<16xf32>
      %mul3A_1435 = arith.mulf %mul3A_1434, %add3A_1420 : vector<16xf32>
      %exp3A = math.exp %mul3A_1435 : vector<16xf32>
      %mul3A_1436 = arith.mulf %sign3A_1432, %exp3A : vector<16xf32>
      %get3A_1437 = arith.index_cast %mul3A_1376 : i32 to index
      %get3A_1438 = tpu.vector_load %arg26[%get3A_1437] {strides = array<i32>} : memref<512xi32, #tpu.memory_space<vmem>>, vector<16xi32>,
      %gather3A = tpu.vector_load_idx %arg28[%get3A_1438] : memref<128xf32, #tpu.memory_space<vmem>>[vector<16xi32>], vector<16xf32>,
      %gather3A_1439 = tpu.vector_load_idx %arg29[%get3A_1438] : memref<128xf32, #tpu.memory_space<vmem>>[vector<16xi32>], vector<16xf32>,
      %get3A_1440 = arith.index_cast %mul3A_1376 : i32 to index
      %get3A_1441 = tpu.vector_load %arg31[%get3A_1440] {strides = array<i32>} : memref<512xf32, #tpu.memory_space<vmem>>, vector<16xf32>,
      %get3A_1442 = arith.index_cast %mul3A_1376 : i32 to index
      %get3A_1443 = tpu.vector_load %arg33[%get3A_1442] {strides = array<i32>} : memref<512xf32, #tpu.memory_space<vmem>>, vector<16xf32>,
      %mul3A_1444 = arith.mulf %get3A_1443, %mul3A_1436 : vector<16xf32>
      %add3A_1445 = arith.addf %get3A_1441, %mul3A_1444 : vector<16xf32>
      %add3A_1446 = arith.addf %add3A_1445, %gather3A : vector<16xf32>
      %get3A_1447 = arith.index_cast %mul3A_1376 : i32 to index
      %get3A_1448 = tpu.vector_load %arg35[%get3A_1447] {strides = array<i32>} : memref<512xf32, #tpu.memory_space<vmem>>, vector<16xf32>,
      %get3A_1449 = arith.index_cast %mul3A_1376 : i32 to index
      %get3A_1450 = tpu.vector_load %arg36[%get3A_1449] {strides = array<i32>} : memref<512xf32, #tpu.memory_space<vmem>>, vector<16xf32>,
      %add3A_1451 = arith.addf %get3A_1448, %get3A_1450 : vector<16xf32>
      %get3A_1452 = arith.index_cast %mul3A_1376 : i32 to index
      %get3A_1453 = tpu.vector_load %arg34[%get3A_1452] {strides = array<i32>} : memref<512xf32, #tpu.memory_space<vmem>>, vector<16xf32>,
      %add3A_1454 = arith.addf %get3A_1453, %gather3A_1439 : vector<16xf32>
      %mul3A_1455 = arith.mulf %add3A_1451, %add3A_1454 : vector<16xf32>
      %mul3A_1456 = arith.constant 16 : i32
      %mul3A_1457 = arith.muli %scan3A_1374, %mul3A_1456 : i32
      %iota3A = tpu.iota {dimensions = array<i32: 0>} : vector<16xi32>
      %add3A_1458 = vector.broadcast %mul3A_1457 : i32 to vector<16xi32>
      %add3A_1459 = arith.addi %add3A_1458, %iota3A : vector<16xi32>
      %broadcast_in_dim3A = arith.constant 0.000000e+00 : f32
      %broadcast_in_dim3A_1460 = vector.broadcast %broadcast_in_dim3A : f32 to vector<16xf32>
      %broadcast_in_dim3A_1461 = arith.constant 0 : i32
      %broadcast_in_dim3A_1462 = vector.broadcast %broadcast_in_dim3A_1461 : i32 to vector<16xi32>
      %gather3A_1463 = tpu.vector_load_idx %arg37[%add3A_1459, %broadcast_in_dim3A_1462] : memref<512x128xf32, #tpu.memory_space<vmem>>[vector<16xi32>, vector<16xi32>], vector<16xf32>,
      %gather3A_1464 = tpu.vector_load_idx %arg38[%add3A_1459, %broadcast_in_dim3A_1462] : memref<512x32xf32, #tpu.memory_space<vmem>>[vector<16xi32>, vector<16xi32>], vector<16xf32>,
      %gather3A_1465 = tpu.vector_load_idx %arg39[%add3A_1459, %broadcast_in_dim3A_1462] : memref<512x32xf32, #tpu.memory_space<vmem>>[vector<16xi32>, vector<16xi32>], vector<16xf32>,
      %gather3A_1466 = tpu.vector_load_idx %arg30[%broadcast_in_dim3A_1462, %get3A_1438] : memref<32x128xf32, #tpu.memory_space<vmem>>[vector<16xi32>, vector<16xi32>], vector<16xf32>,
      %mul3A_1467 = arith.mulf %gather3A_1464, %mul3A_1436 : vector<16xf32>
      %add3A_1468 = arith.addf %gather3A_1463, %mul3A_1467 : vector<16xf32>
      %add3A_1469 = arith.addf %add3A_1468, %gather3A_1466 : vector<16xf32>
      %mul3A_1470 = arith.mulf %add3A_1469, %gather3A_1465 : vector<16xf32>
      %add3A_1471 = arith.addf %broadcast_in_dim3A_1460, %mul3A_1470 : vector<16xf32>
      %broadcast_in_dim3A_1472 = arith.constant 1 : i32
      %broadcast_in_dim3A_1473 = vector.broadcast %broadcast_in_dim3A_1472 : i32 to vector<16xi32>
      %gather3A_1474 = tpu.vector_load_idx %arg37[%add3A_1459, %broadcast_in_dim3A_1473] : memref<512x128xf32, #tpu.memory_space<vmem>>[vector<16xi32>, vector<16xi32>], vector<16xf32>,
      %gather3A_1475 = tpu.vector_load_idx %arg38[%add3A_1459, %broadcast_in_dim3A_1473] : memref<512x32xf32, #tpu.memory_space<vmem>>[vector<16xi32>, vector<16xi32>], vector<16xf32>,
      %gather3A_1476 = tpu.vector_load_idx %arg39[%add3A_1459, %broadcast_in_dim3A_1473] : memref<512x32xf32, #tpu.memory_space<vmem>>[vector<16xi32>, vector<16xi32>], vector<16xf32>,
      %gather3A_1477 = tpu.vector_load_idx %arg30[%broadcast_in_dim3A_1473, %get3A_1438] : memref<32x128xf32, #tpu.memory_space<vmem>>[vector<16xi32>, vector<16xi32>], vector<16xf32>,
      %mul3A_1478 = arith.mulf %gather3A_1475, %mul3A_1436 : vector<16xf32>
      %add3A_1479 = arith.addf %gather3A_1474, %mul3A_1478 : vector<16xf32>
      %add3A_1480 = arith.addf %add3A_1479, %gather3A_1477 : vector<16xf32>
      %mul3A_1481 = arith.mulf %add3A_1480, %gather3A_1476 : vector<16xf32>
      %add3A_1482 = arith.addf %add3A_1471, %mul3A_1481 : vector<16xf32>
      %broadcast_in_dim3A_1483 = arith.constant 2 : i32
      %broadcast_in_dim3A_1484 = vector.broadcast %broadcast_in_dim3A_1483 : i32 to vector<16xi32>
      %gather3A_1485 = tpu.vector_load_idx %arg37[%add3A_1459, %broadcast_in_dim3A_1484] : memref<512x128xf32, #tpu.memory_space<vmem>>[vector<16xi32>, vector<16xi32>], vector<16xf32>,
      %gather3A_1486 = tpu.vector_load_idx %arg38[%add3A_1459, %broadcast_in_dim3A_1484] : memref<512x32xf32, #tpu.memory_space<vmem>>[vector<16xi32>, vector<16xi32>], vector<16xf32>,
      %gather3A_1487 = tpu.vector_load_idx %arg39[%add3A_1459, %broadcast_in_dim3A_1484] : memref<512x32xf32, #tpu.memory_space<vmem>>[vector<16xi32>, vector<16xi32>], vector<16xf32>,
      %gather3A_1488 = tpu.vector_load_idx %arg30[%broadcast_in_dim3A_1484, %get3A_1438] : memref<32x128xf32, #tpu.memory_space<vmem>>[vector<16xi32>, vector<16xi32>], vector<16xf32>,
      %mul3A_1489 = arith.mulf %gather3A_1486, %mul3A_1436 : vector<16xf32>
      %add3A_1490 = arith.addf %gather3A_1485, %mul3A_1489 : vector<16xf32>
      %add3A_1491 = arith.addf %add3A_1490, %gather3A_1488 : vector<16xf32>
      %mul3A_1492 = arith.mulf %add3A_1491, %gather3A_1487 : vector<16xf32>
      %add3A_1493 = arith.addf %add3A_1482, %mul3A_1492 : vector<16xf32>
      %broadcast_in_dim3A_1494 = arith.constant 3 : i32
      %broadcast_in_dim3A_1495 = vector.broadcast %broadcast_in_dim3A_1494 : i32 to vector<16xi32>
      %gather3A_1496 = tpu.vector_load_idx %arg37[%add3A_1459, %broadcast_in_dim3A_1495] : memref<512x128xf32, #tpu.memory_space<vmem>>[vector<16xi32>, vector<16xi32>], vector<16xf32>,
      %gather3A_1497 = tpu.vector_load_idx %arg38[%add3A_1459, %broadcast_in_dim3A_1495] : memref<512x32xf32, #tpu.memory_space<vmem>>[vector<16xi32>, vector<16xi32>], vector<16xf32>,
      %gather3A_1498 = tpu.vector_load_idx %arg39[%add3A_1459, %broadcast_in_dim3A_1495] : memref<512x32xf32, #tpu.memory_space<vmem>>[vector<16xi32>, vector<16xi32>], vector<16xf32>,
      %gather3A_1499 = tpu.vector_load_idx %arg30[%broadcast_in_dim3A_1495, %get3A_1438] : memref<32x128xf32, #tpu.memory_space<vmem>>[vector<16xi32>, vector<16xi32>], vector<16xf32>,
      %mul3A_1500 = arith.mulf %gather3A_1497, %mul3A_1436 : vector<16xf32>
      %add3A_1501 = arith.addf %gather3A_1496, %mul3A_1500 : vector<16xf32>
      %add3A_1502 = arith.addf %add3A_1501, %gather3A_1499 : vector<16xf32>
      %mul3A_1503 = arith.mulf %add3A_1502, %gather3A_1498 : vector<16xf32>
      %add3A_1504 = arith.addf %add3A_1493, %mul3A_1503 : vector<16xf32>
      %broadcast_in_dim3A_1505 = arith.constant 4 : i32
      %broadcast_in_dim3A_1506 = vector.broadcast %broadcast_in_dim3A_1505 : i32 to vector<16xi32>
      %gather3A_1507 = tpu.vector_load_idx %arg37[%add3A_1459, %broadcast_in_dim3A_1506] : memref<512x128xf32, #tpu.memory_space<vmem>>[vector<16xi32>, vector<16xi32>], vector<16xf32>,
      %gather3A_1508 = tpu.vector_load_idx %arg38[%add3A_1459, %broadcast_in_dim3A_1506] : memref<512x32xf32, #tpu.memory_space<vmem>>[vector<16xi32>, vector<16xi32>], vector<16xf32>,
      %gather3A_1509 = tpu.vector_load_idx %arg39[%add3A_1459, %broadcast_in_dim3A_1506] : memref<512x32xf32, #tpu.memory_space<vmem>>[vector<16xi32>, vector<16xi32>], vector<16xf32>,
      %gather3A_1510 = tpu.vector_load_idx %arg30[%broadcast_in_dim3A_1506, %get3A_1438] : memref<32x128xf32, #tpu.memory_space<vmem>>[vector<16xi32>, vector<16xi32>], vector<16xf32>,
      %mul3A_1511 = arith.mulf %gather3A_1508, %mul3A_1436 : vector<16xf32>
      %add3A_1512 = arith.addf %gather3A_1507, %mul3A_1511 : vector<16xf32>
      %add3A_1513 = arith.addf %add3A_1512, %gather3A_1510 : vector<16xf32>
      %mul3A_1514 = arith.mulf %add3A_1513, %gather3A_1509 : vector<16xf32>
      %add3A_1515 = arith.addf %add3A_1504, %mul3A_1514 : vector<16xf32>
      %broadcast_in_dim3A_1516 = arith.constant 5 : i32
      %broadcast_in_dim3A_1517 = vector.broadcast %broadcast_in_dim3A_1516 : i32 to vector<16xi32>
      %gather3A_1518 = tpu.vector_load_idx %arg37[%add3A_1459, %broadcast_in_dim3A_1517] : memref<512x128xf32, #tpu.memory_space<vmem>>[vector<16xi32>, vector<16xi32>], vector<16xf32>,
      %gather3A_1519 = tpu.vector_load_idx %arg38[%add3A_1459, %broadcast_in_dim3A_1517] : memref<512x32xf32, #tpu.memory_space<vmem>>[vector<16xi32>, vector<16xi32>], vector<16xf32>,
      %gather3A_1520 = tpu.vector_load_idx %arg39[%add3A_1459, %broadcast_in_dim3A_1517] : memref<512x32xf32, #tpu.memory_space<vmem>>[vector<16xi32>, vector<16xi32>], vector<16xf32>,
      %gather3A_1521 = tpu.vector_load_idx %arg30[%broadcast_in_dim3A_1517, %get3A_1438] : memref<32x128xf32, #tpu.memory_space<vmem>>[vector<16xi32>, vector<16xi32>], vector<16xf32>,
      %mul3A_1522 = arith.mulf %gather3A_1519, %mul3A_1436 : vector<16xf32>
      %add3A_1523 = arith.addf %gather3A_1518, %mul3A_1522 : vector<16xf32>
      %add3A_1524 = arith.addf %add3A_1523, %gather3A_1521 : vector<16xf32>
      %mul3A_1525 = arith.mulf %add3A_1524, %gather3A_1520 : vector<16xf32>
      %add3A_1526 = arith.addf %add3A_1515, %mul3A_1525 : vector<16xf32>
      %broadcast_in_dim3A_1527 = arith.constant 6 : i32
      %broadcast_in_dim3A_1528 = vector.broadcast %broadcast_in_dim3A_1527 : i32 to vector<16xi32>
      %gather3A_1529 = tpu.vector_load_idx %arg37[%add3A_1459, %broadcast_in_dim3A_1528] : memref<512x128xf32, #tpu.memory_space<vmem>>[vector<16xi32>, vector<16xi32>], vector<16xf32>,
      %gather3A_1530 = tpu.vector_load_idx %arg38[%add3A_1459, %broadcast_in_dim3A_1528] : memref<512x32xf32, #tpu.memory_space<vmem>>[vector<16xi32>, vector<16xi32>], vector<16xf32>,
      %gather3A_1531 = tpu.vector_load_idx %arg39[%add3A_1459, %broadcast_in_dim3A_1528] : memref<512x32xf32, #tpu.memory_space<vmem>>[vector<16xi32>, vector<16xi32>], vector<16xf32>,
      %gather3A_1532 = tpu.vector_load_idx %arg30[%broadcast_in_dim3A_1528, %get3A_1438] : memref<32x128xf32, #tpu.memory_space<vmem>>[vector<16xi32>, vector<16xi32>], vector<16xf32>,
      %mul3A_1533 = arith.mulf %gather3A_1530, %mul3A_1436 : vector<16xf32>
      %add3A_1534 = arith.addf %gather3A_1529, %mul3A_1533 : vector<16xf32>
      %add3A_1535 = arith.addf %add3A_1534, %gather3A_1532 : vector<16xf32>
      %mul3A_1536 = arith.mulf %add3A_1535, %gather3A_1531 : vector<16xf32>
      %add3A_1537 = arith.addf %add3A_1526, %mul3A_1536 : vector<16xf32>
      %broadcast_in_dim3A_1538 = arith.constant 7 : i32
      %broadcast_in_dim3A_1539 = vector.broadcast %broadcast_in_dim3A_1538 : i32 to vector<16xi32>
      %gather3A_1540 = tpu.vector_load_idx %arg37[%add3A_1459, %broadcast_in_dim3A_1539] : memref<512x128xf32, #tpu.memory_space<vmem>>[vector<16xi32>, vector<16xi32>], vector<16xf32>,
      %gather3A_1541 = tpu.vector_load_idx %arg38[%add3A_1459, %broadcast_in_dim3A_1539] : memref<512x32xf32, #tpu.memory_space<vmem>>[vector<16xi32>, vector<16xi32>], vector<16xf32>,
      %gather3A_1542 = tpu.vector_load_idx %arg39[%add3A_1459, %broadcast_in_dim3A_1539] : memref<512x32xf32, #tpu.memory_space<vmem>>[vector<16xi32>, vector<16xi32>], vector<16xf32>,
      %gather3A_1543 = tpu.vector_load_idx %arg30[%broadcast_in_dim3A_1539, %get3A_1438] : memref<32x128xf32, #tpu.memory_space<vmem>>[vector<16xi32>, vector<16xi32>], vector<16xf32>,
      %mul3A_1544 = arith.mulf %gather3A_1541, %mul3A_1436 : vector<16xf32>
      %add3A_1545 = arith.addf %gather3A_1540, %mul3A_1544 : vector<16xf32>
      %add3A_1546 = arith.addf %add3A_1545, %gather3A_1543 : vector<16xf32>
      %mul3A_1547 = arith.mulf %add3A_1546, %gather3A_1542 : vector<16xf32>
      %add3A_1548 = arith.addf %add3A_1537, %mul3A_1547 : vector<16xf32>
      %broadcast_in_dim3A_1549 = arith.constant 8 : i32
      %broadcast_in_dim3A_1550 = vector.broadcast %broadcast_in_dim3A_1549 : i32 to vector<16xi32>
      %gather3A_1551 = tpu.vector_load_idx %arg37[%add3A_1459, %broadcast_in_dim3A_1550] : memref<512x128xf32, #tpu.memory_space<vmem>>[vector<16xi32>, vector<16xi32>], vector<16xf32>,
      %gather3A_1552 = tpu.vector_load_idx %arg38[%add3A_1459, %broadcast_in_dim3A_1550] : memref<512x32xf32, #tpu.memory_space<vmem>>[vector<16xi32>, vector<16xi32>], vector<16xf32>,
      %gather3A_1553 = tpu.vector_load_idx %arg39[%add3A_1459, %broadcast_in_dim3A_1550] : memref<512x32xf32, #tpu.memory_space<vmem>>[vector<16xi32>, vector<16xi32>], vector<16xf32>,
      %gather3A_1554 = tpu.vector_load_idx %arg30[%broadcast_in_dim3A_1550, %get3A_1438] : memref<32x128xf32, #tpu.memory_space<vmem>>[vector<16xi32>, vector<16xi32>], vector<16xf32>,
      %mul3A_1555 = arith.mulf %gather3A_1552, %mul3A_1436 : vector<16xf32>
      %add3A_1556 = arith.addf %gather3A_1551, %mul3A_1555 : vector<16xf32>
      %add3A_1557 = arith.addf %add3A_1556, %gather3A_1554 : vector<16xf32>
      %mul3A_1558 = arith.mulf %add3A_1557, %gather3A_1553 : vector<16xf32>
      %add3A_1559 = arith.addf %add3A_1548, %mul3A_1558 : vector<16xf32>
      %broadcast_in_dim3A_1560 = arith.constant 9 : i32
      %broadcast_in_dim3A_1561 = vector.broadcast %broadcast_in_dim3A_1560 : i32 to vector<16xi32>
      %gather3A_1562 = tpu.vector_load_idx %arg37[%add3A_1459, %broadcast_in_dim3A_1561] : memref<512x128xf32, #tpu.memory_space<vmem>>[vector<16xi32>, vector<16xi32>], vector<16xf32>,
      %gather3A_1563 = tpu.vector_load_idx %arg38[%add3A_1459, %broadcast_in_dim3A_1561] : memref<512x32xf32, #tpu.memory_space<vmem>>[vector<16xi32>, vector<16xi32>], vector<16xf32>,
      %gather3A_1564 = tpu.vector_load_idx %arg39[%add3A_1459, %broadcast_in_dim3A_1561] : memref<512x32xf32, #tpu.memory_space<vmem>>[vector<16xi32>, vector<16xi32>], vector<16xf32>,
      %gather3A_1565 = tpu.vector_load_idx %arg30[%broadcast_in_dim3A_1561, %get3A_1438] : memref<32x128xf32, #tpu.memory_space<vmem>>[vector<16xi32>, vector<16xi32>], vector<16xf32>,
      %mul3A_1566 = arith.mulf %gather3A_1563, %mul3A_1436 : vector<16xf32>
      %add3A_1567 = arith.addf %gather3A_1562, %mul3A_1566 : vector<16xf32>
      %add3A_1568 = arith.addf %add3A_1567, %gather3A_1565 : vector<16xf32>
      %mul3A_1569 = arith.mulf %add3A_1568, %gather3A_1564 : vector<16xf32>
      %add3A_1570 = arith.addf %add3A_1559, %mul3A_1569 : vector<16xf32>
      %broadcast_in_dim3A_1571 = arith.constant 10 : i32
      %broadcast_in_dim3A_1572 = vector.broadcast %broadcast_in_dim3A_1571 : i32 to vector<16xi32>
      %gather3A_1573 = tpu.vector_load_idx %arg37[%add3A_1459, %broadcast_in_dim3A_1572] : memref<512x128xf32, #tpu.memory_space<vmem>>[vector<16xi32>, vector<16xi32>], vector<16xf32>,
      %gather3A_1574 = tpu.vector_load_idx %arg38[%add3A_1459, %broadcast_in_dim3A_1572] : memref<512x32xf32, #tpu.memory_space<vmem>>[vector<16xi32>, vector<16xi32>], vector<16xf32>,
      %gather3A_1575 = tpu.vector_load_idx %arg39[%add3A_1459, %broadcast_in_dim3A_1572] : memref<512x32xf32, #tpu.memory_space<vmem>>[vector<16xi32>, vector<16xi32>], vector<16xf32>,
      %gather3A_1576 = tpu.vector_load_idx %arg30[%broadcast_in_dim3A_1572, %get3A_1438] : memref<32x128xf32, #tpu.memory_space<vmem>>[vector<16xi32>, vector<16xi32>], vector<16xf32>,
      %mul3A_1577 = arith.mulf %gather3A_1574, %mul3A_1436 : vector<16xf32>
      %add3A_1578 = arith.addf %gather3A_1573, %mul3A_1577 : vector<16xf32>
      %add3A_1579 = arith.addf %add3A_1578, %gather3A_1576 : vector<16xf32>
      %mul3A_1580 = arith.mulf %add3A_1579, %gather3A_1575 : vector<16xf32>
      %add3A_1581 = arith.addf %add3A_1570, %mul3A_1580 : vector<16xf32>
      %broadcast_in_dim3A_1582 = arith.constant 11 : i32
      %broadcast_in_dim3A_1583 = vector.broadcast %broadcast_in_dim3A_1582 : i32 to vector<16xi32>
      %gather3A_1584 = tpu.vector_load_idx %arg37[%add3A_1459, %broadcast_in_dim3A_1583] : memref<512x128xf32, #tpu.memory_space<vmem>>[vector<16xi32>, vector<16xi32>], vector<16xf32>,
      %gather3A_1585 = tpu.vector_load_idx %arg38[%add3A_1459, %broadcast_in_dim3A_1583] : memref<512x32xf32, #tpu.memory_space<vmem>>[vector<16xi32>, vector<16xi32>], vector<16xf32>,
      %gather3A_1586 = tpu.vector_load_idx %arg39[%add3A_1459, %broadcast_in_dim3A_1583] : memref<512x32xf32, #tpu.memory_space<vmem>>[vector<16xi32>, vector<16xi32>], vector<16xf32>,
      %gather3A_1587 = tpu.vector_load_idx %arg30[%broadcast_in_dim3A_1583, %get3A_1438] : memref<32x128xf32, #tpu.memory_space<vmem>>[vector<16xi32>, vector<16xi32>], vector<16xf32>,
      %mul3A_1588 = arith.mulf %gather3A_1585, %mul3A_1436 : vector<16xf32>
      %add3A_1589 = arith.addf %gather3A_1584, %mul3A_1588 : vector<16xf32>
      %add3A_1590 = arith.addf %add3A_1589, %gather3A_1587 : vector<16xf32>
      %mul3A_1591 = arith.mulf %add3A_1590, %gather3A_1586 : vector<16xf32>
      %add3A_1592 = arith.addf %add3A_1581, %mul3A_1591 : vector<16xf32>
      %broadcast_in_dim3A_1593 = arith.constant 12 : i32
      %broadcast_in_dim3A_1594 = vector.broadcast %broadcast_in_dim3A_1593 : i32 to vector<16xi32>
      %gather3A_1595 = tpu.vector_load_idx %arg37[%add3A_1459, %broadcast_in_dim3A_1594] : memref<512x128xf32, #tpu.memory_space<vmem>>[vector<16xi32>, vector<16xi32>], vector<16xf32>,
      %gather3A_1596 = tpu.vector_load_idx %arg38[%add3A_1459, %broadcast_in_dim3A_1594] : memref<512x32xf32, #tpu.memory_space<vmem>>[vector<16xi32>, vector<16xi32>], vector<16xf32>,
      %gather3A_1597 = tpu.vector_load_idx %arg39[%add3A_1459, %broadcast_in_dim3A_1594] : memref<512x32xf32, #tpu.memory_space<vmem>>[vector<16xi32>, vector<16xi32>], vector<16xf32>,
      %gather3A_1598 = tpu.vector_load_idx %arg30[%broadcast_in_dim3A_1594, %get3A_1438] : memref<32x128xf32, #tpu.memory_space<vmem>>[vector<16xi32>, vector<16xi32>], vector<16xf32>,
      %mul3A_1599 = arith.mulf %gather3A_1596, %mul3A_1436 : vector<16xf32>
      %add3A_1600 = arith.addf %gather3A_1595, %mul3A_1599 : vector<16xf32>
      %add3A_1601 = arith.addf %add3A_1600, %gather3A_1598 : vector<16xf32>
      %mul3A_1602 = arith.mulf %add3A_1601, %gather3A_1597 : vector<16xf32>
      %add3A_1603 = arith.addf %add3A_1592, %mul3A_1602 : vector<16xf32>
      %broadcast_in_dim3A_1604 = arith.constant 13 : i32
      %broadcast_in_dim3A_1605 = vector.broadcast %broadcast_in_dim3A_1604 : i32 to vector<16xi32>
      %gather3A_1606 = tpu.vector_load_idx %arg37[%add3A_1459, %broadcast_in_dim3A_1605] : memref<512x128xf32, #tpu.memory_space<vmem>>[vector<16xi32>, vector<16xi32>], vector<16xf32>,
      %gather3A_1607 = tpu.vector_load_idx %arg38[%add3A_1459, %broadcast_in_dim3A_1605] : memref<512x32xf32, #tpu.memory_space<vmem>>[vector<16xi32>, vector<16xi32>], vector<16xf32>,
      %gather3A_1608 = tpu.vector_load_idx %arg39[%add3A_1459, %broadcast_in_dim3A_1605] : memref<512x32xf32, #tpu.memory_space<vmem>>[vector<16xi32>, vector<16xi32>], vector<16xf32>,
      %gather3A_1609 = tpu.vector_load_idx %arg30[%broadcast_in_dim3A_1605, %get3A_1438] : memref<32x128xf32, #tpu.memory_space<vmem>>[vector<16xi32>, vector<16xi32>], vector<16xf32>,
      %mul3A_1610 = arith.mulf %gather3A_1607, %mul3A_1436 : vector<16xf32>
      %add3A_1611 = arith.addf %gather3A_1606, %mul3A_1610 : vector<16xf32>
      %add3A_1612 = arith.addf %add3A_1611, %gather3A_1609 : vector<16xf32>
      %mul3A_1613 = arith.mulf %add3A_1612, %gather3A_1608 : vector<16xf32>
      %add3A_1614 = arith.addf %add3A_1603, %mul3A_1613 : vector<16xf32>
      %broadcast_in_dim3A_1615 = arith.constant 14 : i32
      %broadcast_in_dim3A_1616 = vector.broadcast %broadcast_in_dim3A_1615 : i32 to vector<16xi32>
      %gather3A_1617 = tpu.vector_load_idx %arg37[%add3A_1459, %broadcast_in_dim3A_1616] : memref<512x128xf32, #tpu.memory_space<vmem>>[vector<16xi32>, vector<16xi32>], vector<16xf32>,
      %gather3A_1618 = tpu.vector_load_idx %arg38[%add3A_1459, %broadcast_in_dim3A_1616] : memref<512x32xf32, #tpu.memory_space<vmem>>[vector<16xi32>, vector<16xi32>], vector<16xf32>,
      %gather3A_1619 = tpu.vector_load_idx %arg39[%add3A_1459, %broadcast_in_dim3A_1616] : memref<512x32xf32, #tpu.memory_space<vmem>>[vector<16xi32>, vector<16xi32>], vector<16xf32>,
      %gather3A_1620 = tpu.vector_load_idx %arg30[%broadcast_in_dim3A_1616, %get3A_1438] : memref<32x128xf32, #tpu.memory_space<vmem>>[vector<16xi32>, vector<16xi32>], vector<16xf32>,
      %mul3A_1621 = arith.mulf %gather3A_1618, %mul3A_1436 : vector<16xf32>
      %add3A_1622 = arith.addf %gather3A_1617, %mul3A_1621 : vector<16xf32>
      %add3A_1623 = arith.addf %add3A_1622, %gather3A_1620 : vector<16xf32>
      %mul3A_1624 = arith.mulf %add3A_1623, %gather3A_1619 : vector<16xf32>
      %add3A_1625 = arith.addf %add3A_1614, %mul3A_1624 : vector<16xf32>
      %broadcast_in_dim3A_1626 = arith.constant 15 : i32
      %broadcast_in_dim3A_1627 = vector.broadcast %broadcast_in_dim3A_1626 : i32 to vector<16xi32>
      %gather3A_1628 = tpu.vector_load_idx %arg37[%add3A_1459, %broadcast_in_dim3A_1627] : memref<512x128xf32, #tpu.memory_space<vmem>>[vector<16xi32>, vector<16xi32>], vector<16xf32>,
      %gather3A_1629 = tpu.vector_load_idx %arg38[%add3A_1459, %broadcast_in_dim3A_1627] : memref<512x32xf32, #tpu.memory_space<vmem>>[vector<16xi32>, vector<16xi32>], vector<16xf32>,
      %gather3A_1630 = tpu.vector_load_idx %arg39[%add3A_1459, %broadcast_in_dim3A_1627] : memref<512x32xf32, #tpu.memory_space<vmem>>[vector<16xi32>, vector<16xi32>], vector<16xf32>,
      %gather3A_1631 = tpu.vector_load_idx %arg30[%broadcast_in_dim3A_1627, %get3A_1438] : memref<32x128xf32, #tpu.memory_space<vmem>>[vector<16xi32>, vector<16xi32>], vector<16xf32>,
      %mul3A_1632 = arith.mulf %gather3A_1629, %mul3A_1436 : vector<16xf32>
      %add3A_1633 = arith.addf %gather3A_1628, %mul3A_1632 : vector<16xf32>
      %add3A_1634 = arith.addf %add3A_1633, %gather3A_1631 : vector<16xf32>
      %mul3A_1635 = arith.mulf %add3A_1634, %gather3A_1630 : vector<16xf32>
      %add3A_1636 = arith.addf %add3A_1625, %mul3A_1635 : vector<16xf32>
      %broadcast_in_dim3A_1637 = arith.constant 16 : i32
      %broadcast_in_dim3A_1638 = vector.broadcast %broadcast_in_dim3A_1637 : i32 to vector<16xi32>
      %gather3A_1639 = tpu.vector_load_idx %arg37[%add3A_1459, %broadcast_in_dim3A_1638] : memref<512x128xf32, #tpu.memory_space<vmem>>[vector<16xi32>, vector<16xi32>], vector<16xf32>,
      %gather3A_1640 = tpu.vector_load_idx %arg38[%add3A_1459, %broadcast_in_dim3A_1638] : memref<512x32xf32, #tpu.memory_space<vmem>>[vector<16xi32>, vector<16xi32>], vector<16xf32>,
      %gather3A_1641 = tpu.vector_load_idx %arg39[%add3A_1459, %broadcast_in_dim3A_1638] : memref<512x32xf32, #tpu.memory_space<vmem>>[vector<16xi32>, vector<16xi32>], vector<16xf32>,
      %gather3A_1642 = tpu.vector_load_idx %arg30[%broadcast_in_dim3A_1638, %get3A_1438] : memref<32x128xf32, #tpu.memory_space<vmem>>[vector<16xi32>, vector<16xi32>], vector<16xf32>,
      %mul3A_1643 = arith.mulf %gather3A_1640, %mul3A_1436 : vector<16xf32>
      %add3A_1644 = arith.addf %gather3A_1639, %mul3A_1643 : vector<16xf32>
      %add3A_1645 = arith.addf %add3A_1644, %gather3A_1642 : vector<16xf32>
      %mul3A_1646 = arith.mulf %add3A_1645, %gather3A_1641 : vector<16xf32>
      %add3A_1647 = arith.addf %add3A_1636, %mul3A_1646 : vector<16xf32>
      %broadcast_in_dim3A_1648 = arith.constant 17 : i32
      %broadcast_in_dim3A_1649 = vector.broadcast %broadcast_in_dim3A_1648 : i32 to vector<16xi32>
      %gather3A_1650 = tpu.vector_load_idx %arg37[%add3A_1459, %broadcast_in_dim3A_1649] : memref<512x128xf32, #tpu.memory_space<vmem>>[vector<16xi32>, vector<16xi32>], vector<16xf32>,
      %gather3A_1651 = tpu.vector_load_idx %arg38[%add3A_1459, %broadcast_in_dim3A_1649] : memref<512x32xf32, #tpu.memory_space<vmem>>[vector<16xi32>, vector<16xi32>], vector<16xf32>,
      %gather3A_1652 = tpu.vector_load_idx %arg39[%add3A_1459, %broadcast_in_dim3A_1649] : memref<512x32xf32, #tpu.memory_space<vmem>>[vector<16xi32>, vector<16xi32>], vector<16xf32>,
      %gather3A_1653 = tpu.vector_load_idx %arg30[%broadcast_in_dim3A_1649, %get3A_1438] : memref<32x128xf32, #tpu.memory_space<vmem>>[vector<16xi32>, vector<16xi32>], vector<16xf32>,
      %mul3A_1654 = arith.mulf %gather3A_1651, %mul3A_1436 : vector<16xf32>
      %add3A_1655 = arith.addf %gather3A_1650, %mul3A_1654 : vector<16xf32>
      %add3A_1656 = arith.addf %add3A_1655, %gather3A_1653 : vector<16xf32>
      %mul3A_1657 = arith.mulf %add3A_1656, %gather3A_1652 : vector<16xf32>
      %add3A_1658 = arith.addf %add3A_1647, %mul3A_1657 : vector<16xf32>
      %broadcast_in_dim3A_1659 = arith.constant 18 : i32
      %broadcast_in_dim3A_1660 = vector.broadcast %broadcast_in_dim3A_1659 : i32 to vector<16xi32>
      %gather3A_1661 = tpu.vector_load_idx %arg37[%add3A_1459, %broadcast_in_dim3A_1660] : memref<512x128xf32, #tpu.memory_space<vmem>>[vector<16xi32>, vector<16xi32>], vector<16xf32>,
      %gather3A_1662 = tpu.vector_load_idx %arg38[%add3A_1459, %broadcast_in_dim3A_1660] : memref<512x32xf32, #tpu.memory_space<vmem>>[vector<16xi32>, vector<16xi32>], vector<16xf32>,
      %gather3A_1663 = tpu.vector_load_idx %arg39[%add3A_1459, %broadcast_in_dim3A_1660] : memref<512x32xf32, #tpu.memory_space<vmem>>[vector<16xi32>, vector<16xi32>], vector<16xf32>,
      %gather3A_1664 = tpu.vector_load_idx %arg30[%broadcast_in_dim3A_1660, %get3A_1438] : memref<32x128xf32, #tpu.memory_space<vmem>>[vector<16xi32>, vector<16xi32>], vector<16xf32>,
      %mul3A_1665 = arith.mulf %gather3A_1662, %mul3A_1436 : vector<16xf32>
      %add3A_1666 = arith.addf %gather3A_1661, %mul3A_1665 : vector<16xf32>
      %add3A_1667 = arith.addf %add3A_1666, %gather3A_1664 : vector<16xf32>
      %mul3A_1668 = arith.mulf %add3A_1667, %gather3A_1663 : vector<16xf32>
      %add3A_1669 = arith.addf %add3A_1658, %mul3A_1668 : vector<16xf32>
      %broadcast_in_dim3A_1670 = arith.constant 19 : i32
      %broadcast_in_dim3A_1671 = vector.broadcast %broadcast_in_dim3A_1670 : i32 to vector<16xi32>
      %gather3A_1672 = tpu.vector_load_idx %arg37[%add3A_1459, %broadcast_in_dim3A_1671] : memref<512x128xf32, #tpu.memory_space<vmem>>[vector<16xi32>, vector<16xi32>], vector<16xf32>,
      %gather3A_1673 = tpu.vector_load_idx %arg38[%add3A_1459, %broadcast_in_dim3A_1671] : memref<512x32xf32, #tpu.memory_space<vmem>>[vector<16xi32>, vector<16xi32>], vector<16xf32>,
      %gather3A_1674 = tpu.vector_load_idx %arg39[%add3A_1459, %broadcast_in_dim3A_1671] : memref<512x32xf32, #tpu.memory_space<vmem>>[vector<16xi32>, vector<16xi32>], vector<16xf32>,
      %gather3A_1675 = tpu.vector_load_idx %arg30[%broadcast_in_dim3A_1671, %get3A_1438] : memref<32x128xf32, #tpu.memory_space<vmem>>[vector<16xi32>, vector<16xi32>], vector<16xf32>,
      %mul3A_1676 = arith.mulf %gather3A_1673, %mul3A_1436 : vector<16xf32>
      %add3A_1677 = arith.addf %gather3A_1672, %mul3A_1676 : vector<16xf32>
      %add3A_1678 = arith.addf %add3A_1677, %gather3A_1675 : vector<16xf32>
      %mul3A_1679 = arith.mulf %add3A_1678, %gather3A_1674 : vector<16xf32>
      %add3A_1680 = arith.addf %add3A_1669, %mul3A_1679 : vector<16xf32>
      %broadcast_in_dim3A_1681 = arith.constant 20 : i32
      %broadcast_in_dim3A_1682 = vector.broadcast %broadcast_in_dim3A_1681 : i32 to vector<16xi32>
      %gather3A_1683 = tpu.vector_load_idx %arg37[%add3A_1459, %broadcast_in_dim3A_1682] : memref<512x128xf32, #tpu.memory_space<vmem>>[vector<16xi32>, vector<16xi32>], vector<16xf32>,
      %gather3A_1684 = tpu.vector_load_idx %arg38[%add3A_1459, %broadcast_in_dim3A_1682] : memref<512x32xf32, #tpu.memory_space<vmem>>[vector<16xi32>, vector<16xi32>], vector<16xf32>,
      %gather3A_1685 = tpu.vector_load_idx %arg39[%add3A_1459, %broadcast_in_dim3A_1682] : memref<512x32xf32, #tpu.memory_space<vmem>>[vector<16xi32>, vector<16xi32>], vector<16xf32>,
      %gather3A_1686 = tpu.vector_load_idx %arg30[%broadcast_in_dim3A_1682, %get3A_1438] : memref<32x128xf32, #tpu.memory_space<vmem>>[vector<16xi32>, vector<16xi32>], vector<16xf32>,
      %mul3A_1687 = arith.mulf %gather3A_1684, %mul3A_1436 : vector<16xf32>
      %add3A_1688 = arith.addf %gather3A_1683, %mul3A_1687 : vector<16xf32>
      %add3A_1689 = arith.addf %add3A_1688, %gather3A_1686 : vector<16xf32>
      %mul3A_1690 = arith.mulf %add3A_1689, %gather3A_1685 : vector<16xf32>
      %add3A_1691 = arith.addf %add3A_1680, %mul3A_1690 : vector<16xf32>
      %broadcast_in_dim3A_1692 = arith.constant 21 : i32
      %broadcast_in_dim3A_1693 = vector.broadcast %broadcast_in_dim3A_1692 : i32 to vector<16xi32>
      %gather3A_1694 = tpu.vector_load_idx %arg37[%add3A_1459, %broadcast_in_dim3A_1693] : memref<512x128xf32, #tpu.memory_space<vmem>>[vector<16xi32>, vector<16xi32>], vector<16xf32>,
      %gather3A_1695 = tpu.vector_load_idx %arg38[%add3A_1459, %broadcast_in_dim3A_1693] : memref<512x32xf32, #tpu.memory_space<vmem>>[vector<16xi32>, vector<16xi32>], vector<16xf32>,
      %gather3A_1696 = tpu.vector_load_idx %arg39[%add3A_1459, %broadcast_in_dim3A_1693] : memref<512x32xf32, #tpu.memory_space<vmem>>[vector<16xi32>, vector<16xi32>], vector<16xf32>,
      %gather3A_1697 = tpu.vector_load_idx %arg30[%broadcast_in_dim3A_1693, %get3A_1438] : memref<32x128xf32, #tpu.memory_space<vmem>>[vector<16xi32>, vector<16xi32>], vector<16xf32>,
      %mul3A_1698 = arith.mulf %gather3A_1695, %mul3A_1436 : vector<16xf32>
      %add3A_1699 = arith.addf %gather3A_1694, %mul3A_1698 : vector<16xf32>
      %add3A_1700 = arith.addf %add3A_1699, %gather3A_1697 : vector<16xf32>
      %mul3A_1701 = arith.mulf %add3A_1700, %gather3A_1696 : vector<16xf32>
      %add3A_1702 = arith.addf %add3A_1691, %mul3A_1701 : vector<16xf32>
      %broadcast_in_dim3A_1703 = arith.constant 22 : i32
      %broadcast_in_dim3A_1704 = vector.broadcast %broadcast_in_dim3A_1703 : i32 to vector<16xi32>
      %gather3A_1705 = tpu.vector_load_idx %arg37[%add3A_1459, %broadcast_in_dim3A_1704] : memref<512x128xf32, #tpu.memory_space<vmem>>[vector<16xi32>, vector<16xi32>], vector<16xf32>,
      %gather3A_1706 = tpu.vector_load_idx %arg38[%add3A_1459, %broadcast_in_dim3A_1704] : memref<512x32xf32, #tpu.memory_space<vmem>>[vector<16xi32>, vector<16xi32>], vector<16xf32>,
      %gather3A_1707 = tpu.vector_load_idx %arg39[%add3A_1459, %broadcast_in_dim3A_1704] : memref<512x32xf32, #tpu.memory_space<vmem>>[vector<16xi32>, vector<16xi32>], vector<16xf32>,
      %gather3A_1708 = tpu.vector_load_idx %arg30[%broadcast_in_dim3A_1704, %get3A_1438] : memref<32x128xf32, #tpu.memory_space<vmem>>[vector<16xi32>, vector<16xi32>], vector<16xf32>,
      %mul3A_1709 = arith.mulf %gather3A_1706, %mul3A_1436 : vector<16xf32>
      %add3A_1710 = arith.addf %gather3A_1705, %mul3A_1709 : vector<16xf32>
      %add3A_1711 = arith.addf %add3A_1710, %gather3A_1708 : vector<16xf32>
      %mul3A_1712 = arith.mulf %add3A_1711, %gather3A_1707 : vector<16xf32>
      %add3A_1713 = arith.addf %add3A_1702, %mul3A_1712 : vector<16xf32>
      %broadcast_in_dim3A_1714 = arith.constant 23 : i32
      %broadcast_in_dim3A_1715 = vector.broadcast %broadcast_in_dim3A_1714 : i32 to vector<16xi32>
      %gather3A_1716 = tpu.vector_load_idx %arg37[%add3A_1459, %broadcast_in_dim3A_1715] : memref<512x128xf32, #tpu.memory_space<vmem>>[vector<16xi32>, vector<16xi32>], vector<16xf32>,
      %gather3A_1717 = tpu.vector_load_idx %arg38[%add3A_1459, %broadcast_in_dim3A_1715] : memref<512x32xf32, #tpu.memory_space<vmem>>[vector<16xi32>, vector<16xi32>], vector<16xf32>,
      %gather3A_1718 = tpu.vector_load_idx %arg39[%add3A_1459, %broadcast_in_dim3A_1715] : memref<512x32xf32, #tpu.memory_space<vmem>>[vector<16xi32>, vector<16xi32>], vector<16xf32>,
      %gather3A_1719 = tpu.vector_load_idx %arg30[%broadcast_in_dim3A_1715, %get3A_1438] : memref<32x128xf32, #tpu.memory_space<vmem>>[vector<16xi32>, vector<16xi32>], vector<16xf32>,
      %mul3A_1720 = arith.mulf %gather3A_1717, %mul3A_1436 : vector<16xf32>
      %add3A_1721 = arith.addf %gather3A_1716, %mul3A_1720 : vector<16xf32>
      %add3A_1722 = arith.addf %add3A_1721, %gather3A_1719 : vector<16xf32>
      %mul3A_1723 = arith.mulf %add3A_1722, %gather3A_1718 : vector<16xf32>
      %add3A_1724 = arith.addf %add3A_1713, %mul3A_1723 : vector<16xf32>
      %broadcast_in_dim3A_1725 = arith.constant 24 : i32
      %broadcast_in_dim3A_1726 = vector.broadcast %broadcast_in_dim3A_1725 : i32 to vector<16xi32>
      %gather3A_1727 = tpu.vector_load_idx %arg37[%add3A_1459, %broadcast_in_dim3A_1726] : memref<512x128xf32, #tpu.memory_space<vmem>>[vector<16xi32>, vector<16xi32>], vector<16xf32>,
      %gather3A_1728 = tpu.vector_load_idx %arg38[%add3A_1459, %broadcast_in_dim3A_1726] : memref<512x32xf32, #tpu.memory_space<vmem>>[vector<16xi32>, vector<16xi32>], vector<16xf32>,
      %gather3A_1729 = tpu.vector_load_idx %arg39[%add3A_1459, %broadcast_in_dim3A_1726] : memref<512x32xf32, #tpu.memory_space<vmem>>[vector<16xi32>, vector<16xi32>], vector<16xf32>,
      %gather3A_1730 = tpu.vector_load_idx %arg30[%broadcast_in_dim3A_1726, %get3A_1438] : memref<32x128xf32, #tpu.memory_space<vmem>>[vector<16xi32>, vector<16xi32>], vector<16xf32>,
      %mul3A_1731 = arith.mulf %gather3A_1728, %mul3A_1436 : vector<16xf32>
      %add3A_1732 = arith.addf %gather3A_1727, %mul3A_1731 : vector<16xf32>
      %add3A_1733 = arith.addf %add3A_1732, %gather3A_1730 : vector<16xf32>
      %mul3A_1734 = arith.mulf %add3A_1733, %gather3A_1729 : vector<16xf32>
      %add3A_1735 = arith.addf %add3A_1724, %mul3A_1734 : vector<16xf32>
      %broadcast_in_dim3A_1736 = arith.constant 25 : i32
      %broadcast_in_dim3A_1737 = vector.broadcast %broadcast_in_dim3A_1736 : i32 to vector<16xi32>
      %gather3A_1738 = tpu.vector_load_idx %arg37[%add3A_1459, %broadcast_in_dim3A_1737] : memref<512x128xf32, #tpu.memory_space<vmem>>[vector<16xi32>, vector<16xi32>], vector<16xf32>,
      %gather3A_1739 = tpu.vector_load_idx %arg38[%add3A_1459, %broadcast_in_dim3A_1737] : memref<512x32xf32, #tpu.memory_space<vmem>>[vector<16xi32>, vector<16xi32>], vector<16xf32>,
      %gather3A_1740 = tpu.vector_load_idx %arg39[%add3A_1459, %broadcast_in_dim3A_1737] : memref<512x32xf32, #tpu.memory_space<vmem>>[vector<16xi32>, vector<16xi32>], vector<16xf32>,
      %gather3A_1741 = tpu.vector_load_idx %arg30[%broadcast_in_dim3A_1737, %get3A_1438] : memref<32x128xf32, #tpu.memory_space<vmem>>[vector<16xi32>, vector<16xi32>], vector<16xf32>,
      %mul3A_1742 = arith.mulf %gather3A_1739, %mul3A_1436 : vector<16xf32>
      %add3A_1743 = arith.addf %gather3A_1738, %mul3A_1742 : vector<16xf32>
      %add3A_1744 = arith.addf %add3A_1743, %gather3A_1741 : vector<16xf32>
      %mul3A_1745 = arith.mulf %add3A_1744, %gather3A_1740 : vector<16xf32>
      %add3A_1746 = arith.addf %add3A_1735, %mul3A_1745 : vector<16xf32>
      %broadcast_in_dim3A_1747 = arith.constant 26 : i32
      %broadcast_in_dim3A_1748 = vector.broadcast %broadcast_in_dim3A_1747 : i32 to vector<16xi32>
      %gather3A_1749 = tpu.vector_load_idx %arg37[%add3A_1459, %broadcast_in_dim3A_1748] : memref<512x128xf32, #tpu.memory_space<vmem>>[vector<16xi32>, vector<16xi32>], vector<16xf32>,
      %gather3A_1750 = tpu.vector_load_idx %arg38[%add3A_1459, %broadcast_in_dim3A_1748] : memref<512x32xf32, #tpu.memory_space<vmem>>[vector<16xi32>, vector<16xi32>], vector<16xf32>,
      %gather3A_1751 = tpu.vector_load_idx %arg39[%add3A_1459, %broadcast_in_dim3A_1748] : memref<512x32xf32, #tpu.memory_space<vmem>>[vector<16xi32>, vector<16xi32>], vector<16xf32>,
      %gather3A_1752 = tpu.vector_load_idx %arg30[%broadcast_in_dim3A_1748, %get3A_1438] : memref<32x128xf32, #tpu.memory_space<vmem>>[vector<16xi32>, vector<16xi32>], vector<16xf32>,
      %mul3A_1753 = arith.mulf %gather3A_1750, %mul3A_1436 : vector<16xf32>
      %add3A_1754 = arith.addf %gather3A_1749, %mul3A_1753 : vector<16xf32>
      %add3A_1755 = arith.addf %add3A_1754, %gather3A_1752 : vector<16xf32>
      %mul3A_1756 = arith.mulf %add3A_1755, %gather3A_1751 : vector<16xf32>
      %add3A_1757 = arith.addf %add3A_1746, %mul3A_1756 : vector<16xf32>
      %broadcast_in_dim3A_1758 = arith.constant 27 : i32
      %broadcast_in_dim3A_1759 = vector.broadcast %broadcast_in_dim3A_1758 : i32 to vector<16xi32>
      %gather3A_1760 = tpu.vector_load_idx %arg37[%add3A_1459, %broadcast_in_dim3A_1759] : memref<512x128xf32, #tpu.memory_space<vmem>>[vector<16xi32>, vector<16xi32>], vector<16xf32>,
      %gather3A_1761 = tpu.vector_load_idx %arg38[%add3A_1459, %broadcast_in_dim3A_1759] : memref<512x32xf32, #tpu.memory_space<vmem>>[vector<16xi32>, vector<16xi32>], vector<16xf32>,
      %gather3A_1762 = tpu.vector_load_idx %arg39[%add3A_1459, %broadcast_in_dim3A_1759] : memref<512x32xf32, #tpu.memory_space<vmem>>[vector<16xi32>, vector<16xi32>], vector<16xf32>,
      %gather3A_1763 = tpu.vector_load_idx %arg30[%broadcast_in_dim3A_1759, %get3A_1438] : memref<32x128xf32, #tpu.memory_space<vmem>>[vector<16xi32>, vector<16xi32>], vector<16xf32>,
      %mul3A_1764 = arith.mulf %gather3A_1761, %mul3A_1436 : vector<16xf32>
      %add3A_1765 = arith.addf %gather3A_1760, %mul3A_1764 : vector<16xf32>
      %add3A_1766 = arith.addf %add3A_1765, %gather3A_1763 : vector<16xf32>
      %mul3A_1767 = arith.mulf %add3A_1766, %gather3A_1762 : vector<16xf32>
      %add3A_1768 = arith.addf %add3A_1757, %mul3A_1767 : vector<16xf32>
      %broadcast_in_dim3A_1769 = arith.constant 28 : i32
      %broadcast_in_dim3A_1770 = vector.broadcast %broadcast_in_dim3A_1769 : i32 to vector<16xi32>
      %gather3A_1771 = tpu.vector_load_idx %arg37[%add3A_1459, %broadcast_in_dim3A_1770] : memref<512x128xf32, #tpu.memory_space<vmem>>[vector<16xi32>, vector<16xi32>], vector<16xf32>,
      %gather3A_1772 = tpu.vector_load_idx %arg38[%add3A_1459, %broadcast_in_dim3A_1770] : memref<512x32xf32, #tpu.memory_space<vmem>>[vector<16xi32>, vector<16xi32>], vector<16xf32>,
      %gather3A_1773 = tpu.vector_load_idx %arg39[%add3A_1459, %broadcast_in_dim3A_1770] : memref<512x32xf32, #tpu.memory_space<vmem>>[vector<16xi32>, vector<16xi32>], vector<16xf32>,
      %gather3A_1774 = tpu.vector_load_idx %arg30[%broadcast_in_dim3A_1770, %get3A_1438] : memref<32x128xf32, #tpu.memory_space<vmem>>[vector<16xi32>, vector<16xi32>], vector<16xf32>,
      %mul3A_1775 = arith.mulf %gather3A_1772, %mul3A_1436 : vector<16xf32>
      %add3A_1776 = arith.addf %gather3A_1771, %mul3A_1775 : vector<16xf32>
      %add3A_1777 = arith.addf %add3A_1776, %gather3A_1774 : vector<16xf32>
      %mul3A_1778 = arith.mulf %add3A_1777, %gather3A_1773 : vector<16xf32>
      %add3A_1779 = arith.addf %add3A_1768, %mul3A_1778 : vector<16xf32>
      %broadcast_in_dim3A_1780 = arith.constant 29 : i32
      %broadcast_in_dim3A_1781 = vector.broadcast %broadcast_in_dim3A_1780 : i32 to vector<16xi32>
      %gather3A_1782 = tpu.vector_load_idx %arg37[%add3A_1459, %broadcast_in_dim3A_1781] : memref<512x128xf32, #tpu.memory_space<vmem>>[vector<16xi32>, vector<16xi32>], vector<16xf32>,
      %gather3A_1783 = tpu.vector_load_idx %arg38[%add3A_1459, %broadcast_in_dim3A_1781] : memref<512x32xf32, #tpu.memory_space<vmem>>[vector<16xi32>, vector<16xi32>], vector<16xf32>,
      %gather3A_1784 = tpu.vector_load_idx %arg39[%add3A_1459, %broadcast_in_dim3A_1781] : memref<512x32xf32, #tpu.memory_space<vmem>>[vector<16xi32>, vector<16xi32>], vector<16xf32>,
      %gather3A_1785 = tpu.vector_load_idx %arg30[%broadcast_in_dim3A_1781, %get3A_1438] : memref<32x128xf32, #tpu.memory_space<vmem>>[vector<16xi32>, vector<16xi32>], vector<16xf32>,
      %mul3A_1786 = arith.mulf %gather3A_1783, %mul3A_1436 : vector<16xf32>
      %add3A_1787 = arith.addf %gather3A_1782, %mul3A_1786 : vector<16xf32>
      %add3A_1788 = arith.addf %add3A_1787, %gather3A_1785 : vector<16xf32>
      %mul3A_1789 = arith.mulf %add3A_1788, %gather3A_1784 : vector<16xf32>
      %add3A_1790 = arith.addf %add3A_1779, %mul3A_1789 : vector<16xf32>
      %broadcast_in_dim3A_1791 = arith.constant 30 : i32
      %broadcast_in_dim3A_1792 = vector.broadcast %broadcast_in_dim3A_1791 : i32 to vector<16xi32>
      %gather3A_1793 = tpu.vector_load_idx %arg37[%add3A_1459, %broadcast_in_dim3A_1792] : memref<512x128xf32, #tpu.memory_space<vmem>>[vector<16xi32>, vector<16xi32>], vector<16xf32>,
      %gather3A_1794 = tpu.vector_load_idx %arg38[%add3A_1459, %broadcast_in_dim3A_1792] : memref<512x32xf32, #tpu.memory_space<vmem>>[vector<16xi32>, vector<16xi32>], vector<16xf32>,
      %gather3A_1795 = tpu.vector_load_idx %arg39[%add3A_1459, %broadcast_in_dim3A_1792] : memref<512x32xf32, #tpu.memory_space<vmem>>[vector<16xi32>, vector<16xi32>], vector<16xf32>,
      %gather3A_1796 = tpu.vector_load_idx %arg30[%broadcast_in_dim3A_1792, %get3A_1438] : memref<32x128xf32, #tpu.memory_space<vmem>>[vector<16xi32>, vector<16xi32>], vector<16xf32>,
      %mul3A_1797 = arith.mulf %gather3A_1794, %mul3A_1436 : vector<16xf32>
      %add3A_1798 = arith.addf %gather3A_1793, %mul3A_1797 : vector<16xf32>
      %add3A_1799 = arith.addf %add3A_1798, %gather3A_1796 : vector<16xf32>
      %mul3A_1800 = arith.mulf %add3A_1799, %gather3A_1795 : vector<16xf32>
      %add3A_1801 = arith.addf %add3A_1790, %mul3A_1800 : vector<16xf32>
      %broadcast_in_dim3A_1802 = arith.constant 31 : i32
      %broadcast_in_dim3A_1803 = vector.broadcast %broadcast_in_dim3A_1802 : i32 to vector<16xi32>
      %gather3A_1804 = tpu.vector_load_idx %arg37[%add3A_1459, %broadcast_in_dim3A_1803] : memref<512x128xf32, #tpu.memory_space<vmem>>[vector<16xi32>, vector<16xi32>], vector<16xf32>,
      %gather3A_1805 = tpu.vector_load_idx %arg38[%add3A_1459, %broadcast_in_dim3A_1803] : memref<512x32xf32, #tpu.memory_space<vmem>>[vector<16xi32>, vector<16xi32>], vector<16xf32>,
      %gather3A_1806 = tpu.vector_load_idx %arg39[%add3A_1459, %broadcast_in_dim3A_1803] : memref<512x32xf32, #tpu.memory_space<vmem>>[vector<16xi32>, vector<16xi32>], vector<16xf32>,
      %gather3A_1807 = tpu.vector_load_idx %arg30[%broadcast_in_dim3A_1803, %get3A_1438] : memref<32x128xf32, #tpu.memory_space<vmem>>[vector<16xi32>, vector<16xi32>], vector<16xf32>,
      %mul3A_1808 = arith.mulf %gather3A_1805, %mul3A_1436 : vector<16xf32>
      %add3A_1809 = arith.addf %gather3A_1804, %mul3A_1808 : vector<16xf32>
      %add3A_1810 = arith.addf %add3A_1809, %gather3A_1807 : vector<16xf32>
      %mul3A_1811 = arith.mulf %add3A_1810, %gather3A_1806 : vector<16xf32>
      %add3A_1812 = arith.addf %add3A_1801, %mul3A_1811 : vector<16xf32>
      %add3A_1813 = arith.addf %get3A_1368, %add3A_1446 : vector<16xf32>
      %add3A_1814 = arith.addf %add3A_1813, %mul3A_1455 : vector<16xf32>
      %add3A_1815 = arith.addf %add3A_1814, %add3A_1812 : vector<16xf32>
      %swap3A_1816 = arith.index_cast %mul3A_1376 : i32 to index
      %swap3A_1817 = tpu.vector_load %arg40[%swap3A_1816] {strides = array<i32>} : memref<512xf32, #tpu.memory_space<vmem>>, vector<16xf32>,
      tpu.vector_store %arg40[%swap3A_1816], %add3A_1815 {strides = array<i32>} : memref<512xf32, #tpu.memory_space<vmem>>, vector<16xf32>,
    }
    %scan3A_1373 = arith.constant 32 : i32
    "tpu.region"() ({
      %run_scoped3A = tpu.sem_alloc : memref<!tpu.dma_semaphore, #tpu.memory_space<semaphore_mem>>
      %dma_start3A_1374 = tpu.memref_slice %arg20[%mul3A_2] : memref<16384xf32, #tpu.memory_space<hbm>> -> memref<512xf32, #tpu.memory_space<hbm>>
      %dma_start3A_1375 = tpu.memref_slice %arg20[%mul3A_2] : memref<16384xf32, #tpu.memory_space<hbm>> -> memref<512xf32, #tpu.memory_space<hbm>>
      tpu.enqueue_dma source(%arg40 : memref<512xf32, #tpu.memory_space<vmem>>) target(%dma_start3A_1375 : memref<512xf32, #tpu.memory_space<hbm>>) target_semaphore(%run_scoped3A : memref<!tpu.dma_semaphore, #tpu.memory_space<semaphore_mem>>)
      %dma_wait3A_1376 = tpu.memref_slice %arg20[%mul3A_2] : memref<16384xf32, #tpu.memory_space<hbm>> -> memref<512xf32, #tpu.memory_space<hbm>>
      %dma_wait3A_1377 = tpu.memref_slice %arg20[%mul3A_2] : memref<16384xf32, #tpu.memory_space<hbm>> -> memref<512xf32, #tpu.memory_space<hbm>>
      tpu.wait_dma2 semaphore(%run_scoped3A : memref<!tpu.dma_semaphore, #tpu.memory_space<semaphore_mem>>) src(%arg40 : memref<512xf32, #tpu.memory_space<vmem>>) dst(%dma_wait3A_1377 : memref<512xf32, #tpu.memory_space<hbm>>)
      tpu.yield
    }) : () -> ()
    return
  }
}

module attributes {stable_mosaic.version = 14 : i64} {
  func.func @_detile_body(%arg0: i32, %arg1: memref<32x8192xf32, #tpu.memory_space<vmem>>, %arg2: memref<2048x128xf32, #tpu.memory_space<vmem>>) attributes {dimension_semantics = [#tpu.dimension_semantics<arbitrary>], iteration_bounds = array<i64: 123>, scalar_prefetch = 0 : i64, scratch_operands = 0 : i64, tpu.core_type = #tpu.core_type<tc>, window_params = [{transform_indices = @transform_0, window_bounds = array<i64: 32, 8192>}, {transform_indices = @transform_1, window_bounds = array<i64: 2048, 128>}]} {
    %get3A = arith.constant 0 : index
    %get3A_0 = arith.constant 0 : index
    %get3A_1 = vector.load %arg1[%get3A, %get3A_0] : memref<32x8192xf32, #tpu.memory_space<vmem>>, vector<32x8192xf32>
    %transpose3A = tpu.transpose %get3A_1, [1, 0] : vector<32x8192xf32> -> vector<8192x32xf32>
    %reshape3A = vector.shape_cast %transpose3A : vector<8192x32xf32> to vector<2048x4x32xf32>
    %slice3A = vector.extract_strided_slice %reshape3A {offsets = [0, 0, 0], sizes = [2048, 1, 32], strides = [1, 1, 1]} : vector<2048x4x32xf32> to vector<2048x1x32xf32>
    %squeeze3A = vector.shape_cast %slice3A : vector<2048x1x32xf32> to vector<2048x32xf32>
    %slice3A_2 = vector.extract_strided_slice %reshape3A {offsets = [0, 1, 0], sizes = [2048, 1, 32], strides = [1, 1, 1]} : vector<2048x4x32xf32> to vector<2048x1x32xf32>
    %squeeze3A_3 = vector.shape_cast %slice3A_2 : vector<2048x1x32xf32> to vector<2048x32xf32>
    %slice3A_4 = vector.extract_strided_slice %reshape3A {offsets = [0, 2, 0], sizes = [2048, 1, 32], strides = [1, 1, 1]} : vector<2048x4x32xf32> to vector<2048x1x32xf32>
    %squeeze3A_5 = vector.shape_cast %slice3A_4 : vector<2048x1x32xf32> to vector<2048x32xf32>
    %slice3A_6 = vector.extract_strided_slice %reshape3A {offsets = [0, 3, 0], sizes = [2048, 1, 32], strides = [1, 1, 1]} : vector<2048x4x32xf32> to vector<2048x1x32xf32>
    %squeeze3A_7 = vector.shape_cast %slice3A_6 : vector<2048x1x32xf32> to vector<2048x32xf32>
    %concatenate3A = tpu.concatenate %squeeze3A, %squeeze3A_3, %squeeze3A_5, %squeeze3A_7 in 1 : vector<2048x32xf32>, vector<2048x32xf32>, vector<2048x32xf32>, vector<2048x32xf32> -> vector<2048x128xf32>
    %swap3A = arith.constant 0 : index
    %swap3A_8 = arith.constant 0 : index
    %swap3A_9 = vector.load %arg2[%swap3A, %swap3A_8] : memref<2048x128xf32, #tpu.memory_space<vmem>>, vector<2048x128xf32>
    tpu.vector_store %arg2[%swap3A, %swap3A_8], %concatenate3A {strides = array<i32>} : memref<2048x128xf32, #tpu.memory_space<vmem>>, vector<2048x128xf32>,
    return
  }
  func.func @transform_0(%arg0: i32) -> (i32, i32) {
    %c0_i32 = arith.constant 0 : i32
    %c0_i32_0 = arith.constant 0 : i32
    return %c0_i32, %arg0 : i32, i32
  }
  func.func @transform_1(%arg0: i32) -> (i32, i32) {
    %c0_i32 = arith.constant 0 : i32
    %c0_i32_0 = arith.constant 0 : i32
    return %arg0, %c0_i32 : i32, i32
  }
}

module attributes {stable_mosaic.version = 14 : i64} {
  func.func @_detile_body(%arg0: i32, %arg1: memref<32x8192xf32, #tpu.memory_space<vmem>>, %arg2: memref<30x8192xf32, #tpu.memory_space<vmem>>, %arg3: memref<2048x128xf32, #tpu.memory_space<vmem>>, %arg4: memref<2048x128xf32, #tpu.memory_space<vmem>>) attributes {dimension_semantics = [#tpu.dimension_semantics<arbitrary>], iteration_bounds = array<i64: 13>, scalar_prefetch = 0 : i64, scratch_operands = 0 : i64, tpu.core_type = #tpu.core_type<tc>, window_params = [{transform_indices = @transform_0, window_bounds = array<i64: 32, 8192>}, {transform_indices = @transform_1, window_bounds = array<i64: 30, 8192>}, {transform_indices = @transform_2, window_bounds = array<i64: 2048, 128>}, {transform_indices = @transform_3, window_bounds = array<i64: 2048, 128>}]} {
    %get3A = arith.constant 0 : index
    %get3A_0 = arith.constant 0 : index
    %get3A_1 = vector.load %arg1[%get3A, %get3A_0] : memref<32x8192xf32, #tpu.memory_space<vmem>>, vector<32x8192xf32>
    %transpose3A = tpu.transpose %get3A_1, [1, 0] : vector<32x8192xf32> -> vector<8192x32xf32>
    %reshape3A = vector.shape_cast %transpose3A : vector<8192x32xf32> to vector<2048x4x32xf32>
    %slice3A = vector.extract_strided_slice %reshape3A {offsets = [0, 0, 0], sizes = [2048, 1, 32], strides = [1, 1, 1]} : vector<2048x4x32xf32> to vector<2048x1x32xf32>
    %squeeze3A = vector.shape_cast %slice3A : vector<2048x1x32xf32> to vector<2048x32xf32>
    %slice3A_2 = vector.extract_strided_slice %reshape3A {offsets = [0, 1, 0], sizes = [2048, 1, 32], strides = [1, 1, 1]} : vector<2048x4x32xf32> to vector<2048x1x32xf32>
    %squeeze3A_3 = vector.shape_cast %slice3A_2 : vector<2048x1x32xf32> to vector<2048x32xf32>
    %slice3A_4 = vector.extract_strided_slice %reshape3A {offsets = [0, 2, 0], sizes = [2048, 1, 32], strides = [1, 1, 1]} : vector<2048x4x32xf32> to vector<2048x1x32xf32>
    %squeeze3A_5 = vector.shape_cast %slice3A_4 : vector<2048x1x32xf32> to vector<2048x32xf32>
    %slice3A_6 = vector.extract_strided_slice %reshape3A {offsets = [0, 3, 0], sizes = [2048, 1, 32], strides = [1, 1, 1]} : vector<2048x4x32xf32> to vector<2048x1x32xf32>
    %squeeze3A_7 = vector.shape_cast %slice3A_6 : vector<2048x1x32xf32> to vector<2048x32xf32>
    %concatenate3A = tpu.concatenate %squeeze3A, %squeeze3A_3, %squeeze3A_5, %squeeze3A_7 in 1 : vector<2048x32xf32>, vector<2048x32xf32>, vector<2048x32xf32>, vector<2048x32xf32> -> vector<2048x128xf32>
    %swap3A = arith.constant 0 : index
    %swap3A_8 = arith.constant 0 : index
    %swap3A_9 = vector.load %arg3[%swap3A, %swap3A_8] : memref<2048x128xf32, #tpu.memory_space<vmem>>, vector<2048x128xf32>
    tpu.vector_store %arg3[%swap3A, %swap3A_8], %concatenate3A {strides = array<i32>} : memref<2048x128xf32, #tpu.memory_space<vmem>>, vector<2048x128xf32>,
    %get3A_10 = arith.constant 0 : index
    %get3A_11 = arith.constant 0 : index
    %get3A_12 = vector.load %arg2[%get3A_10, %get3A_11] : memref<30x8192xf32, #tpu.memory_space<vmem>>, vector<30x8192xf32>
    %broadcast_in_dim3A = arith.constant 0.000000e+00 : f32
    %broadcast_in_dim3A_13 = vector.broadcast %broadcast_in_dim3A : f32 to vector<2x8192xf32>
    %concatenate3A_14 = tpu.concatenate %get3A_12, %broadcast_in_dim3A_13 in 0 : vector<30x8192xf32>, vector<2x8192xf32> -> vector<32x8192xf32>
    %transpose3A_15 = tpu.transpose %concatenate3A_14, [1, 0] : vector<32x8192xf32> -> vector<8192x32xf32>
    %reshape3A_16 = vector.shape_cast %transpose3A_15 : vector<8192x32xf32> to vector<2048x4x32xf32>
    %slice3A_17 = vector.extract_strided_slice %reshape3A_16 {offsets = [0, 0, 0], sizes = [2048, 1, 32], strides = [1, 1, 1]} : vector<2048x4x32xf32> to vector<2048x1x32xf32>
    %squeeze3A_18 = vector.shape_cast %slice3A_17 : vector<2048x1x32xf32> to vector<2048x32xf32>
    %slice3A_19 = vector.extract_strided_slice %reshape3A_16 {offsets = [0, 1, 0], sizes = [2048, 1, 32], strides = [1, 1, 1]} : vector<2048x4x32xf32> to vector<2048x1x32xf32>
    %squeeze3A_20 = vector.shape_cast %slice3A_19 : vector<2048x1x32xf32> to vector<2048x32xf32>
    %slice3A_21 = vector.extract_strided_slice %reshape3A_16 {offsets = [0, 2, 0], sizes = [2048, 1, 32], strides = [1, 1, 1]} : vector<2048x4x32xf32> to vector<2048x1x32xf32>
    %squeeze3A_22 = vector.shape_cast %slice3A_21 : vector<2048x1x32xf32> to vector<2048x32xf32>
    %slice3A_23 = vector.extract_strided_slice %reshape3A_16 {offsets = [0, 3, 0], sizes = [2048, 1, 32], strides = [1, 1, 1]} : vector<2048x4x32xf32> to vector<2048x1x32xf32>
    %squeeze3A_24 = vector.shape_cast %slice3A_23 : vector<2048x1x32xf32> to vector<2048x32xf32>
    %concatenate3A_25 = tpu.concatenate %squeeze3A_18, %squeeze3A_20, %squeeze3A_22, %squeeze3A_24 in 1 : vector<2048x32xf32>, vector<2048x32xf32>, vector<2048x32xf32>, vector<2048x32xf32> -> vector<2048x128xf32>
    %swap3A_26 = arith.constant 0 : index
    %swap3A_27 = arith.constant 0 : index
    %swap3A_28 = vector.load %arg4[%swap3A_26, %swap3A_27] : memref<2048x128xf32, #tpu.memory_space<vmem>>, vector<2048x128xf32>
    tpu.vector_store %arg4[%swap3A_26, %swap3A_27], %concatenate3A_25 {strides = array<i32>} : memref<2048x128xf32, #tpu.memory_space<vmem>>, vector<2048x128xf32>,
    return
  }
  func.func @transform_0(%arg0: i32) -> (i32, i32) {
    %c0_i32 = arith.constant 0 : i32
    %c0_i32_0 = arith.constant 0 : i32
    return %c0_i32, %arg0 : i32, i32
  }
  func.func @transform_1(%arg0: i32) -> (i32, i32) {
    %c0_i32 = arith.constant 0 : i32
    %c0_i32_0 = arith.constant 0 : i32
    return %c0_i32, %arg0 : i32, i32
  }
  func.func @transform_2(%arg0: i32) -> (i32, i32) {
    %c0_i32 = arith.constant 0 : i32
    %c0_i32_0 = arith.constant 0 : i32
    return %arg0, %c0_i32 : i32, i32
  }
  func.func @transform_3(%arg0: i32) -> (i32, i32) {
    %c0_i32 = arith.constant 0 : i32
    %c0_i32_0 = arith.constant 0 : i32
    return %arg0, %c0_i32 : i32, i32
  }
}

</mosaic_0001>

<sc_bundles>
// kernel: kernel.5.cloned.1.call-start
scs
__scs_entry_jumppad:
0x0: {  	(pc) =	sbr.rel $0x88, $3  }
0x1: {  	(tag) =	ssettag $0x0;
	lr =	simm.s32 $0x1  }
0x2: {  	[smem:$0x3F8F] =	sst lr;
	_ =	strace $0xD0000000  }
0x3: {  	_ = 	snop  }
0x4: {  	_ = 	snop  }
0x5: {  	_ = 	snop  }
0x6: {  	_ = 	snop  }
0x7: {  	_ = 	snop  }
__scs_overlays_trampoline_lowered:
0x8: {  	[smem:$0x3F9E] =	sst s0  }
0x9: {  	[smem:$0x3F9F] =	sst s1  }
0xa: {  	[smem:$0x3FA0] =	sst s2  }
0xb: {  	[smem:$0x3FA1] =	sst s3  }
0xc: {  	[smem:$0x3FA2] =	sst s4  }
0xd: {  	[smem:$0x3FA3] =	sst s5  }
0xe: {  	[smem:$0x3FA4] =	sst s6  }
0xf: {  	[smem:$0x3FA5] =	sst s7  }
0x10: {  	[smem:$0x3FA6] =	sst s8  }
0x11: {  	[smem:$0x3FA7] =	sst s9;
	s0 =	simm.s32 @!p0 $0x0  }
0x12: {  	s1 =	sld [smem:$0x3F8D];
	s0 =	simm.s32 @p0 $0x1  }
0x13: {  	[smem:$0x3FA8] =	sst s0;
	s0 =	simm.s32 @!p1 $0x0  }
0x14: {  	s2 =	sld [smem:$0x3F8C];
	s0 =	simm.s32 @p1 $0x1  }
0x15: {  	[smem:$0x3FA9] =	sst s0;
	s0 =	simm.s32 @!p2 $0x0  }
0x16: {  	s3 =	sld [smem:$0x3FDB];
	s0 =	simm.s32 @p2 $0x1  }
0x17: {  	s4 =	simm.s32 $0x1BF5;
	[smem:$0x3FAB] =	sst s0  }
0x18: {  	s0 =	sld [smem:$0x3F8E];
	_ =	swait.ge [sflag:s4], $0x0  }
0x19: {  	s7 =	sld [smem:$0x3F8F]  }
0x1a: {  	s8 =	sadd.s32 $0xFFFFE003, lr  }
0x1b: {  	s9 =	sadd.s32 $0xFFFFFEF7, lr;
	s5 =	simm.s32 $0xFFFFFFFF;
	p2 =	slt.u32 s8, $0xFFFFF086  }
0x1c: {  	p1 =	slt.u32 s9, $0xF7A;
	s5 =	simm.s32 @!p2 $0x0  }
0x1d: {  	s5 =	simm.s32 @p1 $0x1;
	p0 =	seq.s32 s7, s2  }
0x1e: {  	s7 =	smul.u32 @!p0 $0xF7A, s2;
	p2 =	seq.s32 @!p0 s5, $0x0  }
0x1f: {  	s9 =	smul.u32 $0xF7A, s1;
	s8 =	simm.s32 @!p0 $0x1BF5;
	p2 =	por !p2, p0  }
0x20: {  	[sflag:s8] =	ssyncset.s32 @!p0 $0xFFFFF086;
	s6 =	sadd.s32 @!p0 s3, s7;
	s7 =	simm.s32 @!p0 $0x108  }
0x21: {  	s3 =	sadd.s32 s3, s9;
	s6 =	sadd.s32 @!p0 $0x88, s6;
	s7 =	simm.s32 @p2 $0x1082  }
0x22: {  	[simem:s7], [sflag:s8] =	dma.local @!p0 [hbm:s6], $0xF7A  }
0x23: {  	s9 =	sor.u32 $0xD0000000, s2;
	s6 =	simm.s32 $0x108;
	_ =	swait.ge @!p0 [sflag:s8], $0x0  }
0x24: {  	s3 =	sadd.s32 $0x88, s3;
	s6 =	simm.s32 @!p1 $0x1082;
	[sflag:s4] =	ssyncset.s32 $0xFFFFF086  }
0x25: {  	[simem:s6], [sflag:s4] =	dma.local [hbm:s3], $0xF7A  }
0x26: {  	[smem:$0x3F8F] =	sst s1;
	(tag) =	ssettag s2;
	_ =	strace s9  }
0x27: {  	s1 =	sld [smem:$0x3F9F]  }
0x28: {  	s2 =	sld [smem:$0x3FA0]  }
0x29: {  	s4 =	sld [smem:$0x3FA2]  }
0x2a: {  	p0 =	seq.s32 s5, $0x0;
	s5 =	sld [smem:$0x3FA3]  }
0x2b: {  	s6 =	sld [smem:$0x3FA4]  }
0x2c: {  	s7 =	sld [smem:$0x3FA5]  }
0x2d: {  	s3 =	simm.s32 $0x108;
	s8 =	sld [smem:$0x3FA6]  }
0x2e: {  	s3 =	simm.s32 @!p0 $0x1082;
	s9 =	sld [smem:$0x3FA7]  }
0x2f: {  	lr =	sadd.s32 s0, s3;
	s0 =	sld [smem:$0x3F9E]  }
0x30: {  	s3 =	sld [smem:$0x3FA1]  }
0x31: {  	[smem:$0x3FAA] =	sst s10  }
0x32: {  	s10 =	sld [smem:$0x3FA8];
	_ =	sdelay $0x3  }
0x33: {  	p0 =	seq.s32 s10, $0x1;
	s10 =	sld [smem:$0x3FAA];
	_ =	sdelay $0x3  }
0x34: {  	[smem:$0x3FAA] =	sst s10  }
0x35: {  	s10 =	sld [smem:$0x3FA9];
	_ =	sdelay $0x3  }
0x36: {  	p1 =	seq.s32 s10, $0x1;
	s10 =	sld [smem:$0x3FAA];
	_ =	sdelay $0x3  }
0x37: {  	[smem:$0x3FAA] =	sst s10  }
0x38: {  	s10 =	sld [smem:$0x3FAB]  }
0x39: {  	_ = 	snop;
	(pc) =	sbr.ind lr, $3  }
0x3a: {  	_ = 	snop  }
0x3b: {  	_ = 	snop  }
0x3c: {  	p2 =	seq.s32 s10, $0x1;
	s10 =	sld [smem:$0x3FAA]  }
0x3d: {  	_ =	shalt  }
0x3e: {  	_ =	shalt  }
0x3f: {  	_ =	shalt  }
0x40: {  	_ =	shalt  }
0x41: {  	_ =	shalt  }
0x42: {  	_ =	shalt  }
0x43: {  	_ =	shalt  }
0x44: {  	_ =	shalt  }
0x45: {  	_ =	shalt  }
0x46: {  	_ =	shalt  }
0x47: {  	_ =	shalt  }
0x48: {  	_ =	shalt  }
0x49: {  	_ =	shalt  }
0x4a: {  	_ =	shalt  }
0x4b: {  	_ =	shalt  }
0x4c: {  	_ =	shalt  }
0x4d: {  	_ =	shalt  }
0x4e: {  	_ =	shalt  }
0x4f: {  	_ =	shalt  }
0x50: {  	_ =	shalt  }
0x51: {  	_ =	shalt  }
0x52: {  	_ =	shalt  }
0x53: {  	_ =	shalt  }
0x54: {  	_ =	shalt  }
0x55: {  	_ =	shalt  }
0x56: {  	_ =	shalt  }
0x57: {  	_ =	shalt  }
0x58: {  	_ =	shalt  }
0x59: {  	_ =	shalt  }
0x5a: {  	_ =	shalt  }
0x5b: {  	_ =	shalt  }
0x5c: {  	_ =	shalt  }
0x5d: {  	_ =	shalt  }
0x5e: {  	_ =	shalt  }
0x5f: {  	_ =	shalt  }
0x60: {  	_ =	shalt  }
0x61: {  	_ =	shalt  }
0x62: {  	_ =	shalt  }
0x63: {  	_ =	shalt  }
0x64: {  	_ =	shalt  }
0x65: {  	_ =	shalt  }
0x66: {  	_ =	shalt  }
0x67: {  	_ =	shalt  }
0x68: {  	_ =	shalt  }
0x69: {  	_ =	shalt  }
0x6a: {  	_ =	shalt  }
0x6b: {  	_ =	shalt  }
0x6c: {  	_ =	shalt  }
0x6d: {  	_ =	shalt  }
0x6e: {  	_ =	shalt  }
0x6f: {  	_ =	shalt  }
0x70: {  	_ =	shalt  }
0x71: {  	_ =	shalt  }
0x72: {  	_ =	shalt  }
0x73: {  	_ =	shalt  }
0x74: {  	_ =	shalt  }
0x75: {  	_ =	shalt  }
0x76: {  	_ =	shalt  }
0x77: {  	_ =	shalt  }
0x78: {  	_ =	shalt  }
0x79: {  	_ =	shalt  }
0x7a: {  	_ =	shalt  }
0x7b: {  	_ =	shalt  }
0x7c: {  	_ =	shalt  }
0x7d: {  	_ =	shalt  }
0x7e: {  	_ =	shalt  }
0x7f: {  	_ =	shalt  }
0x80: {  	_ =	shalt  }
0x81: {  	_ =	shalt  }
0x82: {  	_ =	shalt  }
0x83: {  	_ =	shalt  }
0x84: {  	_ =	shalt  }
0x85: {  	_ =	shalt  }
0x86: {  	_ =	shalt  }
0x87: {  	_ =	shalt  }
.Lfunc_end0:
.L_simem_size_0:
called_computation_lowered:
.L_overlay_start_0:
0x88: {  	s2 =	sld [smem:$0x3FD9]  }
0x89: {  	s3 =	sld [smem:$0x3FFE];
	_ =	sdelay $0x1  }
0x8a: {  	s1 =	srdreg.scid  }
0x8b: {  	s0 =	sand.u32 $0x1, s1  }
0x8c: {  	s24 =	sshll.u32 s0, $0xA;
	s2 =	sadd.s32 s3, s2  }
0x8d: {  	s2 =	sadd.s32 s2, s24  }
0x8e: {  	[smem:$0x3FB6] =	sst s2  }
0x8f: {  	_ = 	snop  }
0x90: {  	s9 =	sld [smem:$0x3FC9]  }
0x91: {  	s10 =	sld [smem:$0x3FC8]  }
0x92: {  	s11 =	sld [smem:$0x3FC7]  }
0x93: {  	s12 =	sld [smem:$0x3FC6]  }
0x94: {  	s13 =	sld [smem:$0x3FC5]  }
0x95: {  	s14 =	sld [smem:$0x3FC4]  }
0x96: {  	s2 =	sld [smem:$0x3FC0]  }
0x97: {  	s3 =	sld [smem:$0x3FBF]  }
0x98: {  	s4 =	sld [smem:$0x3FBD]  }
0x99: {  	s5 =	sld [smem:$0x3FBB]  }
0x9a: {  	s6 =	sld [smem:$0x3FBA]  }
0x9b: {  	s7 =	sld [smem:$0x3FB9]  }
0x9c: {  	s8 =	sld [smem:$0x3FB8]  }
0x9d: {  	s16 =	sld [smem:$0x3FD0];
	(tm) =	ssettm $0x1  }
0x9e: {  	s15 =	sld [smem:$0x3FFB];
	_ =	sdelay $0x3  }
0x9f: {  	_ =	strace s15  }
0xa0: {  	s15 =	sld [smem:$0x3FFC];
	_ =	sdelay $0x3  }
0xa1: {  	_ =	strace s15  }
0xa2: {  	s15 =	sld [smem:$0x3FFD];
	_ =	sdelay $0x3  }
0xa3: {  	_ =	strace s15  }
0xa4: {  	_ =	strace $0x8FFFFFFF  }
0xa5: {  	s25 =	sld [smem:$0x3FDB];
	_ =	sdelay $0x1  }
0xa6: {  	s17 =	simm.s32 $_scs_section_size  }
0xa7: {  	s18 =	simm.s32 $_size__tile_task_arg_handler_lowered;
	s19 =	simm.s32 $_tile_task_arg_handler_lowered  }
0xa8: {  	s29 =	simm.s32 $0x1BFF;
	s28 =	sshll.u32 s19, $0x1;
	s17 =	sadd.s32 s17, s25  }
0xa9: {  	s20 =	simm.s32 $0x60;
	s26 =	sshll.u32 s18, $0x1;
	s18 =	sadd.s32 s28, s17  }
0xaa: {  	[timem:s20], [sflag:s29] =	dma.local [hbm:s18], s26  }
0xab: {  	_ =	swait.ge [sflag:s29], s26  }
0xac: {  	s30 =	simm.s32 $_tile_overlayer_lowered;
	s15 =	ssub.s32 $0x0, s26;
	[sflag:s29] =	ssyncset.done $0x0  }
0xad: {  	s31 =	simm.s32 $_size__tile_overlayer_lowered;
	s18 =	sshll.u32 s30, $0x1;
	[sflag:s29] =	ssyncadd.s32 s15  }
0xae: {  	s21 =	simm.s32 $0x0;
	s18 =	sadd.s32 s18, s17;
	s15 =	sshll.u32 s31, $0x1  }
0xaf: {  	[timem:s21], [sflag:s29] =	dma.local [hbm:s18], s15  }
0xb0: {  	_ =	swait.ge [sflag:s29], s15  }
0xb1: {  	s22 =	ssub.s32 $0x0, s15;
	[sflag:s29] =	ssyncset.done $0x0  }
0xb2: {  	[sflag:s29] =	ssyncadd.s32 s22;
	_ =	sdelay $0x1  }
0xb3: {  	s23 =	simm.s32 $0x1B8B  }
0xb4: {  	_ =	swait.ge [sflag:s23], $0x1  }
0xb5: {  	[sflag:s23] =	ssyncset.done $0x0  }
0xb6: {  	s25 =	simm.s32 $0x1B8E;
	s24 =	sld [smem:$0x3FFE];
	[sflag:s23] =	ssyncadd.s32 $0xFFFFFFFF  }
0xb7: {  	s26 =	simm.s32 $execute0_lowered;
	[smem:$0x3FD2] =	sst s25  }
0xb8: {  	s19 =	sshll.u32 s26, $0x1;
	_ =	strace $0x80000046;
	[dreg:$0x1] =	wrdreg $0xFFFFFFFF  }
0xb9: {  	s28 =	simm.s32 $_size_execute0_lowered;
	s17 =	sadd.s32 s17, s19;
	[dreg:$0x0] =	wrdreg $0x0  }
0xba: {  	s19 =	sshll.u32 s28, $0x1;
	[dreg:$0x2] =	wrdreg s17  }
0xbb: {  	[dreg:$0x3] =	wrdreg s19  }
0xbc: {  	[dreg:$0x4] =	wrdreg $0xC0  }
0xbd: {  	_ =	task [dreg:s21], $0x5FFFF  }
0xbe: {  	[dreg:$0x1] =	wrdreg $0xFFFFFFFF  }
0xbf: {  	[dreg:$0x0] =	wrdreg $0x30  }
0xc0: {  	[dreg:$0x2] =	wrdreg $0x0  }
0xc1: {  	[dreg:$0x3] =	wrdreg s16  }
0xc2: {  	[dreg:$0x4] =	wrdreg $0x9  }
0xc3: {  	_ =	task [dreg:s21], $0x5FFFF  }
0xc4: {  	[dreg:$0x1] =	wrdreg $0xFFFFFFFF  }
0xc5: {  	[dreg:$0x0] =	wrdreg $0x60  }
0xc6: {  	[dreg:$0x2] =	wrdreg s9  }
0xc7: {  	[dreg:$0x3] =	wrdreg s10  }
0xc8: {  	[dreg:$0x4] =	wrdreg s11  }
0xc9: {  	[dreg:$0x5] =	wrdreg s12  }
0xca: {  	[dreg:$0x6] =	wrdreg s13  }
0xcb: {  	[dreg:$0x7] =	wrdreg s14  }
0xcc: {  	[dreg:$0x8] =	wrdreg s24  }
0xcd: {  	[dreg:$0x9] =	wrdreg s2  }
0xce: {  	[dreg:$0xa] =	wrdreg s3  }
0xcf: {  	[dreg:$0xb] =	wrdreg s4  }
0xd0: {  	[dreg:$0xc] =	wrdreg s5  }
0xd1: {  	[dreg:$0xd] =	wrdreg s6  }
0xd2: {  	[dreg:$0xe] =	wrdreg s7  }
0xd3: {  	[dreg:$0xf] =	wrdreg s8  }
0xd4: {  	_ =	task.clear_ibuf [dreg:s21], $0x10FFFF;
	_ =	strace $0x90000046  }
0xd5: {  	s29 =	simm.s32 $0x9;
	_ =	strace $0x80000048  }
0xd6: {  	_ =	swait.ge [sflag:s29], $0x1  }
0xd7: {  	[sflag:s29] =	ssyncadd.s32 $0xFFFFFFFF  }
0xd8: {  	_ =	strace $0x90000048  }
0xd9: {  	_ =	sfence  }
0xda: {  	s30 =	sld [smem:$0x0];
	_ =	sdelay $0x2  }
0xdb: {  	s31 =	sshll.u32 s1, $0xD;
	s1 =	sshrl.u32 s1, $0x2  }
0xdc: {  	s3 =	sand.u32 $0x4000, s31;
	s1 =	sadd.s32 s1, s30  }
0xdd: {  	s0 =	sor.u32 s3, s0;
	s1 =	sshll.u32 s1, $0x11  }
0xde: {  	s0 =	sor.u32 s1, s0  }
0xdf: {  	s0 =	sadd.s32 $0x8F2B, s0  }
0xe0: {  	[sflag:s0] =	ssyncadd.remote.s32 $0x1  }
0xe1: {  	_ =	sfence.sel $0xFFFF  }
0xe2: {  	[dreg:$0x0] =	wrdreg $0xFFFFFFFF;
	(pc) =	sbr.abs _section_cstart, $3  }
0xe3: {  	[dreg:$0x1] =	wrdreg $0xFFFFFFFF  }
0xe4: {  	_ =	task.clear_ibuf [dreg:s21], $0x2FFFF;
	_ =	strace $0x9FFFFFFF  }
0xe5: {  	(tm) =	ssettm $0x7FFFFFFF  }
tec
_tile_task_arg_handler_lowered:
.L_overlay_start_1:
0x0: {  	(tag) =	ssettag $0x1  }
0x1: {  	s0 =	rddreg [dreg:$0x0]  }
0x2: {  	s1 =	rddreg [dreg:$0x1]  }
0x3: {  	s2 =	rddreg [dreg:$0x2]  }
0x4: {  	s3 =	rddreg [dreg:$0x3]  }
0x5: {  	s4 =	rddreg [dreg:$0x4]  }
0x6: {  	s5 =	rddreg [dreg:$0x5]  }
0x7: {  	s6 =	rddreg [dreg:$0x6]  }
0x8: {  	s7 =	rddreg [dreg:$0x7]  }
0x9: {  	s8 =	rddreg [dreg:$0x8]  }
0xa: {  	s9 =	rddreg [dreg:$0x9]  }
0xb: {  	s10 =	rddreg [dreg:$0xa]  }
0xc: {  	s11 =	rddreg [dreg:$0xb]  }
0xd: {  	s12 =	rddreg [dreg:$0xc]  }
0xe: {  	s13 =	rddreg [dreg:$0xd]  }
0xf: {  	[smem:s0] =	sst s1  }
0x10: {  	[smem:s0+$0x1] =	sst s2  }
0x11: {  	[smem:s0+$0x2] =	sst s3  }
0x12: {  	[smem:s0+$0x3] =	sst s4  }
0x13: {  	[smem:s0+$0x4] =	sst s5  }
0x14: {  	[smem:s0+$0x5] =	sst s6  }
0x15: {  	[smem:s0+$0x6] =	sst s7  }
0x16: {  	[smem:s0+$0x7] =	sst s8  }
0x17: {  	[smem:s0+$0x8] =	sst s9  }
0x18: {  	[smem:s0+$0x9] =	sst s10  }
0x19: {  	[smem:s0+$0xA] =	sst s11  }
0x1a: {  	[smem:s0+$0xB] =	sst s12  }
0x1b: {  	[smem:s0+$0xC] =	sst s13;
	_ =	shalt  }
.Lfunc_end2:
execute0_lowered:
.L_overlay_start_2:
0x1c: {  	(tag) =	ssettag $0x2  }
0x1d: {  	s4 =	rddreg [dreg:$0x0]  }
0x1e: {  	s5 =	rddreg [dreg:$0x1]  }
0x1f: {  	s7 =	rddreg [dreg:$0x2]  }
0x20: {  	s8 =	rddreg [dreg:$0x3]  }
0x21: {  	s10 =	rddreg [dreg:$0x4]  }
0x22: {  	s0 =	rddreg [dreg:$0x5]  }
0x23: {  	s11 =	rddreg [dreg:$0x6]  }
0x24: {  	s1 =	rddreg [dreg:$0x7]  }
0x25: {  	s2 =	rddreg [dreg:$0x8]  }
0x26: {  	s3 =	rddreg [dreg:$0x9]  }
0x27: {  	s9 =	simm.s32 $0x0;
	s12 =	srdreg.scid;
	s15 =	stileid.u32  }
0x28: {  	[smem:$0x7FF] =	sst s9;
	s12 =	sand.u32 $0x1, s12;
	s15 =	sshll.u32 s15, $0x7  }
0x29: {  	s14 =	ssub.s32 $0x2, s12;
	s12 =	sshll.u32 s12, $0x6;
	s16 =	sld [smem:$0x1]  }
0x2a: {  	s6 =	rddreg [dreg:$0xc];
	s29 =	sadd.s32 $0x13D6E00, s11;
	s12 =	sor.u32 s12, s15  }
0x2b: {  	s30 =	sadd.s32 $0x1313600, s11;
	s13 =	sld [smem:$0x0];
	s15 =	sor.u32 $0x10, s12  }
0x2c: {  	s31 =	sadd.s32 $0xF42C00, s11;
	[dreg:$0xe] =	wrdreg s16;
	s23 =	sadd.s32 s4, s15  }
0x2d: {  	s24 =	sadd.s32 s5, s15;
	_ =	strace $0x80000047;
	[dreg:$0xf] =	wrdreg s23  }
0x2e: {  	s25 =	sor.u32 $0x20, s12;
	s15 =	sadd.s32 s7, s15;
	[dreg:$0x10] =	wrdreg s24  }
0x2f: {  	s22 =	sshrl.u32 s14, $0x1;
	s26 =	sadd.s32 s4, s25;
	[dreg:$0x11] =	wrdreg s15  }
0x30: {  	s14 =	ssub.s32 s14, s22;
	s28 =	sadd.s32 s5, s25;
	[dreg:$0x12] =	wrdreg s26  }
0x31: {  	s18 =	sadd.s32 s4, s12;
	s17 =	sadd.s32 s7, s25;
	[dreg:$0x13] =	wrdreg s28  }
0x32: {  	s19 =	sor.u32 $0x30, s12;
	s20 =	sadd.s32 s5, s12;
	[dreg:$0x14] =	wrdreg s17  }
0x33: {  	s4 =	sadd.s32 s4, s19;
	s21 =	sadd.s32 s5, s19;
	[dreg:$0x15] =	wrdreg s18  }
0x34: {  	s22 =	sadd.s32 s7, s19;
	s25 =	sadd.s32 s10, s12;
	[dreg:$0x16] =	wrdreg s4  }
0x35: {  	s10 =	simm.s32 $0x200;
	s5 =	simm.s32 $0x80;
	[dreg:$0x17] =	wrdreg s20  }
0x36: {  	s16 =	simm.s32 $0xD10;
	s19 =	simm.s32 $0x12910;
	[dreg:$0x18] =	wrdreg s21  }
0x37: {  	[dreg:$0x19] =	wrdreg s22;
	s23 =	sadd.s32 s7, s12;
	s24 =	sadd.s32 s8, s12  }
0x38: {  	[dreg:$0x1c] =	wrdreg s25;
	s26 =	sadd.s32 $0x800, s11;
	s28 =	sadd.s32 s13, s12  }
0x39: {  	s8 =	smax.u32 s14, $0x1;
	s7 =	simm.s32 $0x280;
	s4 =	simm.s32 $0x100  }
0x3a: {  	s12 =	simm.s32 $0x180;
	s13 =	simm.s32 $0x380;
	s14 =	simm.s32 $0xC10  }
0x3b: {  	s15 =	simm.s32 $0xC90;
	s17 =	simm.s32 $0x1;
	[dreg:$0x1a] =	wrdreg s23  }
0x3c: {  	s18 =	simm.s32 $0x2910;
	s20 =	simm.s32 $0x16910;
	[dreg:$0x1b] =	wrdreg s24  }
0x3d: {  	v0 =	vimm.f32 $1.000000000e+00;
	s21 =	simm.s32 $0x2;
	s22 =	simm.s32 $0x0;
	[dreg:$0x1d] =	wrdreg s26  }
0x3e: {  	v56 =	vlaneseq.u32;
	v57 =	vand.u32 $0x7FFFFFFF, v0;
	s26 =	sadd.s32 $0x1375200, s11;
	[dreg:$0x1e] =	wrdreg s28;
	s11 =	simm.s32 $0x300  }
.LBB3_1:
0x3f: {  	s23 =	rddreg [dreg:$0x15]  }
0x40: {  	[tilespmem:s9], [sflag:$0x1] =	stream.linear.gather [hbm4b:s23+s9], $0x80, $0x38;
	[tilespmem:$0x1AB10] =	vst v63  }
0x41: {  	s24 =	rddreg [dreg:$0x17]  }
0x42: {  	[tilespmem:s10], [sflag:$0x1] =	stream.linear.gather [hbm4b:s24+s9], $0x80, $0x38;
	[tilespmem:$0x1AB10] =	vst v63  }
0x43: {  	s25 =	rddreg [dreg:$0x1a];
	s24 =	simm.s32 $0x400  }
0x44: {  	[tilespmem:s24], [sflag:$0x1] =	stream.linear.gather [hbm4b:s25+s9], $0x80, $0x38;
	[tilespmem:$0x1AB10] =	vst v63  }
0x45: {  	s28 =	rddreg [dreg:$0xf]  }
0x46: {  	[tilespmem:s5], [sflag:$0x1] =	stream.linear.gather [hbm4b:s28+s9], $0x80, $0x38;
	[tilespmem:$0x1AB10] =	vst v63  }
0x47: {  	s24 =	rddreg [dreg:$0x10]  }
0x48: {  	[tilespmem:s7], [sflag:$0x1] =	stream.linear.gather [hbm4b:s24+s9], $0x80, $0x38;
	[tilespmem:$0x1AB10] =	vst v63  }
0x49: {  	s25 =	rddreg [dreg:$0x11];
	s28 =	simm.s32 $0x480  }
0x4a: {  	[tilespmem:s28], [sflag:$0x1] =	stream.linear.gather [hbm4b:s25+s9], $0x80, $0x38;
	[tilespmem:$0x1AB10] =	vst v63  }
0x4b: {  	s25 =	rddreg [dreg:$0x12]  }
0x4c: {  	[tilespmem:s4], [sflag:$0x1] =	stream.linear.gather [hbm4b:s25+s9], $0x80, $0x38;
	[tilespmem:$0x1AB10] =	vst v63  }
0x4d: {  	s28 =	rddreg [dreg:$0x13]  }
0x4e: {  	[tilespmem:s11], [sflag:$0x1] =	stream.linear.gather [hbm4b:s28+s9], $0x80, $0x38;
	[tilespmem:$0x1AB10] =	vst v63  }
0x4f: {  	s24 =	rddreg [dreg:$0x14];
	s25 =	simm.s32 $0x500  }
0x50: {  	[tilespmem:s25], [sflag:$0x1] =	stream.linear.gather [hbm4b:s24+s9], $0x80, $0x38;
	[tilespmem:$0x1AB10] =	vst v63  }
0x51: {  	s28 =	rddreg [dreg:$0x16]  }
0x52: {  	[tilespmem:s12], [sflag:$0x1] =	stream.linear.gather [hbm4b:s28+s9], $0x80, $0x38;
	[tilespmem:$0x1AB10] =	vst v63  }
0x53: {  	s24 =	rddreg [dreg:$0x18]  }
0x54: {  	[tilespmem:s13], [sflag:$0x1] =	stream.linear.gather [hbm4b:s24+s9], $0x80, $0x38;
	[tilespmem:$0x1AB10] =	vst v63  }
0x55: {  	s25 =	rddreg [dreg:$0x19];
	s28 =	simm.s32 $0x580  }
0x56: {  	[tilespmem:s28], [sflag:$0x1] =	stream.linear.gather [hbm4b:s25+s9], $0x80, $0x38;
	[tilespmem:$0x1AB10] =	vst v63  }
0x57: {  	s25 =	rddreg [dreg:$0x1b];
	s28 =	simm.s32 $0x800  }
0x58: {  	[tilespmem:s28], [sflag:$0x1] =	stream.linear.gather [hbm4b:s25+s9], $0x200, $0x38;
	[tilespmem:$0x1AB10] =	vst v63  }
0x59: {  	s25 =	rddreg [dreg:$0x1c];
	s28 =	simm.s32 $0xA00  }
0x5a: {  	[tilespmem:s28], [sflag:$0x1] =	stream.linear.gather [hbm4b:s25+s9], $0x200, $0x38;
	[tilespmem:$0x1AB10] =	vst v63  }
0x5b: {  	s25 =	rddreg [dreg:$0x1d];
	s28 =	simm.s32 $0xC00  }
0x5c: {  	[tilespmem:s28], [sflag:$0x1] =	stream.linear.gather [hbm4b:s25+s9], $0x10, $0x38;
	[tilespmem:$0x1AB10] =	vst v63  }
0x5d: {  	s25 =	rddreg [dreg:$0xb]  }
0x5e: {  	[tilespmem:s14], [sflag:$0x1] =	stream.linear.gather [hbm4b:s25+s9], $0x80, $0x38;
	[tilespmem:$0x1AB10] =	vst v63  }
0x5f: {  	s28 =	rddreg [dreg:$0xd]  }
0x60: {  	[tilespmem:s15], [sflag:$0x1] =	stream.linear.gather [hbm4b:s28+s9], $0x80, $0x38;
	[tilespmem:$0x1AB10] =	vst v63  }
0x61: {  	s24 =	rddreg [dreg:$0xa]  }
0x62: {  	[tilespmem:s16], [sflag:$0x1] =	stream.linear.gather [hbm4b:s24+s9], $0x1000, $0x38;
	[tilespmem:$0x1AB10] =	vst v63  }
0x63: {  	_ =	swait.ge [sflag:s17], $0x80  }
0x64: {  	[sflag:s17] =	ssyncset.done $0x0  }
0x65: {  	[sflag:s17] =	ssyncadd.s32 $0xFFFFFF80  }
0x66: {  	_ =	swait.ge [sflag:s17], $0x80  }
0x67: {  	[sflag:s17] =	ssyncset.done $0x0  }
0x68: {  	[sflag:s17] =	ssyncadd.s32 $0xFFFFFF80  }
0x69: {  	_ =	swait.ge [sflag:s17], $0x80  }
0x6a: {  	[sflag:s17] =	ssyncset.done $0x0  }
0x6b: {  	[sflag:s17] =	ssyncadd.s32 $0xFFFFFF80  }
0x6c: {  	_ =	swait.ge [sflag:s17], $0x80  }
0x6d: {  	[sflag:s17] =	ssyncset.done $0x0  }
0x6e: {  	[sflag:s17] =	ssyncadd.s32 $0xFFFFFF80  }
0x6f: {  	_ =	swait.ge [sflag:s17], $0x80  }
0x70: {  	[sflag:s17] =	ssyncset.done $0x0  }
0x71: {  	[sflag:s17] =	ssyncadd.s32 $0xFFFFFF80  }
0x72: {  	_ =	swait.ge [sflag:s17], $0x80  }
0x73: {  	[sflag:s17] =	ssyncset.done $0x0  }
0x74: {  	[sflag:s17] =	ssyncadd.s32 $0xFFFFFF80  }
0x75: {  	_ =	swait.ge [sflag:s17], $0x80  }
0x76: {  	[sflag:s17] =	ssyncset.done $0x0  }
0x77: {  	[sflag:s17] =	ssyncadd.s32 $0xFFFFFF80  }
0x78: {  	_ =	swait.ge [sflag:s17], $0x80  }
0x79: {  	[sflag:s17] =	ssyncset.done $0x0  }
0x7a: {  	[sflag:s17] =	ssyncadd.s32 $0xFFFFFF80  }
0x7b: {  	_ =	swait.ge [sflag:s17], $0x80  }
0x7c: {  	[sflag:s17] =	ssyncset.done $0x0  }
0x7d: {  	[sflag:s17] =	ssyncadd.s32 $0xFFFFFF80  }
0x7e: {  	_ =	swait.ge [sflag:s17], $0x80  }
0x7f: {  	[sflag:s17] =	ssyncset.done $0x0  }
0x80: {  	[sflag:s17] =	ssyncadd.s32 $0xFFFFFF80  }
0x81: {  	_ =	swait.ge [sflag:s17], $0x80  }
0x82: {  	[sflag:s17] =	ssyncset.done $0x0  }
0x83: {  	[sflag:s17] =	ssyncadd.s32 $0xFFFFFF80  }
0x84: {  	_ =	swait.ge [sflag:s17], $0x80  }
0x85: {  	[sflag:s17] =	ssyncset.done $0x0  }
0x86: {  	[sflag:s17] =	ssyncadd.s32 $0xFFFFFF80  }
0x87: {  	_ =	swait.ge [sflag:s17], $0x200  }
0x88: {  	[sflag:s17] =	ssyncset.done $0x0  }
0x89: {  	[sflag:s17] =	ssyncadd.s32 $0xFFFFFE00  }
0x8a: {  	_ =	swait.ge [sflag:s17], $0x200  }
0x8b: {  	[sflag:s17] =	ssyncset.done $0x0  }
0x8c: {  	[sflag:s17] =	ssyncadd.s32 $0xFFFFFE00  }
0x8d: {  	_ =	swait.ge [sflag:s17], $0x10  }
0x8e: {  	[sflag:s17] =	ssyncset.done $0x0  }
0x8f: {  	[sflag:s17] =	ssyncadd.s32 $0xFFFFFFF0  }
0x90: {  	_ =	swait.ge [sflag:s17], $0x80  }
0x91: {  	[sflag:s17] =	ssyncset.done $0x0  }
0x92: {  	[sflag:s17] =	ssyncadd.s32 $0xFFFFFF80  }
0x93: {  	_ =	swait.ge [sflag:s17], $0x80  }
0x94: {  	[sflag:s17] =	ssyncset.done $0x0  }
0x95: {  	[sflag:s17] =	ssyncadd.s32 $0xFFFFFF80  }
0x96: {  	_ =	swait.ge [sflag:s17], $0x1000  }
0x97: {  	[sflag:s17] =	ssyncset.done $0x0  }
0x98: {  	[sflag:s17] =	ssyncadd.s32 $0xFFFFF000  }
0x99: {  	v0 =	vld [tilespmem:$0x200]  }
0x9a: {  	v1 =	vld [tilespmem:$0x400]  }
0x9b: {  	v2 =	vld [tilespmem:$0x210]  }
0x9c: {  	v3 =	vld [tilespmem:$0x410]  }
0x9d: {  	v4 =	vld [tilespmem:$0x220]  }
0x9e: {  	v5 =	vld [tilespmem:$0x420]  }
0x9f: {  	v6 =	vld [tilespmem:$0x230]  }
0xa0: {  	v7 =	vld [tilespmem:$0x430]  }
0xa1: {  	v8 =	vld [tilespmem:$0x240]  }
0xa2: {  	v9 =	vld [tilespmem:$0x440]  }
0xa3: {  	v10 =	vld [tilespmem:$0x250]  }
0xa4: {  	v11 =	vld [tilespmem:$0x450]  }
0xa5: {  	v12 =	vld [tilespmem:$0x260]  }
0xa6: {  	v13 =	vld [tilespmem:$0x460]  }
0xa7: {  	v14 =	vld [tilespmem:$0x270]  }
0xa8: {  	v15 =	vld [tilespmem:$0x470]  }
0xa9: {  	v16 =	vld [tilespmem:$0x280]  }
0xaa: {  	v17 =	vld [tilespmem:$0x480]  }
0xab: {  	v18 =	vld [tilespmem:$0x290]  }
0xac: {  	v19 =	vld [tilespmem:$0x490]  }
0xad: {  	v20 =	vld [tilespmem:$0x2A0]  }
0xae: {  	v21 =	vld [tilespmem:$0x4A0]  }
0xaf: {  	v22 =	vld [tilespmem:$0x2B0]  }
0xb0: {  	v23 =	vld [tilespmem:$0x4B0]  }
0xb1: {  	v24 =	vld [tilespmem:$0x2C0]  }
0xb2: {  	v25 =	vld [tilespmem:$0x4C0]  }
0xb3: {  	v26 =	vld [tilespmem:$0x2D0]  }
0xb4: {  	v27 =	vld [tilespmem:$0x4D0]  }
0xb5: {  	v28 =	vld [tilespmem:$0x2E0]  }
0xb6: {  	v29 =	vld [tilespmem:$0x4E0]  }
0xb7: {  	v30 =	vld [tilespmem:$0x2F0]  }
0xb8: {  	v31 =	vld [tilespmem:$0x4F0]  }
0xb9: {  	v32 =	vld [tilespmem:$0x300]  }
0xba: {  	v33 =	vld [tilespmem:$0x500]  }
0xbb: {  	v34 =	vld [tilespmem:$0x310]  }
0xbc: {  	v35 =	vld [tilespmem:$0x510]  }
0xbd: {  	v36 =	vld [tilespmem:$0x320];
	v0 =	vshll.u32 v0, $0x5  }
0xbe: {  	v54 =	vld [tilespmem:$0x570];
	v0 =	vadd.s32 v1, v0;
	v1 =	vshll.u32 v2, $0x5  }
0xbf: {  	v55 =	vld [tilespmem:$0x380];
	[tilespmem:$0x600] =	vst v0;
	v0 =	vadd.s32 v3, v1;
	v1 =	vshll.u32 v4, $0x5  }
0xc0: {  	v58 =	vld [tilespmem:$0x580];
	[tilespmem:$0x610] =	vst v0;
	v0 =	vadd.s32 v5, v1;
	v1 =	vshll.u32 v6, $0x5  }
0xc1: {  	v59 =	vld [tilespmem:$0x390];
	[tilespmem:$0x620] =	vst v0;
	v0 =	vadd.s32 v7, v1;
	v1 =	vshll.u32 v8, $0x5  }
0xc2: {  	v60 =	vld [tilespmem:$0x590];
	[tilespmem:$0x630] =	vst v0;
	v0 =	vadd.s32 v9, v1;
	v1 =	vshll.u32 v10, $0x5  }
0xc3: {  	v61 =	vld [tilespmem:$0x3A0];
	[tilespmem:$0x640] =	vst v0;
	v0 =	vadd.s32 v11, v1;
	v1 =	vshll.u32 v12, $0x5  }
0xc4: {  	v62 =	vld [tilespmem:$0x5A0];
	[tilespmem:$0x650] =	vst v0;
	v0 =	vadd.s32 v13, v1;
	v1 =	vshll.u32 v14, $0x5  }
0xc5: {  	v63 =	vld [tilespmem:$0x3B0];
	[tilespmem:$0x660] =	vst v0;
	v0 =	vadd.s32 v15, v1;
	v1 =	vshll.u32 v16, $0x5  }
0xc6: {  	v2 =	vld [tilespmem:$0x520];
	[tilespmem:$0x670] =	vst v0;
	v0 =	vadd.s32 v17, v1;
	v1 =	vshll.u32 v18, $0x5  }
0xc7: {  	v3 =	vld [tilespmem:$0x330];
	[tilespmem:$0x680] =	vst v0;
	v0 =	vadd.s32 v19, v1;
	v1 =	vshll.u32 v20, $0x5  }
0xc8: {  	v4 =	vld [tilespmem:$0x530];
	[tilespmem:$0x690] =	vst v0;
	v0 =	vadd.s32 v21, v1;
	v1 =	vshll.u32 v22, $0x5  }
0xc9: {  	v5 =	vld [tilespmem:$0x340];
	[tilespmem:$0x6A0] =	vst v0;
	v0 =	vadd.s32 v23, v1;
	v1 =	vshll.u32 v24, $0x5  }
0xca: {  	v6 =	vld [tilespmem:$0x540];
	[tilespmem:$0x6B0] =	vst v0;
	v0 =	vadd.s32 v25, v1;
	v1 =	vshll.u32 v26, $0x5  }
0xcb: {  	v7 =	vld [tilespmem:$0x350];
	[tilespmem:$0x6C0] =	vst v0;
	v0 =	vadd.s32 v27, v1;
	v1 =	vshll.u32 v28, $0x5  }
0xcc: {  	v8 =	vld [tilespmem:$0x550];
	[tilespmem:$0x6D0] =	vst v0;
	v0 =	vadd.s32 v29, v1;
	v1 =	vshll.u32 v30, $0x5  }
0xcd: {  	v9 =	vld [tilespmem:$0x360];
	[tilespmem:$0x6E0] =	vst v0;
	v0 =	vadd.s32 v31, v1;
	v1 =	vshll.u32 v32, $0x5  }
0xce: {  	v10 =	vld [tilespmem:$0x560];
	[tilespmem:$0x6F0] =	vst v0;
	v0 =	vadd.s32 v33, v1;
	v1 =	vshll.u32 v34, $0x5  }
0xcf: {  	v11 =	vld [tilespmem:$0x370];
	[tilespmem:$0x700] =	vst v0;
	v0 =	vadd.s32 v35, v1;
	v1 =	vshll.u32 v36, $0x5  }
0xd0: {  	[tilespmem:$0x710] =	vst v0;
	v0 =	vadd.s32 v2, v1;
	v1 =	vshll.u32 v3, $0x5;
	v2 =	vld [tilespmem:$0x5B0]  }
0xd1: {  	v3 =	vld [tilespmem:$0x3C0];
	[tilespmem:$0x720] =	vst v0;
	v0 =	vadd.s32 v4, v1;
	v1 =	vshll.u32 v5, $0x5  }
0xd2: {  	v4 =	vld [tilespmem:$0x5C0];
	[tilespmem:$0x730] =	vst v0;
	v0 =	vadd.s32 v6, v1;
	v1 =	vshll.u32 v7, $0x5  }
0xd3: {  	v5 =	vld [tilespmem:$0x3D0];
	[tilespmem:$0x740] =	vst v0;
	v0 =	vadd.s32 v8, v1;
	v1 =	vshll.u32 v9, $0x5  }
0xd4: {  	v6 =	vld [tilespmem:$0x5D0];
	[tilespmem:$0x750] =	vst v0;
	v0 =	vadd.s32 v10, v1;
	v1 =	vshll.u32 v11, $0x5  }
0xd5: {  	v7 =	vld [tilespmem:$0x3E0];
	[tilespmem:$0x760] =	vst v0;
	v0 =	vadd.s32 v54, v1;
	v1 =	vshll.u32 v55, $0x5  }
0xd6: {  	v8 =	vld [tilespmem:$0x5E0];
	[tilespmem:$0x770] =	vst v0;
	v0 =	vadd.s32 v58, v1;
	v1 =	vshll.u32 v59, $0x5  }
0xd7: {  	v9 =	vld [tilespmem:$0x3F0];
	[tilespmem:$0x780] =	vst v0;
	v0 =	vadd.s32 v60, v1;
	v1 =	vshll.u32 v61, $0x5  }
0xd8: {  	v10 =	vld [tilespmem:$0x5F0];
	[tilespmem:$0x790] =	vst v0;
	v0 =	vadd.s32 v62, v1;
	v1 =	vshll.u32 v63, $0x5  }
0xd9: {  	[tilespmem:$0x7A0] =	vst v0;
	v0 =	vadd.s32 v2, v1;
	v1 =	vshll.u32 v3, $0x5  }
0xda: {  	[tilespmem:$0x7B0] =	vst v0;
	v0 =	vadd.s32 v4, v1;
	v1 =	vshll.u32 v5, $0x5  }
0xdb: {  	[tilespmem:$0x7C0] =	vst v0;
	v0 =	vadd.s32 v6, v1;
	v1 =	vshll.u32 v7, $0x5  }
0xdc: {  	[tilespmem:$0x7D0] =	vst v0;
	v0 =	vadd.s32 v8, v1;
	v1 =	vshll.u32 v9, $0x5  }
0xdd: {  	[tilespmem:$0x7E0] =	vst v0;
	v0 =	vadd.s32 v10, v1  }
0xde: {  	s25 =	simm.s32 $0x1D10;
	[tilespmem:$0x7F0] =	vst v0  }
0xdf: {  	[tilespmem:s25], [sflag:$0x1] =	stream.indirect.gather [hbm4b:s1+s5], $0x1, s9, s5, $0xb8;
	[tilespmem:$0x1AB10] =	vst v63  }
0xe0: {  	s28 =	simm.s32 $0x1F10  }
0xe1: {  	[tilespmem:s28], [sflag:$0x1] =	stream.indirect.gather [hbm4b:s0+s5], $0x1, s9, s5, $0xb8;
	[tilespmem:$0x1AB10] =	vst v63  }
0xe2: {  	s24 =	simm.s32 $0x2110  }
0xe3: {  	[tilespmem:s24], [sflag:$0x1] =	stream.indirect.gather [hbm4b:s3+s5], $0x1, s9, s5, $0xb8;
	[tilespmem:$0x1AB10] =	vst v63  }
0xe4: {  	s25 =	simm.s32 $0x2310  }
0xe5: {  	[tilespmem:s25], [sflag:$0x1] =	stream.indirect.gather [hbm4b:s6+s5], $0x1, s9, s5, $0xb8;
	[tilespmem:$0x1AB10] =	vst v63  }
0xe6: {  	s28 =	simm.s32 $0x2510  }
0xe7: {  	[tilespmem:s28], [sflag:$0x1] =	stream.indirect.gather [hbm4b:s2+s5], $0x1, s10, s5, $0xb8;
	[tilespmem:$0x1AB10] =	vst v63  }
0xe8: {  	s24 =	simm.s32 $0x600;
	s25 =	simm.s32 $0x2710  }
0xe9: {  	[tilespmem:s25], [sflag:$0x1] =	stream.indirect.gather [hbm4b:s30+s5], $0x1, s24, s5, $0xb8;
	[tilespmem:$0x1AB10] =	vst v63  }
0xea: {  	_ = 	snop  }
0xeb: {  	[tilespmem:s18], [sflag:$0x1] =	stream.indirect.gather [hbm4b:s29+s5], $0x80, s9, s5, $0xb8;
	[tilespmem:$0x1AB10] =	vst v63  }
0xec: {  	_ = 	snop  }
0xed: {  	[tilespmem:s19], [sflag:$0x1] =	stream.indirect.gather [hbm4b:s31+s5], $0x20, s9, s5, $0xb8;
	[tilespmem:$0x1AB10] =	vst v63  }
0xee: {  	_ = 	snop  }
0xef: {  	[tilespmem:s20], [sflag:$0x1] =	stream.indirect.gather [hbm4b:s26+s5], $0x20, s10, s5, $0xb8;
	[tilespmem:$0x1AB10] =	vst v63  }
0xf0: {  	s28 =	simm.s32 $0x1D90  }
0xf1: {  	[tilespmem:s28], [sflag:$0x1] =	stream.indirect.gather [hbm4b:s1+s5], $0x1, s5, s5, $0xb8;
	[tilespmem:$0x1AB10] =	vst v63  }
0xf2: {  	s24 =	simm.s32 $0x1F90  }
0xf3: {  	[tilespmem:s24], [sflag:$0x1] =	stream.indirect.gather [hbm4b:s0+s5], $0x1, s5, s5, $0xb8;
	[tilespmem:$0x1AB10] =	vst v63  }
0xf4: {  	s25 =	simm.s32 $0x2190  }
0xf5: {  	[tilespmem:s25], [sflag:$0x1] =	stream.indirect.gather [hbm4b:s3+s5], $0x1, s5, s5, $0xb8;
	[tilespmem:$0x1AB10] =	vst v63  }
0xf6: {  	s28 =	simm.s32 $0x2390  }
0xf7: {  	[tilespmem:s28], [sflag:$0x1] =	stream.indirect.gather [hbm4b:s6+s5], $0x1, s5, s5, $0xb8;
	[tilespmem:$0x1AB10] =	vst v63  }
0xf8: {  	s24 =	simm.s32 $0x2590  }
0xf9: {  	[tilespmem:s24], [sflag:$0x1] =	stream.indirect.gather [hbm4b:s2+s5], $0x1, s7, s5, $0xb8;
	[tilespmem:$0x1AB10] =	vst v63  }
0xfa: {  	s25 =	simm.s32 $0x680;
	s28 =	simm.s32 $0x2790  }
0xfb: {  	[tilespmem:s28], [sflag:$0x1] =	stream.indirect.gather [hbm4b:s30+s5], $0x1, s25, s5, $0xb8;
	[tilespmem:$0x1AB10] =	vst v63  }
0xfc: {  	s25 =	simm.s32 $0x6910  }
0xfd: {  	[tilespmem:s25], [sflag:$0x1] =	stream.indirect.gather [hbm4b:s29+s5], $0x80, s5, s5, $0xb8;
	[tilespmem:$0x1AB10] =	vst v63  }
0xfe: {  	s28 =	simm.s32 $0x13910  }
0xff: {  	[tilespmem:s28], [sflag:$0x1] =	stream.indirect.gather [hbm4b:s31+s5], $0x20, s5, s5, $0xb8;
	[tilespmem:$0x1AB10] =	vst v63  }
0x100: {  	s24 =	simm.s32 $0x17910  }
0x101: {  	[tilespmem:s24], [sflag:$0x1] =	stream.indirect.gather [hbm4b:s26+s5], $0x20, s7, s5, $0xb8;
	[tilespmem:$0x1AB10] =	vst v63  }
0x102: {  	s25 =	simm.s32 $0x1E10  }
0x103: {  	[tilespmem:s25], [sflag:$0x1] =	stream.indirect.gather [hbm4b:s1+s5], $0x1, s4, s5, $0xb8;
	[tilespmem:$0x1AB10] =	vst v63  }
0x104: {  	s28 =	simm.s32 $0x2010  }
0x105: {  	[tilespmem:s28], [sflag:$0x1] =	stream.indirect.gather [hbm4b:s0+s5], $0x1, s4, s5, $0xb8;
	[tilespmem:$0x1AB10] =	vst v63  }
0x106: {  	s24 =	simm.s32 $0x2210  }
0x107: {  	[tilespmem:s24], [sflag:$0x1] =	stream.indirect.gather [hbm4b:s3+s5], $0x1, s4, s5, $0xb8;
	[tilespmem:$0x1AB10] =	vst v63  }
0x108: {  	s25 =	simm.s32 $0x2410  }
0x109: {  	[tilespmem:s25], [sflag:$0x1] =	stream.indirect.gather [hbm4b:s6+s5], $0x1, s4, s5, $0xb8;
	[tilespmem:$0x1AB10] =	vst v63  }
0x10a: {  	s28 =	simm.s32 $0x2610  }
0x10b: {  	[tilespmem:s28], [sflag:$0x1] =	stream.indirect.gather [hbm4b:s2+s5], $0x1, s11, s5, $0xb8;
	[tilespmem:$0x1AB10] =	vst v63  }
0x10c: {  	s24 =	simm.s32 $0x700;
	s25 =	simm.s32 $0x2810  }
0x10d: {  	[tilespmem:s25], [sflag:$0x1] =	stream.indirect.gather [hbm4b:s30+s5], $0x1, s24, s5, $0xb8;
	[tilespmem:$0x1AB10] =	vst v63  }
0x10e: {  	s28 =	simm.s32 $0xA910  }
0x10f: {  	[tilespmem:s28], [sflag:$0x1] =	stream.indirect.gather [hbm4b:s29+s5], $0x80, s4, s5, $0xb8;
	[tilespmem:$0x1AB10] =	vst v63  }
0x110: {  	s24 =	simm.s32 $0x14910  }
0x111: {  	[tilespmem:s24], [sflag:$0x1] =	stream.indirect.gather [hbm4b:s31+s5], $0x20, s4, s5, $0xb8;
	[tilespmem:$0x1AB10] =	vst v63  }
0x112: {  	s25 =	simm.s32 $0x18910  }
0x113: {  	[tilespmem:s25], [sflag:$0x1] =	stream.indirect.gather [hbm4b:s26+s5], $0x20, s11, s5, $0xb8;
	[tilespmem:$0x1AB10] =	vst v63  }
0x114: {  	s28 =	simm.s32 $0x1E90  }
0x115: {  	[tilespmem:s28], [sflag:$0x1] =	stream.indirect.gather [hbm4b:s1+s5], $0x1, s12, s5, $0xb8;
	[tilespmem:$0x1AB10] =	vst v63  }
0x116: {  	s24 =	simm.s32 $0x2090  }
0x117: {  	[tilespmem:s24], [sflag:$0x1] =	stream.indirect.gather [hbm4b:s0+s5], $0x1, s12, s5, $0xb8;
	[tilespmem:$0x1AB10] =	vst v63  }
0x118: {  	s25 =	simm.s32 $0x2290  }
0x119: {  	[tilespmem:s25], [sflag:$0x1] =	stream.indirect.gather [hbm4b:s3+s5], $0x1, s12, s5, $0xb8;
	[tilespmem:$0x1AB10] =	vst v63  }
0x11a: {  	s28 =	simm.s32 $0x2490  }
0x11b: {  	[tilespmem:s28], [sflag:$0x1] =	stream.indirect.gather [hbm4b:s6+s5], $0x1, s12, s5, $0xb8;
	[tilespmem:$0x1AB10] =	vst v63  }
0x11c: {  	s24 =	simm.s32 $0x2690  }
0x11d: {  	[tilespmem:s24], [sflag:$0x1] =	stream.indirect.gather [hbm4b:s2+s5], $0x1, s13, s5, $0xb8;
	[tilespmem:$0x1AB10] =	vst v63  }
0x11e: {  	s25 =	simm.s32 $0x780;
	s28 =	simm.s32 $0x2890  }
0x11f: {  	[tilespmem:s28], [sflag:$0x1] =	stream.indirect.gather [hbm4b:s30+s5], $0x1, s25, s5, $0xb8;
	[tilespmem:$0x1AB10] =	vst v63  }
0x120: {  	s24 =	simm.s32 $0xE910  }
0x121: {  	[tilespmem:s24], [sflag:$0x1] =	stream.indirect.gather [hbm4b:s29+s5], $0x80, s12, s5, $0xb8;
	[tilespmem:$0x1AB10] =	vst v63  }
0x122: {  	s25 =	simm.s32 $0x15910  }
0x123: {  	[tilespmem:s25], [sflag:$0x1] =	stream.indirect.gather [hbm4b:s31+s5], $0x20, s12, s5, $0xb8;
	[tilespmem:$0x1AB10] =	vst v63  }
0x124: {  	s28 =	simm.s32 $0x19910  }
0x125: {  	[tilespmem:s28], [sflag:$0x1] =	stream.indirect.gather [hbm4b:s26+s5], $0x20, s13, s5, $0xb8;
	[tilespmem:$0x1AB10] =	vst v63  }
0x126: {  	_ =	swait.ge [sflag:s17], $0x80  }
0x127: {  	[sflag:s17] =	ssyncset.done $0x0  }
0x128: {  	[sflag:s17] =	ssyncadd.s32 $0xFFFFFF80  }
0x129: {  	_ =	swait.ge [sflag:s17], $0x80  }
0x12a: {  	[sflag:s17] =	ssyncset.done $0x0  }
0x12b: {  	[sflag:s17] =	ssyncadd.s32 $0xFFFFFF80  }
0x12c: {  	_ =	swait.ge [sflag:s17], $0x80  }
0x12d: {  	[sflag:s17] =	ssyncset.done $0x0  }
0x12e: {  	[sflag:s17] =	ssyncadd.s32 $0xFFFFFF80  }
0x12f: {  	_ =	swait.ge [sflag:s17], $0x80  }
0x130: {  	[sflag:s17] =	ssyncset.done $0x0  }
0x131: {  	[sflag:s17] =	ssyncadd.s32 $0xFFFFFF80  }
0x132: {  	_ =	swait.ge [sflag:s17], $0x80  }
0x133: {  	[sflag:s17] =	ssyncset.done $0x0  }
0x134: {  	[sflag:s17] =	ssyncadd.s32 $0xFFFFFF80  }
0x135: {  	_ =	swait.ge [sflag:s17], $0x80  }
0x136: {  	[sflag:s17] =	ssyncset.done $0x0  }
0x137: {  	[sflag:s17] =	ssyncadd.s32 $0xFFFFFF80  }
0x138: {  	_ =	swait.ge [sflag:s17], $0x4000  }
0x139: {  	[sflag:s17] =	ssyncset.done $0x0  }
0x13a: {  	[sflag:s17] =	ssyncadd.s32 $0xFFFFC000  }
0x13b: {  	_ =	swait.ge [sflag:s17], $0x1000  }
0x13c: {  	[sflag:s17] =	ssyncset.done $0x0  }
0x13d: {  	[sflag:s17] =	ssyncadd.s32 $0xFFFFF000  }
0x13e: {  	_ =	swait.ge [sflag:s17], $0x1000  }
0x13f: {  	[sflag:s17] =	ssyncset.done $0x0  }
0x140: {  	[sflag:s17] =	ssyncadd.s32 $0xFFFFF000  }
0x141: {  	_ =	swait.ge [sflag:s17], $0x80  }
0x142: {  	[sflag:s17] =	ssyncset.done $0x0  }
0x143: {  	[sflag:s17] =	ssyncadd.s32 $0xFFFFFF80  }
0x144: {  	_ =	swait.ge [sflag:s17], $0x80  }
0x145: {  	[sflag:s17] =	ssyncset.done $0x0  }
0x146: {  	[sflag:s17] =	ssyncadd.s32 $0xFFFFFF80  }
0x147: {  	_ =	swait.ge [sflag:s17], $0x80  }
0x148: {  	[sflag:s17] =	ssyncset.done $0x0  }
0x149: {  	[sflag:s17] =	ssyncadd.s32 $0xFFFFFF80  }
0x14a: {  	_ =	swait.ge [sflag:s17], $0x80  }
0x14b: {  	[sflag:s17] =	ssyncset.done $0x0  }
0x14c: {  	[sflag:s17] =	ssyncadd.s32 $0xFFFFFF80  }
0x14d: {  	_ =	swait.ge [sflag:s17], $0x80  }
0x14e: {  	[sflag:s17] =	ssyncset.done $0x0  }
0x14f: {  	[sflag:s17] =	ssyncadd.s32 $0xFFFFFF80  }
0x150: {  	_ =	swait.ge [sflag:s17], $0x80  }
0x151: {  	[sflag:s17] =	ssyncset.done $0x0  }
0x152: {  	[sflag:s17] =	ssyncadd.s32 $0xFFFFFF80  }
0x153: {  	_ =	swait.ge [sflag:s17], $0x4000  }
0x154: {  	[sflag:s17] =	ssyncset.done $0x0  }
0x155: {  	[sflag:s17] =	ssyncadd.s32 $0xFFFFC000  }
0x156: {  	_ =	swait.ge [sflag:s17], $0x1000  }
0x157: {  	[sflag:s17] =	ssyncset.done $0x0  }
0x158: {  	[sflag:s17] =	ssyncadd.s32 $0xFFFFF000  }
0x159: {  	_ =	swait.ge [sflag:s17], $0x1000  }
0x15a: {  	[sflag:s17] =	ssyncset.done $0x0  }
0x15b: {  	[sflag:s17] =	ssyncadd.s32 $0xFFFFF000  }
0x15c: {  	_ =	swait.ge [sflag:s17], $0x80  }
0x15d: {  	[sflag:s17] =	ssyncset.done $0x0  }
0x15e: {  	[sflag:s17] =	ssyncadd.s32 $0xFFFFFF80  }
0x15f: {  	_ =	swait.ge [sflag:s17], $0x80  }
0x160: {  	[sflag:s17] =	ssyncset.done $0x0  }
0x161: {  	[sflag:s17] =	ssyncadd.s32 $0xFFFFFF80  }
0x162: {  	_ =	swait.ge [sflag:s17], $0x80  }
0x163: {  	[sflag:s17] =	ssyncset.done $0x0  }
0x164: {  	[sflag:s17] =	ssyncadd.s32 $0xFFFFFF80  }
0x165: {  	_ =	swait.ge [sflag:s17], $0x80  }
0x166: {  	[sflag:s17] =	ssyncset.done $0x0  }
0x167: {  	[sflag:s17] =	ssyncadd.s32 $0xFFFFFF80  }
0x168: {  	_ =	swait.ge [sflag:s17], $0x80  }
0x169: {  	[sflag:s17] =	ssyncset.done $0x0  }
0x16a: {  	[sflag:s17] =	ssyncadd.s32 $0xFFFFFF80  }
0x16b: {  	_ =	swait.ge [sflag:s17], $0x80  }
0x16c: {  	[sflag:s17] =	ssyncset.done $0x0  }
0x16d: {  	[sflag:s17] =	ssyncadd.s32 $0xFFFFFF80  }
0x16e: {  	_ =	swait.ge [sflag:s17], $0x4000  }
0x16f: {  	[sflag:s17] =	ssyncset.done $0x0  }
0x170: {  	[sflag:s17] =	ssyncadd.s32 $0xFFFFC000  }
0x171: {  	_ =	swait.ge [sflag:s17], $0x1000  }
0x172: {  	[sflag:s17] =	ssyncset.done $0x0  }
0x173: {  	[sflag:s17] =	ssyncadd.s32 $0xFFFFF000  }
0x174: {  	_ =	swait.ge [sflag:s17], $0x1000  }
0x175: {  	[sflag:s17] =	ssyncset.done $0x0  }
0x176: {  	[sflag:s17] =	ssyncadd.s32 $0xFFFFF000  }
0x177: {  	_ =	swait.ge [sflag:s17], $0x80  }
0x178: {  	[sflag:s17] =	ssyncset.done $0x0  }
0x179: {  	[sflag:s17] =	ssyncadd.s32 $0xFFFFFF80  }
0x17a: {  	_ =	swait.ge [sflag:s17], $0x80  }
0x17b: {  	[sflag:s17] =	ssyncset.done $0x0  }
0x17c: {  	[sflag:s17] =	ssyncadd.s32 $0xFFFFFF80  }
0x17d: {  	_ =	swait.ge [sflag:s17], $0x80  }
0x17e: {  	[sflag:s17] =	ssyncset.done $0x0  }
0x17f: {  	[sflag:s17] =	ssyncadd.s32 $0xFFFFFF80  }
0x180: {  	_ =	swait.ge [sflag:s17], $0x80  }
0x181: {  	[sflag:s17] =	ssyncset.done $0x0  }
0x182: {  	[sflag:s17] =	ssyncadd.s32 $0xFFFFFF80  }
0x183: {  	_ =	swait.ge [sflag:s17], $0x80  }
0x184: {  	[sflag:s17] =	ssyncset.done $0x0  }
0x185: {  	[sflag:s17] =	ssyncadd.s32 $0xFFFFFF80  }
0x186: {  	_ =	swait.ge [sflag:s17], $0x80  }
0x187: {  	[sflag:s17] =	ssyncset.done $0x0  }
0x188: {  	[sflag:s17] =	ssyncadd.s32 $0xFFFFFF80  }
0x189: {  	_ =	swait.ge [sflag:s17], $0x4000  }
0x18a: {  	[sflag:s17] =	ssyncset.done $0x0  }
0x18b: {  	[sflag:s17] =	ssyncadd.s32 $0xFFFFC000  }
0x18c: {  	_ =	swait.ge [sflag:s17], $0x1000  }
0x18d: {  	[sflag:s17] =	ssyncset.done $0x0  }
0x18e: {  	v1 =	vor.u32 s9, v56;
	[sflag:s17] =	ssyncadd.s32 $0xFFFFF000  }
0x18f: {  	v24 =	vshll.u32 v1, $0x5;
	_ =	swait.ge [sflag:s17], $0x1000  }
0x190: {  	v25 =	vshll.u32 v1, $0x7;
	v4 =	vor.u32 $0x1D, v24;
	[sflag:s17] =	ssyncset.done $0x0  }
0x191: {  	v2 =	vor.u32 $0x1E, v25;
	[sflag:s17] =	ssyncadd.s32 $0xFFFFF000  }
0x192: {  	s23 =	simm.s32 $0x0;
	v3 =	vor.u32 $0x1E, v24;
	v0 =	vld [tilespmem:$0xC00]  }
0x193: {  	v61 =	vld [tilespmem:s23+$0x2510]  }
0x194: {  	v6 =	vld [tilespmem:s23+$0xA00]  }
0x195: {  	v5 =	vor.u32 $0x1C, v24;
	[tilespmem:$0x1FF60] =	vst v4;
	v4 =	vld.idx.msk [tilespmem:v4+s20+$0x0], $0xffff  }
0x196: {  	v7 =	vor.u32 $0x1B, v24;
	v2 =	vld.idx.msk [tilespmem:v2+s18+$0x0], $0xffff  }
0x197: {  	[tilespmem:$0x1FF50] =	vst v3;
	v60 =	vld.idx.msk [tilespmem:v3+s20+$0x0], $0xffff;
	v3 =	vor.u32 $0x1D, v25  }
0x198: {  	v8 =	vor.u32 $0x1A, v24;
	[tilespmem:$0x1FF80] =	vst v5;
	v58 =	vld [tilespmem:s23+$0x2310]  }
0x199: {  	[tilespmem:$0x1FF30] =	vst v0;
	v0 =	vld [tilespmem:s23+$0x2710]  }
0x19a: {  	[tilespmem:$0x1FF70] =	vst v4;
	v4 =	vld.idx.msk [tilespmem:v5+s20+$0x0], $0xffff  }
0x19b: {  	[tilespmem:$0x1FFA0] =	vst v2;
	v2 =	vld.idx.msk [tilespmem:v7+s20+$0x0], $0xffff  }
0x19c: {  	[tilespmem:$0x1FFB0] =	vst v7;
	v3 =	vld.idx.msk [tilespmem:v3+s18+$0x0], $0xffff  }
0x19d: {  	[tilespmem:$0x1FFE0] =	vst v8;
	v5 =	vld.idx.msk [tilespmem:v8+s20+$0x0], $0xffff  }
0x19e: {  	v59 =	vld [tilespmem:s23+$0x1D10];
	[tilespmem:$0x1FF40] =	vst v0  }
0x19f: {  	v63 =	vld [tilespmem:s23+$0x2110];
	[tilespmem:$0x1FF90] =	vst v4  }
0x1a0: {  	v1 =	vld [tilespmem:s23+$0x800];
	[tilespmem:$0x1FFC0] =	vst v2  }
0x1a1: {  	v10 =	vor.u32 $0x18, v24;
	v7 =	vor.u32 $0x19, v24;
	v62 =	vld.idx.msk [tilespmem:v6+s15+$0x0], $0xffff;
	[tilespmem:$0x1FFD0] =	vst v3  }
0x1a2: {  	s24 =	simm.s32 $0x40;
	s25 =	simm.s32 $0x0;
	v0 =	vld [tilespmem:s23+$0x1F10];
	v2 =	vor.u32 $0x1C, v25;
	v3 =	vor.u32 $0x1B, v25;
	v4 =	vor.u32 $0x1A, v25;
	[tilespmem:$0x1FFF0] =	vst v5  }
.LBB3_2:
0x1a3: {  	_ =	sdelay $0x3  }
0x1a4: {  	v40 =	vor.u32 $0x16, v24;
	v3 =	vld.idx.msk [tilespmem:v3+s18+$0x0], $0xffff;
	_ =	sdelay $0x1  }
0x1a5: {  	v1 =	vcvt.s32.f32 v1;
	_ =	sdelay $0x1  }
0x1a6: {  	v54 =	vsub.f32 v1, v0;
	v0 =	vor.u32 $0x16, v25  }
0x1a7: {  	[tilespmem:$0x1FEA0] =	vst v3;
	v3 =	vor.u32 $0x18, v25;
	v1 =	vld.idx.msk [tilespmem:v40+s20+$0x0], $0xffff;
	_ =	sdelay $0x2  }
0x1a8: {  	v4 =	vld.idx.msk [tilespmem:v4+s18+$0x0], $0xffff  }
0x1a9: {  	v0 =	vld.idx.msk [tilespmem:v0+s18+$0x0], $0xffff  }
0x1aa: {  	v49 =	vor.u32 $0x13, v24;
	[tilespmem:$0x1FE50] =	vst v1;
	v1 =	vld.idx.msk [tilespmem:v3+s18+$0x0], $0xffff;
	_ =	sdelay $0x2  }
0x1ab: {  	[tilespmem:$0x1FE80] =	vst v4  }
0x1ac: {  	v4 =	vor.u32 $0x17, v25;
	[tilespmem:$0x1FE00] =	vst v0  }
0x1ad: {  	v0 =	vld.idx.msk [tilespmem:v49+s20+$0x0], $0xffff;
	[tilespmem:$0x1FE40] =	vst v1;
	v1 =	vor.u32 $0x15, v25;
	_ =	sdelay $0x1  }
0x1ae: {  	v2 =	vld.idx.msk [tilespmem:v2+s18+$0x0], $0xffff;
	_ =	sdelay $0x1  }
0x1af: {  	v3 =	vld.idx.msk [tilespmem:v4+s18+$0x0], $0xffff  }
0x1b0: {  	v52 =	vor.u32 $0x12, v24;
	[tilespmem:$0x1FDF0] =	vst v0;
	v0 =	vld.idx.msk [tilespmem:v1+s18+$0x0], $0xffff;
	_ =	sdelay $0x1  }
0x1b1: {  	[tilespmem:$0x1FEC0] =	vst v2;
	v2 =	vor.u32 $0x19, v25;
	_ =	sdelay $0x1  }
0x1b2: {  	[tilespmem:$0x1FE20] =	vst v3  }
0x1b3: {  	v3 =	vor.u32 $0x14, v25;
	[tilespmem:$0x1FDD0] =	vst v0;
	v0 =	vld.idx.msk [tilespmem:v52+s20+$0x0], $0xffff;
	_ =	sdelay $0x1  }
0x1b4: {  	v43 =	vor.u32 $0x15, v24;
	v2 =	vld.idx.msk [tilespmem:v2+s18+$0x0], $0xffff;
	_ =	sdelay $0x1  }
0x1b5: {  	v46 =	vor.u32 $0x14, v24  }
0x1b6: {  	v56 =	vor.u32 $0x11, v24;
	[tilespmem:$0x1FDC0] =	vst v0;
	v0 =	vld.idx.msk [tilespmem:v3+s18+$0x0], $0xffff  }
0x1b7: {  	v5 =	vld.idx.msk [tilespmem:v7+s20+$0x0], $0xffff  }
0x1b8: {  	[tilespmem:$0x1FE60] =	vst v2;
	v2 =	vld.idx.msk [tilespmem:v43+s20+$0x0], $0xffff;
	_ =	sdelay $0x1  }
0x1b9: {  	[tilespmem:$0x1FDB0] =	vst v10;
	v4 =	vld.idx.msk [tilespmem:v46+s20+$0x0], $0xffff  }
0x1ba: {  	[tilespmem:$0x1FDA0] =	vst v0;
	v0 =	vld.idx.msk [tilespmem:v56+s20+$0x0], $0xffff  }
0x1bb: {  	[tilespmem:$0x1FEB0] =	vst v5;
	v5 =	vld.idx.msk [tilespmem:v10+s20+$0x0], $0xffff;
	v10 =	vand.u32 $0x7FFFFFFF, v54  }
0x1bc: {  	[tilespmem:$0x1FE30] =	vst v2;
	v2 =	vand.u32 $0x7FFFFF, v10  }
0x1bd: {  	v2 =	vor.u32 $0x3F800000, v2  }
0x1be: {  	[tilespmem:$0x1FE10] =	vst v4;
	v4 =	vadd.f32 $1.000000000e+00, v2  }
0x1bf: {  	[tilespmem:$0x1FD90] =	vst v0;
	v0 =	vor.u32 $0xE, v24  }
0x1c0: {  	(erf) = vrcp.f32 v4;
	_ =	sdelay $0x2  }
0x1c1: {  	v11 =	vor.u32 $0xA, v24  }
0x1c2: {  	v35 =	vor.u32 $0x7, v25;
	v8 =	vld.idx.msk [tilespmem:v0+s20+$0x0], $0xffff  }
0x1c3: {  	v37 =	vor.u32 $0x17, v24;
	v50 =	vld.idx.msk [tilespmem:v24+s20+$0x0], $0xffff  }
0x1c4: {  	v34 =	vor.u32 $0x4, v24;
	v51 =	vld.idx.msk [tilespmem:v6+s16+$0x0], $0xffff  }
0x1c5: {  	v39 =	vor.u32 $0x6, v25;
	v55 =	vld.idx.msk [tilespmem:v25+s18+$0x0], $0xffff  }
0x1c6: {  	v41 =	vor.u32 $0x3, v24;
	v26 =	vld.idx.msk [tilespmem:v11+s20+$0x0], $0xffff;
	v2 =	vadd.f32 $-1.000000000e+00, v2  }
0x1c7: {  	v42 =	vor.u32 $0x4, v25;
	v35 =	vld.idx.msk [tilespmem:v35+s18+$0x0], $0xffff;
	[tilespmem:$0x1FD30] =	vst v8;
	v8 =	vpop (erf)  }
0x1c8: {  	v18 =	vor.u32 $0x3, v25;
	[tilespmem:$0x1FE90] =	vst v5;
	v5 =	vld.idx.msk [tilespmem:v37+s20+$0x0], $0xffff;
	v13 =	vmul.f32 v8, v2  }
0x1c9: {  	v19 =	vadd.s32 $0x80, v6;
	v44 =	vld.idx.msk [tilespmem:v34+s20+$0x0], $0xffff  }
0x1ca: {  	v53 =	vor.u32 $0x2, v25;
	v39 =	vld.idx.msk [tilespmem:v39+s18+$0x0], $0xffff;
	v16 =	vmul.f32 v13, v13  }
0x1cb: {  	v47 =	vld.idx.msk [tilespmem:v41+s20+$0x0], $0xffff  }
0x1cc: {  	v42 =	vld.idx.msk [tilespmem:v42+s18+$0x0], $0xffff;
	v9 =	vmul.f32 $1.428571490e-01, v16  }
0x1cd: {  	v18 =	vld.idx.msk [tilespmem:v18+s18+$0x0], $0xffff;
	[tilespmem:$0x1FE70] =	vst v5;
	v5 =	vor.u32 $0x13, v25  }
0x1ce: {  	[tilespmem:$0x1FF00] =	vst v62;
	v62 =	vor.u32 $0xF, v24;
	v19 =	vld.idx.msk [tilespmem:v19+s16+$0x0], $0xffff;
	v9 =	vadd.f32 $2.000000030e-01, v9  }
0x1cf: {  	v53 =	vld.idx.msk [tilespmem:v53+s18+$0x0], $0xffff;
	v20 =	vshrl.u32 v10, $0x17  }
0x1d0: {  	v34 =	vld.idx.msk [tilespmem:v34+s19+$0x0], $0xffff;
	v21 =	vadd.s32 $0xFFFFFF81, v20;
	v20 =	vor.u32 $0x1, v25;
	v9 =	vmul.f32 v9, v16  }
0x1d1: {  	v11 =	vld.idx.msk [tilespmem:v11+s19+$0x0], $0xffff;
	v1 =	vor.u32 $0x12, v25  }
0x1d2: {  	v4 =	vld.idx.msk [tilespmem:v5+s18+$0x0], $0xffff;
	v3 =	vor.u32 $0x11, v25;
	v17 =	vadd.f32 $3.333333430e-01, v9  }
0x1d3: {  	v30 =	vor.u32 $0xA, v25;
	v5 =	vld.idx.msk [tilespmem:v62+s20+$0x0], $0xffff  }
0x1d4: {  	v31 =	vor.u32 $0x9, v25;
	v38 =	vcvt.s32.f32 v21;
	v21 =	vld.idx.msk [tilespmem:v24+s19+$0x0], $0xffff;
	v16 =	vmul.f32 v17, v16  }
0x1d5: {  	v15 =	vor.u32 $0x8, v25;
	v20 =	vld.idx.msk [tilespmem:v20+s18+$0x0], $0xffff  }
0x1d6: {  	v22 =	vor.u32 $0x5, v25;
	v1 =	vld.idx.msk [tilespmem:v1+s18+$0x0], $0xffff;
	v36 =	vadd.f32 v13, v13;
	v16 =	vadd.f32 $1.000000000e+00, v16  }
0x1d7: {  	[tilespmem:$0x1FEF0] =	vst v59;
	v59 =	vor.u32 $0x10, v24;
	v3 =	vld.idx.msk [tilespmem:v3+s18+$0x0], $0xffff  }
0x1d8: {  	v38 =	vmul.f32 $6.931471820e-01, v38;
	v10 =	vld.idx.msk [tilespmem:v30+s18+$0x0], $0xffff;
	[tilespmem:$0x1FD50] =	vst v5;
	v5 =	vor.u32 $0xC, v24;
	v36 =	vmul.f32 v16, v36  }
0x1d9: {  	[tilespmem:$0x1FDE0] =	vst v7;
	v30 =	vld.idx.msk [tilespmem:v31+s18+$0x0], $0xffff  }
0x1da: {  	v7 =	vor.u32 $0x10, v25;
	v31 =	vld.idx.msk [tilespmem:v15+s18+$0x0], $0xffff;
	[tilespmem:$0x1FD80] =	vst v4;
	v36 =	vadd.f32 v36, v38  }
0x1db: {  	v15 =	vld.idx.msk [tilespmem:v22+s18+$0x0], $0xffff;
	[tilespmem:$0x1FD60] =	vst v1;
	v1 =	vor.u32 $0xF, v25  }
0x1dc: {  	v4 =	vld.idx.msk [tilespmem:v59+s20+$0x0], $0xffff;
	[tilespmem:$0x1FD40] =	vst v3;
	v3 =	vor.u32 $0xE, v25;
	v36 =	vmul.f32 $4.000000060e-01, v36  }
0x1dd: {  	[tilespmem:$0x1FEE0] =	vst v63;
	v33 =	vor.u32 $0x6, v24;
	v63 =	vld.idx.msk [tilespmem:v5+s20+$0x0], $0xffff  }
0x1de: {  	v5 =	vld.idx.msk [tilespmem:v5+s19+$0x0], $0xffff;
	v36 =	vmul.f32 $1.442695020e+00, v36  }
0x1df: {  	v2 =	vld.idx.msk [tilespmem:v7+s18+$0x0], $0xffff;
	v7 =	vor.u32 $0xD, v25  }
0x1e0: {  	[tilespmem:$0x1FED0] =	vst v61;
	v61 =	vld.idx.msk [tilespmem:v1+s18+$0x0], $0xffff;
	v8 =	vor.u32 $0xC, v25;
	(erf) = vpow2.f32 v36  }
0x1e1: {  	v12 =	vor.u32 $0x9, v24;
	v1 =	vld.idx.msk [tilespmem:v3+s18+$0x0], $0xffff  }
0x1e2: {  	v29 =	vor.u32 $0xB, v25;
	v13 =	vld.idx.msk [tilespmem:v33+s20+$0x0], $0xffff  }
0x1e3: {  	v45 =	vor.u32 $0x1, v24;
	v33 =	vld.idx.msk [tilespmem:v33+s19+$0x0], $0xffff  }
0x1e4: {  	v3 =	vld.idx.msk [tilespmem:v7+s18+$0x0], $0xffff  }
0x1e5: {  	v27 =	vld.idx.msk [tilespmem:v8+s18+$0x0], $0xffff;
	v38 =	vor.u32 $0x2, v24  }
0x1e6: {  	v7 =	vld.idx.msk [tilespmem:v12+s20+$0x0], $0xffff  }
0x1e7: {  	vm0 =	vlt.f32 v54, $0.0e+00;
	vm1 =	vgt.f32 v54, $0.0e+00;
	v22 =	vand.u32 $0x80000000, v54;
	v8 =	vld.idx.msk [tilespmem:v29+s18+$0x0], $0xffff  }
0x1e8: {  	v32 =	vor.u32 $0x7, v24;
	vm0 =	vmor vm1, vm0;
	v22 =	vor.u32 v22, v57;
	v36 =	vld.idx.msk [tilespmem:v45+s20+$0x0], $0xffff  }
0x1e9: {  	v22 =	vsel vm0, v22, v54;
	v17 =	vor.u32 $0x5, v24;
	v45 =	vld.idx.msk [tilespmem:v45+s19+$0x0], $0xffff;
	v23 =	vpop (erf)  }
0x1ea: {  	[tilespmem:$0x1FF10] =	vst v58;
	v58 =	vmov v57;
	v57 =	vadd.s32 $0x100, v6;
	v48 =	vld.idx.msk [tilespmem:v38+s20+$0x0], $0xffff;
	v54 =	vmul.f32 v23, v22  }
0x1eb: {  	v22 =	vld.idx.msk [tilespmem:v38+s19+$0x0], $0xffff  }
0x1ec: {  	v38 =	vld.idx.msk [tilespmem:v41+s19+$0x0], $0xffff;
	v41 =	vadd.s32 $0x180, v6;
	v21 =	vmul.f32 v54, v21  }
0x1ed: {  	v29 =	vld.idx.msk [tilespmem:v32+s20+$0x0], $0xffff  }
0x1ee: {  	v16 =	vld.idx.msk [tilespmem:v17+s20+$0x0], $0xffff;
	v23 =	vadd.s32 $0x200, v6;
	v45 =	vmul.f32 v54, v45;
	v21 =	vadd.f32 v21, v55  }
0x1ef: {  	v28 =	vor.u32 $0xB, v24;
	v14 =	vor.u32 $0x8, v24;
	v55 =	vld.idx.msk [tilespmem:v57+s16+$0x0], $0xffff;
	v57 =	vadd.s32 $0x280, v6  }
0x1f0: {  	v17 =	vld.idx.msk [tilespmem:v17+s19+$0x0], $0xffff;
	v20 =	vadd.f32 v45, v20;
	v22 =	vmul.f32 v54, v22;
	v21 =	vadd.f32 v21, v51  }
0x1f1: {  	[tilespmem:$0x1FD70] =	vst v4;
	v4 =	vor.u32 $0xD, v24;
	v45 =	vadd.s32 $0x300, v6;
	v41 =	vld.idx.msk [tilespmem:v41+s16+$0x0], $0xffff;
	v38 =	vmul.f32 v54, v38  }
0x1f2: {  	v32 =	vld.idx.msk [tilespmem:v32+s19+$0x0], $0xffff;
	v19 =	vadd.f32 v20, v19;
	v51 =	vadd.f32 v22, v53;
	v21 =	vmul.f32 v21, v50  }
0x1f3: {  	v22 =	vld.idx.msk [tilespmem:v23+s16+$0x0], $0xffff;
	v18 =	vadd.f32 v38, v18;
	v53 =	vmul.f32 v34, v54;
	v34 =	vadd.s32 $0x380, v6  }
0x1f4: {  	v9 =	vld.idx.msk [tilespmem:v14+s20+$0x0], $0xffff;
	v19 =	vmul.f32 v19, v36;
	v20 =	vadd.f32 v51, v55;
	v21 =	vadd.f32 $0.0e+00, v21  }
0x1f5: {  	v17 =	vmul.f32 v17, v54;
	v38 =	vadd.s32 $0x400, v6;
	v36 =	vld.idx.msk [tilespmem:v57+s16+$0x0], $0xffff;
	v23 =	vadd.f32 v53, v42  }
0x1f6: {  	v14 =	vld.idx.msk [tilespmem:v14+s19+$0x0], $0xffff;
	v18 =	vadd.f32 v41, v18;
	v20 =	vmul.f32 v20, v48;
	v19 =	vadd.f32 v21, v19  }
0x1f7: {  	[tilespmem:$0x1FD20] =	vst v2;
	v15 =	vadd.f32 v17, v15;
	v50 =	vld.idx.msk [tilespmem:v45+s16+$0x0], $0xffff;
	v51 =	vmul.f32 v33, v54;
	v53 =	vadd.s32 $0x480, v6  }
0x1f8: {  	v12 =	vld.idx.msk [tilespmem:v12+s19+$0x0], $0xffff;
	v18 =	vmul.f32 v18, v47;
	v55 =	vadd.f32 v22, v23;
	v19 =	vadd.f32 v19, v20  }
0x1f9: {  	v57 =	vmovc v58;
	v42 =	vadd.s32 $0x500, v6;
	v41 =	vmul.f32 v32, v54;
	v17 =	vadd.f32 v51, v39;
	v58 =	vld.idx.msk [tilespmem:v34+s16+$0x0], $0xffff  }
0x1fa: {  	v2 =	vld.idx.msk [tilespmem:v28+s20+$0x0], $0xffff;
	v44 =	vmul.f32 v55, v44;
	v15 =	vadd.f32 v36, v15;
	v18 =	vadd.f32 v19, v18  }
0x1fb: {  	v14 =	vmul.f32 v14, v54;
	v45 =	vld.idx.msk [tilespmem:v38+s16+$0x0], $0xffff;
	v23 =	vadd.f32 v41, v35;
	v47 =	vadd.s32 $0x580, v6  }
0x1fc: {  	v28 =	vld.idx.msk [tilespmem:v28+s19+$0x0], $0xffff;
	v48 =	vadd.f32 v50, v17;
	v15 =	vmul.f32 v15, v16;
	v18 =	vadd.f32 v44, v18  }
0x1fd: {  	[tilespmem:$0x1FF20] =	vst v60;
	v12 =	vmul.f32 v12, v54;
	v14 =	vadd.f32 v14, v31;
	v51 =	vadd.s32 $0x600, v6;
	v50 =	vld.idx.msk [tilespmem:v53+s16+$0x0], $0xffff  }
0x1fe: {  	v60 =	vld.idx.msk [tilespmem:v4+s20+$0x0], $0xffff;
	v13 =	vmul.f32 v48, v13;
	v53 =	vadd.f32 v58, v23;
	v15 =	vadd.f32 v15, v18  }
0x1ff: {  	v11 =	vmul.f32 v11, v54;
	v12 =	vadd.f32 v12, v30;
	v55 =	vld.idx.msk [tilespmem:v42+s16+$0x0], $0xffff;
	v58 =	vadd.s32 $0x680, v6  }
0x200: {  	v4 =	vld.idx.msk [tilespmem:v4+s19+$0x0], $0xffff;
	v14 =	vadd.f32 v45, v14;
	v29 =	vmul.f32 v53, v29;
	v13 =	vadd.f32 v13, v15  }
0x201: {  	v10 =	vadd.f32 v11, v10;
	v11 =	vmul.f32 v28, v54;
	v30 =	vld.idx.msk [tilespmem:v47+s16+$0x0], $0xffff  }
0x202: {  	v9 =	vmul.f32 v14, v9;
	v12 =	vadd.f32 v50, v12;
	v13 =	vadd.f32 v29, v13  }
0x203: {  	v5 =	vmul.f32 v5, v54;
	v8 =	vadd.f32 v11, v8;
	v32 =	vld.idx.msk [tilespmem:v51+s16+$0x0], $0xffff  }
0x204: {  	v10 =	vadd.f32 v55, v10;
	v7 =	vmul.f32 v12, v7;
	v9 =	vadd.f32 v9, v13  }
0x205: {  	v4 =	vmul.f32 v4, v54;
	v5 =	vadd.f32 v5, v27;
	v34 =	vld.idx.msk [tilespmem:v58+s16+$0x0], $0xffff  }
0x206: {  	v8 =	vadd.f32 v30, v8;
	v7 =	vadd.f32 v7, v9;
	v9 =	vmul.f32 v10, v26  }
0x207: {  	v31 =	vadd.s32 $0x700, v6;
	v3 =	vadd.f32 v4, v3  }
0x208: {  	v0 =	vld.idx.msk [tilespmem:v0+s19+$0x0], $0xffff;
	v5 =	vadd.f32 v32, v5;
	v2 =	vmul.f32 v8, v2;
	v7 =	vadd.f32 v9, v7;
	_ =	sdelay $0x1  }
0x209: {  	v5 =	vmul.f32 v5, v63;
	v3 =	vadd.f32 v34, v3;
	v2 =	vadd.f32 v2, v7;
	_ =	sdelay $0x1  }
0x20a: {  	v10 =	vld.idx.msk [tilespmem:v31+s16+$0x0], $0xffff;
	v3 =	vmul.f32 v3, v60;
	v2 =	vadd.f32 v5, v2  }
0x20b: {  	v0 =	vmul.f32 v0, v54  }
0x20c: {  	v33 =	vadd.s32 $0x780, v6;
	v2 =	vadd.f32 v3, v2;
	v3 =	vld [tilespmem:$0x1FD30]  }
0x20d: {  	v0 =	vadd.f32 v0, v1;
	v11 =	vld.idx.msk [tilespmem:v62+s19+$0x0], $0xffff;
	_ =	sdelay $0x1  }
0x20e: {  	v0 =	vadd.f32 v10, v0;
	_ =	sdelay $0x1  }
0x20f: {  	v8 =	vld.idx.msk [tilespmem:v33+s16+$0x0], $0xffff;
	v0 =	vmul.f32 v0, v3  }
0x210: {  	v1 =	vmul.f32 v11, v54  }
0x211: {  	v36 =	vadd.s32 $0x800, v6;
	v0 =	vadd.f32 v0, v2;
	v2 =	vld [tilespmem:$0x1FD50]  }
0x212: {  	v35 =	vld.idx.msk [tilespmem:v59+s19+$0x0], $0xffff;
	v1 =	vadd.f32 v1, v61;
	_ =	sdelay $0x1  }
0x213: {  	v1 =	vadd.f32 v8, v1;
	v10 =	vld [tilespmem:$0x1FD20];
	_ =	sdelay $0x1  }
0x214: {  	v7 =	vld.idx.msk [tilespmem:v36+s16+$0x0], $0xffff;
	v1 =	vmul.f32 v1, v2  }
0x215: {  	v39 =	vmul.f32 v35, v54  }
0x216: {  	v38 =	vadd.s32 $0x880, v6;
	v0 =	vadd.f32 v1, v0;
	v1 =	vld [tilespmem:$0x1FD70]  }
0x217: {  	v4 =	vld.idx.msk [tilespmem:v56+s19+$0x0], $0xffff;
	v10 =	vadd.f32 v39, v10;
	_ =	sdelay $0x1  }
0x218: {  	v8 =	vld [tilespmem:$0x1FD40];
	v2 =	vadd.f32 v7, v10;
	_ =	sdelay $0x1  }
0x219: {  	v5 =	vld.idx.msk [tilespmem:v38+s16+$0x0], $0xffff;
	v1 =	vmul.f32 v2, v1  }
0x21a: {  	v4 =	vmul.f32 v4, v54  }
0x21b: {  	v11 =	vadd.s32 $0x900, v6;
	v0 =	vadd.f32 v1, v0;
	v1 =	vld [tilespmem:$0x1FD90]  }
0x21c: {  	v9 =	vld.idx.msk [tilespmem:v52+s19+$0x0], $0xffff;
	v4 =	vadd.f32 v4, v8;
	_ =	sdelay $0x1  }
0x21d: {  	v10 =	vld [tilespmem:$0x1FD60];
	v2 =	vadd.f32 v5, v4;
	_ =	sdelay $0x1  }
0x21e: {  	v3 =	vld.idx.msk [tilespmem:v11+s16+$0x0], $0xffff;
	v1 =	vmul.f32 v2, v1  }
0x21f: {  	v8 =	vmul.f32 v9, v54  }
0x220: {  	v42 =	vadd.s32 $0x980, v6;
	v0 =	vadd.f32 v1, v0;
	v1 =	vld [tilespmem:$0x1FDC0]  }
0x221: {  	v41 =	vld.idx.msk [tilespmem:v49+s19+$0x0], $0xffff;
	v8 =	vadd.f32 v8, v10;
	_ =	sdelay $0x1  }
0x222: {  	v5 =	vld [tilespmem:$0x1FD80];
	v2 =	vadd.f32 v3, v8;
	_ =	sdelay $0x1  }
0x223: {  	v7 =	vld.idx.msk [tilespmem:v42+s16+$0x0], $0xffff;
	v1 =	vmul.f32 v2, v1  }
0x224: {  	v10 =	vmul.f32 v41, v54  }
0x225: {  	v45 =	vadd.s32 $0xA00, v6;
	v0 =	vadd.f32 v1, v0;
	v1 =	vld [tilespmem:$0x1FDF0]  }
0x226: {  	v44 =	vld.idx.msk [tilespmem:v46+s19+$0x0], $0xffff;
	v5 =	vadd.f32 v10, v5;
	_ =	sdelay $0x1  }
0x227: {  	v8 =	vld [tilespmem:$0x1FDA0];
	v2 =	vadd.f32 v7, v5;
	_ =	sdelay $0x1  }
0x228: {  	v4 =	vld.idx.msk [tilespmem:v45+s16+$0x0], $0xffff;
	v1 =	vmul.f32 v2, v1  }
0x229: {  	v10 =	vmul.f32 v44, v54  }
0x22a: {  	v11 =	vadd.s32 $0xA80, v6;
	v0 =	vadd.f32 v1, v0;
	v1 =	vld [tilespmem:$0x1FE10]  }
0x22b: {  	v9 =	vld.idx.msk [tilespmem:v43+s19+$0x0], $0xffff;
	v8 =	vadd.f32 v10, v8;
	_ =	sdelay $0x1  }
0x22c: {  	v7 =	vld [tilespmem:$0x1FDD0];
	v2 =	vadd.f32 v4, v8;
	_ =	sdelay $0x1  }
0x22d: {  	v3 =	vld.idx.msk [tilespmem:v11+s16+$0x0], $0xffff;
	v1 =	vmul.f32 v2, v1  }
0x22e: {  	v9 =	vmul.f32 v9, v54  }
0x22f: {  	v47 =	vadd.s32 $0xB00, v6;
	v0 =	vadd.f32 v1, v0;
	v1 =	vld [tilespmem:$0x1FE30]  }
0x230: {  	v46 =	vld.idx.msk [tilespmem:v40+s19+$0x0], $0xffff;
	v7 =	vadd.f32 v9, v7;
	_ =	sdelay $0x1  }
0x231: {  	v8 =	vld [tilespmem:$0x1FE00];
	v2 =	vadd.f32 v3, v7;
	_ =	sdelay $0x1  }
0x232: {  	v5 =	vld.idx.msk [tilespmem:v47+s16+$0x0], $0xffff;
	v1 =	vmul.f32 v2, v1  }
0x233: {  	v10 =	vld [tilespmem:$0x1FDB0];
	v9 =	vmul.f32 v46, v54  }
0x234: {  	v49 =	vadd.s32 $0xB80, v6;
	v0 =	vadd.f32 v1, v0;
	v1 =	vld [tilespmem:$0x1FE50]  }
0x235: {  	v48 =	vld.idx.msk [tilespmem:v37+s19+$0x0], $0xffff;
	v8 =	vadd.f32 v9, v8;
	_ =	sdelay $0x1  }
0x236: {  	v7 =	vld [tilespmem:$0x1FE20];
	v2 =	vadd.f32 v5, v8;
	_ =	sdelay $0x1  }
0x237: {  	v4 =	vld.idx.msk [tilespmem:v49+s16+$0x0], $0xffff;
	v1 =	vmul.f32 v2, v1  }
0x238: {  	v50 =	vld [tilespmem:$0x1FDE0];
	v9 =	vmul.f32 v48, v54  }
0x239: {  	v11 =	vadd.s32 $0xC00, v6;
	v0 =	vadd.f32 v1, v0;
	v1 =	vld [tilespmem:$0x1FE70]  }
0x23a: {  	v10 =	vld.idx.msk [tilespmem:v10+s19+$0x0], $0xffff;
	v7 =	vadd.f32 v9, v7;
	_ =	sdelay $0x1  }
0x23b: {  	v8 =	vld [tilespmem:$0x1FE40];
	v2 =	vadd.f32 v4, v7;
	_ =	sdelay $0x1  }
0x23c: {  	v3 =	vld.idx.msk [tilespmem:v11+s16+$0x0], $0xffff;
	v1 =	vmul.f32 v2, v1  }
0x23d: {  	v52 =	vld [tilespmem:$0x1FFE0];
	v9 =	vmul.f32 v10, v54  }
0x23e: {  	v51 =	vadd.s32 $0xC80, v6;
	v0 =	vadd.f32 v1, v0;
	v1 =	vld [tilespmem:$0x1FE90]  }
0x23f: {  	v13 =	vld.idx.msk [tilespmem:v50+s19+$0x0], $0xffff;
	v8 =	vadd.f32 v9, v8;
	_ =	sdelay $0x1  }
0x240: {  	v7 =	vld [tilespmem:$0x1FE60];
	v2 =	vadd.f32 v3, v8;
	_ =	sdelay $0x1  }
0x241: {  	v5 =	vld.idx.msk [tilespmem:v51+s16+$0x0], $0xffff;
	v1 =	vmul.f32 v2, v1  }
0x242: {  	v10 =	vld [tilespmem:$0x1FFB0];
	v9 =	vmul.f32 v13, v54  }
0x243: {  	v53 =	vadd.s32 $0xD00, v6;
	v0 =	vadd.f32 v1, v0;
	v1 =	vld [tilespmem:$0x1FEB0]  }
0x244: {  	v12 =	vld.idx.msk [tilespmem:v52+s19+$0x0], $0xffff;
	v7 =	vadd.f32 v9, v7;
	_ =	sdelay $0x1  }
0x245: {  	v8 =	vld [tilespmem:$0x1FE80];
	v2 =	vadd.f32 v5, v7  }
0x246: {  	v55 =	vld [tilespmem:$0x1FF80]  }
0x247: {  	v4 =	vld.idx.msk [tilespmem:v53+s16+$0x0], $0xffff;
	v1 =	vmul.f32 v2, v1  }
0x248: {  	v9 =	vmul.f32 v12, v54  }
0x249: {  	v11 =	vadd.s32 $0xD80, v6;
	v0 =	vadd.f32 v1, v0;
	v1 =	vld [tilespmem:$0x1FFF0]  }
0x24a: {  	v10 =	vld.idx.msk [tilespmem:v10+s19+$0x0], $0xffff;
	v8 =	vadd.f32 v9, v8;
	_ =	sdelay $0x1  }
0x24b: {  	v58 =	vadd.s32 $0xE00, v6;
	v7 =	vld [tilespmem:$0x1FEA0];
	v2 =	vadd.f32 v4, v8  }
0x24c: {  	v59 =	vld [tilespmem:$0x1FF60]  }
0x24d: {  	v3 =	vld.idx.msk [tilespmem:v11+s16+$0x0], $0xffff;
	v11 =	vadd.s32 $0xF00, v6;
	v1 =	vmul.f32 v2, v1  }
0x24e: {  	v13 =	vld.idx.msk [tilespmem:v55+s19+$0x0], $0xffff;
	v9 =	vmul.f32 v10, v54  }
0x24f: {  	v0 =	vadd.f32 v1, v0;
	v1 =	vld [tilespmem:$0x1FFC0]  }
0x250: {  	v5 =	vld.idx.msk [tilespmem:v58+s16+$0x0], $0xffff;
	v7 =	vadd.f32 v9, v7  }
0x251: {  	v8 =	vld [tilespmem:$0x1FEC0]  }
0x252: {  	v2 =	vadd.f32 v3, v7;
	v3 =	vld.idx.msk [tilespmem:v11+s16+$0x0], $0xffff  }
0x253: {  	v7 =	vld [tilespmem:$0x1FF40]  }
0x254: {  	v11 =	vld [tilespmem:$0x1FED0];
	v1 =	vmul.f32 v2, v1  }
0x255: {  	v24 =	vor.u32 $0x1F, v24;
	v10 =	vld [tilespmem:$0x1FF50];
	v9 =	vmul.f32 v13, v54  }
0x256: {  	v60 =	vadd.s32 $0xE80, v6;
	v0 =	vadd.f32 v1, v0;
	v1 =	vld [tilespmem:$0x1FF90]  }
0x257: {  	v25 =	vor.u32 $0x1F, v25;
	v12 =	vld.idx.msk [tilespmem:v59+s19+$0x0], $0xffff;
	v8 =	vadd.f32 v9, v8;
	_ =	sdelay $0x1  }
0x258: {  	v7 =	vadd.f32 v7, v11;
	v11 =	vld [tilespmem:$0x1FFD0];
	v2 =	vadd.f32 v5, v8  }
0x259: {  	v61 =	vld.idx.msk [tilespmem:v24+s19+$0x0], $0xffff  }
0x25a: {  	v4 =	vld.idx.msk [tilespmem:v60+s16+$0x0], $0xffff;
	v1 =	vmul.f32 v2, v1  }
0x25b: {  	v63 =	vld.idx.msk [tilespmem:v25+s18+$0x0], $0xffff;
	v9 =	vmul.f32 v12, v54  }
0x25c: {  	v0 =	vadd.f32 v1, v0;
	v1 =	vld [tilespmem:$0x1FF70]  }
0x25d: {  	v62 =	vadd.s32 $0xF80, v6;
	v10 =	vld.idx.msk [tilespmem:v10+s19+$0x0], $0xffff;
	v9 =	vadd.f32 v9, v11  }
0x25e: {  	v8 =	vld [tilespmem:$0x1FEE0]  }
0x25f: {  	v11 =	vld [tilespmem:$0x1FFA0];
	v2 =	vadd.f32 v4, v9  }
0x260: {  	v9 =	vld [tilespmem:$0x1FEF0]  }
0x261: {  	v6 =	vld.idx.msk [tilespmem:v6+s14+$0x0], $0xffff;
	v1 =	vmul.f32 v2, v1  }
0x262: {  	v10 =	vmul.f32 v10, v54;
	v5 =	vld.idx.msk [tilespmem:v62+s16+$0x0], $0xffff  }
0x263: {  	v8 =	vmul.f32 v54, v8;
	v0 =	vadd.f32 v1, v0;
	v1 =	vld [tilespmem:$0x1FF20]  }
0x264: {  	v10 =	vadd.f32 v10, v11;
	v11 =	vmul.f32 v61, v54  }
0x265: {  	v4 =	vld.idx.msk [tilespmem:v24+s20+$0x0], $0xffff;
	v8 =	vadd.f32 v8, v9  }
0x266: {  	v9 =	vadd.f32 v11, v63;
	v2 =	vadd.f32 v3, v10  }
0x267: {  	v3 =	vadd.f32 v8, v6;
	v6 =	vld [tilespmem:$0x1FF00]  }
0x268: {  	v8 =	vld [tilespmem:$0x1FF10];
	v1 =	vmul.f32 v2, v1;
	v2 =	vadd.f32 v5, v9;
	_ =	sdelay $0x1  }
0x269: {  	v0 =	vadd.f32 v1, v0;
	v1 =	vmul.f32 v2, v4;
	v2 =	vld [tilespmem:$0x1FF30];
	_ =	sdelay $0x2  }
0x26a: {  	s28 =	sshra.s32 s24, $0x2;
	v6 =	vadd.f32 v8, v6  }
0x26b: {  	s25 =	sadd.s32 $0x10, s25;
	v56 =	vlaneseq.u32;
	v59 =	vld [tilespmem:s28+$0x1D10]  }
0x26c: {  	v58 =	vld [tilespmem:s28+$0x2310];
	v5 =	vor.u32 s25, v56;
	v7 =	vmul.f32 v6, v7;
	v2 =	vadd.f32 v3, v2  }
0x26d: {  	v61 =	vld [tilespmem:s28+$0x2510];
	v24 =	vshll.u32 v5, $0x5;
	v25 =	vshll.u32 v5, $0x7  }
0x26e: {  	v63 =	vld [tilespmem:s28+$0x2110];
	v5 =	vor.u32 $0x1C, v24;
	v0 =	vadd.f32 v1, v0;
	v1 =	vadd.f32 v2, v7  }
0x26f: {  	v6 =	vld [tilespmem:s28+$0xA00]  }
0x270: {  	v3 =	vld [tilespmem:s28+$0x2710];
	v2 =	vadd.f32 v0, v1  }
0x271: {  	v0 =	vld [tilespmem:s28+$0x1F10]  }
0x272: {  	v4 =	vor.u32 $0x1E, v24;
	v1 =	vld [tilespmem:s28+$0x800];
	[tilespmem:s23+$0x1A910] =	vst v2  }
0x273: {  	v8 =	vor.u32 $0x1B, v24;
	[tilespmem:$0x1FF80] =	vst v5;
	v5 =	vld.idx.msk [tilespmem:v5+s20+$0x0], $0xffff;
	_ =	sdelay $0x1  }
0x274: {  	v7 =	vor.u32 $0x1D, v24  }
0x275: {  	[tilespmem:$0x1FF40] =	vst v3;
	v3 =	vor.u32 $0x1E, v25  }
0x276: {  	[tilespmem:$0x1FF50] =	vst v4;
	v60 =	vld.idx.msk [tilespmem:v4+s20+$0x0], $0xffff;
	v4 =	vor.u32 $0x1D, v25  }
0x277: {  	v9 =	vor.u32 $0x1A, v24;
	[tilespmem:$0x1FF90] =	vst v5;
	v5 =	vld.idx.msk [tilespmem:v8+s20+$0x0], $0xffff;
	_ =	sdelay $0x1  }
0x278: {  	v2 =	vld.idx.msk [tilespmem:v7+s20+$0x0], $0xffff  }
0x279: {  	[tilespmem:$0x1FFB0] =	vst v8;
	v3 =	vld.idx.msk [tilespmem:v3+s18+$0x0], $0xffff  }
0x27a: {  	[tilespmem:$0x1FFE0] =	vst v9;
	v4 =	vld.idx.msk [tilespmem:v4+s18+$0x0], $0xffff  }
0x27b: {  	p0 =	sne.s32 s24, $0x7C0;
	[tilespmem:$0x1FFC0] =	vst v5;
	v5 =	vld.idx.msk [tilespmem:v9+s20+$0x0], $0xffff  }
.Ltmp0:
0x27c: {  	[tilespmem:$0x1FF60] =	vst v7;
	(pc) =	sbr.rel @p0 .LBB3_2-.Ltmp0, $4  }
0x27d: {  	[tilespmem:$0x1FF70] =	vst v2  }
0x27e: {  	[tilespmem:$0x1FFA0] =	vst v3  }
0x27f: {  	v10 =	vor.u32 $0x18, v24;
	v7 =	vor.u32 $0x19, v24;
	[tilespmem:$0x1FFD0] =	vst v4  }
0x280: {  	s24 =	sadd.s32 $0x40, s24;
	s23 =	smov.u32 s28;
	v62 =	vld.idx.msk [tilespmem:v6+s15+$0x0], $0xffff;
	v2 =	vor.u32 $0x1C, v25;
	v3 =	vor.u32 $0x1B, v25;
	v4 =	vor.u32 $0x1A, v25;
	[tilespmem:$0x1FFF0] =	vst v5  }
0x281: {  	v1 =	vcvt.s32.f32 v1;
	_ =	sdelay $0x1  }
0x282: {  	v15 =	vsub.f32 v1, v0;
	_ =	sdelay $0x1  }
0x283: {  	v16 =	vand.u32 $0x7FFFFFFF, v15  }
0x284: {  	v34 =	vand.u32 $0x7FFFFF, v16  }
0x285: {  	v0 =	vor.u32 $0x3F800000, v34  }
0x286: {  	v35 =	vadd.f32 $1.000000000e+00, v0  }
0x287: {  	v5 =	vor.u32 $0x18, v25  }
0x288: {  	v8 =	vor.u32 $0x16, v25;
	(erf) = vrcp.f32 v35  }
0x289: {  	v36 =	vld.idx.msk [tilespmem:v2+s18+$0x0], $0xffff;
	v37 =	vor.u32 $0x14, v25  }
0x28a: {  	v38 =	vld.idx.msk [tilespmem:v3+s18+$0x0], $0xffff;
	v9 =	vor.u32 $0x13, v25  }
0x28b: {  	v3 =	vld.idx.msk [tilespmem:v4+s18+$0x0], $0xffff;
	v40 =	vor.u32 $0xF, v25  }
0x28c: {  	v41 =	vor.u32 $0xE, v25;
	v1 =	vmov v10;
	v10 =	vld.idx.msk [tilespmem:v5+s18+$0x0], $0xffff  }
0x28d: {  	v11 =	vor.u32 $0xD, v25;
	v12 =	vld.idx.msk [tilespmem:v8+s18+$0x0], $0xffff  }
0x28e: {  	v42 =	vor.u32 $0xC, v25;
	v13 =	vld.idx.msk [tilespmem:v37+s18+$0x0], $0xffff  }
0x28f: {  	v18 =	vor.u32 $0xB, v25;
	v17 =	vld.idx.msk [tilespmem:v9+s18+$0x0], $0xffff  }
0x290: {  	v19 =	vor.u32 $0xA, v25;
	v2 =	vld.idx.msk [tilespmem:v40+s18+$0x0], $0xffff;
	v14 =	vadd.f32 $-1.000000000e+00, v0  }
0x291: {  	v44 =	vor.u32 $0x9, v25;
	v4 =	vld.idx.msk [tilespmem:v41+s18+$0x0], $0xffff;
	v43 =	vpop (erf)  }
0x292: {  	v23 =	vor.u32 $0x5, v24;
	v5 =	vld.idx.msk [tilespmem:v11+s18+$0x0], $0xffff;
	v20 =	vmul.f32 v43, v14  }
0x293: {  	v46 =	vor.u32 $0x4, v24;
	v8 =	vld.idx.msk [tilespmem:v42+s18+$0x0], $0xffff  }
0x294: {  	v29 =	vor.u32 $0x6, v25;
	v9 =	vld.idx.msk [tilespmem:v18+s18+$0x0], $0xffff;
	v22 =	vmul.f32 v20, v20  }
0x295: {  	v30 =	vor.u32 $0x3, v24;
	v11 =	vld.idx.msk [tilespmem:v19+s18+$0x0], $0xffff  }
0x296: {  	v32 =	vor.u32 $0x2, v24;
	v26 =	vld.idx.msk [tilespmem:v44+s18+$0x0], $0xffff;
	v27 =	vmul.f32 $1.428571490e-01, v22  }
0x297: {  	v48 =	vor.u32 $0x4, v25;
	v28 =	vld.idx.msk [tilespmem:v23+s20+$0x0], $0xffff  }
0x298: {  	v33 =	vld.idx.msk [tilespmem:v46+s20+$0x0], $0xffff;
	v27 =	vadd.f32 $2.000000030e-01, v27  }
0x299: {  	v29 =	vld.idx.msk [tilespmem:v29+s18+$0x0], $0xffff  }
0x29a: {  	[tilespmem:$0x1FD10] =	vst v36;
	v36 =	vld.idx.msk [tilespmem:v30+s20+$0x0], $0xffff;
	v31 =	vmul.f32 v27, v22  }
0x29b: {  	v37 =	vld.idx.msk [tilespmem:v32+s20+$0x0], $0xffff  }
0x29c: {  	v52 =	vadd.s32 $0x200, v6;
	v18 =	vld.idx.msk [tilespmem:v48+s18+$0x0], $0xffff;
	v31 =	vadd.f32 $3.333333430e-01, v31  }
0x29d: {  	v32 =	vld.idx.msk [tilespmem:v32+s19+$0x0], $0xffff  }
0x29e: {  	v39 =	vor.u32 $0x10, v25;
	v16 =	vshrl.u32 v16, $0x17;
	v30 =	vld.idx.msk [tilespmem:v30+s19+$0x0], $0xffff;
	v22 =	vmul.f32 v31, v22  }
0x29f: {  	v40 =	vadd.s32 $0x180, v6;
	v19 =	vld.idx.msk [tilespmem:v46+s19+$0x0], $0xffff;
	v42 =	vor.u32 $0x7, v24;
	v16 =	vadd.s32 $0xFFFFFF81, v16  }
0x2a0: {  	v23 =	vld.idx.msk [tilespmem:v23+s19+$0x0], $0xffff;
	v16 =	vcvt.s32.f32 v16;
	v20 =	vadd.f32 v20, v20;
	v22 =	vadd.f32 $1.000000000e+00, v22  }
0x2a1: {  	v44 =	vld.idx.msk [tilespmem:v52+s16+$0x0], $0xffff  }
0x2a2: {  	v48 =	vld.idx.msk [tilespmem:v24+s19+$0x0], $0xffff;
	v34 =	vor.u32 $0x1, v24;
	v16 =	vmul.f32 $6.931471820e-01, v16;
	v20 =	vmul.f32 v22, v20  }
0x2a3: {  	v21 =	vor.u32 $0x8, v25;
	v0 =	vld.idx.msk [tilespmem:v39+s18+$0x0], $0xffff  }
0x2a4: {  	v47 =	vor.u32 $0x5, v25;
	v40 =	vld.idx.msk [tilespmem:v40+s16+$0x0], $0xffff;
	v16 =	vadd.f32 v20, v16  }
0x2a5: {  	v41 =	vor.u32 $0x6, v24;
	v46 =	vld.idx.msk [tilespmem:v42+s20+$0x0], $0xffff  }
0x2a6: {  	v42 =	vld.idx.msk [tilespmem:v42+s19+$0x0], $0xffff;
	v16 =	vmul.f32 $4.000000060e-01, v16  }
0x2a7: {  	v45 =	vor.u32 $0x7, v25;
	v39 =	vld.idx.msk [tilespmem:v34+s20+$0x0], $0xffff  }
0x2a8: {  	v49 =	vadd.s32 $0x80, v6;
	v14 =	vld.idx.msk [tilespmem:v21+s18+$0x0], $0xffff;
	v16 =	vmul.f32 $1.442695020e+00, v16  }
0x2a9: {  	v21 =	vld.idx.msk [tilespmem:v47+s18+$0x0], $0xffff  }
0x2aa: {  	v35 =	vor.u32 $0x3, v25;
	v43 =	vld.idx.msk [tilespmem:v41+s20+$0x0], $0xffff;
	(erf) = vpow2.f32 v16  }
0x2ab: {  	v50 =	vor.u32 $0x2, v25;
	v41 =	vld.idx.msk [tilespmem:v41+s19+$0x0], $0xffff  }
0x2ac: {  	v27 =	vld.idx.msk [tilespmem:v45+s18+$0x0], $0xffff  }
0x2ad: {  	[tilespmem:$0x1FD00] =	vst v38;
	v38 =	vor.u32 $0x1, v25;
	v31 =	vld.idx.msk [tilespmem:v49+s16+$0x0], $0xffff  }
0x2ae: {  	v51 =	vadd.s32 $0x100, v6;
	v49 =	vld.idx.msk [tilespmem:v25+s18+$0x0], $0xffff  }
0x2af: {  	v22 =	vld.idx.msk [tilespmem:v35+s18+$0x0], $0xffff  }
0x2b0: {  	vm0 =	vlt.f32 v15, $0.0e+00;
	v45 =	vadd.s32 $0x280, v6;
	v35 =	vld.idx.msk [tilespmem:v50+s18+$0x0], $0xffff  }
0x2b1: {  	vm1 =	vgt.f32 v15, $0.0e+00;
	v53 =	vand.u32 $0x80000000, v15;
	v47 =	vor.u32 $0x8, v24;
	v20 =	vld.idx.msk [tilespmem:v34+s19+$0x0], $0xffff  }
0x2b2: {  	vm0 =	vmor vm1, vm0;
	v34 =	vld.idx.msk [tilespmem:v38+s18+$0x0], $0xffff;
	v16 =	vor.u32 v53, v57  }
0x2b3: {  	v38 =	vld.idx.msk [tilespmem:v51+s16+$0x0], $0xffff;
	v15 =	vsel vm0, v16, v15;
	v54 =	vpop (erf)  }
0x2b4: {  	v50 =	vor.u32 $0x9, v24;
	v51 =	vld.idx.msk [tilespmem:v6+s16+$0x0], $0xffff;
	v16 =	vmul.f32 v54, v15  }
0x2b5: {  	v15 =	vld.idx.msk [tilespmem:v45+s16+$0x0], $0xffff;
	v45 =	vadd.s32 $0x300, v6  }
0x2b6: {  	v52 =	vld.idx.msk [tilespmem:v47+s20+$0x0], $0xffff;
	v48 =	vmul.f32 v16, v48  }
0x2b7: {  	v53 =	vld.idx.msk [tilespmem:v24+s20+$0x0], $0xffff;
	v54 =	vadd.s32 $0x380, v6;
	v20 =	vmul.f32 v16, v20  }
0x2b8: {  	v55 =	vadd.s32 $0x400, v6;
	v47 =	vld.idx.msk [tilespmem:v47+s19+$0x0], $0xffff;
	v48 =	vadd.f32 v48, v49  }
0x2b9: {  	v30 =	vmul.f32 v16, v30;
	v49 =	vor.u32 $0xA, v24;
	v20 =	vadd.f32 v20, v34;
	v34 =	vld.idx.msk [tilespmem:v50+s19+$0x0], $0xffff  }
0x2ba: {  	v32 =	vmul.f32 v16, v32;
	v45 =	vld.idx.msk [tilespmem:v45+s16+$0x0], $0xffff;
	v48 =	vadd.f32 v48, v51  }
0x2bb: {  	v22 =	vadd.f32 v30, v22;
	v51 =	vld.idx.msk [tilespmem:v50+s20+$0x0], $0xffff;
	v50 =	vor.u32 $0xB, v24;
	v20 =	vadd.f32 v20, v31  }
0x2bc: {  	v19 =	vmul.f32 v19, v16;
	v31 =	vadd.f32 v32, v35;
	v48 =	vmul.f32 v48, v53;
	v53 =	vld.idx.msk [tilespmem:v54+s16+$0x0], $0xffff  }
0x2bd: {  	v35 =	vadd.s32 $0x480, v6;
	v40 =	vadd.f32 v40, v22;
	v20 =	vmul.f32 v20, v39;
	v39 =	vld.idx.msk [tilespmem:v55+s16+$0x0], $0xffff  }
0x2be: {  	v23 =	vmul.f32 v23, v16;
	v18 =	vadd.f32 v19, v18;
	v54 =	vor.u32 $0xC, v24;
	v32 =	vld.idx.msk [tilespmem:v49+s20+$0x0], $0xffff  }
0x2bf: {  	v31 =	vadd.f32 v31, v38;
	v19 =	vmul.f32 v40, v36;
	v40 =	vor.u32 $0xE, v24;
	v49 =	vld.idx.msk [tilespmem:v49+s19+$0x0], $0xffff  }
0x2c0: {  	v21 =	vadd.f32 v23, v21;
	v30 =	vld.idx.msk [tilespmem:v50+s20+$0x0], $0xffff  }
0x2c1: {  	v31 =	vmul.f32 v31, v37;
	v37 =	vld.idx.msk [tilespmem:v50+s19+$0x0], $0xffff  }
0x2c2: {  	v15 =	vadd.f32 v15, v21;
	v55 =	vadd.s32 $0x500, v6;
	v38 =	vadd.f32 $0.0e+00, v48;
	v22 =	vld.idx.msk [tilespmem:v35+s16+$0x0], $0xffff  }
0x2c3: {  	v50 =	vadd.s32 $0x580, v6;
	v36 =	vld.idx.msk [tilespmem:v54+s19+$0x0], $0xffff  }
0x2c4: {  	v15 =	vmul.f32 v15, v28;
	v20 =	vadd.f32 v38, v20;
	v38 =	vor.u32 $0xD, v24;
	v28 =	vld.idx.msk [tilespmem:v40+s20+$0x0], $0xffff  }
0x2c5: {  	v40 =	vld.idx.msk [tilespmem:v40+s19+$0x0], $0xffff  }
0x2c6: {  	v18 =	vadd.f32 v44, v18;
	v48 =	vadd.s32 $0x680, v6;
	v20 =	vadd.f32 v20, v31;
	v31 =	vld.idx.msk [tilespmem:v54+s20+$0x0], $0xffff  }
0x2c7: {  	v44 =	vmul.f32 v42, v16;
	v42 =	vor.u32 $0x16, v24;
	v54 =	vmul.f32 v41, v16;
	v41 =	vld.idx.msk [tilespmem:v55+s16+$0x0], $0xffff  }
0x2c8: {  	v55 =	vadd.s32 $0x600, v6;
	v35 =	vld.idx.msk [tilespmem:v50+s16+$0x0], $0xffff  }
0x2c9: {  	v19 =	vadd.f32 v20, v19;
	v23 =	vadd.f32 v54, v29;
	v20 =	vld.idx.msk [tilespmem:v38+s20+$0x0], $0xffff  }
0x2ca: {  	v18 =	vmul.f32 v18, v33;
	v29 =	vor.u32 $0xF, v24;
	v21 =	vld.idx.msk [tilespmem:v38+s19+$0x0], $0xffff  }
0x2cb: {  	v50 =	vmul.f32 v47, v16;
	v23 =	vadd.f32 v45, v23;
	v45 =	vmul.f32 v34, v16;
	v34 =	vld.idx.msk [tilespmem:v48+s16+$0x0], $0xffff  }
0x2cc: {  	v47 =	vmul.f32 v49, v16;
	v18 =	vadd.f32 v18, v19;
	v19 =	vadd.f32 v44, v27;
	v44 =	vld.idx.msk [tilespmem:v42+s20+$0x0], $0xffff  }
0x2cd: {  	v38 =	vor.u32 $0x17, v24;
	v14 =	vadd.f32 v50, v14;
	v54 =	vmul.f32 v23, v43;
	v23 =	vld.idx.msk [tilespmem:v55+s16+$0x0], $0xffff  }
0x2ce: {  	v48 =	vor.u32 $0x11, v24;
	v15 =	vadd.f32 v15, v18;
	v18 =	vadd.f32 v45, v26;
	v26 =	vld.idx.msk [tilespmem:v7+s20+$0x0], $0xffff  }
0x2cf: {  	v14 =	vadd.f32 v39, v14;
	v39 =	vadd.f32 v47, v11;
	v11 =	vld.idx.msk [tilespmem:v1+s20+$0x0], $0xffff  }
0x2d0: {  	v55 =	vor.u32 $0x10, v24;
	v19 =	vadd.f32 v53, v19;
	v27 =	vld.idx.msk [tilespmem:v29+s20+$0x0], $0xffff  }
0x2d1: {  	v49 =	vadd.s32 $0x700, v6;
	v29 =	vld.idx.msk [tilespmem:v29+s19+$0x0], $0xffff;
	v15 =	vadd.f32 v54, v15  }
0x2d2: {  	v19 =	vmul.f32 v19, v46;
	v14 =	vmul.f32 v14, v52;
	v52 =	vadd.f32 v41, v39;
	v41 =	vld.idx.msk [tilespmem:v38+s20+$0x0], $0xffff  }
0x2d3: {  	v50 =	vmul.f32 v37, v16;
	v45 =	vadd.s32 $0x780, v6;
	v37 =	vld.idx.msk [tilespmem:v48+s20+$0x0], $0xffff  }
0x2d4: {  	v47 =	vor.u32 $0x12, v24;
	v15 =	vadd.f32 v19, v15;
	v19 =	vld.idx.msk [tilespmem:v48+s19+$0x0], $0xffff  }
0x2d5: {  	v43 =	vld.idx.msk [tilespmem:v55+s20+$0x0], $0xffff  }
0x2d6: {  	v53 =	vmul.f32 v36, v16;
	v18 =	vadd.f32 v22, v18;
	v22 =	vld.idx.msk [tilespmem:v55+s19+$0x0], $0xffff  }
0x2d7: {  	v39 =	vor.u32 $0x15, v24;
	v46 =	vmul.f32 v21, v16;
	v55 =	vld.idx.msk [tilespmem:v49+s16+$0x0], $0xffff  }
0x2d8: {  	v8 =	vadd.f32 v53, v8;
	v53 =	vor.u32 $0x12, v25;
	v54 =	vmul.f32 v52, v32;
	v52 =	vld.idx.msk [tilespmem:v45+s16+$0x0], $0xffff  }
0x2d9: {  	v48 =	vmul.f32 v40, v16;
	v5 =	vadd.f32 v46, v5;
	v40 =	vld.idx.msk [tilespmem:v47+s19+$0x0], $0xffff  }
0x2da: {  	v9 =	vadd.f32 v50, v9;
	v36 =	vor.u32 $0x14, v24;
	v8 =	vadd.f32 v23, v8;
	v23 =	vld [tilespmem:$0x1FF60]  }
0x2db: {  	v18 =	vmul.f32 v18, v51;
	v51 =	vadd.s32 $0x880, v6;
	v5 =	vadd.f32 v34, v5;
	v34 =	vld.idx.msk [tilespmem:v47+s20+$0x0], $0xffff  }
0x2dc: {  	v9 =	vadd.f32 v35, v9;
	v35 =	vld.idx.msk [tilespmem:v39+s20+$0x0], $0xffff  }
0x2dd: {  	v49 =	vadd.s32 $0x800, v6;
	v14 =	vadd.f32 v14, v15;
	v46 =	vld.idx.msk [tilespmem:v53+s18+$0x0], $0xffff  }
0x2de: {  	v50 =	vor.u32 $0x11, v25;
	v8 =	vmul.f32 v8, v31;
	v31 =	vld.idx.msk [tilespmem:v42+s19+$0x0], $0xffff  }
0x2df: {  	v32 =	vor.u32 $0x13, v24;
	v14 =	vadd.f32 v18, v14;
	v18 =	vld.idx.msk [tilespmem:v36+s20+$0x0], $0xffff  }
0x2e0: {  	v45 =	vld.idx.msk [tilespmem:v51+s16+$0x0], $0xffff  }
0x2e1: {  	v4 =	vadd.f32 v48, v4;
	v29 =	vmul.f32 v29, v16;
	v51 =	vld.idx.msk [tilespmem:v36+s19+$0x0], $0xffff  }
0x2e2: {  	v14 =	vadd.f32 v54, v14;
	v54 =	vld.idx.msk [tilespmem:v49+s16+$0x0], $0xffff  }
0x2e3: {  	v53 =	vadd.s32 $0xA80, v6;
	v2 =	vadd.f32 v29, v2;
	v4 =	vadd.f32 v55, v4;
	v55 =	vld.idx.msk [tilespmem:v50+s18+$0x0], $0xffff  }
0x2e4: {  	v49 =	vld.idx.msk [tilespmem:v32+s19+$0x0], $0xffff  }
0x2e5: {  	v9 =	vmul.f32 v9, v30;
	v29 =	vadd.s32 $0x900, v6;
	v2 =	vadd.f32 v52, v2;
	v52 =	vld.idx.msk [tilespmem:v39+s19+$0x0], $0xffff  }
0x2e6: {  	v48 =	vor.u32 $0x15, v25;
	v39 =	vld.idx.msk [tilespmem:v1+s19+$0x0], $0xffff  }
0x2e7: {  	v36 =	vor.u32 $0x19, v25;
	v9 =	vadd.f32 v9, v14;
	v14 =	vld.idx.msk [tilespmem:v32+s20+$0x0], $0xffff  }
0x2e8: {  	v47 =	vadd.s32 $0x980, v6;
	v21 =	vld.idx.msk [tilespmem:v53+s16+$0x0], $0xffff  }
0x2e9: {  	v22 =	vmul.f32 v22, v16;
	v50 =	vadd.s32 $0xA00, v6;
	v53 =	vld [tilespmem:$0x1FFB0]  }
0x2ea: {  	v5 =	vmul.f32 v5, v20;
	v32 =	vadd.s32 $0xB80, v6;
	v20 =	vld.idx.msk [tilespmem:v29+s16+$0x0], $0xffff  }
0x2eb: {  	v0 =	vadd.f32 v22, v0;
	v8 =	vadd.f32 v8, v9;
	v9 =	vld.idx.msk [tilespmem:v48+s18+$0x0], $0xffff  }
0x2ec: {  	v19 =	vmul.f32 v19, v16;
	v22 =	vor.u32 $0x1F, v24;
	v24 =	vadd.s32 $0xE80, v6;
	v48 =	vld.idx.msk [tilespmem:v36+s18+$0x0], $0xffff  }
0x2ed: {  	v2 =	vmul.f32 v2, v27;
	v27 =	vor.u32 $0x1F, v25;
	v0 =	vadd.f32 v54, v0;
	v54 =	vld.idx.msk [tilespmem:v47+s16+$0x0], $0xffff  }
0x2ee: {  	v4 =	vmul.f32 v4, v28;
	v28 =	vor.u32 $0x17, v25;
	v15 =	vadd.f32 v19, v55;
	v19 =	vld.idx.msk [tilespmem:v50+s16+$0x0], $0xffff  }
0x2ef: {  	v0 =	vmul.f32 v0, v43;
	v43 =	vld.idx.msk [tilespmem:v32+s16+$0x0], $0xffff  }
0x2f0: {  	v15 =	vadd.f32 v45, v15;
	v45 =	vld.idx.msk [tilespmem:v7+s19+$0x0], $0xffff  }
0x2f1: {  	v33 =	vmul.f32 v52, v16;
	v36 =	vld.idx.msk [tilespmem:v24+s16+$0x0], $0xffff  }
0x2f2: {  	v52 =	vmul.f32 v39, v16;
	v5 =	vadd.f32 v5, v8;
	v8 =	vmul.f32 v40, v16;
	v39 =	vld.idx.msk [tilespmem:v27+s18+$0x0], $0xffff  }
0x2f3: {  	v55 =	vmul.f32 v15, v37;
	v15 =	vld.idx.msk [tilespmem:v28+s18+$0x0], $0xffff  }
0x2f4: {  	v30 =	vadd.s32 $0xB00, v6;
	v4 =	vadd.f32 v4, v5;
	v8 =	vadd.f32 v8, v46;
	v28 =	vld [tilespmem:$0x1FF50]  }
0x2f5: {  	v29 =	vmul.f32 v49, v16;
	v9 =	vadd.f32 v33, v9;
	v33 =	vld.idx.msk [tilespmem:v22+s19+$0x0], $0xffff  }
0x2f6: {  	v2 =	vadd.f32 v2, v4;
	v8 =	vadd.f32 v20, v8;
	v4 =	vmul.f32 v51, v16;
	v51 =	vld [tilespmem:$0x1FFE0]  }
0x2f7: {  	v20 =	vld [tilespmem:$0x1FF80]  }
0x2f8: {  	v17 =	vadd.f32 v29, v17;
	v46 =	vadd.s32 $0xC80, v6;
	v8 =	vmul.f32 v8, v34;
	v34 =	vld.idx.msk [tilespmem:v38+s19+$0x0], $0xffff  }
0x2f9: {  	v5 =	vmul.f32 v31, v16;
	v0 =	vadd.f32 v0, v2;
	v38 =	vld.idx.msk [tilespmem:v30+s16+$0x0], $0xffff  }
0x2fa: {  	v37 =	vadd.s32 $0xC00, v6;
	v42 =	vadd.f32 v21, v9;
	v2 =	vadd.f32 v54, v17;
	v17 =	vld.idx.msk [tilespmem:v53+s19+$0x0], $0xffff  }
0x2fb: {  	v21 =	vadd.s32 $0xE00, v6;
	v4 =	vadd.f32 v4, v13;
	v30 =	vld [tilespmem:$0x1FD00];
	v0 =	vadd.f32 v55, v0  }
0x2fc: {  	v5 =	vadd.f32 v5, v12;
	v54 =	vadd.s32 $0xD80, v6;
	v53 =	vld [tilespmem:$0x1FF70]  }
0x2fd: {  	v12 =	vld.idx.msk [tilespmem:v46+s16+$0x0], $0xffff;
	v2 =	vmul.f32 v2, v14;
	v4 =	vadd.f32 v19, v4;
	v0 =	vadd.f32 v8, v0  }
0x2fe: {  	v47 =	vmul.f32 v42, v35;
	v35 =	vld [tilespmem:$0x1FD10]  }
0x2ff: {  	v50 =	vadd.s32 $0xD00, v6;
	v14 =	vld.idx.msk [tilespmem:v37+s16+$0x0], $0xffff;
	v40 =	vmul.f32 v4, v18;
	v0 =	vadd.f32 v2, v0  }
0x300: {  	v32 =	vld.idx.msk [tilespmem:v21+s16+$0x0], $0xffff;
	v13 =	vmul.f32 v34, v16  }
0x301: {  	v5 =	vadd.f32 v38, v5;
	v2 =	vld.idx.msk [tilespmem:v51+s19+$0x0], $0xffff;
	v0 =	vadd.f32 v40, v0  }
0x302: {  	v9 =	vld.idx.msk [tilespmem:v54+s16+$0x0], $0xffff;
	v49 =	vadd.f32 v13, v15  }
0x303: {  	v55 =	vmul.f32 v45, v16;
	v7 =	vld.idx.msk [tilespmem:v28+s19+$0x0], $0xffff;
	v5 =	vmul.f32 v5, v44;
	v0 =	vadd.f32 v47, v0  }
0x304: {  	v10 =	vadd.f32 v52, v10;
	v13 =	vld.idx.msk [tilespmem:v50+s16+$0x0], $0xffff;
	v8 =	vadd.f32 v43, v49  }
0x305: {  	v4 =	vadd.f32 v55, v48;
	v0 =	vadd.f32 v5, v0;
	v5 =	vld.idx.msk [tilespmem:v20+s19+$0x0], $0xffff  }
0x306: {  	v10 =	vadd.f32 v14, v10;
	v15 =	vld.idx.msk [tilespmem:v23+s19+$0x0], $0xffff;
	v8 =	vmul.f32 v8, v41;
	v2 =	vmul.f32 v2, v16  }
0x307: {  	v29 =	vadd.s32 $0xF00, v6;
	v17 =	vmul.f32 v17, v16;
	v38 =	vld [tilespmem:$0x1FFF0];
	v4 =	vadd.f32 v12, v4  }
0x308: {  	v10 =	vmul.f32 v10, v11;
	v41 =	vld [tilespmem:$0x1FFD0];
	v2 =	vadd.f32 v2, v3;
	v0 =	vadd.f32 v8, v0  }
0x309: {  	v34 =	vadd.s32 $0xF80, v6;
	v31 =	vadd.f32 v17, v30;
	v4 =	vmul.f32 v4, v26;
	v43 =	vld [tilespmem:$0x1FFC0]  }
0x30a: {  	v45 =	vld [tilespmem:$0x1FFA0];
	v2 =	vadd.f32 v13, v2;
	v0 =	vadd.f32 v10, v0;
	v5 =	vmul.f32 v5, v16  }
0x30b: {  	v49 =	vld [tilespmem:$0x1FF90];
	v37 =	vmul.f32 v15, v16;
	v3 =	vadd.f32 v9, v31  }
0x30c: {  	v42 =	vld.idx.msk [tilespmem:v29+s16+$0x0], $0xffff;
	v2 =	vmul.f32 v2, v38;
	v0 =	vadd.f32 v4, v0;
	v1 =	vadd.f32 v5, v35  }
0x30d: {  	v46 =	vmul.f32 v16, v63;
	v44 =	vld.idx.msk [tilespmem:v6+s14+$0x0], $0xffff;
	v7 =	vmul.f32 v7, v16;
	v8 =	vadd.f32 v37, v41  }
0x30e: {  	v40 =	vld [tilespmem:$0x1FF40];
	v0 =	vadd.f32 v2, v0;
	v2 =	vmul.f32 v3, v43;
	v1 =	vadd.f32 v32, v1  }
0x30f: {  	v55 =	vadd.f32 v58, v62;
	v47 =	vmul.f32 v33, v16;
	v48 =	vld.idx.msk [tilespmem:v34+s16+$0x0], $0xffff;
	v6 =	vadd.f32 v7, v45  }
0x310: {  	v52 =	vld.idx.msk [tilespmem:v22+s20+$0x0], $0xffff;
	v50 =	vadd.f32 v36, v8;
	v0 =	vadd.f32 v2, v0;
	v1 =	vmul.f32 v1, v49  }
0x311: {  	v62 =	vld [tilespmem:$0x1FF30];
	v51 =	vadd.f32 v46, v59;
	v54 =	vadd.f32 v42, v6  }
0x312: {  	v4 =	vadd.f32 v47, v39;
	v0 =	vadd.f32 v1, v0;
	v1 =	vmul.f32 v50, v53  }
0x313: {  	v9 =	vadd.f32 v40, v61;
	v3 =	vadd.f32 v51, v44  }
0x314: {  	v58 =	vmul.f32 v54, v60;
	v59 =	vadd.f32 v48, v4;
	v0 =	vadd.f32 v1, v0  }
0x315: {  	v60 =	vmul.f32 v55, v9  }
0x316: {  	v61 =	vmul.f32 v59, v52;
	v2 =	vadd.f32 v3, v62;
	v0 =	vadd.f32 v58, v0;
	_ =	sdelay $0x1  }
0x317: {  	v63 =	vadd.f32 v2, v60;
	v0 =	vadd.f32 v61, v0;
	_ =	sdelay $0x1  }
0x318: {  	s22 =	sadd.s32 $0x1, s22;
	v0 =	vadd.f32 v0, v63  }
0x319: {  	p0 =	sne.s32 s22, s8  }
.Ltmp1:
0x31a: {  	s28 =	rddreg [dreg:$0x1e];
	s24 =	simm.s32 $0x1A910;
	[tilespmem:s23+$0x1A910] =	vst v0;
	(pc) =	sbr.rel @p0 .LBB3_1-.Ltmp1, $4  }
0x31b: {  	[hbm4b:s28+s9] =	stream.linear.scatter [tilespmem:s24], [sflag:$0x2], $0x200, $0x38;
	[tilespmem:$0x1AB10] =	vst v63  }
0x31c: {  	_ =	swait.ge [sflag:s21], $0x200  }
0x31d: {  	[sflag:s21] =	ssyncset.done $0x0  }
0x31e: {  	[sflag:s21] =	ssyncadd.s32 $0xFFFFFE00  }
0x31f: {  	_ =	sfence.sel $0x180000  }
0x320: {  	[bflag:$0x0] =	sbarrier.arrive $0xFFFF  }
0x321: {  	_ =	strace $0x90000047  }
0x322: {  	s0 =	stileid.u32;
	[bflag:$0x2] =	sbarrier.arrive $0xFFFF  }
0x323: {  	p0 =	sne.s32 s0, $0x0;
	s0 =	rddreg [dreg:$0xe]  }
0x324: {  	s0 =	sadd.s32 @!p0 $0x100000, s0  }
0x325: {  	[sflag:s0] =	ssyncadd.tile.s32 @!p0 $0x1;
	_ =	shalt  }
.Lfunc_end3:
_tile_overlayer_lowered:
.L_overlay_start_3:
0x326: {  	(tag) =	ssettag $0x3  }
0x327: {  	s0 =	rddreg [dreg:$0x0];
	s2 =	stileid.u32  }
0x328: {  	s1 =	rddreg [dreg:$0x1];
	p0 =	sne.s32 s2, $0x0  }
0x329: {  	s3 =	rddreg [dreg:$0x2];
	[bflag:$0x3] =	sbarrier.arrive $0xFFFF;
	s2 =	simm.s32 @!p0 $0x1C02  }
0x32a: {  	[timem:s3], [sflag:s2] =	dma.local @!p0 [hbm:s0], s1  }
0x32b: {  	s0 =	simm.s32 @!p0 $0x2  }
0x32c: {  	_ =	swait.ge @!p0 [sflag:s0], s1  }
0x32d: {  	s1 =	ssub.s32 @!p0 $0x0, s1;
	[sflag:s0] =	ssyncset.done @!p0 $0x0  }
0x32e: {  	[sflag:s0] =	ssyncadd.s32 @!p0 s1  }
0x32f: {  	[bflag:$0x3] =	sbarrier.arrive $0xFFFF  }
0x330: {  	_ =	shalt  }

</sc_bundles>
